<compile_context>
chip_gen: v7x
topology: tpu7x:2x2x1
jax: 0.10.2.dev20260603
libtpu: 0.0.44.dev20260713+nightly
codegen_flags: <defaults>
</compile_context>

<pallas_src>
import functools

import jax
import jax.numpy as jnp
from jax import lax
from jax.experimental import pallas as pl
from jax.experimental.pallas import tpu as pltpu
from jax.experimental.pallas import tpu_sc as plsc

N = 10000
E = 320000
H = 8
D = 16
OUT = H * D

_BN = 2000
_BE = 2000

_NS = 16
_B = 80
_EPT = E // _NS
_FULL = _EPT // _B
_NPAIR = _FULL // 2
_RPT = N // _NS
_RCHUNKS = [(i * _B, _B) for i in range(_RPT // _B)] + [
    (_RPT - _RPT % _B, _RPT % _B)]


def _ln(y, g, b):
    mu = jnp.mean(y, axis=-1, keepdims=True)
    yc = y - mu
    var = jnp.mean(yc * yc, axis=-1, keepdims=True)
    return yc * lax.rsqrt(var + 1e-5) * g + b


def _qkv_body(temp_ref, h_ref, wq_ref, bq_ref, wk_ref, bk_ref, wv_ref, bv_ref,
              g_ref, b_ref, q_out, vk_out):
    x = h_ref[...]
    g = g_ref[...]
    b = b_ref[...]
    inv = 1.0 / (4.0 * temp_ref[0])
    q = _ln(jnp.dot(x, wq_ref[...], preferred_element_type=jnp.float32)
            + bq_ref[...], g, b) * inv
    k = _ln(jnp.dot(x, wk_ref[...], preferred_element_type=jnp.float32)
            + bk_ref[...], g, b)
    v = _ln(jnp.dot(x, wv_ref[...], preferred_element_type=jnp.float32)
            + bv_ref[...], g, b)
    q_out[0] = q[:, :64]
    q_out[1] = q[:, 64:]
    vk_out[0] = jnp.concatenate([v[:, :64], k[:, :64]], axis=1)
    vk_out[1] = jnp.concatenate([v[:, 64:], k[:, 64:]], axis=1)


def _qkv_call(temperature, h, Wq, bq, Wk, bk, Wv, bv, g, b):
    wspec = pl.BlockSpec((OUT, OUT), lambda i: (0, 0))
    bspec = pl.BlockSpec((OUT,), lambda i: (0,))
    return pl.pallas_call(
        _qkv_body,
        grid=(N // _BN,),
        in_specs=[
            pl.BlockSpec(memory_space=pltpu.SMEM),
            pl.BlockSpec((_BN, OUT), lambda i: (i, 0)),
            wspec, bspec, wspec, bspec, wspec, bspec, bspec, bspec,
        ],
        out_specs=[pl.BlockSpec((2, _BN, 64), lambda i: (0, i, 0)),
                   pl.BlockSpec((2, _BN, 128), lambda i: (0, i, 0))],
        out_shape=[jax.ShapeDtypeStruct((2, N, 64), jnp.float32),
                   jax.ShapeDtypeStruct((2, N, 128), jnp.float32)],
    )(temperature, h, Wq, bq, Wk, bk, Wv, bv, g, b)


def _base_body(e_ref, sp_ref, we_ref, be_ref, wp_ref, bp_ref, pos_ref,
               g_ref, b_ref, out_ref):
    g = g_ref[...]
    b = b_ref[...]
    pe = _ln(jnp.dot(e_ref[...], we_ref[...], preferred_element_type=jnp.float32)
             + be_ref[...], g, b)
    lp = _ln(jnp.dot(sp_ref[...], wp_ref[...], preferred_element_type=jnp.float32)
             + bp_ref[...] + pos_ref[...], g, b)
    out_ref[...] = pe + lp


def _base_call(e, sp, We, be, Wp, bp, pos, g, b):
    wspec = pl.BlockSpec((OUT, OUT), lambda i: (0, 0))
    bspec = pl.BlockSpec((OUT,), lambda i: (0,))
    return pl.pallas_call(
        _base_body,
        grid=(E // _BE,),
        in_specs=[
            pl.BlockSpec((_BE, OUT), lambda i: (i, 0)),
            pl.BlockSpec((_BE, OUT), lambda i: (i, 0)),
            wspec, bspec, wspec, bspec,
            pl.BlockSpec((1, OUT), lambda i: (0, 0)),
            bspec, bspec,
        ],
        out_specs=pl.BlockSpec((_BE, OUT), lambda i: (i, 0)),
        out_shape=jax.ShapeDtypeStruct((E, OUT), jnp.float32),
    )(e, sp, We, be, Wp, bp, pos, g, b)


_MESH = plsc.VectorSubcoreMesh(core_axis_name="c", subcore_axis_name="s")


@functools.partial(
    pl.kernel,
    out_type=[
        jax.ShapeDtypeStruct((N, OUT), jnp.float32),
        jax.ShapeDtypeStruct((E, OUT), jnp.float32),
    ],
    mesh=_MESH,
    compiler_params=pltpu.CompilerParams(use_tc_tiling_on_sc=False,
                                          needs_layout_passes=False),
    scratch_types=[
        pltpu.VMEM((2, _B), jnp.int32),
        pltpu.VMEM((_B,), jnp.int32),
        pltpu.VMEM((_B,), jnp.int32),
        pltpu.VMEM((_B, 128), jnp.float32),
        pltpu.VMEM((_B, 64), jnp.float32),
        pltpu.VMEM((_B, 64), jnp.float32),
        pltpu.VMEM((2, _B), jnp.int32),
        pltpu.VMEM((_B,), jnp.int32),
        pltpu.VMEM((_B,), jnp.int32),
        pltpu.VMEM((_B, 128), jnp.float32),
        pltpu.VMEM((_B, 64), jnp.float32),
        pltpu.VMEM((_B, 64), jnp.float32),
        pltpu.VMEM_SHARED((N, 128), jnp.float32),
        pltpu.SemaphoreType.DMA,
        pltpu.SemaphoreType.DMA,
        pltpu.SemaphoreType.DMA,
        pltpu.SemaphoreType.DMA,
    ],
)
def _sc_attn(q_hbm, vk_hbm, base_hbm, ei_hbm,
             hout_hbm, eout_hbm,
             idx0, gsrc0, gdst0, vkbuf0, qbuf0, bbuf0,
             idx1, gsrc1, gdst1, vkbuf1, qbuf1, bbuf1,
             acc_sh, semg0, semg1, semw0, semw1):
    c = lax.axis_index("c")
    s = lax.axis_index("s")
    cN = c * N
    col0 = c * 64
    ebase = s * _EPT

    sets = [
        (idx0, gsrc0, gdst0, vkbuf0, qbuf0, bbuf0, semg0, semw0),
        (idx1, gsrc1, gdst1, vkbuf1, qbuf1, bbuf1, semg1, semw1),
    ]

    def _drain_eout(si, off):
        _, _, _, _, _, bbuf, _, semw = sets[si]
        pltpu.make_async_copy(bbuf, eout_hbm.at[pl.ds(off, _B),
                                                pl.ds(col0, 64)], semw).wait()

    def _prefetch(si, off, drain):
        idx, gsrc, gdst, vkbuf, qbuf, bbuf, semg, _ = sets[si]
        pltpu.async_copy(ei_hbm.at[:, pl.ds(off, _B)], idx, semg).wait()

        def _bias(i, _):
            o = i * 16
            gsrc[pl.ds(o, 16)] = idx[0, pl.ds(o, 16)] + cN
            gdst[pl.ds(o, 16)] = idx[1, pl.ds(o, 16)] + cN
            return 0

        lax.fori_loop(0, _B // 16, _bias, 0)

        pltpu.async_copy(vk_hbm.at[gsrc], vkbuf, semg)
        pltpu.async_copy(q_hbm.at[gdst], qbuf, semg)
        if drain:
            _drain_eout(si, off - 2 * _B)
        pltpu.async_copy(base_hbm.at[pl.ds(off, _B), pl.ds(col0, 64)],
                         bbuf, semg)

    def _wait_gathers(si, off):
        idx, gsrc, gdst, vkbuf, qbuf, bbuf, semg, _ = sets[si]
        pltpu.make_async_copy(vk_hbm.at[gsrc], vkbuf, semg).wait()
        pltpu.make_async_copy(q_hbm.at[gdst], qbuf, semg).wait()
        pltpu.make_async_copy(base_hbm.at[pl.ds(off, _B), pl.ds(col0, 64)],
                              bbuf, semg).wait()

    def _compute(si):
        _, _, _, vkbuf, qbuf, bbuf, _, _ = sets[si]

        def _one(i):
            for hh in range(4):
                sl = pl.ds(hh * 16, 16)
                sk = pl.ds(64 + hh * 16, 16)
                sc = vkbuf[i, sk] * qbuf[i, sl] + bbuf[i, sl]
                sc = jnp.minimum(jnp.maximum(sc, -5.0), 5.0)
                p = jnp.exp(sc)
                r = p / jnp.sum(p)
                bbuf[i, sl] = r
                vkbuf[i, sk] = r
                vkbuf[i, sl] = vkbuf[i, sl] * r

        def _edge(i, _):
            _one(2 * i)
            _one(2 * i + 1)
            return 0

        lax.fori_loop(0, _B // 2, _edge, 0)

    def _writes(si, off):
        idx, _, _, vkbuf, _, bbuf, _, semw = sets[si]
        pltpu.async_copy(bbuf, eout_hbm.at[pl.ds(off, _B), pl.ds(col0, 64)],
                         semw)
        pltpu.sync_copy(vkbuf, acc_sh.at[idx.at[1]], add=True)

    zv = jnp.zeros((16,), jnp.float32)

    def _zb(i, _):
        for j in range(8):
            vkbuf0[i, pl.ds(j * 16, 16)] = zv
        return 0

    lax.fori_loop(0, _B, _zb, 0)
    for (ro, sz) in _RCHUNKS:
        r0 = s * _RPT + ro
        pltpu.sync_copy(vkbuf0.at[pl.ds(0, sz)], acc_sh.at[pl.ds(r0, sz)])
    plsc.subcore_barrier()

    _prefetch(0, ebase, drain=False)
    _prefetch(1, ebase + _B, drain=False)

    def _pair(j2, _):
        off0 = ebase + (2 * j2) * _B
        off1 = off0 + _B
        _wait_gathers(0, off0)
        _compute(0)
        _writes(0, off0)
        _prefetch(0, off0 + 2 * _B, drain=True)

        _wait_gathers(1, off1)
        _compute(1)
        _writes(1, off1)
        _prefetch(1, off1 + 2 * _B, drain=True)
        return 0

    lax.fori_loop(0, _NPAIR - 1, _pair, 0)
    last0 = ebase + (_FULL - 2) * _B
    for si, off in ((0, last0), (1, last0 + _B)):
        _wait_gathers(si, off)
        _compute(si)
        _writes(si, off)
        _drain_eout(si, off)

    plsc.subcore_barrier()

    for (ro, sz) in _RCHUNKS:
        r0 = s * _RPT + ro
        pltpu.sync_copy(acc_sh.at[pl.ds(r0, sz)], vkbuf0.at[pl.ds(0, sz)])

        def _dv(i, _):
            for hh in range(4):
                qbuf0[i, pl.ds(hh * 16, 16)] = (
                    vkbuf0[i, pl.ds(hh * 16, 16)]
                    / (vkbuf0[i, pl.ds(64 + hh * 16, 16)] + 1e-6))
            return 0

        lax.fori_loop(0, sz, _dv, 0)
        pltpu.sync_copy(qbuf0.at[pl.ds(0, sz)],
                        hout_hbm.at[pl.ds(r0, sz), pl.ds(col0, 64)])


def kernel(h, e, spatial_pos, edge_index, Wq, bq, Wk, bk, Wv, bv, We, be,
           Wp, bp, ln_g, ln_b, pos_embedding, temperature):
    qs, vks = _qkv_call(temperature, h, Wq, bq, Wk, bk, Wv, bv, ln_g, ln_b)
    base = _base_call(e, spatial_pos, We, be, Wp, bp, pos_embedding, ln_g, ln_b)
    h_out, e_out = _sc_attn(
        qs.reshape(2 * N, 64), vks.reshape(2 * N, 128), base, edge_index)
    return h_out.reshape(N, H, D), e_out.reshape(E, H, D)

# --- scband reference (transcript-rebuilt; emitter-appended) ---
"""Pipeline reference for scband-multi-head-attention-layer-68461778698590 (READ-ONLY COPY).

The authoritative reference and input builder live on the scoring server;
editing this copy changes nothing except your own understanding.
"""

import jax, jax.numpy as jnp
import numpy as np

N = 10000
E = 320000
IN_DIM = 128
H = 8
D = 16
OUT = H * D


def _ln(x, g, b):
    mu = jnp.mean(x, axis=-1, keepdims=True)
    var = jnp.mean((x - mu) ** 2, axis=-1, keepdims=True)
    return (x - mu) / jnp.sqrt(var + 1e-5) * g + b


def setup_inputs(seed: int = 0):
    key = jax.random.key(seed)
    ks = jax.random.split(key, 12)

    def p(i, shape, s=0.05):
        return jax.random.normal(ks[i], shape, dtype=jnp.float32) * s

    return {
        'h': jax.random.normal(ks[0], (N, IN_DIM), dtype=jnp.float32),
        'e': jax.random.normal(ks[1], (E, IN_DIM), dtype=jnp.float32),
        'spatial_pos': jax.random.normal(ks[2], (E, IN_DIM), dtype=jnp.float32),
        'edge_index': jax.random.randint(ks[3], (2, E), 0, N, dtype=jnp.int32),
        'Wq': p(4, (IN_DIM, OUT)), 'bq': jnp.zeros((OUT,), jnp.float32),
        'Wk': p(5, (IN_DIM, OUT)), 'bk': jnp.zeros((OUT,), jnp.float32),
        'Wv': p(6, (IN_DIM, OUT)), 'bv': jnp.zeros((OUT,), jnp.float32),
        'We': p(7, (IN_DIM, OUT)), 'be': jnp.zeros((OUT,), jnp.float32),
        'Wp': p(8, (IN_DIM, OUT)), 'bp': jnp.zeros((OUT,), jnp.float32),
        'ln_g': jnp.ones((OUT,), jnp.float32),
        'ln_b': jnp.zeros((OUT,), jnp.float32),
        'pos_embedding': p(9, (1, OUT)),
        'temperature': jnp.ones((1,), jnp.float32),
    }


def reference(h, e, spatial_pos, edge_index, Wq, bq, Wk, bk, Wv, bv, We, be, Wp, bp, ln_g, ln_b, pos_embedding, temperature):
    Q_h = _ln(h @ Wq + bq, ln_g, ln_b).reshape(-1, H, D)
    K_h = _ln(h @ Wk + bk, ln_g, ln_b).reshape(-1, H, D)
    V_h = _ln(h @ Wv + bv, ln_g, ln_b).reshape(-1, H, D)
    proj_e = _ln(e @ We + be, ln_g, ln_b).reshape(-1, H, D)
    lpos = _ln(spatial_pos @ Wp + bp + pos_embedding, ln_g, ln_b).reshape(-1, H, D)

    src = edge_index[0]
    dst = edge_index[1]

    # src_dot_dst('K_h', 'Q_h', 'score') -- elementwise per edge
    score = jnp.take(K_h, src, axis=0) * jnp.take(Q_h, dst, axis=0)
    # scaling by sqrt(out_dim) * temperature
    score = score / (np.sqrt(D).astype(np.float32) * temperature)
    # add explicit edge features and learnable spatial pos
    score = score + proj_e
    score = score + lpos
    # attn_dropout is identity in eval mode
    # softmax over last dim after clamp(-5, 5)
    score = jax.nn.softmax(jnp.clip(score, -5.0, 5.0), axis=-1)
    e_out = score

    # message passing: wV = sum_dst(V_h[src] * score); z = sum_dst(score)
    wV = jax.ops.segment_sum(jnp.take(V_h, src, axis=0) * score, dst, num_segments=N)
    z = jax.ops.segment_sum(score, dst, num_segments=N)
    h_out = wV / (z + 1e-6)
    return (h_out, e_out)

if __name__ == "__main__":
    import jax
    _d = setup_inputs()
    print(jax.jit(kernel)(*tuple(_d.values())))

</pallas_src>

<mosaic_0001>
#map = affine_map<(d0, d1) -> (0, 0)>
module attributes {stable_mosaic.version = 14 : i64} {
  func.func @_sc_attn(%arg0: i32, %arg1: i32, %arg2: memref<20000x64xf32, #tpu.memory_space<hbm>>, %arg3: memref<20000x128xf32, #tpu.memory_space<hbm>>, %arg4: memref<320000x128xf32, #tpu.memory_space<hbm>>, %arg5: memref<2x320000xi32, #tpu.memory_space<hbm>>, %arg6: memref<10000x128xf32, #tpu.memory_space<hbm>>, %arg7: memref<320000x128xf32, #tpu.memory_space<hbm>>, %arg8: memref<2x80xi32, #tpu.memory_space<vmem>>, %arg9: memref<80xi32, #tpu.memory_space<vmem>>, %arg10: memref<80xi32, #tpu.memory_space<vmem>>, %arg11: memref<80x128xf32, #tpu.memory_space<vmem>>, %arg12: memref<80x64xf32, #tpu.memory_space<vmem>>, %arg13: memref<80x64xf32, #tpu.memory_space<vmem>>, %arg14: memref<2x80xi32, #tpu.memory_space<vmem>>, %arg15: memref<80xi32, #tpu.memory_space<vmem>>, %arg16: memref<80xi32, #tpu.memory_space<vmem>>, %arg17: memref<80x128xf32, #tpu.memory_space<vmem>>, %arg18: memref<80x64xf32, #tpu.memory_space<vmem>>, %arg19: memref<80x64xf32, #tpu.memory_space<vmem>>, %arg20: memref<10000x128xf32, #tpu.memory_space<vmem_shared>>, %arg21: memref<!tpu.dma_semaphore, #tpu.memory_space<semaphore_mem>>, %arg22: memref<!tpu.dma_semaphore, #tpu.memory_space<semaphore_mem>>, %arg23: memref<!tpu.dma_semaphore, #tpu.memory_space<semaphore_mem>>, %arg24: memref<!tpu.dma_semaphore, #tpu.memory_space<semaphore_mem>>) attributes {dimension_semantics = [#tpu.dimension_semantics<core_parallel>, #tpu.dimension_semantics<subcore_parallel>], iteration_bounds = array<i64: 2, 16>, scalar_prefetch = 0 : i64, scratch_operands = 17 : i64, tpu.core_type = #tpu.core_type<sc_vector_subcore>, window_params = [{transform_indices = #map}, {transform_indices = #map}, {transform_indices = #map}, {transform_indices = #map}, {transform_indices = #map}, {transform_indices = #map}]} {
    %mul3A = arith.constant 10000 : i32
    %mul3A_0 = arith.muli %arg0, %mul3A : i32
    %mul3A_1 = arith.constant 64 : i32
    %mul3A_2 = arith.muli %arg0, %mul3A_1 : i32
    %mul3A_3 = arith.constant 20000 : i32
    %mul3A_4 = arith.muli %arg1, %mul3A_3 : i32
    %broadcast_in_dim3A = arith.constant 0.000000e+00 : f32
    %broadcast_in_dim3A_5 = vector.broadcast %broadcast_in_dim3A : f32 to vector<16xf32>
    %scan3A = arith.constant 0 : i32
    %scan3A_6 = arith.constant 0 : i32
    %scan3A_7 = arith.constant 80 : i32
    %scan3A_8 = arith.addi %scan3A_6, %scan3A_7 : i32
    %scan3A_9 = arith.constant 1 : i32
    %scan3A_10 = scf.for %scan3A_228 = %scan3A_6 to %scan3A_8 step %scan3A_9 iter_args(%scan3A_229 = %scan3A) -> (i32)  : i32 {
      %swap3A = arith.index_cast %scan3A_228 : i32 to index
      %swap3A_230 = arith.constant 0 : index
      %swap3A_231 = tpu.vector_load %arg11[%swap3A, %swap3A_230] {strides = array<i32>} : memref<80x128xf32, #tpu.memory_space<vmem>>, vector<16xf32>,
      tpu.vector_store %arg11[%swap3A, %swap3A_230], %broadcast_in_dim3A_5 {strides = array<i32>} : memref<80x128xf32, #tpu.memory_space<vmem>>, vector<16xf32>,
      %swap3A_232 = arith.index_cast %scan3A_228 : i32 to index
      %swap3A_233 = arith.constant 16 : index
      %swap3A_234 = tpu.vector_load %arg11[%swap3A_232, %swap3A_233] {strides = array<i32>} : memref<80x128xf32, #tpu.memory_space<vmem>>, vector<16xf32>,
      tpu.vector_store %arg11[%swap3A_232, %swap3A_233], %broadcast_in_dim3A_5 {strides = array<i32>} : memref<80x128xf32, #tpu.memory_space<vmem>>, vector<16xf32>,
      %swap3A_235 = arith.index_cast %scan3A_228 : i32 to index
      %swap3A_236 = arith.constant 32 : index
      %swap3A_237 = tpu.vector_load %arg11[%swap3A_235, %swap3A_236] {strides = array<i32>} : memref<80x128xf32, #tpu.memory_space<vmem>>, vector<16xf32>,
      tpu.vector_store %arg11[%swap3A_235, %swap3A_236], %broadcast_in_dim3A_5 {strides = array<i32>} : memref<80x128xf32, #tpu.memory_space<vmem>>, vector<16xf32>,
      %swap3A_238 = arith.index_cast %scan3A_228 : i32 to index
      %swap3A_239 = arith.constant 48 : index
      %swap3A_240 = tpu.vector_load %arg11[%swap3A_238, %swap3A_239] {strides = array<i32>} : memref<80x128xf32, #tpu.memory_space<vmem>>, vector<16xf32>,
      tpu.vector_store %arg11[%swap3A_238, %swap3A_239], %broadcast_in_dim3A_5 {strides = array<i32>} : memref<80x128xf32, #tpu.memory_space<vmem>>, vector<16xf32>,
      %swap3A_241 = arith.index_cast %scan3A_228 : i32 to index
      %swap3A_242 = arith.constant 64 : index
      %swap3A_243 = tpu.vector_load %arg11[%swap3A_241, %swap3A_242] {strides = array<i32>} : memref<80x128xf32, #tpu.memory_space<vmem>>, vector<16xf32>,
      tpu.vector_store %arg11[%swap3A_241, %swap3A_242], %broadcast_in_dim3A_5 {strides = array<i32>} : memref<80x128xf32, #tpu.memory_space<vmem>>, vector<16xf32>,
      %swap3A_244 = arith.index_cast %scan3A_228 : i32 to index
      %swap3A_245 = arith.constant 80 : index
      %swap3A_246 = tpu.vector_load %arg11[%swap3A_244, %swap3A_245] {strides = array<i32>} : memref<80x128xf32, #tpu.memory_space<vmem>>, vector<16xf32>,
      tpu.vector_store %arg11[%swap3A_244, %swap3A_245], %broadcast_in_dim3A_5 {strides = array<i32>} : memref<80x128xf32, #tpu.memory_space<vmem>>, vector<16xf32>,
      %swap3A_247 = arith.index_cast %scan3A_228 : i32 to index
      %swap3A_248 = arith.constant 96 : index
      %swap3A_249 = tpu.vector_load %arg11[%swap3A_247, %swap3A_248] {strides = array<i32>} : memref<80x128xf32, #tpu.memory_space<vmem>>, vector<16xf32>,
      tpu.vector_store %arg11[%swap3A_247, %swap3A_248], %broadcast_in_dim3A_5 {strides = array<i32>} : memref<80x128xf32, #tpu.memory_space<vmem>>, vector<16xf32>,
      %swap3A_250 = arith.index_cast %scan3A_228 : i32 to index
      %swap3A_251 = arith.constant 112 : index
      %swap3A_252 = tpu.vector_load %arg11[%swap3A_250, %swap3A_251] {strides = array<i32>} : memref<80x128xf32, #tpu.memory_space<vmem>>, vector<16xf32>,
      tpu.vector_store %arg11[%swap3A_250, %swap3A_251], %broadcast_in_dim3A_5 {strides = array<i32>} : memref<80x128xf32, #tpu.memory_space<vmem>>, vector<16xf32>,
      %scan3A_253 = arith.constant 0 : i32
      scf.yield %scan3A_253 : i32
    }
    %scan3A_11 = arith.constant 80 : i32
    %mul3A_12 = arith.constant 625 : i32
    %mul3A_13 = arith.muli %arg1, %mul3A_12 : i32
    %add3A = arith.constant 0 : i32
    %add3A_14 = arith.addi %mul3A_13, %add3A : i32
    "tpu.region"() ({
      %run_scoped3A_228 = tpu.sem_alloc : memref<!tpu.dma_semaphore, #tpu.memory_space<semaphore_mem>>
      %dma_start3A_229 = arith.constant 0 : i32
      %dma_start3A_230 = arith.constant 0 : i32
      %dma_start3A_231 = tpu.memref_slice %arg11[%dma_start3A_229, %dma_start3A_230] : memref<80x128xf32, #tpu.memory_space<vmem>> -> memref<80x128xf32, #tpu.memory_space<vmem>>
      %dma_start3A_232 = arith.constant 0 : i32
      %dma_start3A_233 = tpu.memref_slice %arg20[%add3A_14, %dma_start3A_232] : memref<10000x128xf32, #tpu.memory_space<vmem_shared>> -> memref<80x128xf32, #tpu.memory_space<vmem_shared>>
      %dma_start3A_234 = arith.constant 0 : i32
      %dma_start3A_235 = tpu.memref_slice %arg20[%add3A_14, %dma_start3A_234] : memref<10000x128xf32, #tpu.memory_space<vmem_shared>> -> memref<80x128xf32, #tpu.memory_space<vmem_shared>>
      %dma_start3A_236 = arith.constant 0 : i32
      %dma_start3A_237 = arith.constant 0 : i32
      %dma_start3A_238 = tpu.memref_slice %arg11[%dma_start3A_236, %dma_start3A_237] : memref<80x128xf32, #tpu.memory_space<vmem>> -> memref<80x128xf32, #tpu.memory_space<vmem>>
      tpu.enqueue_dma source(%dma_start3A_238 : memref<80x128xf32, #tpu.memory_space<vmem>>) target(%dma_start3A_235 : memref<80x128xf32, #tpu.memory_space<vmem_shared>>) target_semaphore(%run_scoped3A_228 : memref<!tpu.dma_semaphore, #tpu.memory_space<semaphore_mem>>)
      %dma_wait3A_239 = arith.constant 0 : i32
      %dma_wait3A_240 = arith.constant 0 : i32
      %dma_wait3A_241 = tpu.memref_slice %arg11[%dma_wait3A_239, %dma_wait3A_240] : memref<80x128xf32, #tpu.memory_space<vmem>> -> memref<80x128xf32, #tpu.memory_space<vmem>>
      %dma_wait3A_242 = arith.constant 0 : i32
      %dma_wait3A_243 = tpu.memref_slice %arg20[%add3A_14, %dma_wait3A_242] : memref<10000x128xf32, #tpu.memory_space<vmem_shared>> -> memref<80x128xf32, #tpu.memory_space<vmem_shared>>
      %dma_wait3A_244 = arith.constant 0 : i32
      %dma_wait3A_245 = tpu.memref_slice %arg20[%add3A_14, %dma_wait3A_244] : memref<10000x128xf32, #tpu.memory_space<vmem_shared>> -> memref<80x128xf32, #tpu.memory_space<vmem_shared>>
      %dma_wait3A_246 = arith.constant 0 : i32
      %dma_wait3A_247 = arith.constant 0 : i32
      %dma_wait3A_248 = tpu.memref_slice %arg11[%dma_wait3A_246, %dma_wait3A_247] : memref<80x128xf32, #tpu.memory_space<vmem>> -> memref<80x128xf32, #tpu.memory_space<vmem>>
      tpu.wait_dma2 semaphore(%run_scoped3A_228 : memref<!tpu.dma_semaphore, #tpu.memory_space<semaphore_mem>>) src(%dma_wait3A_248 : memref<80x128xf32, #tpu.memory_space<vmem>>) dst(%dma_wait3A_245 : memref<80x128xf32, #tpu.memory_space<vmem_shared>>)
      tpu.yield
    }) : () -> ()
    %mul3A_15 = arith.constant 625 : i32
    %mul3A_16 = arith.muli %arg1, %mul3A_15 : i32
    %add3A_17 = arith.constant 80 : i32
    %add3A_18 = arith.addi %mul3A_16, %add3A_17 : i32
    "tpu.region"() ({
      %run_scoped3A_228 = tpu.sem_alloc : memref<!tpu.dma_semaphore, #tpu.memory_space<semaphore_mem>>
      %dma_start3A_229 = arith.constant 0 : i32
      %dma_start3A_230 = arith.constant 0 : i32
      %dma_start3A_231 = tpu.memref_slice %arg11[%dma_start3A_229, %dma_start3A_230] : memref<80x128xf32, #tpu.memory_space<vmem>> -> memref<80x128xf32, #tpu.memory_space<vmem>>
      %dma_start3A_232 = arith.constant 0 : i32
      %dma_start3A_233 = tpu.memref_slice %arg20[%add3A_18, %dma_start3A_232] : memref<10000x128xf32, #tpu.memory_space<vmem_shared>> -> memref<80x128xf32, #tpu.memory_space<vmem_shared>>
      %dma_start3A_234 = arith.constant 0 : i32
      %dma_start3A_235 = tpu.memref_slice %arg20[%add3A_18, %dma_start3A_234] : memref<10000x128xf32, #tpu.memory_space<vmem_shared>> -> memref<80x128xf32, #tpu.memory_space<vmem_shared>>
      %dma_start3A_236 = arith.constant 0 : i32
      %dma_start3A_237 = arith.constant 0 : i32
      %dma_start3A_238 = tpu.memref_slice %arg11[%dma_start3A_236, %dma_start3A_237] : memref<80x128xf32, #tpu.memory_space<vmem>> -> memref<80x128xf32, #tpu.memory_space<vmem>>
      tpu.enqueue_dma source(%dma_start3A_238 : memref<80x128xf32, #tpu.memory_space<vmem>>) target(%dma_start3A_235 : memref<80x128xf32, #tpu.memory_space<vmem_shared>>) target_semaphore(%run_scoped3A_228 : memref<!tpu.dma_semaphore, #tpu.memory_space<semaphore_mem>>)
      %dma_wait3A_239 = arith.constant 0 : i32
      %dma_wait3A_240 = arith.constant 0 : i32
      %dma_wait3A_241 = tpu.memref_slice %arg11[%dma_wait3A_239, %dma_wait3A_240] : memref<80x128xf32, #tpu.memory_space<vmem>> -> memref<80x128xf32, #tpu.memory_space<vmem>>
      %dma_wait3A_242 = arith.constant 0 : i32
      %dma_wait3A_243 = tpu.memref_slice %arg20[%add3A_18, %dma_wait3A_242] : memref<10000x128xf32, #tpu.memory_space<vmem_shared>> -> memref<80x128xf32, #tpu.memory_space<vmem_shared>>
      %dma_wait3A_244 = arith.constant 0 : i32
      %dma_wait3A_245 = tpu.memref_slice %arg20[%add3A_18, %dma_wait3A_244] : memref<10000x128xf32, #tpu.memory_space<vmem_shared>> -> memref<80x128xf32, #tpu.memory_space<vmem_shared>>
      %dma_wait3A_246 = arith.constant 0 : i32
      %dma_wait3A_247 = arith.constant 0 : i32
      %dma_wait3A_248 = tpu.memref_slice %arg11[%dma_wait3A_246, %dma_wait3A_247] : memref<80x128xf32, #tpu.memory_space<vmem>> -> memref<80x128xf32, #tpu.memory_space<vmem>>
      tpu.wait_dma2 semaphore(%run_scoped3A_228 : memref<!tpu.dma_semaphore, #tpu.memory_space<semaphore_mem>>) src(%dma_wait3A_248 : memref<80x128xf32, #tpu.memory_space<vmem>>) dst(%dma_wait3A_245 : memref<80x128xf32, #tpu.memory_space<vmem_shared>>)
      tpu.yield
    }) : () -> ()
    %mul3A_19 = arith.constant 625 : i32
    %mul3A_20 = arith.muli %arg1, %mul3A_19 : i32
    %add3A_21 = arith.constant 160 : i32
    %add3A_22 = arith.addi %mul3A_20, %add3A_21 : i32
    "tpu.region"() ({
      %run_scoped3A_228 = tpu.sem_alloc : memref<!tpu.dma_semaphore, #tpu.memory_space<semaphore_mem>>
      %dma_start3A_229 = arith.constant 0 : i32
      %dma_start3A_230 = arith.constant 0 : i32
      %dma_start3A_231 = tpu.memref_slice %arg11[%dma_start3A_229, %dma_start3A_230] : memref<80x128xf32, #tpu.memory_space<vmem>> -> memref<80x128xf32, #tpu.memory_space<vmem>>
      %dma_start3A_232 = arith.constant 0 : i32
      %dma_start3A_233 = tpu.memref_slice %arg20[%add3A_22, %dma_start3A_232] : memref<10000x128xf32, #tpu.memory_space<vmem_shared>> -> memref<80x128xf32, #tpu.memory_space<vmem_shared>>
      %dma_start3A_234 = arith.constant 0 : i32
      %dma_start3A_235 = tpu.memref_slice %arg20[%add3A_22, %dma_start3A_234] : memref<10000x128xf32, #tpu.memory_space<vmem_shared>> -> memref<80x128xf32, #tpu.memory_space<vmem_shared>>
      %dma_start3A_236 = arith.constant 0 : i32
      %dma_start3A_237 = arith.constant 0 : i32
      %dma_start3A_238 = tpu.memref_slice %arg11[%dma_start3A_236, %dma_start3A_237] : memref<80x128xf32, #tpu.memory_space<vmem>> -> memref<80x128xf32, #tpu.memory_space<vmem>>
      tpu.enqueue_dma source(%dma_start3A_238 : memref<80x128xf32, #tpu.memory_space<vmem>>) target(%dma_start3A_235 : memref<80x128xf32, #tpu.memory_space<vmem_shared>>) target_semaphore(%run_scoped3A_228 : memref<!tpu.dma_semaphore, #tpu.memory_space<semaphore_mem>>)
      %dma_wait3A_239 = arith.constant 0 : i32
      %dma_wait3A_240 = arith.constant 0 : i32
      %dma_wait3A_241 = tpu.memref_slice %arg11[%dma_wait3A_239, %dma_wait3A_240] : memref<80x128xf32, #tpu.memory_space<vmem>> -> memref<80x128xf32, #tpu.memory_space<vmem>>
      %dma_wait3A_242 = arith.constant 0 : i32
      %dma_wait3A_243 = tpu.memref_slice %arg20[%add3A_22, %dma_wait3A_242] : memref<10000x128xf32, #tpu.memory_space<vmem_shared>> -> memref<80x128xf32, #tpu.memory_space<vmem_shared>>
      %dma_wait3A_244 = arith.constant 0 : i32
      %dma_wait3A_245 = tpu.memref_slice %arg20[%add3A_22, %dma_wait3A_244] : memref<10000x128xf32, #tpu.memory_space<vmem_shared>> -> memref<80x128xf32, #tpu.memory_space<vmem_shared>>
      %dma_wait3A_246 = arith.constant 0 : i32
      %dma_wait3A_247 = arith.constant 0 : i32
      %dma_wait3A_248 = tpu.memref_slice %arg11[%dma_wait3A_246, %dma_wait3A_247] : memref<80x128xf32, #tpu.memory_space<vmem>> -> memref<80x128xf32, #tpu.memory_space<vmem>>
      tpu.wait_dma2 semaphore(%run_scoped3A_228 : memref<!tpu.dma_semaphore, #tpu.memory_space<semaphore_mem>>) src(%dma_wait3A_248 : memref<80x128xf32, #tpu.memory_space<vmem>>) dst(%dma_wait3A_245 : memref<80x128xf32, #tpu.memory_space<vmem_shared>>)
      tpu.yield
    }) : () -> ()
    %mul3A_23 = arith.constant 625 : i32
    %mul3A_24 = arith.muli %arg1, %mul3A_23 : i32
    %add3A_25 = arith.constant 240 : i32
    %add3A_26 = arith.addi %mul3A_24, %add3A_25 : i32
    "tpu.region"() ({
      %run_scoped3A_228 = tpu.sem_alloc : memref<!tpu.dma_semaphore, #tpu.memory_space<semaphore_mem>>
      %dma_start3A_229 = arith.constant 0 : i32
      %dma_start3A_230 = arith.constant 0 : i32
      %dma_start3A_231 = tpu.memref_slice %arg11[%dma_start3A_229, %dma_start3A_230] : memref<80x128xf32, #tpu.memory_space<vmem>> -> memref<80x128xf32, #tpu.memory_space<vmem>>
      %dma_start3A_232 = arith.constant 0 : i32
      %dma_start3A_233 = tpu.memref_slice %arg20[%add3A_26, %dma_start3A_232] : memref<10000x128xf32, #tpu.memory_space<vmem_shared>> -> memref<80x128xf32, #tpu.memory_space<vmem_shared>>
      %dma_start3A_234 = arith.constant 0 : i32
      %dma_start3A_235 = tpu.memref_slice %arg20[%add3A_26, %dma_start3A_234] : memref<10000x128xf32, #tpu.memory_space<vmem_shared>> -> memref<80x128xf32, #tpu.memory_space<vmem_shared>>
      %dma_start3A_236 = arith.constant 0 : i32
      %dma_start3A_237 = arith.constant 0 : i32
      %dma_start3A_238 = tpu.memref_slice %arg11[%dma_start3A_236, %dma_start3A_237] : memref<80x128xf32, #tpu.memory_space<vmem>> -> memref<80x128xf32, #tpu.memory_space<vmem>>
      tpu.enqueue_dma source(%dma_start3A_238 : memref<80x128xf32, #tpu.memory_space<vmem>>) target(%dma_start3A_235 : memref<80x128xf32, #tpu.memory_space<vmem_shared>>) target_semaphore(%run_scoped3A_228 : memref<!tpu.dma_semaphore, #tpu.memory_space<semaphore_mem>>)
      %dma_wait3A_239 = arith.constant 0 : i32
      %dma_wait3A_240 = arith.constant 0 : i32
      %dma_wait3A_241 = tpu.memref_slice %arg11[%dma_wait3A_239, %dma_wait3A_240] : memref<80x128xf32, #tpu.memory_space<vmem>> -> memref<80x128xf32, #tpu.memory_space<vmem>>
      %dma_wait3A_242 = arith.constant 0 : i32
      %dma_wait3A_243 = tpu.memref_slice %arg20[%add3A_26, %dma_wait3A_242] : memref<10000x128xf32, #tpu.memory_space<vmem_shared>> -> memref<80x128xf32, #tpu.memory_space<vmem_shared>>
      %dma_wait3A_244 = arith.constant 0 : i32
      %dma_wait3A_245 = tpu.memref_slice %arg20[%add3A_26, %dma_wait3A_244] : memref<10000x128xf32, #tpu.memory_space<vmem_shared>> -> memref<80x128xf32, #tpu.memory_space<vmem_shared>>
      %dma_wait3A_246 = arith.constant 0 : i32
      %dma_wait3A_247 = arith.constant 0 : i32
      %dma_wait3A_248 = tpu.memref_slice %arg11[%dma_wait3A_246, %dma_wait3A_247] : memref<80x128xf32, #tpu.memory_space<vmem>> -> memref<80x128xf32, #tpu.memory_space<vmem>>
      tpu.wait_dma2 semaphore(%run_scoped3A_228 : memref<!tpu.dma_semaphore, #tpu.memory_space<semaphore_mem>>) src(%dma_wait3A_248 : memref<80x128xf32, #tpu.memory_space<vmem>>) dst(%dma_wait3A_245 : memref<80x128xf32, #tpu.memory_space<vmem_shared>>)
      tpu.yield
    }) : () -> ()
    %mul3A_27 = arith.constant 625 : i32
    %mul3A_28 = arith.muli %arg1, %mul3A_27 : i32
    %add3A_29 = arith.constant 320 : i32
    %add3A_30 = arith.addi %mul3A_28, %add3A_29 : i32
    "tpu.region"() ({
      %run_scoped3A_228 = tpu.sem_alloc : memref<!tpu.dma_semaphore, #tpu.memory_space<semaphore_mem>>
      %dma_start3A_229 = arith.constant 0 : i32
      %dma_start3A_230 = arith.constant 0 : i32
      %dma_start3A_231 = tpu.memref_slice %arg11[%dma_start3A_229, %dma_start3A_230] : memref<80x128xf32, #tpu.memory_space<vmem>> -> memref<80x128xf32, #tpu.memory_space<vmem>>
      %dma_start3A_232 = arith.constant 0 : i32
      %dma_start3A_233 = tpu.memref_slice %arg20[%add3A_30, %dma_start3A_232] : memref<10000x128xf32, #tpu.memory_space<vmem_shared>> -> memref<80x128xf32, #tpu.memory_space<vmem_shared>>
      %dma_start3A_234 = arith.constant 0 : i32
      %dma_start3A_235 = tpu.memref_slice %arg20[%add3A_30, %dma_start3A_234] : memref<10000x128xf32, #tpu.memory_space<vmem_shared>> -> memref<80x128xf32, #tpu.memory_space<vmem_shared>>
      %dma_start3A_236 = arith.constant 0 : i32
      %dma_start3A_237 = arith.constant 0 : i32
      %dma_start3A_238 = tpu.memref_slice %arg11[%dma_start3A_236, %dma_start3A_237] : memref<80x128xf32, #tpu.memory_space<vmem>> -> memref<80x128xf32, #tpu.memory_space<vmem>>
      tpu.enqueue_dma source(%dma_start3A_238 : memref<80x128xf32, #tpu.memory_space<vmem>>) target(%dma_start3A_235 : memref<80x128xf32, #tpu.memory_space<vmem_shared>>) target_semaphore(%run_scoped3A_228 : memref<!tpu.dma_semaphore, #tpu.memory_space<semaphore_mem>>)
      %dma_wait3A_239 = arith.constant 0 : i32
      %dma_wait3A_240 = arith.constant 0 : i32
      %dma_wait3A_241 = tpu.memref_slice %arg11[%dma_wait3A_239, %dma_wait3A_240] : memref<80x128xf32, #tpu.memory_space<vmem>> -> memref<80x128xf32, #tpu.memory_space<vmem>>
      %dma_wait3A_242 = arith.constant 0 : i32
      %dma_wait3A_243 = tpu.memref_slice %arg20[%add3A_30, %dma_wait3A_242] : memref<10000x128xf32, #tpu.memory_space<vmem_shared>> -> memref<80x128xf32, #tpu.memory_space<vmem_shared>>
      %dma_wait3A_244 = arith.constant 0 : i32
      %dma_wait3A_245 = tpu.memref_slice %arg20[%add3A_30, %dma_wait3A_244] : memref<10000x128xf32, #tpu.memory_space<vmem_shared>> -> memref<80x128xf32, #tpu.memory_space<vmem_shared>>
      %dma_wait3A_246 = arith.constant 0 : i32
      %dma_wait3A_247 = arith.constant 0 : i32
      %dma_wait3A_248 = tpu.memref_slice %arg11[%dma_wait3A_246, %dma_wait3A_247] : memref<80x128xf32, #tpu.memory_space<vmem>> -> memref<80x128xf32, #tpu.memory_space<vmem>>
      tpu.wait_dma2 semaphore(%run_scoped3A_228 : memref<!tpu.dma_semaphore, #tpu.memory_space<semaphore_mem>>) src(%dma_wait3A_248 : memref<80x128xf32, #tpu.memory_space<vmem>>) dst(%dma_wait3A_245 : memref<80x128xf32, #tpu.memory_space<vmem_shared>>)
      tpu.yield
    }) : () -> ()
    %mul3A_31 = arith.constant 625 : i32
    %mul3A_32 = arith.muli %arg1, %mul3A_31 : i32
    %add3A_33 = arith.constant 400 : i32
    %add3A_34 = arith.addi %mul3A_32, %add3A_33 : i32
    "tpu.region"() ({
      %run_scoped3A_228 = tpu.sem_alloc : memref<!tpu.dma_semaphore, #tpu.memory_space<semaphore_mem>>
      %dma_start3A_229 = arith.constant 0 : i32
      %dma_start3A_230 = arith.constant 0 : i32
      %dma_start3A_231 = tpu.memref_slice %arg11[%dma_start3A_229, %dma_start3A_230] : memref<80x128xf32, #tpu.memory_space<vmem>> -> memref<80x128xf32, #tpu.memory_space<vmem>>
      %dma_start3A_232 = arith.constant 0 : i32
      %dma_start3A_233 = tpu.memref_slice %arg20[%add3A_34, %dma_start3A_232] : memref<10000x128xf32, #tpu.memory_space<vmem_shared>> -> memref<80x128xf32, #tpu.memory_space<vmem_shared>>
      %dma_start3A_234 = arith.constant 0 : i32
      %dma_start3A_235 = tpu.memref_slice %arg20[%add3A_34, %dma_start3A_234] : memref<10000x128xf32, #tpu.memory_space<vmem_shared>> -> memref<80x128xf32, #tpu.memory_space<vmem_shared>>
      %dma_start3A_236 = arith.constant 0 : i32
      %dma_start3A_237 = arith.constant 0 : i32
      %dma_start3A_238 = tpu.memref_slice %arg11[%dma_start3A_236, %dma_start3A_237] : memref<80x128xf32, #tpu.memory_space<vmem>> -> memref<80x128xf32, #tpu.memory_space<vmem>>
      tpu.enqueue_dma source(%dma_start3A_238 : memref<80x128xf32, #tpu.memory_space<vmem>>) target(%dma_start3A_235 : memref<80x128xf32, #tpu.memory_space<vmem_shared>>) target_semaphore(%run_scoped3A_228 : memref<!tpu.dma_semaphore, #tpu.memory_space<semaphore_mem>>)
      %dma_wait3A_239 = arith.constant 0 : i32
      %dma_wait3A_240 = arith.constant 0 : i32
      %dma_wait3A_241 = tpu.memref_slice %arg11[%dma_wait3A_239, %dma_wait3A_240] : memref<80x128xf32, #tpu.memory_space<vmem>> -> memref<80x128xf32, #tpu.memory_space<vmem>>
      %dma_wait3A_242 = arith.constant 0 : i32
      %dma_wait3A_243 = tpu.memref_slice %arg20[%add3A_34, %dma_wait3A_242] : memref<10000x128xf32, #tpu.memory_space<vmem_shared>> -> memref<80x128xf32, #tpu.memory_space<vmem_shared>>
      %dma_wait3A_244 = arith.constant 0 : i32
      %dma_wait3A_245 = tpu.memref_slice %arg20[%add3A_34, %dma_wait3A_244] : memref<10000x128xf32, #tpu.memory_space<vmem_shared>> -> memref<80x128xf32, #tpu.memory_space<vmem_shared>>
      %dma_wait3A_246 = arith.constant 0 : i32
      %dma_wait3A_247 = arith.constant 0 : i32
      %dma_wait3A_248 = tpu.memref_slice %arg11[%dma_wait3A_246, %dma_wait3A_247] : memref<80x128xf32, #tpu.memory_space<vmem>> -> memref<80x128xf32, #tpu.memory_space<vmem>>
      tpu.wait_dma2 semaphore(%run_scoped3A_228 : memref<!tpu.dma_semaphore, #tpu.memory_space<semaphore_mem>>) src(%dma_wait3A_248 : memref<80x128xf32, #tpu.memory_space<vmem>>) dst(%dma_wait3A_245 : memref<80x128xf32, #tpu.memory_space<vmem_shared>>)
      tpu.yield
    }) : () -> ()
    %mul3A_35 = arith.constant 625 : i32
    %mul3A_36 = arith.muli %arg1, %mul3A_35 : i32
    %add3A_37 = arith.constant 480 : i32
    %add3A_38 = arith.addi %mul3A_36, %add3A_37 : i32
    "tpu.region"() ({
      %run_scoped3A_228 = tpu.sem_alloc : memref<!tpu.dma_semaphore, #tpu.memory_space<semaphore_mem>>
      %dma_start3A_229 = arith.constant 0 : i32
      %dma_start3A_230 = arith.constant 0 : i32
      %dma_start3A_231 = tpu.memref_slice %arg11[%dma_start3A_229, %dma_start3A_230] : memref<80x128xf32, #tpu.memory_space<vmem>> -> memref<80x128xf32, #tpu.memory_space<vmem>>
      %dma_start3A_232 = arith.constant 0 : i32
      %dma_start3A_233 = tpu.memref_slice %arg20[%add3A_38, %dma_start3A_232] : memref<10000x128xf32, #tpu.memory_space<vmem_shared>> -> memref<80x128xf32, #tpu.memory_space<vmem_shared>>
      %dma_start3A_234 = arith.constant 0 : i32
      %dma_start3A_235 = tpu.memref_slice %arg20[%add3A_38, %dma_start3A_234] : memref<10000x128xf32, #tpu.memory_space<vmem_shared>> -> memref<80x128xf32, #tpu.memory_space<vmem_shared>>
      %dma_start3A_236 = arith.constant 0 : i32
      %dma_start3A_237 = arith.constant 0 : i32
      %dma_start3A_238 = tpu.memref_slice %arg11[%dma_start3A_236, %dma_start3A_237] : memref<80x128xf32, #tpu.memory_space<vmem>> -> memref<80x128xf32, #tpu.memory_space<vmem>>
      tpu.enqueue_dma source(%dma_start3A_238 : memref<80x128xf32, #tpu.memory_space<vmem>>) target(%dma_start3A_235 : memref<80x128xf32, #tpu.memory_space<vmem_shared>>) target_semaphore(%run_scoped3A_228 : memref<!tpu.dma_semaphore, #tpu.memory_space<semaphore_mem>>)
      %dma_wait3A_239 = arith.constant 0 : i32
      %dma_wait3A_240 = arith.constant 0 : i32
      %dma_wait3A_241 = tpu.memref_slice %arg11[%dma_wait3A_239, %dma_wait3A_240] : memref<80x128xf32, #tpu.memory_space<vmem>> -> memref<80x128xf32, #tpu.memory_space<vmem>>
      %dma_wait3A_242 = arith.constant 0 : i32
      %dma_wait3A_243 = tpu.memref_slice %arg20[%add3A_38, %dma_wait3A_242] : memref<10000x128xf32, #tpu.memory_space<vmem_shared>> -> memref<80x128xf32, #tpu.memory_space<vmem_shared>>
      %dma_wait3A_244 = arith.constant 0 : i32
      %dma_wait3A_245 = tpu.memref_slice %arg20[%add3A_38, %dma_wait3A_244] : memref<10000x128xf32, #tpu.memory_space<vmem_shared>> -> memref<80x128xf32, #tpu.memory_space<vmem_shared>>
      %dma_wait3A_246 = arith.constant 0 : i32
      %dma_wait3A_247 = arith.constant 0 : i32
      %dma_wait3A_248 = tpu.memref_slice %arg11[%dma_wait3A_246, %dma_wait3A_247] : memref<80x128xf32, #tpu.memory_space<vmem>> -> memref<80x128xf32, #tpu.memory_space<vmem>>
      tpu.wait_dma2 semaphore(%run_scoped3A_228 : memref<!tpu.dma_semaphore, #tpu.memory_space<semaphore_mem>>) src(%dma_wait3A_248 : memref<80x128xf32, #tpu.memory_space<vmem>>) dst(%dma_wait3A_245 : memref<80x128xf32, #tpu.memory_space<vmem_shared>>)
      tpu.yield
    }) : () -> ()
    %mul3A_39 = arith.constant 625 : i32
    %mul3A_40 = arith.muli %arg1, %mul3A_39 : i32
    %add3A_41 = arith.constant 560 : i32
    %add3A_42 = arith.addi %mul3A_40, %add3A_41 : i32
    "tpu.region"() ({
      %run_scoped3A_228 = tpu.sem_alloc : memref<!tpu.dma_semaphore, #tpu.memory_space<semaphore_mem>>
      %dma_start3A_229 = arith.constant 0 : i32
      %dma_start3A_230 = arith.constant 0 : i32
      %dma_start3A_231 = tpu.memref_slice %arg11[%dma_start3A_229, %dma_start3A_230] : memref<80x128xf32, #tpu.memory_space<vmem>> -> memref<65x128xf32, #tpu.memory_space<vmem>>
      %dma_start3A_232 = arith.constant 0 : i32
      %dma_start3A_233 = tpu.memref_slice %arg20[%add3A_42, %dma_start3A_232] : memref<10000x128xf32, #tpu.memory_space<vmem_shared>> -> memref<65x128xf32, #tpu.memory_space<vmem_shared>>
      %dma_start3A_234 = arith.constant 0 : i32
      %dma_start3A_235 = tpu.memref_slice %arg20[%add3A_42, %dma_start3A_234] : memref<10000x128xf32, #tpu.memory_space<vmem_shared>> -> memref<65x128xf32, #tpu.memory_space<vmem_shared>>
      %dma_start3A_236 = arith.constant 0 : i32
      %dma_start3A_237 = arith.constant 0 : i32
      %dma_start3A_238 = tpu.memref_slice %arg11[%dma_start3A_236, %dma_start3A_237] : memref<80x128xf32, #tpu.memory_space<vmem>> -> memref<65x128xf32, #tpu.memory_space<vmem>>
      tpu.enqueue_dma source(%dma_start3A_238 : memref<65x128xf32, #tpu.memory_space<vmem>>) target(%dma_start3A_235 : memref<65x128xf32, #tpu.memory_space<vmem_shared>>) target_semaphore(%run_scoped3A_228 : memref<!tpu.dma_semaphore, #tpu.memory_space<semaphore_mem>>)
      %dma_wait3A_239 = arith.constant 0 : i32
      %dma_wait3A_240 = arith.constant 0 : i32
      %dma_wait3A_241 = tpu.memref_slice %arg11[%dma_wait3A_239, %dma_wait3A_240] : memref<80x128xf32, #tpu.memory_space<vmem>> -> memref<65x128xf32, #tpu.memory_space<vmem>>
      %dma_wait3A_242 = arith.constant 0 : i32
      %dma_wait3A_243 = tpu.memref_slice %arg20[%add3A_42, %dma_wait3A_242] : memref<10000x128xf32, #tpu.memory_space<vmem_shared>> -> memref<65x128xf32, #tpu.memory_space<vmem_shared>>
      %dma_wait3A_244 = arith.constant 0 : i32
      %dma_wait3A_245 = tpu.memref_slice %arg20[%add3A_42, %dma_wait3A_244] : memref<10000x128xf32, #tpu.memory_space<vmem_shared>> -> memref<65x128xf32, #tpu.memory_space<vmem_shared>>
      %dma_wait3A_246 = arith.constant 0 : i32
      %dma_wait3A_247 = arith.constant 0 : i32
      %dma_wait3A_248 = tpu.memref_slice %arg11[%dma_wait3A_246, %dma_wait3A_247] : memref<80x128xf32, #tpu.memory_space<vmem>> -> memref<65x128xf32, #tpu.memory_space<vmem>>
      tpu.wait_dma2 semaphore(%run_scoped3A_228 : memref<!tpu.dma_semaphore, #tpu.memory_space<semaphore_mem>>) src(%dma_wait3A_248 : memref<65x128xf32, #tpu.memory_space<vmem>>) dst(%dma_wait3A_245 : memref<65x128xf32, #tpu.memory_space<vmem_shared>>)
      tpu.yield
    }) : () -> ()
    %barrier3A = arith.constant 0 : index
    tpu.barrier barrier_id(%barrier3A)
    %dma_start3A = arith.constant 0 : i32
    %dma_start3A_43 = tpu.memref_slice %arg5[%dma_start3A, %mul3A_4] : memref<2x320000xi32, #tpu.memory_space<hbm>> -> memref<2x80xi32, #tpu.memory_space<hbm>>
    %dma_start3A_44 = arith.constant 0 : i32
    %dma_start3A_45 = tpu.memref_slice %arg5[%dma_start3A_44, %mul3A_4] : memref<2x320000xi32, #tpu.memory_space<hbm>> -> memref<2x80xi32, #tpu.memory_space<hbm>>
    tpu.enqueue_dma source(%dma_start3A_45 : memref<2x80xi32, #tpu.memory_space<hbm>>) target(%arg8 : memref<2x80xi32, #tpu.memory_space<vmem>>) target_semaphore(%arg21 : memref<!tpu.dma_semaphore, #tpu.memory_space<semaphore_mem>>)
    %dma_wait3A = arith.constant 0 : i32
    %dma_wait3A_46 = tpu.memref_slice %arg5[%dma_wait3A, %mul3A_4] : memref<2x320000xi32, #tpu.memory_space<hbm>> -> memref<2x80xi32, #tpu.memory_space<hbm>>
    %dma_wait3A_47 = arith.constant 0 : i32
    %dma_wait3A_48 = tpu.memref_slice %arg5[%dma_wait3A_47, %mul3A_4] : memref<2x320000xi32, #tpu.memory_space<hbm>> -> memref<2x80xi32, #tpu.memory_space<hbm>>
    tpu.wait_dma2 semaphore(%arg21 : memref<!tpu.dma_semaphore, #tpu.memory_space<semaphore_mem>>) src(%dma_wait3A_48 : memref<2x80xi32, #tpu.memory_space<hbm>>) dst(%arg8 : memref<2x80xi32, #tpu.memory_space<vmem>>)
    %scan3A_49 = arith.constant 0 : i32
    %scan3A_50 = arith.constant 0 : i32
    %scan3A_51 = arith.constant 5 : i32
    %scan3A_52 = arith.addi %scan3A_50, %scan3A_51 : i32
    %scan3A_53 = arith.constant 1 : i32
    %scan3A_54 = scf.for %scan3A_228 = %scan3A_50 to %scan3A_52 step %scan3A_53 iter_args(%scan3A_229 = %scan3A_49) -> (i32)  : i32 {
      %mul3A_230 = arith.constant 16 : i32
      %mul3A_231 = arith.muli %scan3A_228, %mul3A_230 : i32
      %get3A = arith.constant 0 : i32
      %get3A_232 = arith.index_cast %get3A : i32 to index
      %get3A_233 = arith.index_cast %mul3A_231 : i32 to index
      %get3A_234 = tpu.vector_load %arg8[%get3A_232, %get3A_233] {strides = array<i32>} : memref<2x80xi32, #tpu.memory_space<vmem>>, vector<16xi32>,
      %add3A_235 = vector.broadcast %mul3A_0 : i32 to vector<16xi32>
      %add3A_236 = arith.addi %get3A_234, %add3A_235 : vector<16xi32>
      %swap3A = arith.index_cast %mul3A_231 : i32 to index
      %swap3A_237 = tpu.vector_load %arg9[%swap3A] {strides = array<i32>} : memref<80xi32, #tpu.memory_space<vmem>>, vector<16xi32>,
      tpu.vector_store %arg9[%swap3A], %add3A_236 {strides = array<i32>} : memref<80xi32, #tpu.memory_space<vmem>>, vector<16xi32>,
      %get3A_238 = arith.constant 1 : i32
      %get3A_239 = arith.index_cast %get3A_238 : i32 to index
      %get3A_240 = arith.index_cast %mul3A_231 : i32 to index
      %get3A_241 = tpu.vector_load %arg8[%get3A_239, %get3A_240] {strides = array<i32>} : memref<2x80xi32, #tpu.memory_space<vmem>>, vector<16xi32>,
      %add3A_242 = vector.broadcast %mul3A_0 : i32 to vector<16xi32>
      %add3A_243 = arith.addi %get3A_241, %add3A_242 : vector<16xi32>
      %swap3A_244 = arith.index_cast %mul3A_231 : i32 to index
      %swap3A_245 = tpu.vector_load %arg10[%swap3A_244] {strides = array<i32>} : memref<80xi32, #tpu.memory_space<vmem>>, vector<16xi32>,
      tpu.vector_store %arg10[%swap3A_244], %add3A_243 {strides = array<i32>} : memref<80xi32, #tpu.memory_space<vmem>>, vector<16xi32>,
      %scan3A_246 = arith.constant 0 : i32
      scf.yield %scan3A_246 : i32
    }
    %scan3A_55 = arith.constant 5 : i32
    %dma_start3A_56 = arith.constant 0 : i32
    %dma_start3A_57 = arith.constant 0 : i32
    %dma_start3A_58 = tpu.memref_slice %arg3[%dma_start3A_56, %dma_start3A_57] : memref<20000x128xf32, #tpu.memory_space<hbm>> -> memref<20000x128xf32, #tpu.memory_space<hbm>>
    tpu.enqueue_indirect_dma source(%dma_start3A_58 : memref<20000x128xf32, #tpu.memory_space<hbm>>) target(%arg11 : memref<80x128xf32, #tpu.memory_space<vmem>>) offsets(%arg9 : memref<80xi32, #tpu.memory_space<vmem>>) semaphore(%arg21 : memref<!tpu.dma_semaphore, #tpu.memory_space<semaphore_mem>>)
    %dma_start3A_59 = arith.constant 0 : i32
    %dma_start3A_60 = arith.constant 0 : i32
    %dma_start3A_61 = tpu.memref_slice %arg2[%dma_start3A_59, %dma_start3A_60] : memref<20000x64xf32, #tpu.memory_space<hbm>> -> memref<20000x64xf32, #tpu.memory_space<hbm>>
    tpu.enqueue_indirect_dma source(%dma_start3A_61 : memref<20000x64xf32, #tpu.memory_space<hbm>>) target(%arg12 : memref<80x64xf32, #tpu.memory_space<vmem>>) offsets(%arg10 : memref<80xi32, #tpu.memory_space<vmem>>) semaphore(%arg21 : memref<!tpu.dma_semaphore, #tpu.memory_space<semaphore_mem>>)
    %dma_start3A_62 = tpu.memref_slice %arg4[%mul3A_4, %mul3A_2] : memref<320000x128xf32, #tpu.memory_space<hbm>> -> memref<80x64xf32, #tpu.memory_space<hbm>>
    %dma_start3A_63 = tpu.memref_slice %arg4[%mul3A_4, %mul3A_2] : memref<320000x128xf32, #tpu.memory_space<hbm>> -> memref<80x64xf32, #tpu.memory_space<hbm>>
    tpu.enqueue_dma source(%dma_start3A_63 : memref<80x64xf32, #tpu.memory_space<hbm>>) target(%arg13 : memref<80x64xf32, #tpu.memory_space<vmem>>) target_semaphore(%arg21 : memref<!tpu.dma_semaphore, #tpu.memory_space<semaphore_mem>>)
    %add3A_64 = arith.constant 80 : i32
    %add3A_65 = arith.addi %mul3A_4, %add3A_64 : i32
    %dma_start3A_66 = arith.constant 0 : i32
    %dma_start3A_67 = tpu.memref_slice %arg5[%dma_start3A_66, %add3A_65] : memref<2x320000xi32, #tpu.memory_space<hbm>> -> memref<2x80xi32, #tpu.memory_space<hbm>>
    %dma_start3A_68 = arith.constant 0 : i32
    %dma_start3A_69 = tpu.memref_slice %arg5[%dma_start3A_68, %add3A_65] : memref<2x320000xi32, #tpu.memory_space<hbm>> -> memref<2x80xi32, #tpu.memory_space<hbm>>
    tpu.enqueue_dma source(%dma_start3A_69 : memref<2x80xi32, #tpu.memory_space<hbm>>) target(%arg14 : memref<2x80xi32, #tpu.memory_space<vmem>>) target_semaphore(%arg22 : memref<!tpu.dma_semaphore, #tpu.memory_space<semaphore_mem>>)
    %dma_wait3A_70 = arith.constant 0 : i32
    %dma_wait3A_71 = tpu.memref_slice %arg5[%dma_wait3A_70, %add3A_65] : memref<2x320000xi32, #tpu.memory_space<hbm>> -> memref<2x80xi32, #tpu.memory_space<hbm>>
    %dma_wait3A_72 = arith.constant 0 : i32
    %dma_wait3A_73 = tpu.memref_slice %arg5[%dma_wait3A_72, %add3A_65] : memref<2x320000xi32, #tpu.memory_space<hbm>> -> memref<2x80xi32, #tpu.memory_space<hbm>>
    tpu.wait_dma2 semaphore(%arg22 : memref<!tpu.dma_semaphore, #tpu.memory_space<semaphore_mem>>) src(%dma_wait3A_73 : memref<2x80xi32, #tpu.memory_space<hbm>>) dst(%arg14 : memref<2x80xi32, #tpu.memory_space<vmem>>)
    %scan3A_74 = arith.constant 0 : i32
    %scan3A_75 = arith.constant 0 : i32
    %scan3A_76 = arith.constant 5 : i32
    %scan3A_77 = arith.addi %scan3A_75, %scan3A_76 : i32
    %scan3A_78 = arith.constant 1 : i32
    %scan3A_79 = scf.for %scan3A_228 = %scan3A_75 to %scan3A_77 step %scan3A_78 iter_args(%scan3A_229 = %scan3A_74) -> (i32)  : i32 {
      %mul3A_230 = arith.constant 16 : i32
      %mul3A_231 = arith.muli %scan3A_228, %mul3A_230 : i32
      %get3A = arith.constant 0 : i32
      %get3A_232 = arith.index_cast %get3A : i32 to index
      %get3A_233 = arith.index_cast %mul3A_231 : i32 to index
      %get3A_234 = tpu.vector_load %arg14[%get3A_232, %get3A_233] {strides = array<i32>} : memref<2x80xi32, #tpu.memory_space<vmem>>, vector<16xi32>,
      %add3A_235 = vector.broadcast %mul3A_0 : i32 to vector<16xi32>
      %add3A_236 = arith.addi %get3A_234, %add3A_235 : vector<16xi32>
      %swap3A = arith.index_cast %mul3A_231 : i32 to index
      %swap3A_237 = tpu.vector_load %arg15[%swap3A] {strides = array<i32>} : memref<80xi32, #tpu.memory_space<vmem>>, vector<16xi32>,
      tpu.vector_store %arg15[%swap3A], %add3A_236 {strides = array<i32>} : memref<80xi32, #tpu.memory_space<vmem>>, vector<16xi32>,
      %get3A_238 = arith.constant 1 : i32
      %get3A_239 = arith.index_cast %get3A_238 : i32 to index
      %get3A_240 = arith.index_cast %mul3A_231 : i32 to index
      %get3A_241 = tpu.vector_load %arg14[%get3A_239, %get3A_240] {strides = array<i32>} : memref<2x80xi32, #tpu.memory_space<vmem>>, vector<16xi32>,
      %add3A_242 = vector.broadcast %mul3A_0 : i32 to vector<16xi32>
      %add3A_243 = arith.addi %get3A_241, %add3A_242 : vector<16xi32>
      %swap3A_244 = arith.index_cast %mul3A_231 : i32 to index
      %swap3A_245 = tpu.vector_load %arg16[%swap3A_244] {strides = array<i32>} : memref<80xi32, #tpu.memory_space<vmem>>, vector<16xi32>,
      tpu.vector_store %arg16[%swap3A_244], %add3A_243 {strides = array<i32>} : memref<80xi32, #tpu.memory_space<vmem>>, vector<16xi32>,
      %scan3A_246 = arith.constant 0 : i32
      scf.yield %scan3A_246 : i32
    }
    %scan3A_80 = arith.constant 5 : i32
    %dma_start3A_81 = arith.constant 0 : i32
    %dma_start3A_82 = arith.constant 0 : i32
    %dma_start3A_83 = tpu.memref_slice %arg3[%dma_start3A_81, %dma_start3A_82] : memref<20000x128xf32, #tpu.memory_space<hbm>> -> memref<20000x128xf32, #tpu.memory_space<hbm>>
    tpu.enqueue_indirect_dma source(%dma_start3A_83 : memref<20000x128xf32, #tpu.memory_space<hbm>>) target(%arg17 : memref<80x128xf32, #tpu.memory_space<vmem>>) offsets(%arg15 : memref<80xi32, #tpu.memory_space<vmem>>) semaphore(%arg22 : memref<!tpu.dma_semaphore, #tpu.memory_space<semaphore_mem>>)
    %dma_start3A_84 = arith.constant 0 : i32
    %dma_start3A_85 = arith.constant 0 : i32
    %dma_start3A_86 = tpu.memref_slice %arg2[%dma_start3A_84, %dma_start3A_85] : memref<20000x64xf32, #tpu.memory_space<hbm>> -> memref<20000x64xf32, #tpu.memory_space<hbm>>
    tpu.enqueue_indirect_dma source(%dma_start3A_86 : memref<20000x64xf32, #tpu.memory_space<hbm>>) target(%arg18 : memref<80x64xf32, #tpu.memory_space<vmem>>) offsets(%arg16 : memref<80xi32, #tpu.memory_space<vmem>>) semaphore(%arg22 : memref<!tpu.dma_semaphore, #tpu.memory_space<semaphore_mem>>)
    %dma_start3A_87 = tpu.memref_slice %arg4[%add3A_65, %mul3A_2] : memref<320000x128xf32, #tpu.memory_space<hbm>> -> memref<80x64xf32, #tpu.memory_space<hbm>>
    %dma_start3A_88 = tpu.memref_slice %arg4[%add3A_65, %mul3A_2] : memref<320000x128xf32, #tpu.memory_space<hbm>> -> memref<80x64xf32, #tpu.memory_space<hbm>>
    tpu.enqueue_dma source(%dma_start3A_88 : memref<80x64xf32, #tpu.memory_space<hbm>>) target(%arg19 : memref<80x64xf32, #tpu.memory_space<vmem>>) target_semaphore(%arg22 : memref<!tpu.dma_semaphore, #tpu.memory_space<semaphore_mem>>)
    %scan3A_89 = arith.constant 0 : i32
    %scan3A_90 = arith.constant 0 : i32
    %scan3A_91 = arith.constant 124 : i32
    %scan3A_92 = arith.addi %scan3A_90, %scan3A_91 : i32
    %scan3A_93 = arith.constant 1 : i32
    %scan3A_94 = scf.for %scan3A_228 = %scan3A_90 to %scan3A_92 step %scan3A_93 iter_args(%scan3A_229 = %scan3A_89) -> (i32)  : i32 {
      %mul3A_230 = arith.constant 2 : i32
      %mul3A_231 = arith.muli %mul3A_230, %scan3A_228 : i32
      %mul3A_232 = arith.constant 80 : i32
      %mul3A_233 = arith.muli %mul3A_231, %mul3A_232 : i32
      %add3A_234 = arith.addi %mul3A_4, %mul3A_233 : i32
      %add3A_235 = arith.constant 80 : i32
      %add3A_236 = arith.addi %add3A_234, %add3A_235 : i32
      %dma_wait3A_237 = arith.constant 0 : i32
      %dma_wait3A_238 = arith.constant 0 : i32
      %dma_wait3A_239 = tpu.memref_slice %arg3[%dma_wait3A_237, %dma_wait3A_238] : memref<20000x128xf32, #tpu.memory_space<hbm>> -> memref<20000x128xf32, #tpu.memory_space<hbm>>
      tpu.wait_indirect_dma semaphore(%arg21 : memref<!tpu.dma_semaphore, #tpu.memory_space<semaphore_mem>>) src(%dma_wait3A_239 : memref<20000x128xf32, #tpu.memory_space<hbm>>) dst(%arg11 : memref<80x128xf32, #tpu.memory_space<vmem>>)
      %dma_wait3A_240 = arith.constant 0 : i32
      %dma_wait3A_241 = arith.constant 0 : i32
      %dma_wait3A_242 = tpu.memref_slice %arg2[%dma_wait3A_240, %dma_wait3A_241] : memref<20000x64xf32, #tpu.memory_space<hbm>> -> memref<20000x64xf32, #tpu.memory_space<hbm>>
      tpu.wait_indirect_dma semaphore(%arg21 : memref<!tpu.dma_semaphore, #tpu.memory_space<semaphore_mem>>) src(%dma_wait3A_242 : memref<20000x64xf32, #tpu.memory_space<hbm>>) dst(%arg12 : memref<80x64xf32, #tpu.memory_space<vmem>>)
      %dma_wait3A_243 = tpu.memref_slice %arg4[%add3A_234, %mul3A_2] : memref<320000x128xf32, #tpu.memory_space<hbm>> -> memref<80x64xf32, #tpu.memory_space<hbm>>
      %dma_wait3A_244 = tpu.memref_slice %arg4[%add3A_234, %mul3A_2] : memref<320000x128xf32, #tpu.memory_space<hbm>> -> memref<80x64xf32, #tpu.memory_space<hbm>>
      tpu.wait_dma2 semaphore(%arg21 : memref<!tpu.dma_semaphore, #tpu.memory_space<semaphore_mem>>) src(%dma_wait3A_244 : memref<80x64xf32, #tpu.memory_space<hbm>>) dst(%arg13 : memref<80x64xf32, #tpu.memory_space<vmem>>)
      %scan3A_245 = arith.constant 0 : i32
      %scan3A_246 = arith.constant 0 : i32
      %scan3A_247 = arith.constant 40 : i32
      %scan3A_248 = arith.addi %scan3A_246, %scan3A_247 : i32
      %scan3A_249 = arith.constant 1 : i32
      %scan3A_250 = scf.for %scan3A_331 = %scan3A_246 to %scan3A_248 step %scan3A_249 iter_args(%scan3A_332 = %scan3A_245) -> (i32)  : i32 {
        %mul3A_333 = arith.constant 2 : i32
        %mul3A_334 = arith.muli %mul3A_333, %scan3A_331 : i32
        %get3A = arith.index_cast %mul3A_334 : i32 to index
        %get3A_335 = arith.constant 64 : index
        %get3A_336 = tpu.vector_load %arg11[%get3A, %get3A_335] {strides = array<i32>} : memref<80x128xf32, #tpu.memory_space<vmem>>, vector<16xf32>,
        %get3A_337 = arith.index_cast %mul3A_334 : i32 to index
        %get3A_338 = arith.constant 0 : index
        %get3A_339 = tpu.vector_load %arg12[%get3A_337, %get3A_338] {strides = array<i32>} : memref<80x64xf32, #tpu.memory_space<vmem>>, vector<16xf32>,
        %mul3A_340 = arith.mulf %get3A_336, %get3A_339 : vector<16xf32>
        %get3A_341 = arith.index_cast %mul3A_334 : i32 to index
        %get3A_342 = arith.constant 0 : index
        %get3A_343 = tpu.vector_load %arg13[%get3A_341, %get3A_342] {strides = array<i32>} : memref<80x64xf32, #tpu.memory_space<vmem>>, vector<16xf32>,
        %add3A_344 = arith.addf %mul3A_340, %get3A_343 : vector<16xf32>
        %max3A = arith.constant -5.000000e+00 : f32
        %max3A_345 = vector.broadcast %max3A : f32 to vector<16xf32>
        %max3A_346 = arith.maximumf %add3A_344, %max3A_345 : vector<16xf32>
        %min3A = arith.constant 5.000000e+00 : f32
        %min3A_347 = vector.broadcast %min3A : f32 to vector<16xf32>
        %min3A_348 = arith.minimumf %max3A_346, %min3A_347 : vector<16xf32>
        %exp3A = math.exp %min3A_348 : vector<16xf32>
        %reduce_sum3A = arith.constant true
        %reduce_sum3A_349 = vector.broadcast %reduce_sum3A : i1 to vector<16xi1>
        %reduce_sum3A_350 = tpu.scan <sum>, %exp3A masked %reduce_sum3A_349 : vector<16xf32>, vector<16xi1> -> vector<16xf32>
        %reduce_sum3A_351 = vector.extract %reduce_sum3A_350[15] : f32 from vector<16xf32>
        %div3A = vector.broadcast %reduce_sum3A_351 : f32 to vector<16xf32>
        %div3A_352 = arith.divf %exp3A, %div3A : vector<16xf32>
        %swap3A = arith.index_cast %mul3A_334 : i32 to index
        %swap3A_353 = arith.constant 0 : index
        %swap3A_354 = tpu.vector_load %arg13[%swap3A, %swap3A_353] {strides = array<i32>} : memref<80x64xf32, #tpu.memory_space<vmem>>, vector<16xf32>,
        tpu.vector_store %arg13[%swap3A, %swap3A_353], %div3A_352 {strides = array<i32>} : memref<80x64xf32, #tpu.memory_space<vmem>>, vector<16xf32>,
        %swap3A_355 = arith.index_cast %mul3A_334 : i32 to index
        %swap3A_356 = arith.constant 64 : index
        %swap3A_357 = tpu.vector_load %arg11[%swap3A_355, %swap3A_356] {strides = array<i32>} : memref<80x128xf32, #tpu.memory_space<vmem>>, vector<16xf32>,
        tpu.vector_store %arg11[%swap3A_355, %swap3A_356], %div3A_352 {strides = array<i32>} : memref<80x128xf32, #tpu.memory_space<vmem>>, vector<16xf32>,
        %get3A_358 = arith.index_cast %mul3A_334 : i32 to index
        %get3A_359 = arith.constant 0 : index
        %get3A_360 = tpu.vector_load %arg11[%get3A_358, %get3A_359] {strides = array<i32>} : memref<80x128xf32, #tpu.memory_space<vmem>>, vector<16xf32>,
        %mul3A_361 = arith.mulf %get3A_360, %div3A_352 : vector<16xf32>
        %swap3A_362 = arith.index_cast %mul3A_334 : i32 to index
        %swap3A_363 = arith.constant 0 : index
        %swap3A_364 = tpu.vector_load %arg11[%swap3A_362, %swap3A_363] {strides = array<i32>} : memref<80x128xf32, #tpu.memory_space<vmem>>, vector<16xf32>,
        tpu.vector_store %arg11[%swap3A_362, %swap3A_363], %mul3A_361 {strides = array<i32>} : memref<80x128xf32, #tpu.memory_space<vmem>>, vector<16xf32>,
        %get3A_365 = arith.index_cast %mul3A_334 : i32 to index
        %get3A_366 = arith.constant 80 : index
        %get3A_367 = tpu.vector_load %arg11[%get3A_365, %get3A_366] {strides = array<i32>} : memref<80x128xf32, #tpu.memory_space<vmem>>, vector<16xf32>,
        %get3A_368 = arith.index_cast %mul3A_334 : i32 to index
        %get3A_369 = arith.constant 16 : index
        %get3A_370 = tpu.vector_load %arg12[%get3A_368, %get3A_369] {strides = array<i32>} : memref<80x64xf32, #tpu.memory_space<vmem>>, vector<16xf32>,
        %mul3A_371 = arith.mulf %get3A_367, %get3A_370 : vector<16xf32>
        %get3A_372 = arith.index_cast %mul3A_334 : i32 to index
        %get3A_373 = arith.constant 16 : index
        %get3A_374 = tpu.vector_load %arg13[%get3A_372, %get3A_373] {strides = array<i32>} : memref<80x64xf32, #tpu.memory_space<vmem>>, vector<16xf32>,
        %add3A_375 = arith.addf %mul3A_371, %get3A_374 : vector<16xf32>
        %max3A_376 = arith.constant -5.000000e+00 : f32
        %max3A_377 = vector.broadcast %max3A_376 : f32 to vector<16xf32>
        %max3A_378 = arith.maximumf %add3A_375, %max3A_377 : vector<16xf32>
        %min3A_379 = arith.constant 5.000000e+00 : f32
        %min3A_380 = vector.broadcast %min3A_379 : f32 to vector<16xf32>
        %min3A_381 = arith.minimumf %max3A_378, %min3A_380 : vector<16xf32>
        %exp3A_382 = math.exp %min3A_381 : vector<16xf32>
        %reduce_sum3A_383 = arith.constant true
        %reduce_sum3A_384 = vector.broadcast %reduce_sum3A_383 : i1 to vector<16xi1>
        %reduce_sum3A_385 = tpu.scan <sum>, %exp3A_382 masked %reduce_sum3A_384 : vector<16xf32>, vector<16xi1> -> vector<16xf32>
        %reduce_sum3A_386 = vector.extract %reduce_sum3A_385[15] : f32 from vector<16xf32>
        %div3A_387 = vector.broadcast %reduce_sum3A_386 : f32 to vector<16xf32>
        %div3A_388 = arith.divf %exp3A_382, %div3A_387 : vector<16xf32>
        %swap3A_389 = arith.index_cast %mul3A_334 : i32 to index
        %swap3A_390 = arith.constant 16 : index
        %swap3A_391 = tpu.vector_load %arg13[%swap3A_389, %swap3A_390] {strides = array<i32>} : memref<80x64xf32, #tpu.memory_space<vmem>>, vector<16xf32>,
        tpu.vector_store %arg13[%swap3A_389, %swap3A_390], %div3A_388 {strides = array<i32>} : memref<80x64xf32, #tpu.memory_space<vmem>>, vector<16xf32>,
        %swap3A_392 = arith.index_cast %mul3A_334 : i32 to index
        %swap3A_393 = arith.constant 80 : index
        %swap3A_394 = tpu.vector_load %arg11[%swap3A_392, %swap3A_393] {strides = array<i32>} : memref<80x128xf32, #tpu.memory_space<vmem>>, vector<16xf32>,
        tpu.vector_store %arg11[%swap3A_392, %swap3A_393], %div3A_388 {strides = array<i32>} : memref<80x128xf32, #tpu.memory_space<vmem>>, vector<16xf32>,
        %get3A_395 = arith.index_cast %mul3A_334 : i32 to index
        %get3A_396 = arith.constant 16 : index
        %get3A_397 = tpu.vector_load %arg11[%get3A_395, %get3A_396] {strides = array<i32>} : memref<80x128xf32, #tpu.memory_space<vmem>>, vector<16xf32>,
        %mul3A_398 = arith.mulf %get3A_397, %div3A_388 : vector<16xf32>
        %swap3A_399 = arith.index_cast %mul3A_334 : i32 to index
        %swap3A_400 = arith.constant 16 : index
        %swap3A_401 = tpu.vector_load %arg11[%swap3A_399, %swap3A_400] {strides = array<i32>} : memref<80x128xf32, #tpu.memory_space<vmem>>, vector<16xf32>,
        tpu.vector_store %arg11[%swap3A_399, %swap3A_400], %mul3A_398 {strides = array<i32>} : memref<80x128xf32, #tpu.memory_space<vmem>>, vector<16xf32>,
        %get3A_402 = arith.index_cast %mul3A_334 : i32 to index
        %get3A_403 = arith.constant 96 : index
        %get3A_404 = tpu.vector_load %arg11[%get3A_402, %get3A_403] {strides = array<i32>} : memref<80x128xf32, #tpu.memory_space<vmem>>, vector<16xf32>,
        %get3A_405 = arith.index_cast %mul3A_334 : i32 to index
        %get3A_406 = arith.constant 32 : index
        %get3A_407 = tpu.vector_load %arg12[%get3A_405, %get3A_406] {strides = array<i32>} : memref<80x64xf32, #tpu.memory_space<vmem>>, vector<16xf32>,
        %mul3A_408 = arith.mulf %get3A_404, %get3A_407 : vector<16xf32>
        %get3A_409 = arith.index_cast %mul3A_334 : i32 to index
        %get3A_410 = arith.constant 32 : index
        %get3A_411 = tpu.vector_load %arg13[%get3A_409, %get3A_410] {strides = array<i32>} : memref<80x64xf32, #tpu.memory_space<vmem>>, vector<16xf32>,
        %add3A_412 = arith.addf %mul3A_408, %get3A_411 : vector<16xf32>
        %max3A_413 = arith.constant -5.000000e+00 : f32
        %max3A_414 = vector.broadcast %max3A_413 : f32 to vector<16xf32>
        %max3A_415 = arith.maximumf %add3A_412, %max3A_414 : vector<16xf32>
        %min3A_416 = arith.constant 5.000000e+00 : f32
        %min3A_417 = vector.broadcast %min3A_416 : f32 to vector<16xf32>
        %min3A_418 = arith.minimumf %max3A_415, %min3A_417 : vector<16xf32>
        %exp3A_419 = math.exp %min3A_418 : vector<16xf32>
        %reduce_sum3A_420 = arith.constant true
        %reduce_sum3A_421 = vector.broadcast %reduce_sum3A_420 : i1 to vector<16xi1>
        %reduce_sum3A_422 = tpu.scan <sum>, %exp3A_419 masked %reduce_sum3A_421 : vector<16xf32>, vector<16xi1> -> vector<16xf32>
        %reduce_sum3A_423 = vector.extract %reduce_sum3A_422[15] : f32 from vector<16xf32>
        %div3A_424 = vector.broadcast %reduce_sum3A_423 : f32 to vector<16xf32>
        %div3A_425 = arith.divf %exp3A_419, %div3A_424 : vector<16xf32>
        %swap3A_426 = arith.index_cast %mul3A_334 : i32 to index
        %swap3A_427 = arith.constant 32 : index
        %swap3A_428 = tpu.vector_load %arg13[%swap3A_426, %swap3A_427] {strides = array<i32>} : memref<80x64xf32, #tpu.memory_space<vmem>>, vector<16xf32>,
        tpu.vector_store %arg13[%swap3A_426, %swap3A_427], %div3A_425 {strides = array<i32>} : memref<80x64xf32, #tpu.memory_space<vmem>>, vector<16xf32>,
        %swap3A_429 = arith.index_cast %mul3A_334 : i32 to index
        %swap3A_430 = arith.constant 96 : index
        %swap3A_431 = tpu.vector_load %arg11[%swap3A_429, %swap3A_430] {strides = array<i32>} : memref<80x128xf32, #tpu.memory_space<vmem>>, vector<16xf32>,
        tpu.vector_store %arg11[%swap3A_429, %swap3A_430], %div3A_425 {strides = array<i32>} : memref<80x128xf32, #tpu.memory_space<vmem>>, vector<16xf32>,
        %get3A_432 = arith.index_cast %mul3A_334 : i32 to index
        %get3A_433 = arith.constant 32 : index
        %get3A_434 = tpu.vector_load %arg11[%get3A_432, %get3A_433] {strides = array<i32>} : memref<80x128xf32, #tpu.memory_space<vmem>>, vector<16xf32>,
        %mul3A_435 = arith.mulf %get3A_434, %div3A_425 : vector<16xf32>
        %swap3A_436 = arith.index_cast %mul3A_334 : i32 to index
        %swap3A_437 = arith.constant 32 : index
        %swap3A_438 = tpu.vector_load %arg11[%swap3A_436, %swap3A_437] {strides = array<i32>} : memref<80x128xf32, #tpu.memory_space<vmem>>, vector<16xf32>,
        tpu.vector_store %arg11[%swap3A_436, %swap3A_437], %mul3A_435 {strides = array<i32>} : memref<80x128xf32, #tpu.memory_space<vmem>>, vector<16xf32>,
        %get3A_439 = arith.index_cast %mul3A_334 : i32 to index
        %get3A_440 = arith.constant 112 : index
        %get3A_441 = tpu.vector_load %arg11[%get3A_439, %get3A_440] {strides = array<i32>} : memref<80x128xf32, #tpu.memory_space<vmem>>, vector<16xf32>,
        %get3A_442 = arith.index_cast %mul3A_334 : i32 to index
        %get3A_443 = arith.constant 48 : index
        %get3A_444 = tpu.vector_load %arg12[%get3A_442, %get3A_443] {strides = array<i32>} : memref<80x64xf32, #tpu.memory_space<vmem>>, vector<16xf32>,
        %mul3A_445 = arith.mulf %get3A_441, %get3A_444 : vector<16xf32>
        %get3A_446 = arith.index_cast %mul3A_334 : i32 to index
        %get3A_447 = arith.constant 48 : index
        %get3A_448 = tpu.vector_load %arg13[%get3A_446, %get3A_447] {strides = array<i32>} : memref<80x64xf32, #tpu.memory_space<vmem>>, vector<16xf32>,
        %add3A_449 = arith.addf %mul3A_445, %get3A_448 : vector<16xf32>
        %max3A_450 = arith.constant -5.000000e+00 : f32
        %max3A_451 = vector.broadcast %max3A_450 : f32 to vector<16xf32>
        %max3A_452 = arith.maximumf %add3A_449, %max3A_451 : vector<16xf32>
        %min3A_453 = arith.constant 5.000000e+00 : f32
        %min3A_454 = vector.broadcast %min3A_453 : f32 to vector<16xf32>
        %min3A_455 = arith.minimumf %max3A_452, %min3A_454 : vector<16xf32>
        %exp3A_456 = math.exp %min3A_455 : vector<16xf32>
        %reduce_sum3A_457 = arith.constant true
        %reduce_sum3A_458 = vector.broadcast %reduce_sum3A_457 : i1 to vector<16xi1>
        %reduce_sum3A_459 = tpu.scan <sum>, %exp3A_456 masked %reduce_sum3A_458 : vector<16xf32>, vector<16xi1> -> vector<16xf32>
        %reduce_sum3A_460 = vector.extract %reduce_sum3A_459[15] : f32 from vector<16xf32>
        %div3A_461 = vector.broadcast %reduce_sum3A_460 : f32 to vector<16xf32>
        %div3A_462 = arith.divf %exp3A_456, %div3A_461 : vector<16xf32>
        %swap3A_463 = arith.index_cast %mul3A_334 : i32 to index
        %swap3A_464 = arith.constant 48 : index
        %swap3A_465 = tpu.vector_load %arg13[%swap3A_463, %swap3A_464] {strides = array<i32>} : memref<80x64xf32, #tpu.memory_space<vmem>>, vector<16xf32>,
        tpu.vector_store %arg13[%swap3A_463, %swap3A_464], %div3A_462 {strides = array<i32>} : memref<80x64xf32, #tpu.memory_space<vmem>>, vector<16xf32>,
        %swap3A_466 = arith.index_cast %mul3A_334 : i32 to index
        %swap3A_467 = arith.constant 112 : index
        %swap3A_468 = tpu.vector_load %arg11[%swap3A_466, %swap3A_467] {strides = array<i32>} : memref<80x128xf32, #tpu.memory_space<vmem>>, vector<16xf32>,
        tpu.vector_store %arg11[%swap3A_466, %swap3A_467], %div3A_462 {strides = array<i32>} : memref<80x128xf32, #tpu.memory_space<vmem>>, vector<16xf32>,
        %get3A_469 = arith.index_cast %mul3A_334 : i32 to index
        %get3A_470 = arith.constant 48 : index
        %get3A_471 = tpu.vector_load %arg11[%get3A_469, %get3A_470] {strides = array<i32>} : memref<80x128xf32, #tpu.memory_space<vmem>>, vector<16xf32>,
        %mul3A_472 = arith.mulf %get3A_471, %div3A_462 : vector<16xf32>
        %swap3A_473 = arith.index_cast %mul3A_334 : i32 to index
        %swap3A_474 = arith.constant 48 : index
        %swap3A_475 = tpu.vector_load %arg11[%swap3A_473, %swap3A_474] {strides = array<i32>} : memref<80x128xf32, #tpu.memory_space<vmem>>, vector<16xf32>,
        tpu.vector_store %arg11[%swap3A_473, %swap3A_474], %mul3A_472 {strides = array<i32>} : memref<80x128xf32, #tpu.memory_space<vmem>>, vector<16xf32>,
        %mul3A_476 = arith.constant 2 : i32
        %mul3A_477 = arith.muli %mul3A_476, %scan3A_331 : i32
        %add3A_478 = arith.constant 1 : i32
        %add3A_479 = arith.addi %mul3A_477, %add3A_478 : i32
        %get3A_480 = arith.index_cast %add3A_479 : i32 to index
        %get3A_481 = arith.constant 64 : index
        %get3A_482 = tpu.vector_load %arg11[%get3A_480, %get3A_481] {strides = array<i32>} : memref<80x128xf32, #tpu.memory_space<vmem>>, vector<16xf32>,
        %get3A_483 = arith.index_cast %add3A_479 : i32 to index
        %get3A_484 = arith.constant 0 : index
        %get3A_485 = tpu.vector_load %arg12[%get3A_483, %get3A_484] {strides = array<i32>} : memref<80x64xf32, #tpu.memory_space<vmem>>, vector<16xf32>,
        %mul3A_486 = arith.mulf %get3A_482, %get3A_485 : vector<16xf32>
        %get3A_487 = arith.index_cast %add3A_479 : i32 to index
        %get3A_488 = arith.constant 0 : index
        %get3A_489 = tpu.vector_load %arg13[%get3A_487, %get3A_488] {strides = array<i32>} : memref<80x64xf32, #tpu.memory_space<vmem>>, vector<16xf32>,
        %add3A_490 = arith.addf %mul3A_486, %get3A_489 : vector<16xf32>
        %max3A_491 = arith.constant -5.000000e+00 : f32
        %max3A_492 = vector.broadcast %max3A_491 : f32 to vector<16xf32>
        %max3A_493 = arith.maximumf %add3A_490, %max3A_492 : vector<16xf32>
        %min3A_494 = arith.constant 5.000000e+00 : f32
        %min3A_495 = vector.broadcast %min3A_494 : f32 to vector<16xf32>
        %min3A_496 = arith.minimumf %max3A_493, %min3A_495 : vector<16xf32>
        %exp3A_497 = math.exp %min3A_496 : vector<16xf32>
        %reduce_sum3A_498 = arith.constant true
        %reduce_sum3A_499 = vector.broadcast %reduce_sum3A_498 : i1 to vector<16xi1>
        %reduce_sum3A_500 = tpu.scan <sum>, %exp3A_497 masked %reduce_sum3A_499 : vector<16xf32>, vector<16xi1> -> vector<16xf32>
        %reduce_sum3A_501 = vector.extract %reduce_sum3A_500[15] : f32 from vector<16xf32>
        %div3A_502 = vector.broadcast %reduce_sum3A_501 : f32 to vector<16xf32>
        %div3A_503 = arith.divf %exp3A_497, %div3A_502 : vector<16xf32>
        %swap3A_504 = arith.index_cast %add3A_479 : i32 to index
        %swap3A_505 = arith.constant 0 : index
        %swap3A_506 = tpu.vector_load %arg13[%swap3A_504, %swap3A_505] {strides = array<i32>} : memref<80x64xf32, #tpu.memory_space<vmem>>, vector<16xf32>,
        tpu.vector_store %arg13[%swap3A_504, %swap3A_505], %div3A_503 {strides = array<i32>} : memref<80x64xf32, #tpu.memory_space<vmem>>, vector<16xf32>,
        %swap3A_507 = arith.index_cast %add3A_479 : i32 to index
        %swap3A_508 = arith.constant 64 : index
        %swap3A_509 = tpu.vector_load %arg11[%swap3A_507, %swap3A_508] {strides = array<i32>} : memref<80x128xf32, #tpu.memory_space<vmem>>, vector<16xf32>,
        tpu.vector_store %arg11[%swap3A_507, %swap3A_508], %div3A_503 {strides = array<i32>} : memref<80x128xf32, #tpu.memory_space<vmem>>, vector<16xf32>,
        %get3A_510 = arith.index_cast %add3A_479 : i32 to index
        %get3A_511 = arith.constant 0 : index
        %get3A_512 = tpu.vector_load %arg11[%get3A_510, %get3A_511] {strides = array<i32>} : memref<80x128xf32, #tpu.memory_space<vmem>>, vector<16xf32>,
        %mul3A_513 = arith.mulf %get3A_512, %div3A_503 : vector<16xf32>
        %swap3A_514 = arith.index_cast %add3A_479 : i32 to index
        %swap3A_515 = arith.constant 0 : index
        %swap3A_516 = tpu.vector_load %arg11[%swap3A_514, %swap3A_515] {strides = array<i32>} : memref<80x128xf32, #tpu.memory_space<vmem>>, vector<16xf32>,
        tpu.vector_store %arg11[%swap3A_514, %swap3A_515], %mul3A_513 {strides = array<i32>} : memref<80x128xf32, #tpu.memory_space<vmem>>, vector<16xf32>,
        %get3A_517 = arith.index_cast %add3A_479 : i32 to index
        %get3A_518 = arith.constant 80 : index
        %get3A_519 = tpu.vector_load %arg11[%get3A_517, %get3A_518] {strides = array<i32>} : memref<80x128xf32, #tpu.memory_space<vmem>>, vector<16xf32>,
        %get3A_520 = arith.index_cast %add3A_479 : i32 to index
        %get3A_521 = arith.constant 16 : index
        %get3A_522 = tpu.vector_load %arg12[%get3A_520, %get3A_521] {strides = array<i32>} : memref<80x64xf32, #tpu.memory_space<vmem>>, vector<16xf32>,
        %mul3A_523 = arith.mulf %get3A_519, %get3A_522 : vector<16xf32>
        %get3A_524 = arith.index_cast %add3A_479 : i32 to index
        %get3A_525 = arith.constant 16 : index
        %get3A_526 = tpu.vector_load %arg13[%get3A_524, %get3A_525] {strides = array<i32>} : memref<80x64xf32, #tpu.memory_space<vmem>>, vector<16xf32>,
        %add3A_527 = arith.addf %mul3A_523, %get3A_526 : vector<16xf32>
        %max3A_528 = arith.constant -5.000000e+00 : f32
        %max3A_529 = vector.broadcast %max3A_528 : f32 to vector<16xf32>
        %max3A_530 = arith.maximumf %add3A_527, %max3A_529 : vector<16xf32>
        %min3A_531 = arith.constant 5.000000e+00 : f32
        %min3A_532 = vector.broadcast %min3A_531 : f32 to vector<16xf32>
        %min3A_533 = arith.minimumf %max3A_530, %min3A_532 : vector<16xf32>
        %exp3A_534 = math.exp %min3A_533 : vector<16xf32>
        %reduce_sum3A_535 = arith.constant true
        %reduce_sum3A_536 = vector.broadcast %reduce_sum3A_535 : i1 to vector<16xi1>
        %reduce_sum3A_537 = tpu.scan <sum>, %exp3A_534 masked %reduce_sum3A_536 : vector<16xf32>, vector<16xi1> -> vector<16xf32>
        %reduce_sum3A_538 = vector.extract %reduce_sum3A_537[15] : f32 from vector<16xf32>
        %div3A_539 = vector.broadcast %reduce_sum3A_538 : f32 to vector<16xf32>
        %div3A_540 = arith.divf %exp3A_534, %div3A_539 : vector<16xf32>
        %swap3A_541 = arith.index_cast %add3A_479 : i32 to index
        %swap3A_542 = arith.constant 16 : index
        %swap3A_543 = tpu.vector_load %arg13[%swap3A_541, %swap3A_542] {strides = array<i32>} : memref<80x64xf32, #tpu.memory_space<vmem>>, vector<16xf32>,
        tpu.vector_store %arg13[%swap3A_541, %swap3A_542], %div3A_540 {strides = array<i32>} : memref<80x64xf32, #tpu.memory_space<vmem>>, vector<16xf32>,
        %swap3A_544 = arith.index_cast %add3A_479 : i32 to index
        %swap3A_545 = arith.constant 80 : index
        %swap3A_546 = tpu.vector_load %arg11[%swap3A_544, %swap3A_545] {strides = array<i32>} : memref<80x128xf32, #tpu.memory_space<vmem>>, vector<16xf32>,
        tpu.vector_store %arg11[%swap3A_544, %swap3A_545], %div3A_540 {strides = array<i32>} : memref<80x128xf32, #tpu.memory_space<vmem>>, vector<16xf32>,
        %get3A_547 = arith.index_cast %add3A_479 : i32 to index
        %get3A_548 = arith.constant 16 : index
        %get3A_549 = tpu.vector_load %arg11[%get3A_547, %get3A_548] {strides = array<i32>} : memref<80x128xf32, #tpu.memory_space<vmem>>, vector<16xf32>,
        %mul3A_550 = arith.mulf %get3A_549, %div3A_540 : vector<16xf32>
        %swap3A_551 = arith.index_cast %add3A_479 : i32 to index
        %swap3A_552 = arith.constant 16 : index
        %swap3A_553 = tpu.vector_load %arg11[%swap3A_551, %swap3A_552] {strides = array<i32>} : memref<80x128xf32, #tpu.memory_space<vmem>>, vector<16xf32>,
        tpu.vector_store %arg11[%swap3A_551, %swap3A_552], %mul3A_550 {strides = array<i32>} : memref<80x128xf32, #tpu.memory_space<vmem>>, vector<16xf32>,
        %get3A_554 = arith.index_cast %add3A_479 : i32 to index
        %get3A_555 = arith.constant 96 : index
        %get3A_556 = tpu.vector_load %arg11[%get3A_554, %get3A_555] {strides = array<i32>} : memref<80x128xf32, #tpu.memory_space<vmem>>, vector<16xf32>,
        %get3A_557 = arith.index_cast %add3A_479 : i32 to index
        %get3A_558 = arith.constant 32 : index
        %get3A_559 = tpu.vector_load %arg12[%get3A_557, %get3A_558] {strides = array<i32>} : memref<80x64xf32, #tpu.memory_space<vmem>>, vector<16xf32>,
        %mul3A_560 = arith.mulf %get3A_556, %get3A_559 : vector<16xf32>
        %get3A_561 = arith.index_cast %add3A_479 : i32 to index
        %get3A_562 = arith.constant 32 : index
        %get3A_563 = tpu.vector_load %arg13[%get3A_561, %get3A_562] {strides = array<i32>} : memref<80x64xf32, #tpu.memory_space<vmem>>, vector<16xf32>,
        %add3A_564 = arith.addf %mul3A_560, %get3A_563 : vector<16xf32>
        %max3A_565 = arith.constant -5.000000e+00 : f32
        %max3A_566 = vector.broadcast %max3A_565 : f32 to vector<16xf32>
        %max3A_567 = arith.maximumf %add3A_564, %max3A_566 : vector<16xf32>
        %min3A_568 = arith.constant 5.000000e+00 : f32
        %min3A_569 = vector.broadcast %min3A_568 : f32 to vector<16xf32>
        %min3A_570 = arith.minimumf %max3A_567, %min3A_569 : vector<16xf32>
        %exp3A_571 = math.exp %min3A_570 : vector<16xf32>
        %reduce_sum3A_572 = arith.constant true
        %reduce_sum3A_573 = vector.broadcast %reduce_sum3A_572 : i1 to vector<16xi1>
        %reduce_sum3A_574 = tpu.scan <sum>, %exp3A_571 masked %reduce_sum3A_573 : vector<16xf32>, vector<16xi1> -> vector<16xf32>
        %reduce_sum3A_575 = vector.extract %reduce_sum3A_574[15] : f32 from vector<16xf32>
        %div3A_576 = vector.broadcast %reduce_sum3A_575 : f32 to vector<16xf32>
        %div3A_577 = arith.divf %exp3A_571, %div3A_576 : vector<16xf32>
        %swap3A_578 = arith.index_cast %add3A_479 : i32 to index
        %swap3A_579 = arith.constant 32 : index
        %swap3A_580 = tpu.vector_load %arg13[%swap3A_578, %swap3A_579] {strides = array<i32>} : memref<80x64xf32, #tpu.memory_space<vmem>>, vector<16xf32>,
        tpu.vector_store %arg13[%swap3A_578, %swap3A_579], %div3A_577 {strides = array<i32>} : memref<80x64xf32, #tpu.memory_space<vmem>>, vector<16xf32>,
        %swap3A_581 = arith.index_cast %add3A_479 : i32 to index
        %swap3A_582 = arith.constant 96 : index
        %swap3A_583 = tpu.vector_load %arg11[%swap3A_581, %swap3A_582] {strides = array<i32>} : memref<80x128xf32, #tpu.memory_space<vmem>>, vector<16xf32>,
        tpu.vector_store %arg11[%swap3A_581, %swap3A_582], %div3A_577 {strides = array<i32>} : memref<80x128xf32, #tpu.memory_space<vmem>>, vector<16xf32>,
        %get3A_584 = arith.index_cast %add3A_479 : i32 to index
        %get3A_585 = arith.constant 32 : index
        %get3A_586 = tpu.vector_load %arg11[%get3A_584, %get3A_585] {strides = array<i32>} : memref<80x128xf32, #tpu.memory_space<vmem>>, vector<16xf32>,
        %mul3A_587 = arith.mulf %get3A_586, %div3A_577 : vector<16xf32>
        %swap3A_588 = arith.index_cast %add3A_479 : i32 to index
        %swap3A_589 = arith.constant 32 : index
        %swap3A_590 = tpu.vector_load %arg11[%swap3A_588, %swap3A_589] {strides = array<i32>} : memref<80x128xf32, #tpu.memory_space<vmem>>, vector<16xf32>,
        tpu.vector_store %arg11[%swap3A_588, %swap3A_589], %mul3A_587 {strides = array<i32>} : memref<80x128xf32, #tpu.memory_space<vmem>>, vector<16xf32>,
        %get3A_591 = arith.index_cast %add3A_479 : i32 to index
        %get3A_592 = arith.constant 112 : index
        %get3A_593 = tpu.vector_load %arg11[%get3A_591, %get3A_592] {strides = array<i32>} : memref<80x128xf32, #tpu.memory_space<vmem>>, vector<16xf32>,
        %get3A_594 = arith.index_cast %add3A_479 : i32 to index
        %get3A_595 = arith.constant 48 : index
        %get3A_596 = tpu.vector_load %arg12[%get3A_594, %get3A_595] {strides = array<i32>} : memref<80x64xf32, #tpu.memory_space<vmem>>, vector<16xf32>,
        %mul3A_597 = arith.mulf %get3A_593, %get3A_596 : vector<16xf32>
        %get3A_598 = arith.index_cast %add3A_479 : i32 to index
        %get3A_599 = arith.constant 48 : index
        %get3A_600 = tpu.vector_load %arg13[%get3A_598, %get3A_599] {strides = array<i32>} : memref<80x64xf32, #tpu.memory_space<vmem>>, vector<16xf32>,
        %add3A_601 = arith.addf %mul3A_597, %get3A_600 : vector<16xf32>
        %max3A_602 = arith.constant -5.000000e+00 : f32
        %max3A_603 = vector.broadcast %max3A_602 : f32 to vector<16xf32>
        %max3A_604 = arith.maximumf %add3A_601, %max3A_603 : vector<16xf32>
        %min3A_605 = arith.constant 5.000000e+00 : f32
        %min3A_606 = vector.broadcast %min3A_605 : f32 to vector<16xf32>
        %min3A_607 = arith.minimumf %max3A_604, %min3A_606 : vector<16xf32>
        %exp3A_608 = math.exp %min3A_607 : vector<16xf32>
        %reduce_sum3A_609 = arith.constant true
        %reduce_sum3A_610 = vector.broadcast %reduce_sum3A_609 : i1 to vector<16xi1>
        %reduce_sum3A_611 = tpu.scan <sum>, %exp3A_608 masked %reduce_sum3A_610 : vector<16xf32>, vector<16xi1> -> vector<16xf32>
        %reduce_sum3A_612 = vector.extract %reduce_sum3A_611[15] : f32 from vector<16xf32>
        %div3A_613 = vector.broadcast %reduce_sum3A_612 : f32 to vector<16xf32>
        %div3A_614 = arith.divf %exp3A_608, %div3A_613 : vector<16xf32>
        %swap3A_615 = arith.index_cast %add3A_479 : i32 to index
        %swap3A_616 = arith.constant 48 : index
        %swap3A_617 = tpu.vector_load %arg13[%swap3A_615, %swap3A_616] {strides = array<i32>} : memref<80x64xf32, #tpu.memory_space<vmem>>, vector<16xf32>,
        tpu.vector_store %arg13[%swap3A_615, %swap3A_616], %div3A_614 {strides = array<i32>} : memref<80x64xf32, #tpu.memory_space<vmem>>, vector<16xf32>,
        %swap3A_618 = arith.index_cast %add3A_479 : i32 to index
        %swap3A_619 = arith.constant 112 : index
        %swap3A_620 = tpu.vector_load %arg11[%swap3A_618, %swap3A_619] {strides = array<i32>} : memref<80x128xf32, #tpu.memory_space<vmem>>, vector<16xf32>,
        tpu.vector_store %arg11[%swap3A_618, %swap3A_619], %div3A_614 {strides = array<i32>} : memref<80x128xf32, #tpu.memory_space<vmem>>, vector<16xf32>,
        %get3A_621 = arith.index_cast %add3A_479 : i32 to index
        %get3A_622 = arith.constant 48 : index
        %get3A_623 = tpu.vector_load %arg11[%get3A_621, %get3A_622] {strides = array<i32>} : memref<80x128xf32, #tpu.memory_space<vmem>>, vector<16xf32>,
        %mul3A_624 = arith.mulf %get3A_623, %div3A_614 : vector<16xf32>
        %swap3A_625 = arith.index_cast %add3A_479 : i32 to index
        %swap3A_626 = arith.constant 48 : index
        %swap3A_627 = tpu.vector_load %arg11[%swap3A_625, %swap3A_626] {strides = array<i32>} : memref<80x128xf32, #tpu.memory_space<vmem>>, vector<16xf32>,
        tpu.vector_store %arg11[%swap3A_625, %swap3A_626], %mul3A_624 {strides = array<i32>} : memref<80x128xf32, #tpu.memory_space<vmem>>, vector<16xf32>,
        %scan3A_628 = arith.constant 0 : i32
        scf.yield %scan3A_628 : i32
      }
      %scan3A_251 = arith.constant 40 : i32
      %dma_start3A_252 = tpu.memref_slice %arg7[%add3A_234, %mul3A_2] : memref<320000x128xf32, #tpu.memory_space<hbm>> -> memref<80x64xf32, #tpu.memory_space<hbm>>
      %dma_start3A_253 = tpu.memref_slice %arg7[%add3A_234, %mul3A_2] : memref<320000x128xf32, #tpu.memory_space<hbm>> -> memref<80x64xf32, #tpu.memory_space<hbm>>
      tpu.enqueue_dma source(%arg13 : memref<80x64xf32, #tpu.memory_space<vmem>>) target(%dma_start3A_253 : memref<80x64xf32, #tpu.memory_space<hbm>>) target_semaphore(%arg23 : memref<!tpu.dma_semaphore, #tpu.memory_space<semaphore_mem>>)
      %run_scoped3A_254 = arith.constant 1 : i32
      "tpu.region"() ({
        %run_scoped3A_331 = tpu.sem_alloc : memref<!tpu.dma_semaphore, #tpu.memory_space<semaphore_mem>>
        %dma_start3A_332 = arith.constant 0 : i32
        %dma_start3A_333 = tpu.memref_slice %arg8[%run_scoped3A_254, %dma_start3A_332] : memref<2x80xi32, #tpu.memory_space<vmem>> -> memref<1x80xi32, #tpu.memory_space<vmem>>
        %dma_start3A_334 = tpu.memref_squeeze %dma_start3A_333 : memref<1x80xi32, #tpu.memory_space<vmem>> -> memref<80xi32, #tpu.memory_space<vmem>>
        %dma_start3A_335 = arith.constant 0 : i32
        %dma_start3A_336 = arith.constant 0 : i32
        %dma_start3A_337 = tpu.memref_slice %arg20[%dma_start3A_335, %dma_start3A_336] : memref<10000x128xf32, #tpu.memory_space<vmem_shared>> -> memref<10000x128xf32, #tpu.memory_space<vmem_shared>>
        tpu.enqueue_indirect_dma source(%arg11 : memref<80x128xf32, #tpu.memory_space<vmem>>) target(%dma_start3A_337 : memref<10000x128xf32, #tpu.memory_space<vmem_shared>>) offsets(%dma_start3A_334 : memref<80xi32, #tpu.memory_space<vmem>>) semaphore(%run_scoped3A_331 : memref<!tpu.dma_semaphore, #tpu.memory_space<semaphore_mem>>) {add = true}
        %dma_wait3A_338 = arith.constant 0 : i32
        %dma_wait3A_339 = tpu.memref_slice %arg8[%run_scoped3A_254, %dma_wait3A_338] : memref<2x80xi32, #tpu.memory_space<vmem>> -> memref<1x80xi32, #tpu.memory_space<vmem>>
        %dma_wait3A_340 = tpu.memref_squeeze %dma_wait3A_339 : memref<1x80xi32, #tpu.memory_space<vmem>> -> memref<80xi32, #tpu.memory_space<vmem>>
        %dma_wait3A_341 = arith.constant 0 : i32
        %dma_wait3A_342 = arith.constant 0 : i32
        %dma_wait3A_343 = tpu.memref_slice %arg20[%dma_wait3A_341, %dma_wait3A_342] : memref<10000x128xf32, #tpu.memory_space<vmem_shared>> -> memref<10000x128xf32, #tpu.memory_space<vmem_shared>>
        tpu.wait_indirect_dma semaphore(%run_scoped3A_331 : memref<!tpu.dma_semaphore, #tpu.memory_space<semaphore_mem>>) src(%arg11 : memref<80x128xf32, #tpu.memory_space<vmem>>) dst(%dma_wait3A_343 : memref<10000x128xf32, #tpu.memory_space<vmem_shared>>)
        tpu.yield
      }) : () -> ()
      %add3A_255 = arith.constant 160 : i32
      %add3A_256 = arith.addi %add3A_234, %add3A_255 : i32
      %dma_start3A_257 = arith.constant 0 : i32
      %dma_start3A_258 = tpu.memref_slice %arg5[%dma_start3A_257, %add3A_256] : memref<2x320000xi32, #tpu.memory_space<hbm>> -> memref<2x80xi32, #tpu.memory_space<hbm>>
      %dma_start3A_259 = arith.constant 0 : i32
      %dma_start3A_260 = tpu.memref_slice %arg5[%dma_start3A_259, %add3A_256] : memref<2x320000xi32, #tpu.memory_space<hbm>> -> memref<2x80xi32, #tpu.memory_space<hbm>>
      tpu.enqueue_dma source(%dma_start3A_260 : memref<2x80xi32, #tpu.memory_space<hbm>>) target(%arg8 : memref<2x80xi32, #tpu.memory_space<vmem>>) target_semaphore(%arg21 : memref<!tpu.dma_semaphore, #tpu.memory_space<semaphore_mem>>)
      %dma_wait3A_261 = arith.constant 0 : i32
      %dma_wait3A_262 = tpu.memref_slice %arg5[%dma_wait3A_261, %add3A_256] : memref<2x320000xi32, #tpu.memory_space<hbm>> -> memref<2x80xi32, #tpu.memory_space<hbm>>
      %dma_wait3A_263 = arith.constant 0 : i32
      %dma_wait3A_264 = tpu.memref_slice %arg5[%dma_wait3A_263, %add3A_256] : memref<2x320000xi32, #tpu.memory_space<hbm>> -> memref<2x80xi32, #tpu.memory_space<hbm>>
      tpu.wait_dma2 semaphore(%arg21 : memref<!tpu.dma_semaphore, #tpu.memory_space<semaphore_mem>>) src(%dma_wait3A_264 : memref<2x80xi32, #tpu.memory_space<hbm>>) dst(%arg8 : memref<2x80xi32, #tpu.memory_space<vmem>>)
      %scan3A_265 = arith.constant 0 : i32
      %scan3A_266 = arith.constant 0 : i32
      %scan3A_267 = arith.constant 5 : i32
      %scan3A_268 = arith.addi %scan3A_266, %scan3A_267 : i32
      %scan3A_269 = arith.constant 1 : i32
      %scan3A_270 = scf.for %scan3A_331 = %scan3A_266 to %scan3A_268 step %scan3A_269 iter_args(%scan3A_332 = %scan3A_265) -> (i32)  : i32 {
        %mul3A_333 = arith.constant 16 : i32
        %mul3A_334 = arith.muli %scan3A_331, %mul3A_333 : i32
        %get3A = arith.constant 0 : i32
        %get3A_335 = arith.index_cast %get3A : i32 to index
        %get3A_336 = arith.index_cast %mul3A_334 : i32 to index
        %get3A_337 = tpu.vector_load %arg8[%get3A_335, %get3A_336] {strides = array<i32>} : memref<2x80xi32, #tpu.memory_space<vmem>>, vector<16xi32>,
        %add3A_338 = vector.broadcast %mul3A_0 : i32 to vector<16xi32>
        %add3A_339 = arith.addi %get3A_337, %add3A_338 : vector<16xi32>
        %swap3A = arith.index_cast %mul3A_334 : i32 to index
        %swap3A_340 = tpu.vector_load %arg9[%swap3A] {strides = array<i32>} : memref<80xi32, #tpu.memory_space<vmem>>, vector<16xi32>,
        tpu.vector_store %arg9[%swap3A], %add3A_339 {strides = array<i32>} : memref<80xi32, #tpu.memory_space<vmem>>, vector<16xi32>,
        %get3A_341 = arith.constant 1 : i32
        %get3A_342 = arith.index_cast %get3A_341 : i32 to index
        %get3A_343 = arith.index_cast %mul3A_334 : i32 to index
        %get3A_344 = tpu.vector_load %arg8[%get3A_342, %get3A_343] {strides = array<i32>} : memref<2x80xi32, #tpu.memory_space<vmem>>, vector<16xi32>,
        %add3A_345 = vector.broadcast %mul3A_0 : i32 to vector<16xi32>
        %add3A_346 = arith.addi %get3A_344, %add3A_345 : vector<16xi32>
        %swap3A_347 = arith.index_cast %mul3A_334 : i32 to index
        %swap3A_348 = tpu.vector_load %arg10[%swap3A_347] {strides = array<i32>} : memref<80xi32, #tpu.memory_space<vmem>>, vector<16xi32>,
        tpu.vector_store %arg10[%swap3A_347], %add3A_346 {strides = array<i32>} : memref<80xi32, #tpu.memory_space<vmem>>, vector<16xi32>,
        %scan3A_349 = arith.constant 0 : i32
        scf.yield %scan3A_349 : i32
      }
      %scan3A_271 = arith.constant 5 : i32
      %dma_start3A_272 = arith.constant 0 : i32
      %dma_start3A_273 = arith.constant 0 : i32
      %dma_start3A_274 = tpu.memref_slice %arg3[%dma_start3A_272, %dma_start3A_273] : memref<20000x128xf32, #tpu.memory_space<hbm>> -> memref<20000x128xf32, #tpu.memory_space<hbm>>
      tpu.enqueue_indirect_dma source(%dma_start3A_274 : memref<20000x128xf32, #tpu.memory_space<hbm>>) target(%arg11 : memref<80x128xf32, #tpu.memory_space<vmem>>) offsets(%arg9 : memref<80xi32, #tpu.memory_space<vmem>>) semaphore(%arg21 : memref<!tpu.dma_semaphore, #tpu.memory_space<semaphore_mem>>)
      %dma_start3A_275 = arith.constant 0 : i32
      %dma_start3A_276 = arith.constant 0 : i32
      %dma_start3A_277 = tpu.memref_slice %arg2[%dma_start3A_275, %dma_start3A_276] : memref<20000x64xf32, #tpu.memory_space<hbm>> -> memref<20000x64xf32, #tpu.memory_space<hbm>>
      tpu.enqueue_indirect_dma source(%dma_start3A_277 : memref<20000x64xf32, #tpu.memory_space<hbm>>) target(%arg12 : memref<80x64xf32, #tpu.memory_space<vmem>>) offsets(%arg10 : memref<80xi32, #tpu.memory_space<vmem>>) semaphore(%arg21 : memref<!tpu.dma_semaphore, #tpu.memory_space<semaphore_mem>>)
      %sub3A = arith.constant 160 : i32
      %sub3A_278 = arith.subi %add3A_256, %sub3A : i32
      %dma_wait3A_279 = tpu.memref_slice %arg7[%sub3A_278, %mul3A_2] : memref<320000x128xf32, #tpu.memory_space<hbm>> -> memref<80x64xf32, #tpu.memory_space<hbm>>
      %dma_wait3A_280 = tpu.memref_slice %arg7[%sub3A_278, %mul3A_2] : memref<320000x128xf32, #tpu.memory_space<hbm>> -> memref<80x64xf32, #tpu.memory_space<hbm>>
      tpu.wait_dma2 semaphore(%arg23 : memref<!tpu.dma_semaphore, #tpu.memory_space<semaphore_mem>>) src(%arg13 : memref<80x64xf32, #tpu.memory_space<vmem>>) dst(%dma_wait3A_280 : memref<80x64xf32, #tpu.memory_space<hbm>>)
      %dma_start3A_281 = tpu.memref_slice %arg4[%add3A_256, %mul3A_2] : memref<320000x128xf32, #tpu.memory_space<hbm>> -> memref<80x64xf32, #tpu.memory_space<hbm>>
      %dma_start3A_282 = tpu.memref_slice %arg4[%add3A_256, %mul3A_2] : memref<320000x128xf32, #tpu.memory_space<hbm>> -> memref<80x64xf32, #tpu.memory_space<hbm>>
      tpu.enqueue_dma source(%dma_start3A_282 : memref<80x64xf32, #tpu.memory_space<hbm>>) target(%arg13 : memref<80x64xf32, #tpu.memory_space<vmem>>) target_semaphore(%arg21 : memref<!tpu.dma_semaphore, #tpu.memory_space<semaphore_mem>>)
      %dma_wait3A_283 = arith.constant 0 : i32
      %dma_wait3A_284 = arith.constant 0 : i32
      %dma_wait3A_285 = tpu.memref_slice %arg3[%dma_wait3A_283, %dma_wait3A_284] : memref<20000x128xf32, #tpu.memory_space<hbm>> -> memref<20000x128xf32, #tpu.memory_space<hbm>>
      tpu.wait_indirect_dma semaphore(%arg22 : memref<!tpu.dma_semaphore, #tpu.memory_space<semaphore_mem>>) src(%dma_wait3A_285 : memref<20000x128xf32, #tpu.memory_space<hbm>>) dst(%arg17 : memref<80x128xf32, #tpu.memory_space<vmem>>)
      %dma_wait3A_286 = arith.constant 0 : i32
      %dma_wait3A_287 = arith.constant 0 : i32
      %dma_wait3A_288 = tpu.memref_slice %arg2[%dma_wait3A_286, %dma_wait3A_287] : memref<20000x64xf32, #tpu.memory_space<hbm>> -> memref<20000x64xf32, #tpu.memory_space<hbm>>
      tpu.wait_indirect_dma semaphore(%arg22 : memref<!tpu.dma_semaphore, #tpu.memory_space<semaphore_mem>>) src(%dma_wait3A_288 : memref<20000x64xf32, #tpu.memory_space<hbm>>) dst(%arg18 : memref<80x64xf32, #tpu.memory_space<vmem>>)
      %dma_wait3A_289 = tpu.memref_slice %arg4[%add3A_236, %mul3A_2] : memref<320000x128xf32, #tpu.memory_space<hbm>> -> memref<80x64xf32, #tpu.memory_space<hbm>>
      %dma_wait3A_290 = tpu.memref_slice %arg4[%add3A_236, %mul3A_2] : memref<320000x128xf32, #tpu.memory_space<hbm>> -> memref<80x64xf32, #tpu.memory_space<hbm>>
      tpu.wait_dma2 semaphore(%arg22 : memref<!tpu.dma_semaphore, #tpu.memory_space<semaphore_mem>>) src(%dma_wait3A_290 : memref<80x64xf32, #tpu.memory_space<hbm>>) dst(%arg19 : memref<80x64xf32, #tpu.memory_space<vmem>>)
      %scan3A_291 = arith.constant 0 : i32
      %scan3A_292 = arith.constant 0 : i32
      %scan3A_293 = arith.constant 40 : i32
      %scan3A_294 = arith.addi %scan3A_292, %scan3A_293 : i32
      %scan3A_295 = arith.constant 1 : i32
      %scan3A_296 = scf.for %scan3A_331 = %scan3A_292 to %scan3A_294 step %scan3A_295 iter_args(%scan3A_332 = %scan3A_291) -> (i32)  : i32 {
        %mul3A_333 = arith.constant 2 : i32
        %mul3A_334 = arith.muli %mul3A_333, %scan3A_331 : i32
        %get3A = arith.index_cast %mul3A_334 : i32 to index
        %get3A_335 = arith.constant 64 : index
        %get3A_336 = tpu.vector_load %arg17[%get3A, %get3A_335] {strides = array<i32>} : memref<80x128xf32, #tpu.memory_space<vmem>>, vector<16xf32>,
        %get3A_337 = arith.index_cast %mul3A_334 : i32 to index
        %get3A_338 = arith.constant 0 : index
        %get3A_339 = tpu.vector_load %arg18[%get3A_337, %get3A_338] {strides = array<i32>} : memref<80x64xf32, #tpu.memory_space<vmem>>, vector<16xf32>,
        %mul3A_340 = arith.mulf %get3A_336, %get3A_339 : vector<16xf32>
        %get3A_341 = arith.index_cast %mul3A_334 : i32 to index
        %get3A_342 = arith.constant 0 : index
        %get3A_343 = tpu.vector_load %arg19[%get3A_341, %get3A_342] {strides = array<i32>} : memref<80x64xf32, #tpu.memory_space<vmem>>, vector<16xf32>,
        %add3A_344 = arith.addf %mul3A_340, %get3A_343 : vector<16xf32>
        %max3A = arith.constant -5.000000e+00 : f32
        %max3A_345 = vector.broadcast %max3A : f32 to vector<16xf32>
        %max3A_346 = arith.maximumf %add3A_344, %max3A_345 : vector<16xf32>
        %min3A = arith.constant 5.000000e+00 : f32
        %min3A_347 = vector.broadcast %min3A : f32 to vector<16xf32>
        %min3A_348 = arith.minimumf %max3A_346, %min3A_347 : vector<16xf32>
        %exp3A = math.exp %min3A_348 : vector<16xf32>
        %reduce_sum3A = arith.constant true
        %reduce_sum3A_349 = vector.broadcast %reduce_sum3A : i1 to vector<16xi1>
        %reduce_sum3A_350 = tpu.scan <sum>, %exp3A masked %reduce_sum3A_349 : vector<16xf32>, vector<16xi1> -> vector<16xf32>
        %reduce_sum3A_351 = vector.extract %reduce_sum3A_350[15] : f32 from vector<16xf32>
        %div3A = vector.broadcast %reduce_sum3A_351 : f32 to vector<16xf32>
        %div3A_352 = arith.divf %exp3A, %div3A : vector<16xf32>
        %swap3A = arith.index_cast %mul3A_334 : i32 to index
        %swap3A_353 = arith.constant 0 : index
        %swap3A_354 = tpu.vector_load %arg19[%swap3A, %swap3A_353] {strides = array<i32>} : memref<80x64xf32, #tpu.memory_space<vmem>>, vector<16xf32>,
        tpu.vector_store %arg19[%swap3A, %swap3A_353], %div3A_352 {strides = array<i32>} : memref<80x64xf32, #tpu.memory_space<vmem>>, vector<16xf32>,
        %swap3A_355 = arith.index_cast %mul3A_334 : i32 to index
        %swap3A_356 = arith.constant 64 : index
        %swap3A_357 = tpu.vector_load %arg17[%swap3A_355, %swap3A_356] {strides = array<i32>} : memref<80x128xf32, #tpu.memory_space<vmem>>, vector<16xf32>,
        tpu.vector_store %arg17[%swap3A_355, %swap3A_356], %div3A_352 {strides = array<i32>} : memref<80x128xf32, #tpu.memory_space<vmem>>, vector<16xf32>,
        %get3A_358 = arith.index_cast %mul3A_334 : i32 to index
        %get3A_359 = arith.constant 0 : index
        %get3A_360 = tpu.vector_load %arg17[%get3A_358, %get3A_359] {strides = array<i32>} : memref<80x128xf32, #tpu.memory_space<vmem>>, vector<16xf32>,
        %mul3A_361 = arith.mulf %get3A_360, %div3A_352 : vector<16xf32>
        %swap3A_362 = arith.index_cast %mul3A_334 : i32 to index
        %swap3A_363 = arith.constant 0 : index
        %swap3A_364 = tpu.vector_load %arg17[%swap3A_362, %swap3A_363] {strides = array<i32>} : memref<80x128xf32, #tpu.memory_space<vmem>>, vector<16xf32>,
        tpu.vector_store %arg17[%swap3A_362, %swap3A_363], %mul3A_361 {strides = array<i32>} : memref<80x128xf32, #tpu.memory_space<vmem>>, vector<16xf32>,
        %get3A_365 = arith.index_cast %mul3A_334 : i32 to index
        %get3A_366 = arith.constant 80 : index
        %get3A_367 = tpu.vector_load %arg17[%get3A_365, %get3A_366] {strides = array<i32>} : memref<80x128xf32, #tpu.memory_space<vmem>>, vector<16xf32>,
        %get3A_368 = arith.index_cast %mul3A_334 : i32 to index
        %get3A_369 = arith.constant 16 : index
        %get3A_370 = tpu.vector_load %arg18[%get3A_368, %get3A_369] {strides = array<i32>} : memref<80x64xf32, #tpu.memory_space<vmem>>, vector<16xf32>,
        %mul3A_371 = arith.mulf %get3A_367, %get3A_370 : vector<16xf32>
        %get3A_372 = arith.index_cast %mul3A_334 : i32 to index
        %get3A_373 = arith.constant 16 : index
        %get3A_374 = tpu.vector_load %arg19[%get3A_372, %get3A_373] {strides = array<i32>} : memref<80x64xf32, #tpu.memory_space<vmem>>, vector<16xf32>,
        %add3A_375 = arith.addf %mul3A_371, %get3A_374 : vector<16xf32>
        %max3A_376 = arith.constant -5.000000e+00 : f32
        %max3A_377 = vector.broadcast %max3A_376 : f32 to vector<16xf32>
        %max3A_378 = arith.maximumf %add3A_375, %max3A_377 : vector<16xf32>
        %min3A_379 = arith.constant 5.000000e+00 : f32
        %min3A_380 = vector.broadcast %min3A_379 : f32 to vector<16xf32>
        %min3A_381 = arith.minimumf %max3A_378, %min3A_380 : vector<16xf32>
        %exp3A_382 = math.exp %min3A_381 : vector<16xf32>
        %reduce_sum3A_383 = arith.constant true
        %reduce_sum3A_384 = vector.broadcast %reduce_sum3A_383 : i1 to vector<16xi1>
        %reduce_sum3A_385 = tpu.scan <sum>, %exp3A_382 masked %reduce_sum3A_384 : vector<16xf32>, vector<16xi1> -> vector<16xf32>
        %reduce_sum3A_386 = vector.extract %reduce_sum3A_385[15] : f32 from vector<16xf32>
        %div3A_387 = vector.broadcast %reduce_sum3A_386 : f32 to vector<16xf32>
        %div3A_388 = arith.divf %exp3A_382, %div3A_387 : vector<16xf32>
        %swap3A_389 = arith.index_cast %mul3A_334 : i32 to index
        %swap3A_390 = arith.constant 16 : index
        %swap3A_391 = tpu.vector_load %arg19[%swap3A_389, %swap3A_390] {strides = array<i32>} : memref<80x64xf32, #tpu.memory_space<vmem>>, vector<16xf32>,
        tpu.vector_store %arg19[%swap3A_389, %swap3A_390], %div3A_388 {strides = array<i32>} : memref<80x64xf32, #tpu.memory_space<vmem>>, vector<16xf32>,
        %swap3A_392 = arith.index_cast %mul3A_334 : i32 to index
        %swap3A_393 = arith.constant 80 : index
        %swap3A_394 = tpu.vector_load %arg17[%swap3A_392, %swap3A_393] {strides = array<i32>} : memref<80x128xf32, #tpu.memory_space<vmem>>, vector<16xf32>,
        tpu.vector_store %arg17[%swap3A_392, %swap3A_393], %div3A_388 {strides = array<i32>} : memref<80x128xf32, #tpu.memory_space<vmem>>, vector<16xf32>,
        %get3A_395 = arith.index_cast %mul3A_334 : i32 to index
        %get3A_396 = arith.constant 16 : index
        %get3A_397 = tpu.vector_load %arg17[%get3A_395, %get3A_396] {strides = array<i32>} : memref<80x128xf32, #tpu.memory_space<vmem>>, vector<16xf32>,
        %mul3A_398 = arith.mulf %get3A_397, %div3A_388 : vector<16xf32>
        %swap3A_399 = arith.index_cast %mul3A_334 : i32 to index
        %swap3A_400 = arith.constant 16 : index
        %swap3A_401 = tpu.vector_load %arg17[%swap3A_399, %swap3A_400] {strides = array<i32>} : memref<80x128xf32, #tpu.memory_space<vmem>>, vector<16xf32>,
        tpu.vector_store %arg17[%swap3A_399, %swap3A_400], %mul3A_398 {strides = array<i32>} : memref<80x128xf32, #tpu.memory_space<vmem>>, vector<16xf32>,
        %get3A_402 = arith.index_cast %mul3A_334 : i32 to index
        %get3A_403 = arith.constant 96 : index
        %get3A_404 = tpu.vector_load %arg17[%get3A_402, %get3A_403] {strides = array<i32>} : memref<80x128xf32, #tpu.memory_space<vmem>>, vector<16xf32>,
        %get3A_405 = arith.index_cast %mul3A_334 : i32 to index
        %get3A_406 = arith.constant 32 : index
        %get3A_407 = tpu.vector_load %arg18[%get3A_405, %get3A_406] {strides = array<i32>} : memref<80x64xf32, #tpu.memory_space<vmem>>, vector<16xf32>,
        %mul3A_408 = arith.mulf %get3A_404, %get3A_407 : vector<16xf32>
        %get3A_409 = arith.index_cast %mul3A_334 : i32 to index
        %get3A_410 = arith.constant 32 : index
        %get3A_411 = tpu.vector_load %arg19[%get3A_409, %get3A_410] {strides = array<i32>} : memref<80x64xf32, #tpu.memory_space<vmem>>, vector<16xf32>,
        %add3A_412 = arith.addf %mul3A_408, %get3A_411 : vector<16xf32>
        %max3A_413 = arith.constant -5.000000e+00 : f32
        %max3A_414 = vector.broadcast %max3A_413 : f32 to vector<16xf32>
        %max3A_415 = arith.maximumf %add3A_412, %max3A_414 : vector<16xf32>
        %min3A_416 = arith.constant 5.000000e+00 : f32
        %min3A_417 = vector.broadcast %min3A_416 : f32 to vector<16xf32>
        %min3A_418 = arith.minimumf %max3A_415, %min3A_417 : vector<16xf32>
        %exp3A_419 = math.exp %min3A_418 : vector<16xf32>
        %reduce_sum3A_420 = arith.constant true
        %reduce_sum3A_421 = vector.broadcast %reduce_sum3A_420 : i1 to vector<16xi1>
        %reduce_sum3A_422 = tpu.scan <sum>, %exp3A_419 masked %reduce_sum3A_421 : vector<16xf32>, vector<16xi1> -> vector<16xf32>
        %reduce_sum3A_423 = vector.extract %reduce_sum3A_422[15] : f32 from vector<16xf32>
        %div3A_424 = vector.broadcast %reduce_sum3A_423 : f32 to vector<16xf32>
        %div3A_425 = arith.divf %exp3A_419, %div3A_424 : vector<16xf32>
        %swap3A_426 = arith.index_cast %mul3A_334 : i32 to index
        %swap3A_427 = arith.constant 32 : index
        %swap3A_428 = tpu.vector_load %arg19[%swap3A_426, %swap3A_427] {strides = array<i32>} : memref<80x64xf32, #tpu.memory_space<vmem>>, vector<16xf32>,
        tpu.vector_store %arg19[%swap3A_426, %swap3A_427], %div3A_425 {strides = array<i32>} : memref<80x64xf32, #tpu.memory_space<vmem>>, vector<16xf32>,
        %swap3A_429 = arith.index_cast %mul3A_334 : i32 to index
        %swap3A_430 = arith.constant 96 : index
        %swap3A_431 = tpu.vector_load %arg17[%swap3A_429, %swap3A_430] {strides = array<i32>} : memref<80x128xf32, #tpu.memory_space<vmem>>, vector<16xf32>,
        tpu.vector_store %arg17[%swap3A_429, %swap3A_430], %div3A_425 {strides = array<i32>} : memref<80x128xf32, #tpu.memory_space<vmem>>, vector<16xf32>,
        %get3A_432 = arith.index_cast %mul3A_334 : i32 to index
        %get3A_433 = arith.constant 32 : index
        %get3A_434 = tpu.vector_load %arg17[%get3A_432, %get3A_433] {strides = array<i32>} : memref<80x128xf32, #tpu.memory_space<vmem>>, vector<16xf32>,
        %mul3A_435 = arith.mulf %get3A_434, %div3A_425 : vector<16xf32>
        %swap3A_436 = arith.index_cast %mul3A_334 : i32 to index
        %swap3A_437 = arith.constant 32 : index
        %swap3A_438 = tpu.vector_load %arg17[%swap3A_436, %swap3A_437] {strides = array<i32>} : memref<80x128xf32, #tpu.memory_space<vmem>>, vector<16xf32>,
        tpu.vector_store %arg17[%swap3A_436, %swap3A_437], %mul3A_435 {strides = array<i32>} : memref<80x128xf32, #tpu.memory_space<vmem>>, vector<16xf32>,
        %get3A_439 = arith.index_cast %mul3A_334 : i32 to index
        %get3A_440 = arith.constant 112 : index
        %get3A_441 = tpu.vector_load %arg17[%get3A_439, %get3A_440] {strides = array<i32>} : memref<80x128xf32, #tpu.memory_space<vmem>>, vector<16xf32>,
        %get3A_442 = arith.index_cast %mul3A_334 : i32 to index
        %get3A_443 = arith.constant 48 : index
        %get3A_444 = tpu.vector_load %arg18[%get3A_442, %get3A_443] {strides = array<i32>} : memref<80x64xf32, #tpu.memory_space<vmem>>, vector<16xf32>,
        %mul3A_445 = arith.mulf %get3A_441, %get3A_444 : vector<16xf32>
        %get3A_446 = arith.index_cast %mul3A_334 : i32 to index
        %get3A_447 = arith.constant 48 : index
        %get3A_448 = tpu.vector_load %arg19[%get3A_446, %get3A_447] {strides = array<i32>} : memref<80x64xf32, #tpu.memory_space<vmem>>, vector<16xf32>,
        %add3A_449 = arith.addf %mul3A_445, %get3A_448 : vector<16xf32>
        %max3A_450 = arith.constant -5.000000e+00 : f32
        %max3A_451 = vector.broadcast %max3A_450 : f32 to vector<16xf32>
        %max3A_452 = arith.maximumf %add3A_449, %max3A_451 : vector<16xf32>
        %min3A_453 = arith.constant 5.000000e+00 : f32
        %min3A_454 = vector.broadcast %min3A_453 : f32 to vector<16xf32>
        %min3A_455 = arith.minimumf %max3A_452, %min3A_454 : vector<16xf32>
        %exp3A_456 = math.exp %min3A_455 : vector<16xf32>
        %reduce_sum3A_457 = arith.constant true
        %reduce_sum3A_458 = vector.broadcast %reduce_sum3A_457 : i1 to vector<16xi1>
        %reduce_sum3A_459 = tpu.scan <sum>, %exp3A_456 masked %reduce_sum3A_458 : vector<16xf32>, vector<16xi1> -> vector<16xf32>
        %reduce_sum3A_460 = vector.extract %reduce_sum3A_459[15] : f32 from vector<16xf32>
        %div3A_461 = vector.broadcast %reduce_sum3A_460 : f32 to vector<16xf32>
        %div3A_462 = arith.divf %exp3A_456, %div3A_461 : vector<16xf32>
        %swap3A_463 = arith.index_cast %mul3A_334 : i32 to index
        %swap3A_464 = arith.constant 48 : index
        %swap3A_465 = tpu.vector_load %arg19[%swap3A_463, %swap3A_464] {strides = array<i32>} : memref<80x64xf32, #tpu.memory_space<vmem>>, vector<16xf32>,
        tpu.vector_store %arg19[%swap3A_463, %swap3A_464], %div3A_462 {strides = array<i32>} : memref<80x64xf32, #tpu.memory_space<vmem>>, vector<16xf32>,
        %swap3A_466 = arith.index_cast %mul3A_334 : i32 to index
        %swap3A_467 = arith.constant 112 : index
        %swap3A_468 = tpu.vector_load %arg17[%swap3A_466, %swap3A_467] {strides = array<i32>} : memref<80x128xf32, #tpu.memory_space<vmem>>, vector<16xf32>,
        tpu.vector_store %arg17[%swap3A_466, %swap3A_467], %div3A_462 {strides = array<i32>} : memref<80x128xf32, #tpu.memory_space<vmem>>, vector<16xf32>,
        %get3A_469 = arith.index_cast %mul3A_334 : i32 to index
        %get3A_470 = arith.constant 48 : index
        %get3A_471 = tpu.vector_load %arg17[%get3A_469, %get3A_470] {strides = array<i32>} : memref<80x128xf32, #tpu.memory_space<vmem>>, vector<16xf32>,
        %mul3A_472 = arith.mulf %get3A_471, %div3A_462 : vector<16xf32>
        %swap3A_473 = arith.index_cast %mul3A_334 : i32 to index
        %swap3A_474 = arith.constant 48 : index
        %swap3A_475 = tpu.vector_load %arg17[%swap3A_473, %swap3A_474] {strides = array<i32>} : memref<80x128xf32, #tpu.memory_space<vmem>>, vector<16xf32>,
        tpu.vector_store %arg17[%swap3A_473, %swap3A_474], %mul3A_472 {strides = array<i32>} : memref<80x128xf32, #tpu.memory_space<vmem>>, vector<16xf32>,
        %mul3A_476 = arith.constant 2 : i32
        %mul3A_477 = arith.muli %mul3A_476, %scan3A_331 : i32
        %add3A_478 = arith.constant 1 : i32
        %add3A_479 = arith.addi %mul3A_477, %add3A_478 : i32
        %get3A_480 = arith.index_cast %add3A_479 : i32 to index
        %get3A_481 = arith.constant 64 : index
        %get3A_482 = tpu.vector_load %arg17[%get3A_480, %get3A_481] {strides = array<i32>} : memref<80x128xf32, #tpu.memory_space<vmem>>, vector<16xf32>,
        %get3A_483 = arith.index_cast %add3A_479 : i32 to index
        %get3A_484 = arith.constant 0 : index
        %get3A_485 = tpu.vector_load %arg18[%get3A_483, %get3A_484] {strides = array<i32>} : memref<80x64xf32, #tpu.memory_space<vmem>>, vector<16xf32>,
        %mul3A_486 = arith.mulf %get3A_482, %get3A_485 : vector<16xf32>
        %get3A_487 = arith.index_cast %add3A_479 : i32 to index
        %get3A_488 = arith.constant 0 : index
        %get3A_489 = tpu.vector_load %arg19[%get3A_487, %get3A_488] {strides = array<i32>} : memref<80x64xf32, #tpu.memory_space<vmem>>, vector<16xf32>,
        %add3A_490 = arith.addf %mul3A_486, %get3A_489 : vector<16xf32>
        %max3A_491 = arith.constant -5.000000e+00 : f32
        %max3A_492 = vector.broadcast %max3A_491 : f32 to vector<16xf32>
        %max3A_493 = arith.maximumf %add3A_490, %max3A_492 : vector<16xf32>
        %min3A_494 = arith.constant 5.000000e+00 : f32
        %min3A_495 = vector.broadcast %min3A_494 : f32 to vector<16xf32>
        %min3A_496 = arith.minimumf %max3A_493, %min3A_495 : vector<16xf32>
        %exp3A_497 = math.exp %min3A_496 : vector<16xf32>
        %reduce_sum3A_498 = arith.constant true
        %reduce_sum3A_499 = vector.broadcast %reduce_sum3A_498 : i1 to vector<16xi1>
        %reduce_sum3A_500 = tpu.scan <sum>, %exp3A_497 masked %reduce_sum3A_499 : vector<16xf32>, vector<16xi1> -> vector<16xf32>
        %reduce_sum3A_501 = vector.extract %reduce_sum3A_500[15] : f32 from vector<16xf32>
        %div3A_502 = vector.broadcast %reduce_sum3A_501 : f32 to vector<16xf32>
        %div3A_503 = arith.divf %exp3A_497, %div3A_502 : vector<16xf32>
        %swap3A_504 = arith.index_cast %add3A_479 : i32 to index
        %swap3A_505 = arith.constant 0 : index
        %swap3A_506 = tpu.vector_load %arg19[%swap3A_504, %swap3A_505] {strides = array<i32>} : memref<80x64xf32, #tpu.memory_space<vmem>>, vector<16xf32>,
        tpu.vector_store %arg19[%swap3A_504, %swap3A_505], %div3A_503 {strides = array<i32>} : memref<80x64xf32, #tpu.memory_space<vmem>>, vector<16xf32>,
        %swap3A_507 = arith.index_cast %add3A_479 : i32 to index
        %swap3A_508 = arith.constant 64 : index
        %swap3A_509 = tpu.vector_load %arg17[%swap3A_507, %swap3A_508] {strides = array<i32>} : memref<80x128xf32, #tpu.memory_space<vmem>>, vector<16xf32>,
        tpu.vector_store %arg17[%swap3A_507, %swap3A_508], %div3A_503 {strides = array<i32>} : memref<80x128xf32, #tpu.memory_space<vmem>>, vector<16xf32>,
        %get3A_510 = arith.index_cast %add3A_479 : i32 to index
        %get3A_511 = arith.constant 0 : index
        %get3A_512 = tpu.vector_load %arg17[%get3A_510, %get3A_511] {strides = array<i32>} : memref<80x128xf32, #tpu.memory_space<vmem>>, vector<16xf32>,
        %mul3A_513 = arith.mulf %get3A_512, %div3A_503 : vector<16xf32>
        %swap3A_514 = arith.index_cast %add3A_479 : i32 to index
        %swap3A_515 = arith.constant 0 : index
        %swap3A_516 = tpu.vector_load %arg17[%swap3A_514, %swap3A_515] {strides = array<i32>} : memref<80x128xf32, #tpu.memory_space<vmem>>, vector<16xf32>,
        tpu.vector_store %arg17[%swap3A_514, %swap3A_515], %mul3A_513 {strides = array<i32>} : memref<80x128xf32, #tpu.memory_space<vmem>>, vector<16xf32>,
        %get3A_517 = arith.index_cast %add3A_479 : i32 to index
        %get3A_518 = arith.constant 80 : index
        %get3A_519 = tpu.vector_load %arg17[%get3A_517, %get3A_518] {strides = array<i32>} : memref<80x128xf32, #tpu.memory_space<vmem>>, vector<16xf32>,
        %get3A_520 = arith.index_cast %add3A_479 : i32 to index
        %get3A_521 = arith.constant 16 : index
        %get3A_522 = tpu.vector_load %arg18[%get3A_520, %get3A_521] {strides = array<i32>} : memref<80x64xf32, #tpu.memory_space<vmem>>, vector<16xf32>,
        %mul3A_523 = arith.mulf %get3A_519, %get3A_522 : vector<16xf32>
        %get3A_524 = arith.index_cast %add3A_479 : i32 to index
        %get3A_525 = arith.constant 16 : index
        %get3A_526 = tpu.vector_load %arg19[%get3A_524, %get3A_525] {strides = array<i32>} : memref<80x64xf32, #tpu.memory_space<vmem>>, vector<16xf32>,
        %add3A_527 = arith.addf %mul3A_523, %get3A_526 : vector<16xf32>
        %max3A_528 = arith.constant -5.000000e+00 : f32
        %max3A_529 = vector.broadcast %max3A_528 : f32 to vector<16xf32>
        %max3A_530 = arith.maximumf %add3A_527, %max3A_529 : vector<16xf32>
        %min3A_531 = arith.constant 5.000000e+00 : f32
        %min3A_532 = vector.broadcast %min3A_531 : f32 to vector<16xf32>
        %min3A_533 = arith.minimumf %max3A_530, %min3A_532 : vector<16xf32>
        %exp3A_534 = math.exp %min3A_533 : vector<16xf32>
        %reduce_sum3A_535 = arith.constant true
        %reduce_sum3A_536 = vector.broadcast %reduce_sum3A_535 : i1 to vector<16xi1>
        %reduce_sum3A_537 = tpu.scan <sum>, %exp3A_534 masked %reduce_sum3A_536 : vector<16xf32>, vector<16xi1> -> vector<16xf32>
        %reduce_sum3A_538 = vector.extract %reduce_sum3A_537[15] : f32 from vector<16xf32>
        %div3A_539 = vector.broadcast %reduce_sum3A_538 : f32 to vector<16xf32>
        %div3A_540 = arith.divf %exp3A_534, %div3A_539 : vector<16xf32>
        %swap3A_541 = arith.index_cast %add3A_479 : i32 to index
        %swap3A_542 = arith.constant 16 : index
        %swap3A_543 = tpu.vector_load %arg19[%swap3A_541, %swap3A_542] {strides = array<i32>} : memref<80x64xf32, #tpu.memory_space<vmem>>, vector<16xf32>,
        tpu.vector_store %arg19[%swap3A_541, %swap3A_542], %div3A_540 {strides = array<i32>} : memref<80x64xf32, #tpu.memory_space<vmem>>, vector<16xf32>,
        %swap3A_544 = arith.index_cast %add3A_479 : i32 to index
        %swap3A_545 = arith.constant 80 : index
        %swap3A_546 = tpu.vector_load %arg17[%swap3A_544, %swap3A_545] {strides = array<i32>} : memref<80x128xf32, #tpu.memory_space<vmem>>, vector<16xf32>,
        tpu.vector_store %arg17[%swap3A_544, %swap3A_545], %div3A_540 {strides = array<i32>} : memref<80x128xf32, #tpu.memory_space<vmem>>, vector<16xf32>,
        %get3A_547 = arith.index_cast %add3A_479 : i32 to index
        %get3A_548 = arith.constant 16 : index
        %get3A_549 = tpu.vector_load %arg17[%get3A_547, %get3A_548] {strides = array<i32>} : memref<80x128xf32, #tpu.memory_space<vmem>>, vector<16xf32>,
        %mul3A_550 = arith.mulf %get3A_549, %div3A_540 : vector<16xf32>
        %swap3A_551 = arith.index_cast %add3A_479 : i32 to index
        %swap3A_552 = arith.constant 16 : index
        %swap3A_553 = tpu.vector_load %arg17[%swap3A_551, %swap3A_552] {strides = array<i32>} : memref<80x128xf32, #tpu.memory_space<vmem>>, vector<16xf32>,
        tpu.vector_store %arg17[%swap3A_551, %swap3A_552], %mul3A_550 {strides = array<i32>} : memref<80x128xf32, #tpu.memory_space<vmem>>, vector<16xf32>,
        %get3A_554 = arith.index_cast %add3A_479 : i32 to index
        %get3A_555 = arith.constant 96 : index
        %get3A_556 = tpu.vector_load %arg17[%get3A_554, %get3A_555] {strides = array<i32>} : memref<80x128xf32, #tpu.memory_space<vmem>>, vector<16xf32>,
        %get3A_557 = arith.index_cast %add3A_479 : i32 to index
        %get3A_558 = arith.constant 32 : index
        %get3A_559 = tpu.vector_load %arg18[%get3A_557, %get3A_558] {strides = array<i32>} : memref<80x64xf32, #tpu.memory_space<vmem>>, vector<16xf32>,
        %mul3A_560 = arith.mulf %get3A_556, %get3A_559 : vector<16xf32>
        %get3A_561 = arith.index_cast %add3A_479 : i32 to index
        %get3A_562 = arith.constant 32 : index
        %get3A_563 = tpu.vector_load %arg19[%get3A_561, %get3A_562] {strides = array<i32>} : memref<80x64xf32, #tpu.memory_space<vmem>>, vector<16xf32>,
        %add3A_564 = arith.addf %mul3A_560, %get3A_563 : vector<16xf32>
        %max3A_565 = arith.constant -5.000000e+00 : f32
        %max3A_566 = vector.broadcast %max3A_565 : f32 to vector<16xf32>
        %max3A_567 = arith.maximumf %add3A_564, %max3A_566 : vector<16xf32>
        %min3A_568 = arith.constant 5.000000e+00 : f32
        %min3A_569 = vector.broadcast %min3A_568 : f32 to vector<16xf32>
        %min3A_570 = arith.minimumf %max3A_567, %min3A_569 : vector<16xf32>
        %exp3A_571 = math.exp %min3A_570 : vector<16xf32>
        %reduce_sum3A_572 = arith.constant true
        %reduce_sum3A_573 = vector.broadcast %reduce_sum3A_572 : i1 to vector<16xi1>
        %reduce_sum3A_574 = tpu.scan <sum>, %exp3A_571 masked %reduce_sum3A_573 : vector<16xf32>, vector<16xi1> -> vector<16xf32>
        %reduce_sum3A_575 = vector.extract %reduce_sum3A_574[15] : f32 from vector<16xf32>
        %div3A_576 = vector.broadcast %reduce_sum3A_575 : f32 to vector<16xf32>
        %div3A_577 = arith.divf %exp3A_571, %div3A_576 : vector<16xf32>
        %swap3A_578 = arith.index_cast %add3A_479 : i32 to index
        %swap3A_579 = arith.constant 32 : index
        %swap3A_580 = tpu.vector_load %arg19[%swap3A_578, %swap3A_579] {strides = array<i32>} : memref<80x64xf32, #tpu.memory_space<vmem>>, vector<16xf32>,
        tpu.vector_store %arg19[%swap3A_578, %swap3A_579], %div3A_577 {strides = array<i32>} : memref<80x64xf32, #tpu.memory_space<vmem>>, vector<16xf32>,
        %swap3A_581 = arith.index_cast %add3A_479 : i32 to index
        %swap3A_582 = arith.constant 96 : index
        %swap3A_583 = tpu.vector_load %arg17[%swap3A_581, %swap3A_582] {strides = array<i32>} : memref<80x128xf32, #tpu.memory_space<vmem>>, vector<16xf32>,
        tpu.vector_store %arg17[%swap3A_581, %swap3A_582], %div3A_577 {strides = array<i32>} : memref<80x128xf32, #tpu.memory_space<vmem>>, vector<16xf32>,
        %get3A_584 = arith.index_cast %add3A_479 : i32 to index
        %get3A_585 = arith.constant 32 : index
        %get3A_586 = tpu.vector_load %arg17[%get3A_584, %get3A_585] {strides = array<i32>} : memref<80x128xf32, #tpu.memory_space<vmem>>, vector<16xf32>,
        %mul3A_587 = arith.mulf %get3A_586, %div3A_577 : vector<16xf32>
        %swap3A_588 = arith.index_cast %add3A_479 : i32 to index
        %swap3A_589 = arith.constant 32 : index
        %swap3A_590 = tpu.vector_load %arg17[%swap3A_588, %swap3A_589] {strides = array<i32>} : memref<80x128xf32, #tpu.memory_space<vmem>>, vector<16xf32>,
        tpu.vector_store %arg17[%swap3A_588, %swap3A_589], %mul3A_587 {strides = array<i32>} : memref<80x128xf32, #tpu.memory_space<vmem>>, vector<16xf32>,
        %get3A_591 = arith.index_cast %add3A_479 : i32 to index
        %get3A_592 = arith.constant 112 : index
        %get3A_593 = tpu.vector_load %arg17[%get3A_591, %get3A_592] {strides = array<i32>} : memref<80x128xf32, #tpu.memory_space<vmem>>, vector<16xf32>,
        %get3A_594 = arith.index_cast %add3A_479 : i32 to index
        %get3A_595 = arith.constant 48 : index
        %get3A_596 = tpu.vector_load %arg18[%get3A_594, %get3A_595] {strides = array<i32>} : memref<80x64xf32, #tpu.memory_space<vmem>>, vector<16xf32>,
        %mul3A_597 = arith.mulf %get3A_593, %get3A_596 : vector<16xf32>
        %get3A_598 = arith.index_cast %add3A_479 : i32 to index
        %get3A_599 = arith.constant 48 : index
        %get3A_600 = tpu.vector_load %arg19[%get3A_598, %get3A_599] {strides = array<i32>} : memref<80x64xf32, #tpu.memory_space<vmem>>, vector<16xf32>,
        %add3A_601 = arith.addf %mul3A_597, %get3A_600 : vector<16xf32>
        %max3A_602 = arith.constant -5.000000e+00 : f32
        %max3A_603 = vector.broadcast %max3A_602 : f32 to vector<16xf32>
        %max3A_604 = arith.maximumf %add3A_601, %max3A_603 : vector<16xf32>
        %min3A_605 = arith.constant 5.000000e+00 : f32
        %min3A_606 = vector.broadcast %min3A_605 : f32 to vector<16xf32>
        %min3A_607 = arith.minimumf %max3A_604, %min3A_606 : vector<16xf32>
        %exp3A_608 = math.exp %min3A_607 : vector<16xf32>
        %reduce_sum3A_609 = arith.constant true
        %reduce_sum3A_610 = vector.broadcast %reduce_sum3A_609 : i1 to vector<16xi1>
        %reduce_sum3A_611 = tpu.scan <sum>, %exp3A_608 masked %reduce_sum3A_610 : vector<16xf32>, vector<16xi1> -> vector<16xf32>
        %reduce_sum3A_612 = vector.extract %reduce_sum3A_611[15] : f32 from vector<16xf32>
        %div3A_613 = vector.broadcast %reduce_sum3A_612 : f32 to vector<16xf32>
        %div3A_614 = arith.divf %exp3A_608, %div3A_613 : vector<16xf32>
        %swap3A_615 = arith.index_cast %add3A_479 : i32 to index
        %swap3A_616 = arith.constant 48 : index
        %swap3A_617 = tpu.vector_load %arg19[%swap3A_615, %swap3A_616] {strides = array<i32>} : memref<80x64xf32, #tpu.memory_space<vmem>>, vector<16xf32>,
        tpu.vector_store %arg19[%swap3A_615, %swap3A_616], %div3A_614 {strides = array<i32>} : memref<80x64xf32, #tpu.memory_space<vmem>>, vector<16xf32>,
        %swap3A_618 = arith.index_cast %add3A_479 : i32 to index
        %swap3A_619 = arith.constant 112 : index
        %swap3A_620 = tpu.vector_load %arg17[%swap3A_618, %swap3A_619] {strides = array<i32>} : memref<80x128xf32, #tpu.memory_space<vmem>>, vector<16xf32>,
        tpu.vector_store %arg17[%swap3A_618, %swap3A_619], %div3A_614 {strides = array<i32>} : memref<80x128xf32, #tpu.memory_space<vmem>>, vector<16xf32>,
        %get3A_621 = arith.index_cast %add3A_479 : i32 to index
        %get3A_622 = arith.constant 48 : index
        %get3A_623 = tpu.vector_load %arg17[%get3A_621, %get3A_622] {strides = array<i32>} : memref<80x128xf32, #tpu.memory_space<vmem>>, vector<16xf32>,
        %mul3A_624 = arith.mulf %get3A_623, %div3A_614 : vector<16xf32>
        %swap3A_625 = arith.index_cast %add3A_479 : i32 to index
        %swap3A_626 = arith.constant 48 : index
        %swap3A_627 = tpu.vector_load %arg17[%swap3A_625, %swap3A_626] {strides = array<i32>} : memref<80x128xf32, #tpu.memory_space<vmem>>, vector<16xf32>,
        tpu.vector_store %arg17[%swap3A_625, %swap3A_626], %mul3A_624 {strides = array<i32>} : memref<80x128xf32, #tpu.memory_space<vmem>>, vector<16xf32>,
        %scan3A_628 = arith.constant 0 : i32
        scf.yield %scan3A_628 : i32
      }
      %scan3A_297 = arith.constant 40 : i32
      %dma_start3A_298 = tpu.memref_slice %arg7[%add3A_236, %mul3A_2] : memref<320000x128xf32, #tpu.memory_space<hbm>> -> memref<80x64xf32, #tpu.memory_space<hbm>>
      %dma_start3A_299 = tpu.memref_slice %arg7[%add3A_236, %mul3A_2] : memref<320000x128xf32, #tpu.memory_space<hbm>> -> memref<80x64xf32, #tpu.memory_space<hbm>>
      tpu.enqueue_dma source(%arg19 : memref<80x64xf32, #tpu.memory_space<vmem>>) target(%dma_start3A_299 : memref<80x64xf32, #tpu.memory_space<hbm>>) target_semaphore(%arg24 : memref<!tpu.dma_semaphore, #tpu.memory_space<semaphore_mem>>)
      %run_scoped3A_300 = arith.constant 1 : i32
      "tpu.region"() ({
        %run_scoped3A_331 = tpu.sem_alloc : memref<!tpu.dma_semaphore, #tpu.memory_space<semaphore_mem>>
        %dma_start3A_332 = arith.constant 0 : i32
        %dma_start3A_333 = tpu.memref_slice %arg14[%run_scoped3A_300, %dma_start3A_332] : memref<2x80xi32, #tpu.memory_space<vmem>> -> memref<1x80xi32, #tpu.memory_space<vmem>>
        %dma_start3A_334 = tpu.memref_squeeze %dma_start3A_333 : memref<1x80xi32, #tpu.memory_space<vmem>> -> memref<80xi32, #tpu.memory_space<vmem>>
        %dma_start3A_335 = arith.constant 0 : i32
        %dma_start3A_336 = arith.constant 0 : i32
        %dma_start3A_337 = tpu.memref_slice %arg20[%dma_start3A_335, %dma_start3A_336] : memref<10000x128xf32, #tpu.memory_space<vmem_shared>> -> memref<10000x128xf32, #tpu.memory_space<vmem_shared>>
        tpu.enqueue_indirect_dma source(%arg17 : memref<80x128xf32, #tpu.memory_space<vmem>>) target(%dma_start3A_337 : memref<10000x128xf32, #tpu.memory_space<vmem_shared>>) offsets(%dma_start3A_334 : memref<80xi32, #tpu.memory_space<vmem>>) semaphore(%run_scoped3A_331 : memref<!tpu.dma_semaphore, #tpu.memory_space<semaphore_mem>>) {add = true}
        %dma_wait3A_338 = arith.constant 0 : i32
        %dma_wait3A_339 = tpu.memref_slice %arg14[%run_scoped3A_300, %dma_wait3A_338] : memref<2x80xi32, #tpu.memory_space<vmem>> -> memref<1x80xi32, #tpu.memory_space<vmem>>
        %dma_wait3A_340 = tpu.memref_squeeze %dma_wait3A_339 : memref<1x80xi32, #tpu.memory_space<vmem>> -> memref<80xi32, #tpu.memory_space<vmem>>
        %dma_wait3A_341 = arith.constant 0 : i32
        %dma_wait3A_342 = arith.constant 0 : i32
        %dma_wait3A_343 = tpu.memref_slice %arg20[%dma_wait3A_341, %dma_wait3A_342] : memref<10000x128xf32, #tpu.memory_space<vmem_shared>> -> memref<10000x128xf32, #tpu.memory_space<vmem_shared>>
        tpu.wait_indirect_dma semaphore(%run_scoped3A_331 : memref<!tpu.dma_semaphore, #tpu.memory_space<semaphore_mem>>) src(%arg17 : memref<80x128xf32, #tpu.memory_space<vmem>>) dst(%dma_wait3A_343 : memref<10000x128xf32, #tpu.memory_space<vmem_shared>>)
        tpu.yield
      }) : () -> ()
      %add3A_301 = arith.constant 160 : i32
      %add3A_302 = arith.addi %add3A_236, %add3A_301 : i32
      %dma_start3A_303 = arith.constant 0 : i32
      %dma_start3A_304 = tpu.memref_slice %arg5[%dma_start3A_303, %add3A_302] : memref<2x320000xi32, #tpu.memory_space<hbm>> -> memref<2x80xi32, #tpu.memory_space<hbm>>
      %dma_start3A_305 = arith.constant 0 : i32
      %dma_start3A_306 = tpu.memref_slice %arg5[%dma_start3A_305, %add3A_302] : memref<2x320000xi32, #tpu.memory_space<hbm>> -> memref<2x80xi32, #tpu.memory_space<hbm>>
      tpu.enqueue_dma source(%dma_start3A_306 : memref<2x80xi32, #tpu.memory_space<hbm>>) target(%arg14 : memref<2x80xi32, #tpu.memory_space<vmem>>) target_semaphore(%arg22 : memref<!tpu.dma_semaphore, #tpu.memory_space<semaphore_mem>>)
      %dma_wait3A_307 = arith.constant 0 : i32
      %dma_wait3A_308 = tpu.memref_slice %arg5[%dma_wait3A_307, %add3A_302] : memref<2x320000xi32, #tpu.memory_space<hbm>> -> memref<2x80xi32, #tpu.memory_space<hbm>>
      %dma_wait3A_309 = arith.constant 0 : i32
      %dma_wait3A_310 = tpu.memref_slice %arg5[%dma_wait3A_309, %add3A_302] : memref<2x320000xi32, #tpu.memory_space<hbm>> -> memref<2x80xi32, #tpu.memory_space<hbm>>
      tpu.wait_dma2 semaphore(%arg22 : memref<!tpu.dma_semaphore, #tpu.memory_space<semaphore_mem>>) src(%dma_wait3A_310 : memref<2x80xi32, #tpu.memory_space<hbm>>) dst(%arg14 : memref<2x80xi32, #tpu.memory_space<vmem>>)
      %scan3A_311 = arith.constant 0 : i32
      %scan3A_312 = arith.constant 0 : i32
      %scan3A_313 = arith.constant 5 : i32
      %scan3A_314 = arith.addi %scan3A_312, %scan3A_313 : i32
      %scan3A_315 = arith.constant 1 : i32
      %scan3A_316 = scf.for %scan3A_331 = %scan3A_312 to %scan3A_314 step %scan3A_315 iter_args(%scan3A_332 = %scan3A_311) -> (i32)  : i32 {
        %mul3A_333 = arith.constant 16 : i32
        %mul3A_334 = arith.muli %scan3A_331, %mul3A_333 : i32
        %get3A = arith.constant 0 : i32
        %get3A_335 = arith.index_cast %get3A : i32 to index
        %get3A_336 = arith.index_cast %mul3A_334 : i32 to index
        %get3A_337 = tpu.vector_load %arg14[%get3A_335, %get3A_336] {strides = array<i32>} : memref<2x80xi32, #tpu.memory_space<vmem>>, vector<16xi32>,
        %add3A_338 = vector.broadcast %mul3A_0 : i32 to vector<16xi32>
        %add3A_339 = arith.addi %get3A_337, %add3A_338 : vector<16xi32>
        %swap3A = arith.index_cast %mul3A_334 : i32 to index
        %swap3A_340 = tpu.vector_load %arg15[%swap3A] {strides = array<i32>} : memref<80xi32, #tpu.memory_space<vmem>>, vector<16xi32>,
        tpu.vector_store %arg15[%swap3A], %add3A_339 {strides = array<i32>} : memref<80xi32, #tpu.memory_space<vmem>>, vector<16xi32>,
        %get3A_341 = arith.constant 1 : i32
        %get3A_342 = arith.index_cast %get3A_341 : i32 to index
        %get3A_343 = arith.index_cast %mul3A_334 : i32 to index
        %get3A_344 = tpu.vector_load %arg14[%get3A_342, %get3A_343] {strides = array<i32>} : memref<2x80xi32, #tpu.memory_space<vmem>>, vector<16xi32>,
        %add3A_345 = vector.broadcast %mul3A_0 : i32 to vector<16xi32>
        %add3A_346 = arith.addi %get3A_344, %add3A_345 : vector<16xi32>
        %swap3A_347 = arith.index_cast %mul3A_334 : i32 to index
        %swap3A_348 = tpu.vector_load %arg16[%swap3A_347] {strides = array<i32>} : memref<80xi32, #tpu.memory_space<vmem>>, vector<16xi32>,
        tpu.vector_store %arg16[%swap3A_347], %add3A_346 {strides = array<i32>} : memref<80xi32, #tpu.memory_space<vmem>>, vector<16xi32>,
        %scan3A_349 = arith.constant 0 : i32
        scf.yield %scan3A_349 : i32
      }
      %scan3A_317 = arith.constant 5 : i32
      %dma_start3A_318 = arith.constant 0 : i32
      %dma_start3A_319 = arith.constant 0 : i32
      %dma_start3A_320 = tpu.memref_slice %arg3[%dma_start3A_318, %dma_start3A_319] : memref<20000x128xf32, #tpu.memory_space<hbm>> -> memref<20000x128xf32, #tpu.memory_space<hbm>>
      tpu.enqueue_indirect_dma source(%dma_start3A_320 : memref<20000x128xf32, #tpu.memory_space<hbm>>) target(%arg17 : memref<80x128xf32, #tpu.memory_space<vmem>>) offsets(%arg15 : memref<80xi32, #tpu.memory_space<vmem>>) semaphore(%arg22 : memref<!tpu.dma_semaphore, #tpu.memory_space<semaphore_mem>>)
      %dma_start3A_321 = arith.constant 0 : i32
      %dma_start3A_322 = arith.constant 0 : i32
      %dma_start3A_323 = tpu.memref_slice %arg2[%dma_start3A_321, %dma_start3A_322] : memref<20000x64xf32, #tpu.memory_space<hbm>> -> memref<20000x64xf32, #tpu.memory_space<hbm>>
      tpu.enqueue_indirect_dma source(%dma_start3A_323 : memref<20000x64xf32, #tpu.memory_space<hbm>>) target(%arg18 : memref<80x64xf32, #tpu.memory_space<vmem>>) offsets(%arg16 : memref<80xi32, #tpu.memory_space<vmem>>) semaphore(%arg22 : memref<!tpu.dma_semaphore, #tpu.memory_space<semaphore_mem>>)
      %sub3A_324 = arith.constant 160 : i32
      %sub3A_325 = arith.subi %add3A_302, %sub3A_324 : i32
      %dma_wait3A_326 = tpu.memref_slice %arg7[%sub3A_325, %mul3A_2] : memref<320000x128xf32, #tpu.memory_space<hbm>> -> memref<80x64xf32, #tpu.memory_space<hbm>>
      %dma_wait3A_327 = tpu.memref_slice %arg7[%sub3A_325, %mul3A_2] : memref<320000x128xf32, #tpu.memory_space<hbm>> -> memref<80x64xf32, #tpu.memory_space<hbm>>
      tpu.wait_dma2 semaphore(%arg24 : memref<!tpu.dma_semaphore, #tpu.memory_space<semaphore_mem>>) src(%arg19 : memref<80x64xf32, #tpu.memory_space<vmem>>) dst(%dma_wait3A_327 : memref<80x64xf32, #tpu.memory_space<hbm>>)
      %dma_start3A_328 = tpu.memref_slice %arg4[%add3A_302, %mul3A_2] : memref<320000x128xf32, #tpu.memory_space<hbm>> -> memref<80x64xf32, #tpu.memory_space<hbm>>
      %dma_start3A_329 = tpu.memref_slice %arg4[%add3A_302, %mul3A_2] : memref<320000x128xf32, #tpu.memory_space<hbm>> -> memref<80x64xf32, #tpu.memory_space<hbm>>
      tpu.enqueue_dma source(%dma_start3A_329 : memref<80x64xf32, #tpu.memory_space<hbm>>) target(%arg19 : memref<80x64xf32, #tpu.memory_space<vmem>>) target_semaphore(%arg22 : memref<!tpu.dma_semaphore, #tpu.memory_space<semaphore_mem>>)
      %scan3A_330 = arith.constant 0 : i32
      scf.yield %scan3A_330 : i32
    }
    %scan3A_95 = arith.constant 124 : i32
    %add3A_96 = arith.constant 19840 : i32
    %add3A_97 = arith.addi %mul3A_4, %add3A_96 : i32
    %add3A_98 = arith.constant 80 : i32
    %add3A_99 = arith.addi %add3A_97, %add3A_98 : i32
    %dma_wait3A_100 = arith.constant 0 : i32
    %dma_wait3A_101 = arith.constant 0 : i32
    %dma_wait3A_102 = tpu.memref_slice %arg3[%dma_wait3A_100, %dma_wait3A_101] : memref<20000x128xf32, #tpu.memory_space<hbm>> -> memref<20000x128xf32, #tpu.memory_space<hbm>>
    tpu.wait_indirect_dma semaphore(%arg21 : memref<!tpu.dma_semaphore, #tpu.memory_space<semaphore_mem>>) src(%dma_wait3A_102 : memref<20000x128xf32, #tpu.memory_space<hbm>>) dst(%arg11 : memref<80x128xf32, #tpu.memory_space<vmem>>)
    %dma_wait3A_103 = arith.constant 0 : i32
    %dma_wait3A_104 = arith.constant 0 : i32
    %dma_wait3A_105 = tpu.memref_slice %arg2[%dma_wait3A_103, %dma_wait3A_104] : memref<20000x64xf32, #tpu.memory_space<hbm>> -> memref<20000x64xf32, #tpu.memory_space<hbm>>
    tpu.wait_indirect_dma semaphore(%arg21 : memref<!tpu.dma_semaphore, #tpu.memory_space<semaphore_mem>>) src(%dma_wait3A_105 : memref<20000x64xf32, #tpu.memory_space<hbm>>) dst(%arg12 : memref<80x64xf32, #tpu.memory_space<vmem>>)
    %dma_wait3A_106 = tpu.memref_slice %arg4[%add3A_97, %mul3A_2] : memref<320000x128xf32, #tpu.memory_space<hbm>> -> memref<80x64xf32, #tpu.memory_space<hbm>>
    %dma_wait3A_107 = tpu.memref_slice %arg4[%add3A_97, %mul3A_2] : memref<320000x128xf32, #tpu.memory_space<hbm>> -> memref<80x64xf32, #tpu.memory_space<hbm>>
    tpu.wait_dma2 semaphore(%arg21 : memref<!tpu.dma_semaphore, #tpu.memory_space<semaphore_mem>>) src(%dma_wait3A_107 : memref<80x64xf32, #tpu.memory_space<hbm>>) dst(%arg13 : memref<80x64xf32, #tpu.memory_space<vmem>>)
    %scan3A_108 = arith.constant 0 : i32
    %scan3A_109 = arith.constant 0 : i32
    %scan3A_110 = arith.constant 40 : i32
    %scan3A_111 = arith.addi %scan3A_109, %scan3A_110 : i32
    %scan3A_112 = arith.constant 1 : i32
    %scan3A_113 = scf.for %scan3A_228 = %scan3A_109 to %scan3A_111 step %scan3A_112 iter_args(%scan3A_229 = %scan3A_108) -> (i32)  : i32 {
      %mul3A_230 = arith.constant 2 : i32
      %mul3A_231 = arith.muli %mul3A_230, %scan3A_228 : i32
      %get3A = arith.index_cast %mul3A_231 : i32 to index
      %get3A_232 = arith.constant 64 : index
      %get3A_233 = tpu.vector_load %arg11[%get3A, %get3A_232] {strides = array<i32>} : memref<80x128xf32, #tpu.memory_space<vmem>>, vector<16xf32>,
      %get3A_234 = arith.index_cast %mul3A_231 : i32 to index
      %get3A_235 = arith.constant 0 : index
      %get3A_236 = tpu.vector_load %arg12[%get3A_234, %get3A_235] {strides = array<i32>} : memref<80x64xf32, #tpu.memory_space<vmem>>, vector<16xf32>,
      %mul3A_237 = arith.mulf %get3A_233, %get3A_236 : vector<16xf32>
      %get3A_238 = arith.index_cast %mul3A_231 : i32 to index
      %get3A_239 = arith.constant 0 : index
      %get3A_240 = tpu.vector_load %arg13[%get3A_238, %get3A_239] {strides = array<i32>} : memref<80x64xf32, #tpu.memory_space<vmem>>, vector<16xf32>,
      %add3A_241 = arith.addf %mul3A_237, %get3A_240 : vector<16xf32>
      %max3A = arith.constant -5.000000e+00 : f32
      %max3A_242 = vector.broadcast %max3A : f32 to vector<16xf32>
      %max3A_243 = arith.maximumf %add3A_241, %max3A_242 : vector<16xf32>
      %min3A = arith.constant 5.000000e+00 : f32
      %min3A_244 = vector.broadcast %min3A : f32 to vector<16xf32>
      %min3A_245 = arith.minimumf %max3A_243, %min3A_244 : vector<16xf32>
      %exp3A = math.exp %min3A_245 : vector<16xf32>
      %reduce_sum3A = arith.constant true
      %reduce_sum3A_246 = vector.broadcast %reduce_sum3A : i1 to vector<16xi1>
      %reduce_sum3A_247 = tpu.scan <sum>, %exp3A masked %reduce_sum3A_246 : vector<16xf32>, vector<16xi1> -> vector<16xf32>
      %reduce_sum3A_248 = vector.extract %reduce_sum3A_247[15] : f32 from vector<16xf32>
      %div3A = vector.broadcast %reduce_sum3A_248 : f32 to vector<16xf32>
      %div3A_249 = arith.divf %exp3A, %div3A : vector<16xf32>
      %swap3A = arith.index_cast %mul3A_231 : i32 to index
      %swap3A_250 = arith.constant 0 : index
      %swap3A_251 = tpu.vector_load %arg13[%swap3A, %swap3A_250] {strides = array<i32>} : memref<80x64xf32, #tpu.memory_space<vmem>>, vector<16xf32>,
      tpu.vector_store %arg13[%swap3A, %swap3A_250], %div3A_249 {strides = array<i32>} : memref<80x64xf32, #tpu.memory_space<vmem>>, vector<16xf32>,
      %swap3A_252 = arith.index_cast %mul3A_231 : i32 to index
      %swap3A_253 = arith.constant 64 : index
      %swap3A_254 = tpu.vector_load %arg11[%swap3A_252, %swap3A_253] {strides = array<i32>} : memref<80x128xf32, #tpu.memory_space<vmem>>, vector<16xf32>,
      tpu.vector_store %arg11[%swap3A_252, %swap3A_253], %div3A_249 {strides = array<i32>} : memref<80x128xf32, #tpu.memory_space<vmem>>, vector<16xf32>,
      %get3A_255 = arith.index_cast %mul3A_231 : i32 to index
      %get3A_256 = arith.constant 0 : index
      %get3A_257 = tpu.vector_load %arg11[%get3A_255, %get3A_256] {strides = array<i32>} : memref<80x128xf32, #tpu.memory_space<vmem>>, vector<16xf32>,
      %mul3A_258 = arith.mulf %get3A_257, %div3A_249 : vector<16xf32>
      %swap3A_259 = arith.index_cast %mul3A_231 : i32 to index
      %swap3A_260 = arith.constant 0 : index
      %swap3A_261 = tpu.vector_load %arg11[%swap3A_259, %swap3A_260] {strides = array<i32>} : memref<80x128xf32, #tpu.memory_space<vmem>>, vector<16xf32>,
      tpu.vector_store %arg11[%swap3A_259, %swap3A_260], %mul3A_258 {strides = array<i32>} : memref<80x128xf32, #tpu.memory_space<vmem>>, vector<16xf32>,
      %get3A_262 = arith.index_cast %mul3A_231 : i32 to index
      %get3A_263 = arith.constant 80 : index
      %get3A_264 = tpu.vector_load %arg11[%get3A_262, %get3A_263] {strides = array<i32>} : memref<80x128xf32, #tpu.memory_space<vmem>>, vector<16xf32>,
      %get3A_265 = arith.index_cast %mul3A_231 : i32 to index
      %get3A_266 = arith.constant 16 : index
      %get3A_267 = tpu.vector_load %arg12[%get3A_265, %get3A_266] {strides = array<i32>} : memref<80x64xf32, #tpu.memory_space<vmem>>, vector<16xf32>,
      %mul3A_268 = arith.mulf %get3A_264, %get3A_267 : vector<16xf32>
      %get3A_269 = arith.index_cast %mul3A_231 : i32 to index
      %get3A_270 = arith.constant 16 : index
      %get3A_271 = tpu.vector_load %arg13[%get3A_269, %get3A_270] {strides = array<i32>} : memref<80x64xf32, #tpu.memory_space<vmem>>, vector<16xf32>,
      %add3A_272 = arith.addf %mul3A_268, %get3A_271 : vector<16xf32>
      %max3A_273 = arith.constant -5.000000e+00 : f32
      %max3A_274 = vector.broadcast %max3A_273 : f32 to vector<16xf32>
      %max3A_275 = arith.maximumf %add3A_272, %max3A_274 : vector<16xf32>
      %min3A_276 = arith.constant 5.000000e+00 : f32
      %min3A_277 = vector.broadcast %min3A_276 : f32 to vector<16xf32>
      %min3A_278 = arith.minimumf %max3A_275, %min3A_277 : vector<16xf32>
      %exp3A_279 = math.exp %min3A_278 : vector<16xf32>
      %reduce_sum3A_280 = arith.constant true
      %reduce_sum3A_281 = vector.broadcast %reduce_sum3A_280 : i1 to vector<16xi1>
      %reduce_sum3A_282 = tpu.scan <sum>, %exp3A_279 masked %reduce_sum3A_281 : vector<16xf32>, vector<16xi1> -> vector<16xf32>
      %reduce_sum3A_283 = vector.extract %reduce_sum3A_282[15] : f32 from vector<16xf32>
      %div3A_284 = vector.broadcast %reduce_sum3A_283 : f32 to vector<16xf32>
      %div3A_285 = arith.divf %exp3A_279, %div3A_284 : vector<16xf32>
      %swap3A_286 = arith.index_cast %mul3A_231 : i32 to index
      %swap3A_287 = arith.constant 16 : index
      %swap3A_288 = tpu.vector_load %arg13[%swap3A_286, %swap3A_287] {strides = array<i32>} : memref<80x64xf32, #tpu.memory_space<vmem>>, vector<16xf32>,
      tpu.vector_store %arg13[%swap3A_286, %swap3A_287], %div3A_285 {strides = array<i32>} : memref<80x64xf32, #tpu.memory_space<vmem>>, vector<16xf32>,
      %swap3A_289 = arith.index_cast %mul3A_231 : i32 to index
      %swap3A_290 = arith.constant 80 : index
      %swap3A_291 = tpu.vector_load %arg11[%swap3A_289, %swap3A_290] {strides = array<i32>} : memref<80x128xf32, #tpu.memory_space<vmem>>, vector<16xf32>,
      tpu.vector_store %arg11[%swap3A_289, %swap3A_290], %div3A_285 {strides = array<i32>} : memref<80x128xf32, #tpu.memory_space<vmem>>, vector<16xf32>,
      %get3A_292 = arith.index_cast %mul3A_231 : i32 to index
      %get3A_293 = arith.constant 16 : index
      %get3A_294 = tpu.vector_load %arg11[%get3A_292, %get3A_293] {strides = array<i32>} : memref<80x128xf32, #tpu.memory_space<vmem>>, vector<16xf32>,
      %mul3A_295 = arith.mulf %get3A_294, %div3A_285 : vector<16xf32>
      %swap3A_296 = arith.index_cast %mul3A_231 : i32 to index
      %swap3A_297 = arith.constant 16 : index
      %swap3A_298 = tpu.vector_load %arg11[%swap3A_296, %swap3A_297] {strides = array<i32>} : memref<80x128xf32, #tpu.memory_space<vmem>>, vector<16xf32>,
      tpu.vector_store %arg11[%swap3A_296, %swap3A_297], %mul3A_295 {strides = array<i32>} : memref<80x128xf32, #tpu.memory_space<vmem>>, vector<16xf32>,
      %get3A_299 = arith.index_cast %mul3A_231 : i32 to index
      %get3A_300 = arith.constant 96 : index
      %get3A_301 = tpu.vector_load %arg11[%get3A_299, %get3A_300] {strides = array<i32>} : memref<80x128xf32, #tpu.memory_space<vmem>>, vector<16xf32>,
      %get3A_302 = arith.index_cast %mul3A_231 : i32 to index
      %get3A_303 = arith.constant 32 : index
      %get3A_304 = tpu.vector_load %arg12[%get3A_302, %get3A_303] {strides = array<i32>} : memref<80x64xf32, #tpu.memory_space<vmem>>, vector<16xf32>,
      %mul3A_305 = arith.mulf %get3A_301, %get3A_304 : vector<16xf32>
      %get3A_306 = arith.index_cast %mul3A_231 : i32 to index
      %get3A_307 = arith.constant 32 : index
      %get3A_308 = tpu.vector_load %arg13[%get3A_306, %get3A_307] {strides = array<i32>} : memref<80x64xf32, #tpu.memory_space<vmem>>, vector<16xf32>,
      %add3A_309 = arith.addf %mul3A_305, %get3A_308 : vector<16xf32>
      %max3A_310 = arith.constant -5.000000e+00 : f32
      %max3A_311 = vector.broadcast %max3A_310 : f32 to vector<16xf32>
      %max3A_312 = arith.maximumf %add3A_309, %max3A_311 : vector<16xf32>
      %min3A_313 = arith.constant 5.000000e+00 : f32
      %min3A_314 = vector.broadcast %min3A_313 : f32 to vector<16xf32>
      %min3A_315 = arith.minimumf %max3A_312, %min3A_314 : vector<16xf32>
      %exp3A_316 = math.exp %min3A_315 : vector<16xf32>
      %reduce_sum3A_317 = arith.constant true
      %reduce_sum3A_318 = vector.broadcast %reduce_sum3A_317 : i1 to vector<16xi1>
      %reduce_sum3A_319 = tpu.scan <sum>, %exp3A_316 masked %reduce_sum3A_318 : vector<16xf32>, vector<16xi1> -> vector<16xf32>
      %reduce_sum3A_320 = vector.extract %reduce_sum3A_319[15] : f32 from vector<16xf32>
      %div3A_321 = vector.broadcast %reduce_sum3A_320 : f32 to vector<16xf32>
      %div3A_322 = arith.divf %exp3A_316, %div3A_321 : vector<16xf32>
      %swap3A_323 = arith.index_cast %mul3A_231 : i32 to index
      %swap3A_324 = arith.constant 32 : index
      %swap3A_325 = tpu.vector_load %arg13[%swap3A_323, %swap3A_324] {strides = array<i32>} : memref<80x64xf32, #tpu.memory_space<vmem>>, vector<16xf32>,
      tpu.vector_store %arg13[%swap3A_323, %swap3A_324], %div3A_322 {strides = array<i32>} : memref<80x64xf32, #tpu.memory_space<vmem>>, vector<16xf32>,
      %swap3A_326 = arith.index_cast %mul3A_231 : i32 to index
      %swap3A_327 = arith.constant 96 : index
      %swap3A_328 = tpu.vector_load %arg11[%swap3A_326, %swap3A_327] {strides = array<i32>} : memref<80x128xf32, #tpu.memory_space<vmem>>, vector<16xf32>,
      tpu.vector_store %arg11[%swap3A_326, %swap3A_327], %div3A_322 {strides = array<i32>} : memref<80x128xf32, #tpu.memory_space<vmem>>, vector<16xf32>,
      %get3A_329 = arith.index_cast %mul3A_231 : i32 to index
      %get3A_330 = arith.constant 32 : index
      %get3A_331 = tpu.vector_load %arg11[%get3A_329, %get3A_330] {strides = array<i32>} : memref<80x128xf32, #tpu.memory_space<vmem>>, vector<16xf32>,
      %mul3A_332 = arith.mulf %get3A_331, %div3A_322 : vector<16xf32>
      %swap3A_333 = arith.index_cast %mul3A_231 : i32 to index
      %swap3A_334 = arith.constant 32 : index
      %swap3A_335 = tpu.vector_load %arg11[%swap3A_333, %swap3A_334] {strides = array<i32>} : memref<80x128xf32, #tpu.memory_space<vmem>>, vector<16xf32>,
      tpu.vector_store %arg11[%swap3A_333, %swap3A_334], %mul3A_332 {strides = array<i32>} : memref<80x128xf32, #tpu.memory_space<vmem>>, vector<16xf32>,
      %get3A_336 = arith.index_cast %mul3A_231 : i32 to index
      %get3A_337 = arith.constant 112 : index
      %get3A_338 = tpu.vector_load %arg11[%get3A_336, %get3A_337] {strides = array<i32>} : memref<80x128xf32, #tpu.memory_space<vmem>>, vector<16xf32>,
      %get3A_339 = arith.index_cast %mul3A_231 : i32 to index
      %get3A_340 = arith.constant 48 : index
      %get3A_341 = tpu.vector_load %arg12[%get3A_339, %get3A_340] {strides = array<i32>} : memref<80x64xf32, #tpu.memory_space<vmem>>, vector<16xf32>,
      %mul3A_342 = arith.mulf %get3A_338, %get3A_341 : vector<16xf32>
      %get3A_343 = arith.index_cast %mul3A_231 : i32 to index
      %get3A_344 = arith.constant 48 : index
      %get3A_345 = tpu.vector_load %arg13[%get3A_343, %get3A_344] {strides = array<i32>} : memref<80x64xf32, #tpu.memory_space<vmem>>, vector<16xf32>,
      %add3A_346 = arith.addf %mul3A_342, %get3A_345 : vector<16xf32>
      %max3A_347 = arith.constant -5.000000e+00 : f32
      %max3A_348 = vector.broadcast %max3A_347 : f32 to vector<16xf32>
      %max3A_349 = arith.maximumf %add3A_346, %max3A_348 : vector<16xf32>
      %min3A_350 = arith.constant 5.000000e+00 : f32
      %min3A_351 = vector.broadcast %min3A_350 : f32 to vector<16xf32>
      %min3A_352 = arith.minimumf %max3A_349, %min3A_351 : vector<16xf32>
      %exp3A_353 = math.exp %min3A_352 : vector<16xf32>
      %reduce_sum3A_354 = arith.constant true
      %reduce_sum3A_355 = vector.broadcast %reduce_sum3A_354 : i1 to vector<16xi1>
      %reduce_sum3A_356 = tpu.scan <sum>, %exp3A_353 masked %reduce_sum3A_355 : vector<16xf32>, vector<16xi1> -> vector<16xf32>
      %reduce_sum3A_357 = vector.extract %reduce_sum3A_356[15] : f32 from vector<16xf32>
      %div3A_358 = vector.broadcast %reduce_sum3A_357 : f32 to vector<16xf32>
      %div3A_359 = arith.divf %exp3A_353, %div3A_358 : vector<16xf32>
      %swap3A_360 = arith.index_cast %mul3A_231 : i32 to index
      %swap3A_361 = arith.constant 48 : index
      %swap3A_362 = tpu.vector_load %arg13[%swap3A_360, %swap3A_361] {strides = array<i32>} : memref<80x64xf32, #tpu.memory_space<vmem>>, vector<16xf32>,
      tpu.vector_store %arg13[%swap3A_360, %swap3A_361], %div3A_359 {strides = array<i32>} : memref<80x64xf32, #tpu.memory_space<vmem>>, vector<16xf32>,
      %swap3A_363 = arith.index_cast %mul3A_231 : i32 to index
      %swap3A_364 = arith.constant 112 : index
      %swap3A_365 = tpu.vector_load %arg11[%swap3A_363, %swap3A_364] {strides = array<i32>} : memref<80x128xf32, #tpu.memory_space<vmem>>, vector<16xf32>,
      tpu.vector_store %arg11[%swap3A_363, %swap3A_364], %div3A_359 {strides = array<i32>} : memref<80x128xf32, #tpu.memory_space<vmem>>, vector<16xf32>,
      %get3A_366 = arith.index_cast %mul3A_231 : i32 to index
      %get3A_367 = arith.constant 48 : index
      %get3A_368 = tpu.vector_load %arg11[%get3A_366, %get3A_367] {strides = array<i32>} : memref<80x128xf32, #tpu.memory_space<vmem>>, vector<16xf32>,
      %mul3A_369 = arith.mulf %get3A_368, %div3A_359 : vector<16xf32>
      %swap3A_370 = arith.index_cast %mul3A_231 : i32 to index
      %swap3A_371 = arith.constant 48 : index
      %swap3A_372 = tpu.vector_load %arg11[%swap3A_370, %swap3A_371] {strides = array<i32>} : memref<80x128xf32, #tpu.memory_space<vmem>>, vector<16xf32>,
      tpu.vector_store %arg11[%swap3A_370, %swap3A_371], %mul3A_369 {strides = array<i32>} : memref<80x128xf32, #tpu.memory_space<vmem>>, vector<16xf32>,
      %mul3A_373 = arith.constant 2 : i32
      %mul3A_374 = arith.muli %mul3A_373, %scan3A_228 : i32
      %add3A_375 = arith.constant 1 : i32
      %add3A_376 = arith.addi %mul3A_374, %add3A_375 : i32
      %get3A_377 = arith.index_cast %add3A_376 : i32 to index
      %get3A_378 = arith.constant 64 : index
      %get3A_379 = tpu.vector_load %arg11[%get3A_377, %get3A_378] {strides = array<i32>} : memref<80x128xf32, #tpu.memory_space<vmem>>, vector<16xf32>,
      %get3A_380 = arith.index_cast %add3A_376 : i32 to index
      %get3A_381 = arith.constant 0 : index
      %get3A_382 = tpu.vector_load %arg12[%get3A_380, %get3A_381] {strides = array<i32>} : memref<80x64xf32, #tpu.memory_space<vmem>>, vector<16xf32>,
      %mul3A_383 = arith.mulf %get3A_379, %get3A_382 : vector<16xf32>
      %get3A_384 = arith.index_cast %add3A_376 : i32 to index
      %get3A_385 = arith.constant 0 : index
      %get3A_386 = tpu.vector_load %arg13[%get3A_384, %get3A_385] {strides = array<i32>} : memref<80x64xf32, #tpu.memory_space<vmem>>, vector<16xf32>,
      %add3A_387 = arith.addf %mul3A_383, %get3A_386 : vector<16xf32>
      %max3A_388 = arith.constant -5.000000e+00 : f32
      %max3A_389 = vector.broadcast %max3A_388 : f32 to vector<16xf32>
      %max3A_390 = arith.maximumf %add3A_387, %max3A_389 : vector<16xf32>
      %min3A_391 = arith.constant 5.000000e+00 : f32
      %min3A_392 = vector.broadcast %min3A_391 : f32 to vector<16xf32>
      %min3A_393 = arith.minimumf %max3A_390, %min3A_392 : vector<16xf32>
      %exp3A_394 = math.exp %min3A_393 : vector<16xf32>
      %reduce_sum3A_395 = arith.constant true
      %reduce_sum3A_396 = vector.broadcast %reduce_sum3A_395 : i1 to vector<16xi1>
      %reduce_sum3A_397 = tpu.scan <sum>, %exp3A_394 masked %reduce_sum3A_396 : vector<16xf32>, vector<16xi1> -> vector<16xf32>
      %reduce_sum3A_398 = vector.extract %reduce_sum3A_397[15] : f32 from vector<16xf32>
      %div3A_399 = vector.broadcast %reduce_sum3A_398 : f32 to vector<16xf32>
      %div3A_400 = arith.divf %exp3A_394, %div3A_399 : vector<16xf32>
      %swap3A_401 = arith.index_cast %add3A_376 : i32 to index
      %swap3A_402 = arith.constant 0 : index
      %swap3A_403 = tpu.vector_load %arg13[%swap3A_401, %swap3A_402] {strides = array<i32>} : memref<80x64xf32, #tpu.memory_space<vmem>>, vector<16xf32>,
      tpu.vector_store %arg13[%swap3A_401, %swap3A_402], %div3A_400 {strides = array<i32>} : memref<80x64xf32, #tpu.memory_space<vmem>>, vector<16xf32>,
      %swap3A_404 = arith.index_cast %add3A_376 : i32 to index
      %swap3A_405 = arith.constant 64 : index
      %swap3A_406 = tpu.vector_load %arg11[%swap3A_404, %swap3A_405] {strides = array<i32>} : memref<80x128xf32, #tpu.memory_space<vmem>>, vector<16xf32>,
      tpu.vector_store %arg11[%swap3A_404, %swap3A_405], %div3A_400 {strides = array<i32>} : memref<80x128xf32, #tpu.memory_space<vmem>>, vector<16xf32>,
      %get3A_407 = arith.index_cast %add3A_376 : i32 to index
      %get3A_408 = arith.constant 0 : index
      %get3A_409 = tpu.vector_load %arg11[%get3A_407, %get3A_408] {strides = array<i32>} : memref<80x128xf32, #tpu.memory_space<vmem>>, vector<16xf32>,
      %mul3A_410 = arith.mulf %get3A_409, %div3A_400 : vector<16xf32>
      %swap3A_411 = arith.index_cast %add3A_376 : i32 to index
      %swap3A_412 = arith.constant 0 : index
      %swap3A_413 = tpu.vector_load %arg11[%swap3A_411, %swap3A_412] {strides = array<i32>} : memref<80x128xf32, #tpu.memory_space<vmem>>, vector<16xf32>,
      tpu.vector_store %arg11[%swap3A_411, %swap3A_412], %mul3A_410 {strides = array<i32>} : memref<80x128xf32, #tpu.memory_space<vmem>>, vector<16xf32>,
      %get3A_414 = arith.index_cast %add3A_376 : i32 to index
      %get3A_415 = arith.constant 80 : index
      %get3A_416 = tpu.vector_load %arg11[%get3A_414, %get3A_415] {strides = array<i32>} : memref<80x128xf32, #tpu.memory_space<vmem>>, vector<16xf32>,
      %get3A_417 = arith.index_cast %add3A_376 : i32 to index
      %get3A_418 = arith.constant 16 : index
      %get3A_419 = tpu.vector_load %arg12[%get3A_417, %get3A_418] {strides = array<i32>} : memref<80x64xf32, #tpu.memory_space<vmem>>, vector<16xf32>,
      %mul3A_420 = arith.mulf %get3A_416, %get3A_419 : vector<16xf32>
      %get3A_421 = arith.index_cast %add3A_376 : i32 to index
      %get3A_422 = arith.constant 16 : index
      %get3A_423 = tpu.vector_load %arg13[%get3A_421, %get3A_422] {strides = array<i32>} : memref<80x64xf32, #tpu.memory_space<vmem>>, vector<16xf32>,
      %add3A_424 = arith.addf %mul3A_420, %get3A_423 : vector<16xf32>
      %max3A_425 = arith.constant -5.000000e+00 : f32
      %max3A_426 = vector.broadcast %max3A_425 : f32 to vector<16xf32>
      %max3A_427 = arith.maximumf %add3A_424, %max3A_426 : vector<16xf32>
      %min3A_428 = arith.constant 5.000000e+00 : f32
      %min3A_429 = vector.broadcast %min3A_428 : f32 to vector<16xf32>
      %min3A_430 = arith.minimumf %max3A_427, %min3A_429 : vector<16xf32>
      %exp3A_431 = math.exp %min3A_430 : vector<16xf32>
      %reduce_sum3A_432 = arith.constant true
      %reduce_sum3A_433 = vector.broadcast %reduce_sum3A_432 : i1 to vector<16xi1>
      %reduce_sum3A_434 = tpu.scan <sum>, %exp3A_431 masked %reduce_sum3A_433 : vector<16xf32>, vector<16xi1> -> vector<16xf32>
      %reduce_sum3A_435 = vector.extract %reduce_sum3A_434[15] : f32 from vector<16xf32>
      %div3A_436 = vector.broadcast %reduce_sum3A_435 : f32 to vector<16xf32>
      %div3A_437 = arith.divf %exp3A_431, %div3A_436 : vector<16xf32>
      %swap3A_438 = arith.index_cast %add3A_376 : i32 to index
      %swap3A_439 = arith.constant 16 : index
      %swap3A_440 = tpu.vector_load %arg13[%swap3A_438, %swap3A_439] {strides = array<i32>} : memref<80x64xf32, #tpu.memory_space<vmem>>, vector<16xf32>,
      tpu.vector_store %arg13[%swap3A_438, %swap3A_439], %div3A_437 {strides = array<i32>} : memref<80x64xf32, #tpu.memory_space<vmem>>, vector<16xf32>,
      %swap3A_441 = arith.index_cast %add3A_376 : i32 to index
      %swap3A_442 = arith.constant 80 : index
      %swap3A_443 = tpu.vector_load %arg11[%swap3A_441, %swap3A_442] {strides = array<i32>} : memref<80x128xf32, #tpu.memory_space<vmem>>, vector<16xf32>,
      tpu.vector_store %arg11[%swap3A_441, %swap3A_442], %div3A_437 {strides = array<i32>} : memref<80x128xf32, #tpu.memory_space<vmem>>, vector<16xf32>,
      %get3A_444 = arith.index_cast %add3A_376 : i32 to index
      %get3A_445 = arith.constant 16 : index
      %get3A_446 = tpu.vector_load %arg11[%get3A_444, %get3A_445] {strides = array<i32>} : memref<80x128xf32, #tpu.memory_space<vmem>>, vector<16xf32>,
      %mul3A_447 = arith.mulf %get3A_446, %div3A_437 : vector<16xf32>
      %swap3A_448 = arith.index_cast %add3A_376 : i32 to index
      %swap3A_449 = arith.constant 16 : index
      %swap3A_450 = tpu.vector_load %arg11[%swap3A_448, %swap3A_449] {strides = array<i32>} : memref<80x128xf32, #tpu.memory_space<vmem>>, vector<16xf32>,
      tpu.vector_store %arg11[%swap3A_448, %swap3A_449], %mul3A_447 {strides = array<i32>} : memref<80x128xf32, #tpu.memory_space<vmem>>, vector<16xf32>,
      %get3A_451 = arith.index_cast %add3A_376 : i32 to index
      %get3A_452 = arith.constant 96 : index
      %get3A_453 = tpu.vector_load %arg11[%get3A_451, %get3A_452] {strides = array<i32>} : memref<80x128xf32, #tpu.memory_space<vmem>>, vector<16xf32>,
      %get3A_454 = arith.index_cast %add3A_376 : i32 to index
      %get3A_455 = arith.constant 32 : index
      %get3A_456 = tpu.vector_load %arg12[%get3A_454, %get3A_455] {strides = array<i32>} : memref<80x64xf32, #tpu.memory_space<vmem>>, vector<16xf32>,
      %mul3A_457 = arith.mulf %get3A_453, %get3A_456 : vector<16xf32>
      %get3A_458 = arith.index_cast %add3A_376 : i32 to index
      %get3A_459 = arith.constant 32 : index
      %get3A_460 = tpu.vector_load %arg13[%get3A_458, %get3A_459] {strides = array<i32>} : memref<80x64xf32, #tpu.memory_space<vmem>>, vector<16xf32>,
      %add3A_461 = arith.addf %mul3A_457, %get3A_460 : vector<16xf32>
      %max3A_462 = arith.constant -5.000000e+00 : f32
      %max3A_463 = vector.broadcast %max3A_462 : f32 to vector<16xf32>
      %max3A_464 = arith.maximumf %add3A_461, %max3A_463 : vector<16xf32>
      %min3A_465 = arith.constant 5.000000e+00 : f32
      %min3A_466 = vector.broadcast %min3A_465 : f32 to vector<16xf32>
      %min3A_467 = arith.minimumf %max3A_464, %min3A_466 : vector<16xf32>
      %exp3A_468 = math.exp %min3A_467 : vector<16xf32>
      %reduce_sum3A_469 = arith.constant true
      %reduce_sum3A_470 = vector.broadcast %reduce_sum3A_469 : i1 to vector<16xi1>
      %reduce_sum3A_471 = tpu.scan <sum>, %exp3A_468 masked %reduce_sum3A_470 : vector<16xf32>, vector<16xi1> -> vector<16xf32>
      %reduce_sum3A_472 = vector.extract %reduce_sum3A_471[15] : f32 from vector<16xf32>
      %div3A_473 = vector.broadcast %reduce_sum3A_472 : f32 to vector<16xf32>
      %div3A_474 = arith.divf %exp3A_468, %div3A_473 : vector<16xf32>
      %swap3A_475 = arith.index_cast %add3A_376 : i32 to index
      %swap3A_476 = arith.constant 32 : index
      %swap3A_477 = tpu.vector_load %arg13[%swap3A_475, %swap3A_476] {strides = array<i32>} : memref<80x64xf32, #tpu.memory_space<vmem>>, vector<16xf32>,
      tpu.vector_store %arg13[%swap3A_475, %swap3A_476], %div3A_474 {strides = array<i32>} : memref<80x64xf32, #tpu.memory_space<vmem>>, vector<16xf32>,
      %swap3A_478 = arith.index_cast %add3A_376 : i32 to index
      %swap3A_479 = arith.constant 96 : index
      %swap3A_480 = tpu.vector_load %arg11[%swap3A_478, %swap3A_479] {strides = array<i32>} : memref<80x128xf32, #tpu.memory_space<vmem>>, vector<16xf32>,
      tpu.vector_store %arg11[%swap3A_478, %swap3A_479], %div3A_474 {strides = array<i32>} : memref<80x128xf32, #tpu.memory_space<vmem>>, vector<16xf32>,
      %get3A_481 = arith.index_cast %add3A_376 : i32 to index
      %get3A_482 = arith.constant 32 : index
      %get3A_483 = tpu.vector_load %arg11[%get3A_481, %get3A_482] {strides = array<i32>} : memref<80x128xf32, #tpu.memory_space<vmem>>, vector<16xf32>,
      %mul3A_484 = arith.mulf %get3A_483, %div3A_474 : vector<16xf32>
      %swap3A_485 = arith.index_cast %add3A_376 : i32 to index
      %swap3A_486 = arith.constant 32 : index
      %swap3A_487 = tpu.vector_load %arg11[%swap3A_485, %swap3A_486] {strides = array<i32>} : memref<80x128xf32, #tpu.memory_space<vmem>>, vector<16xf32>,
      tpu.vector_store %arg11[%swap3A_485, %swap3A_486], %mul3A_484 {strides = array<i32>} : memref<80x128xf32, #tpu.memory_space<vmem>>, vector<16xf32>,
      %get3A_488 = arith.index_cast %add3A_376 : i32 to index
      %get3A_489 = arith.constant 112 : index
      %get3A_490 = tpu.vector_load %arg11[%get3A_488, %get3A_489] {strides = array<i32>} : memref<80x128xf32, #tpu.memory_space<vmem>>, vector<16xf32>,
      %get3A_491 = arith.index_cast %add3A_376 : i32 to index
      %get3A_492 = arith.constant 48 : index
      %get3A_493 = tpu.vector_load %arg12[%get3A_491, %get3A_492] {strides = array<i32>} : memref<80x64xf32, #tpu.memory_space<vmem>>, vector<16xf32>,
      %mul3A_494 = arith.mulf %get3A_490, %get3A_493 : vector<16xf32>
      %get3A_495 = arith.index_cast %add3A_376 : i32 to index
      %get3A_496 = arith.constant 48 : index
      %get3A_497 = tpu.vector_load %arg13[%get3A_495, %get3A_496] {strides = array<i32>} : memref<80x64xf32, #tpu.memory_space<vmem>>, vector<16xf32>,
      %add3A_498 = arith.addf %mul3A_494, %get3A_497 : vector<16xf32>
      %max3A_499 = arith.constant -5.000000e+00 : f32
      %max3A_500 = vector.broadcast %max3A_499 : f32 to vector<16xf32>
      %max3A_501 = arith.maximumf %add3A_498, %max3A_500 : vector<16xf32>
      %min3A_502 = arith.constant 5.000000e+00 : f32
      %min3A_503 = vector.broadcast %min3A_502 : f32 to vector<16xf32>
      %min3A_504 = arith.minimumf %max3A_501, %min3A_503 : vector<16xf32>
      %exp3A_505 = math.exp %min3A_504 : vector<16xf32>
      %reduce_sum3A_506 = arith.constant true
      %reduce_sum3A_507 = vector.broadcast %reduce_sum3A_506 : i1 to vector<16xi1>
      %reduce_sum3A_508 = tpu.scan <sum>, %exp3A_505 masked %reduce_sum3A_507 : vector<16xf32>, vector<16xi1> -> vector<16xf32>
      %reduce_sum3A_509 = vector.extract %reduce_sum3A_508[15] : f32 from vector<16xf32>
      %div3A_510 = vector.broadcast %reduce_sum3A_509 : f32 to vector<16xf32>
      %div3A_511 = arith.divf %exp3A_505, %div3A_510 : vector<16xf32>
      %swap3A_512 = arith.index_cast %add3A_376 : i32 to index
      %swap3A_513 = arith.constant 48 : index
      %swap3A_514 = tpu.vector_load %arg13[%swap3A_512, %swap3A_513] {strides = array<i32>} : memref<80x64xf32, #tpu.memory_space<vmem>>, vector<16xf32>,
      tpu.vector_store %arg13[%swap3A_512, %swap3A_513], %div3A_511 {strides = array<i32>} : memref<80x64xf32, #tpu.memory_space<vmem>>, vector<16xf32>,
      %swap3A_515 = arith.index_cast %add3A_376 : i32 to index
      %swap3A_516 = arith.constant 112 : index
      %swap3A_517 = tpu.vector_load %arg11[%swap3A_515, %swap3A_516] {strides = array<i32>} : memref<80x128xf32, #tpu.memory_space<vmem>>, vector<16xf32>,
      tpu.vector_store %arg11[%swap3A_515, %swap3A_516], %div3A_511 {strides = array<i32>} : memref<80x128xf32, #tpu.memory_space<vmem>>, vector<16xf32>,
      %get3A_518 = arith.index_cast %add3A_376 : i32 to index
      %get3A_519 = arith.constant 48 : index
      %get3A_520 = tpu.vector_load %arg11[%get3A_518, %get3A_519] {strides = array<i32>} : memref<80x128xf32, #tpu.memory_space<vmem>>, vector<16xf32>,
      %mul3A_521 = arith.mulf %get3A_520, %div3A_511 : vector<16xf32>
      %swap3A_522 = arith.index_cast %add3A_376 : i32 to index
      %swap3A_523 = arith.constant 48 : index
      %swap3A_524 = tpu.vector_load %arg11[%swap3A_522, %swap3A_523] {strides = array<i32>} : memref<80x128xf32, #tpu.memory_space<vmem>>, vector<16xf32>,
      tpu.vector_store %arg11[%swap3A_522, %swap3A_523], %mul3A_521 {strides = array<i32>} : memref<80x128xf32, #tpu.memory_space<vmem>>, vector<16xf32>,
      %scan3A_525 = arith.constant 0 : i32
      scf.yield %scan3A_525 : i32
    }
    %scan3A_114 = arith.constant 40 : i32
    %dma_start3A_115 = tpu.memref_slice %arg7[%add3A_97, %mul3A_2] : memref<320000x128xf32, #tpu.memory_space<hbm>> -> memref<80x64xf32, #tpu.memory_space<hbm>>
    %dma_start3A_116 = tpu.memref_slice %arg7[%add3A_97, %mul3A_2] : memref<320000x128xf32, #tpu.memory_space<hbm>> -> memref<80x64xf32, #tpu.memory_space<hbm>>
    tpu.enqueue_dma source(%arg13 : memref<80x64xf32, #tpu.memory_space<vmem>>) target(%dma_start3A_116 : memref<80x64xf32, #tpu.memory_space<hbm>>) target_semaphore(%arg23 : memref<!tpu.dma_semaphore, #tpu.memory_space<semaphore_mem>>)
    %run_scoped3A = arith.constant 1 : i32
    "tpu.region"() ({
      %run_scoped3A_228 = tpu.sem_alloc : memref<!tpu.dma_semaphore, #tpu.memory_space<semaphore_mem>>
      %dma_start3A_229 = arith.constant 0 : i32
      %dma_start3A_230 = tpu.memref_slice %arg8[%run_scoped3A, %dma_start3A_229] : memref<2x80xi32, #tpu.memory_space<vmem>> -> memref<1x80xi32, #tpu.memory_space<vmem>>
      %dma_start3A_231 = tpu.memref_squeeze %dma_start3A_230 : memref<1x80xi32, #tpu.memory_space<vmem>> -> memref<80xi32, #tpu.memory_space<vmem>>
      %dma_start3A_232 = arith.constant 0 : i32
      %dma_start3A_233 = arith.constant 0 : i32
      %dma_start3A_234 = tpu.memref_slice %arg20[%dma_start3A_232, %dma_start3A_233] : memref<10000x128xf32, #tpu.memory_space<vmem_shared>> -> memref<10000x128xf32, #tpu.memory_space<vmem_shared>>
      tpu.enqueue_indirect_dma source(%arg11 : memref<80x128xf32, #tpu.memory_space<vmem>>) target(%dma_start3A_234 : memref<10000x128xf32, #tpu.memory_space<vmem_shared>>) offsets(%dma_start3A_231 : memref<80xi32, #tpu.memory_space<vmem>>) semaphore(%run_scoped3A_228 : memref<!tpu.dma_semaphore, #tpu.memory_space<semaphore_mem>>) {add = true}
      %dma_wait3A_235 = arith.constant 0 : i32
      %dma_wait3A_236 = tpu.memref_slice %arg8[%run_scoped3A, %dma_wait3A_235] : memref<2x80xi32, #tpu.memory_space<vmem>> -> memref<1x80xi32, #tpu.memory_space<vmem>>
      %dma_wait3A_237 = tpu.memref_squeeze %dma_wait3A_236 : memref<1x80xi32, #tpu.memory_space<vmem>> -> memref<80xi32, #tpu.memory_space<vmem>>
      %dma_wait3A_238 = arith.constant 0 : i32
      %dma_wait3A_239 = arith.constant 0 : i32
      %dma_wait3A_240 = tpu.memref_slice %arg20[%dma_wait3A_238, %dma_wait3A_239] : memref<10000x128xf32, #tpu.memory_space<vmem_shared>> -> memref<10000x128xf32, #tpu.memory_space<vmem_shared>>
      tpu.wait_indirect_dma semaphore(%run_scoped3A_228 : memref<!tpu.dma_semaphore, #tpu.memory_space<semaphore_mem>>) src(%arg11 : memref<80x128xf32, #tpu.memory_space<vmem>>) dst(%dma_wait3A_240 : memref<10000x128xf32, #tpu.memory_space<vmem_shared>>)
      tpu.yield
    }) : () -> ()
    %dma_wait3A_117 = tpu.memref_slice %arg7[%add3A_97, %mul3A_2] : memref<320000x128xf32, #tpu.memory_space<hbm>> -> memref<80x64xf32, #tpu.memory_space<hbm>>
    %dma_wait3A_118 = tpu.memref_slice %arg7[%add3A_97, %mul3A_2] : memref<320000x128xf32, #tpu.memory_space<hbm>> -> memref<80x64xf32, #tpu.memory_space<hbm>>
    tpu.wait_dma2 semaphore(%arg23 : memref<!tpu.dma_semaphore, #tpu.memory_space<semaphore_mem>>) src(%arg13 : memref<80x64xf32, #tpu.memory_space<vmem>>) dst(%dma_wait3A_118 : memref<80x64xf32, #tpu.memory_space<hbm>>)
    %dma_wait3A_119 = arith.constant 0 : i32
    %dma_wait3A_120 = arith.constant 0 : i32
    %dma_wait3A_121 = tpu.memref_slice %arg3[%dma_wait3A_119, %dma_wait3A_120] : memref<20000x128xf32, #tpu.memory_space<hbm>> -> memref<20000x128xf32, #tpu.memory_space<hbm>>
    tpu.wait_indirect_dma semaphore(%arg22 : memref<!tpu.dma_semaphore, #tpu.memory_space<semaphore_mem>>) src(%dma_wait3A_121 : memref<20000x128xf32, #tpu.memory_space<hbm>>) dst(%arg17 : memref<80x128xf32, #tpu.memory_space<vmem>>)
    %dma_wait3A_122 = arith.constant 0 : i32
    %dma_wait3A_123 = arith.constant 0 : i32
    %dma_wait3A_124 = tpu.memref_slice %arg2[%dma_wait3A_122, %dma_wait3A_123] : memref<20000x64xf32, #tpu.memory_space<hbm>> -> memref<20000x64xf32, #tpu.memory_space<hbm>>
    tpu.wait_indirect_dma semaphore(%arg22 : memref<!tpu.dma_semaphore, #tpu.memory_space<semaphore_mem>>) src(%dma_wait3A_124 : memref<20000x64xf32, #tpu.memory_space<hbm>>) dst(%arg18 : memref<80x64xf32, #tpu.memory_space<vmem>>)
    %dma_wait3A_125 = tpu.memref_slice %arg4[%add3A_99, %mul3A_2] : memref<320000x128xf32, #tpu.memory_space<hbm>> -> memref<80x64xf32, #tpu.memory_space<hbm>>
    %dma_wait3A_126 = tpu.memref_slice %arg4[%add3A_99, %mul3A_2] : memref<320000x128xf32, #tpu.memory_space<hbm>> -> memref<80x64xf32, #tpu.memory_space<hbm>>
    tpu.wait_dma2 semaphore(%arg22 : memref<!tpu.dma_semaphore, #tpu.memory_space<semaphore_mem>>) src(%dma_wait3A_126 : memref<80x64xf32, #tpu.memory_space<hbm>>) dst(%arg19 : memref<80x64xf32, #tpu.memory_space<vmem>>)
    %scan3A_127 = arith.constant 0 : i32
    %scan3A_128 = arith.constant 0 : i32
    %scan3A_129 = arith.constant 40 : i32
    %scan3A_130 = arith.addi %scan3A_128, %scan3A_129 : i32
    %scan3A_131 = arith.constant 1 : i32
    %scan3A_132 = scf.for %scan3A_228 = %scan3A_128 to %scan3A_130 step %scan3A_131 iter_args(%scan3A_229 = %scan3A_127) -> (i32)  : i32 {
      %mul3A_230 = arith.constant 2 : i32
      %mul3A_231 = arith.muli %mul3A_230, %scan3A_228 : i32
      %get3A = arith.index_cast %mul3A_231 : i32 to index
      %get3A_232 = arith.constant 64 : index
      %get3A_233 = tpu.vector_load %arg17[%get3A, %get3A_232] {strides = array<i32>} : memref<80x128xf32, #tpu.memory_space<vmem>>, vector<16xf32>,
      %get3A_234 = arith.index_cast %mul3A_231 : i32 to index
      %get3A_235 = arith.constant 0 : index
      %get3A_236 = tpu.vector_load %arg18[%get3A_234, %get3A_235] {strides = array<i32>} : memref<80x64xf32, #tpu.memory_space<vmem>>, vector<16xf32>,
      %mul3A_237 = arith.mulf %get3A_233, %get3A_236 : vector<16xf32>
      %get3A_238 = arith.index_cast %mul3A_231 : i32 to index
      %get3A_239 = arith.constant 0 : index
      %get3A_240 = tpu.vector_load %arg19[%get3A_238, %get3A_239] {strides = array<i32>} : memref<80x64xf32, #tpu.memory_space<vmem>>, vector<16xf32>,
      %add3A_241 = arith.addf %mul3A_237, %get3A_240 : vector<16xf32>
      %max3A = arith.constant -5.000000e+00 : f32
      %max3A_242 = vector.broadcast %max3A : f32 to vector<16xf32>
      %max3A_243 = arith.maximumf %add3A_241, %max3A_242 : vector<16xf32>
      %min3A = arith.constant 5.000000e+00 : f32
      %min3A_244 = vector.broadcast %min3A : f32 to vector<16xf32>
      %min3A_245 = arith.minimumf %max3A_243, %min3A_244 : vector<16xf32>
      %exp3A = math.exp %min3A_245 : vector<16xf32>
      %reduce_sum3A = arith.constant true
      %reduce_sum3A_246 = vector.broadcast %reduce_sum3A : i1 to vector<16xi1>
      %reduce_sum3A_247 = tpu.scan <sum>, %exp3A masked %reduce_sum3A_246 : vector<16xf32>, vector<16xi1> -> vector<16xf32>
      %reduce_sum3A_248 = vector.extract %reduce_sum3A_247[15] : f32 from vector<16xf32>
      %div3A = vector.broadcast %reduce_sum3A_248 : f32 to vector<16xf32>
      %div3A_249 = arith.divf %exp3A, %div3A : vector<16xf32>
      %swap3A = arith.index_cast %mul3A_231 : i32 to index
      %swap3A_250 = arith.constant 0 : index
      %swap3A_251 = tpu.vector_load %arg19[%swap3A, %swap3A_250] {strides = array<i32>} : memref<80x64xf32, #tpu.memory_space<vmem>>, vector<16xf32>,
      tpu.vector_store %arg19[%swap3A, %swap3A_250], %div3A_249 {strides = array<i32>} : memref<80x64xf32, #tpu.memory_space<vmem>>, vector<16xf32>,
      %swap3A_252 = arith.index_cast %mul3A_231 : i32 to index
      %swap3A_253 = arith.constant 64 : index
      %swap3A_254 = tpu.vector_load %arg17[%swap3A_252, %swap3A_253] {strides = array<i32>} : memref<80x128xf32, #tpu.memory_space<vmem>>, vector<16xf32>,
      tpu.vector_store %arg17[%swap3A_252, %swap3A_253], %div3A_249 {strides = array<i32>} : memref<80x128xf32, #tpu.memory_space<vmem>>, vector<16xf32>,
      %get3A_255 = arith.index_cast %mul3A_231 : i32 to index
      %get3A_256 = arith.constant 0 : index
      %get3A_257 = tpu.vector_load %arg17[%get3A_255, %get3A_256] {strides = array<i32>} : memref<80x128xf32, #tpu.memory_space<vmem>>, vector<16xf32>,
      %mul3A_258 = arith.mulf %get3A_257, %div3A_249 : vector<16xf32>
      %swap3A_259 = arith.index_cast %mul3A_231 : i32 to index
      %swap3A_260 = arith.constant 0 : index
      %swap3A_261 = tpu.vector_load %arg17[%swap3A_259, %swap3A_260] {strides = array<i32>} : memref<80x128xf32, #tpu.memory_space<vmem>>, vector<16xf32>,
      tpu.vector_store %arg17[%swap3A_259, %swap3A_260], %mul3A_258 {strides = array<i32>} : memref<80x128xf32, #tpu.memory_space<vmem>>, vector<16xf32>,
      %get3A_262 = arith.index_cast %mul3A_231 : i32 to index
      %get3A_263 = arith.constant 80 : index
      %get3A_264 = tpu.vector_load %arg17[%get3A_262, %get3A_263] {strides = array<i32>} : memref<80x128xf32, #tpu.memory_space<vmem>>, vector<16xf32>,
      %get3A_265 = arith.index_cast %mul3A_231 : i32 to index
      %get3A_266 = arith.constant 16 : index
      %get3A_267 = tpu.vector_load %arg18[%get3A_265, %get3A_266] {strides = array<i32>} : memref<80x64xf32, #tpu.memory_space<vmem>>, vector<16xf32>,
      %mul3A_268 = arith.mulf %get3A_264, %get3A_267 : vector<16xf32>
      %get3A_269 = arith.index_cast %mul3A_231 : i32 to index
      %get3A_270 = arith.constant 16 : index
      %get3A_271 = tpu.vector_load %arg19[%get3A_269, %get3A_270] {strides = array<i32>} : memref<80x64xf32, #tpu.memory_space<vmem>>, vector<16xf32>,
      %add3A_272 = arith.addf %mul3A_268, %get3A_271 : vector<16xf32>
      %max3A_273 = arith.constant -5.000000e+00 : f32
      %max3A_274 = vector.broadcast %max3A_273 : f32 to vector<16xf32>
      %max3A_275 = arith.maximumf %add3A_272, %max3A_274 : vector<16xf32>
      %min3A_276 = arith.constant 5.000000e+00 : f32
      %min3A_277 = vector.broadcast %min3A_276 : f32 to vector<16xf32>
      %min3A_278 = arith.minimumf %max3A_275, %min3A_277 : vector<16xf32>
      %exp3A_279 = math.exp %min3A_278 : vector<16xf32>
      %reduce_sum3A_280 = arith.constant true
      %reduce_sum3A_281 = vector.broadcast %reduce_sum3A_280 : i1 to vector<16xi1>
      %reduce_sum3A_282 = tpu.scan <sum>, %exp3A_279 masked %reduce_sum3A_281 : vector<16xf32>, vector<16xi1> -> vector<16xf32>
      %reduce_sum3A_283 = vector.extract %reduce_sum3A_282[15] : f32 from vector<16xf32>
      %div3A_284 = vector.broadcast %reduce_sum3A_283 : f32 to vector<16xf32>
      %div3A_285 = arith.divf %exp3A_279, %div3A_284 : vector<16xf32>
      %swap3A_286 = arith.index_cast %mul3A_231 : i32 to index
      %swap3A_287 = arith.constant 16 : index
      %swap3A_288 = tpu.vector_load %arg19[%swap3A_286, %swap3A_287] {strides = array<i32>} : memref<80x64xf32, #tpu.memory_space<vmem>>, vector<16xf32>,
      tpu.vector_store %arg19[%swap3A_286, %swap3A_287], %div3A_285 {strides = array<i32>} : memref<80x64xf32, #tpu.memory_space<vmem>>, vector<16xf32>,
      %swap3A_289 = arith.index_cast %mul3A_231 : i32 to index
      %swap3A_290 = arith.constant 80 : index
      %swap3A_291 = tpu.vector_load %arg17[%swap3A_289, %swap3A_290] {strides = array<i32>} : memref<80x128xf32, #tpu.memory_space<vmem>>, vector<16xf32>,
      tpu.vector_store %arg17[%swap3A_289, %swap3A_290], %div3A_285 {strides = array<i32>} : memref<80x128xf32, #tpu.memory_space<vmem>>, vector<16xf32>,
      %get3A_292 = arith.index_cast %mul3A_231 : i32 to index
      %get3A_293 = arith.constant 16 : index
      %get3A_294 = tpu.vector_load %arg17[%get3A_292, %get3A_293] {strides = array<i32>} : memref<80x128xf32, #tpu.memory_space<vmem>>, vector<16xf32>,
      %mul3A_295 = arith.mulf %get3A_294, %div3A_285 : vector<16xf32>
      %swap3A_296 = arith.index_cast %mul3A_231 : i32 to index
      %swap3A_297 = arith.constant 16 : index
      %swap3A_298 = tpu.vector_load %arg17[%swap3A_296, %swap3A_297] {strides = array<i32>} : memref<80x128xf32, #tpu.memory_space<vmem>>, vector<16xf32>,
      tpu.vector_store %arg17[%swap3A_296, %swap3A_297], %mul3A_295 {strides = array<i32>} : memref<80x128xf32, #tpu.memory_space<vmem>>, vector<16xf32>,
      %get3A_299 = arith.index_cast %mul3A_231 : i32 to index
      %get3A_300 = arith.constant 96 : index
      %get3A_301 = tpu.vector_load %arg17[%get3A_299, %get3A_300] {strides = array<i32>} : memref<80x128xf32, #tpu.memory_space<vmem>>, vector<16xf32>,
      %get3A_302 = arith.index_cast %mul3A_231 : i32 to index
      %get3A_303 = arith.constant 32 : index
      %get3A_304 = tpu.vector_load %arg18[%get3A_302, %get3A_303] {strides = array<i32>} : memref<80x64xf32, #tpu.memory_space<vmem>>, vector<16xf32>,
      %mul3A_305 = arith.mulf %get3A_301, %get3A_304 : vector<16xf32>
      %get3A_306 = arith.index_cast %mul3A_231 : i32 to index
      %get3A_307 = arith.constant 32 : index
      %get3A_308 = tpu.vector_load %arg19[%get3A_306, %get3A_307] {strides = array<i32>} : memref<80x64xf32, #tpu.memory_space<vmem>>, vector<16xf32>,
      %add3A_309 = arith.addf %mul3A_305, %get3A_308 : vector<16xf32>
      %max3A_310 = arith.constant -5.000000e+00 : f32
      %max3A_311 = vector.broadcast %max3A_310 : f32 to vector<16xf32>
      %max3A_312 = arith.maximumf %add3A_309, %max3A_311 : vector<16xf32>
      %min3A_313 = arith.constant 5.000000e+00 : f32
      %min3A_314 = vector.broadcast %min3A_313 : f32 to vector<16xf32>
      %min3A_315 = arith.minimumf %max3A_312, %min3A_314 : vector<16xf32>
      %exp3A_316 = math.exp %min3A_315 : vector<16xf32>
      %reduce_sum3A_317 = arith.constant true
      %reduce_sum3A_318 = vector.broadcast %reduce_sum3A_317 : i1 to vector<16xi1>
      %reduce_sum3A_319 = tpu.scan <sum>, %exp3A_316 masked %reduce_sum3A_318 : vector<16xf32>, vector<16xi1> -> vector<16xf32>
      %reduce_sum3A_320 = vector.extract %reduce_sum3A_319[15] : f32 from vector<16xf32>
      %div3A_321 = vector.broadcast %reduce_sum3A_320 : f32 to vector<16xf32>
      %div3A_322 = arith.divf %exp3A_316, %div3A_321 : vector<16xf32>
      %swap3A_323 = arith.index_cast %mul3A_231 : i32 to index
      %swap3A_324 = arith.constant 32 : index
      %swap3A_325 = tpu.vector_load %arg19[%swap3A_323, %swap3A_324] {strides = array<i32>} : memref<80x64xf32, #tpu.memory_space<vmem>>, vector<16xf32>,
      tpu.vector_store %arg19[%swap3A_323, %swap3A_324], %div3A_322 {strides = array<i32>} : memref<80x64xf32, #tpu.memory_space<vmem>>, vector<16xf32>,
      %swap3A_326 = arith.index_cast %mul3A_231 : i32 to index
      %swap3A_327 = arith.constant 96 : index
      %swap3A_328 = tpu.vector_load %arg17[%swap3A_326, %swap3A_327] {strides = array<i32>} : memref<80x128xf32, #tpu.memory_space<vmem>>, vector<16xf32>,
      tpu.vector_store %arg17[%swap3A_326, %swap3A_327], %div3A_322 {strides = array<i32>} : memref<80x128xf32, #tpu.memory_space<vmem>>, vector<16xf32>,
      %get3A_329 = arith.index_cast %mul3A_231 : i32 to index
      %get3A_330 = arith.constant 32 : index
      %get3A_331 = tpu.vector_load %arg17[%get3A_329, %get3A_330] {strides = array<i32>} : memref<80x128xf32, #tpu.memory_space<vmem>>, vector<16xf32>,
      %mul3A_332 = arith.mulf %get3A_331, %div3A_322 : vector<16xf32>
      %swap3A_333 = arith.index_cast %mul3A_231 : i32 to index
      %swap3A_334 = arith.constant 32 : index
      %swap3A_335 = tpu.vector_load %arg17[%swap3A_333, %swap3A_334] {strides = array<i32>} : memref<80x128xf32, #tpu.memory_space<vmem>>, vector<16xf32>,
      tpu.vector_store %arg17[%swap3A_333, %swap3A_334], %mul3A_332 {strides = array<i32>} : memref<80x128xf32, #tpu.memory_space<vmem>>, vector<16xf32>,
      %get3A_336 = arith.index_cast %mul3A_231 : i32 to index
      %get3A_337 = arith.constant 112 : index
      %get3A_338 = tpu.vector_load %arg17[%get3A_336, %get3A_337] {strides = array<i32>} : memref<80x128xf32, #tpu.memory_space<vmem>>, vector<16xf32>,
      %get3A_339 = arith.index_cast %mul3A_231 : i32 to index
      %get3A_340 = arith.constant 48 : index
      %get3A_341 = tpu.vector_load %arg18[%get3A_339, %get3A_340] {strides = array<i32>} : memref<80x64xf32, #tpu.memory_space<vmem>>, vector<16xf32>,
      %mul3A_342 = arith.mulf %get3A_338, %get3A_341 : vector<16xf32>
      %get3A_343 = arith.index_cast %mul3A_231 : i32 to index
      %get3A_344 = arith.constant 48 : index
      %get3A_345 = tpu.vector_load %arg19[%get3A_343, %get3A_344] {strides = array<i32>} : memref<80x64xf32, #tpu.memory_space<vmem>>, vector<16xf32>,
      %add3A_346 = arith.addf %mul3A_342, %get3A_345 : vector<16xf32>
      %max3A_347 = arith.constant -5.000000e+00 : f32
      %max3A_348 = vector.broadcast %max3A_347 : f32 to vector<16xf32>
      %max3A_349 = arith.maximumf %add3A_346, %max3A_348 : vector<16xf32>
      %min3A_350 = arith.constant 5.000000e+00 : f32
      %min3A_351 = vector.broadcast %min3A_350 : f32 to vector<16xf32>
      %min3A_352 = arith.minimumf %max3A_349, %min3A_351 : vector<16xf32>
      %exp3A_353 = math.exp %min3A_352 : vector<16xf32>
      %reduce_sum3A_354 = arith.constant true
      %reduce_sum3A_355 = vector.broadcast %reduce_sum3A_354 : i1 to vector<16xi1>
      %reduce_sum3A_356 = tpu.scan <sum>, %exp3A_353 masked %reduce_sum3A_355 : vector<16xf32>, vector<16xi1> -> vector<16xf32>
      %reduce_sum3A_357 = vector.extract %reduce_sum3A_356[15] : f32 from vector<16xf32>
      %div3A_358 = vector.broadcast %reduce_sum3A_357 : f32 to vector<16xf32>
      %div3A_359 = arith.divf %exp3A_353, %div3A_358 : vector<16xf32>
      %swap3A_360 = arith.index_cast %mul3A_231 : i32 to index
      %swap3A_361 = arith.constant 48 : index
      %swap3A_362 = tpu.vector_load %arg19[%swap3A_360, %swap3A_361] {strides = array<i32>} : memref<80x64xf32, #tpu.memory_space<vmem>>, vector<16xf32>,
      tpu.vector_store %arg19[%swap3A_360, %swap3A_361], %div3A_359 {strides = array<i32>} : memref<80x64xf32, #tpu.memory_space<vmem>>, vector<16xf32>,
      %swap3A_363 = arith.index_cast %mul3A_231 : i32 to index
      %swap3A_364 = arith.constant 112 : index
      %swap3A_365 = tpu.vector_load %arg17[%swap3A_363, %swap3A_364] {strides = array<i32>} : memref<80x128xf32, #tpu.memory_space<vmem>>, vector<16xf32>,
      tpu.vector_store %arg17[%swap3A_363, %swap3A_364], %div3A_359 {strides = array<i32>} : memref<80x128xf32, #tpu.memory_space<vmem>>, vector<16xf32>,
      %get3A_366 = arith.index_cast %mul3A_231 : i32 to index
      %get3A_367 = arith.constant 48 : index
      %get3A_368 = tpu.vector_load %arg17[%get3A_366, %get3A_367] {strides = array<i32>} : memref<80x128xf32, #tpu.memory_space<vmem>>, vector<16xf32>,
      %mul3A_369 = arith.mulf %get3A_368, %div3A_359 : vector<16xf32>
      %swap3A_370 = arith.index_cast %mul3A_231 : i32 to index
      %swap3A_371 = arith.constant 48 : index
      %swap3A_372 = tpu.vector_load %arg17[%swap3A_370, %swap3A_371] {strides = array<i32>} : memref<80x128xf32, #tpu.memory_space<vmem>>, vector<16xf32>,
      tpu.vector_store %arg17[%swap3A_370, %swap3A_371], %mul3A_369 {strides = array<i32>} : memref<80x128xf32, #tpu.memory_space<vmem>>, vector<16xf32>,
      %mul3A_373 = arith.constant 2 : i32
      %mul3A_374 = arith.muli %mul3A_373, %scan3A_228 : i32
      %add3A_375 = arith.constant 1 : i32
      %add3A_376 = arith.addi %mul3A_374, %add3A_375 : i32
      %get3A_377 = arith.index_cast %add3A_376 : i32 to index
      %get3A_378 = arith.constant 64 : index
      %get3A_379 = tpu.vector_load %arg17[%get3A_377, %get3A_378] {strides = array<i32>} : memref<80x128xf32, #tpu.memory_space<vmem>>, vector<16xf32>,
      %get3A_380 = arith.index_cast %add3A_376 : i32 to index
      %get3A_381 = arith.constant 0 : index
      %get3A_382 = tpu.vector_load %arg18[%get3A_380, %get3A_381] {strides = array<i32>} : memref<80x64xf32, #tpu.memory_space<vmem>>, vector<16xf32>,
      %mul3A_383 = arith.mulf %get3A_379, %get3A_382 : vector<16xf32>
      %get3A_384 = arith.index_cast %add3A_376 : i32 to index
      %get3A_385 = arith.constant 0 : index
      %get3A_386 = tpu.vector_load %arg19[%get3A_384, %get3A_385] {strides = array<i32>} : memref<80x64xf32, #tpu.memory_space<vmem>>, vector<16xf32>,
      %add3A_387 = arith.addf %mul3A_383, %get3A_386 : vector<16xf32>
      %max3A_388 = arith.constant -5.000000e+00 : f32
      %max3A_389 = vector.broadcast %max3A_388 : f32 to vector<16xf32>
      %max3A_390 = arith.maximumf %add3A_387, %max3A_389 : vector<16xf32>
      %min3A_391 = arith.constant 5.000000e+00 : f32
      %min3A_392 = vector.broadcast %min3A_391 : f32 to vector<16xf32>
      %min3A_393 = arith.minimumf %max3A_390, %min3A_392 : vector<16xf32>
      %exp3A_394 = math.exp %min3A_393 : vector<16xf32>
      %reduce_sum3A_395 = arith.constant true
      %reduce_sum3A_396 = vector.broadcast %reduce_sum3A_395 : i1 to vector<16xi1>
      %reduce_sum3A_397 = tpu.scan <sum>, %exp3A_394 masked %reduce_sum3A_396 : vector<16xf32>, vector<16xi1> -> vector<16xf32>
      %reduce_sum3A_398 = vector.extract %reduce_sum3A_397[15] : f32 from vector<16xf32>
      %div3A_399 = vector.broadcast %reduce_sum3A_398 : f32 to vector<16xf32>
      %div3A_400 = arith.divf %exp3A_394, %div3A_399 : vector<16xf32>
      %swap3A_401 = arith.index_cast %add3A_376 : i32 to index
      %swap3A_402 = arith.constant 0 : index
      %swap3A_403 = tpu.vector_load %arg19[%swap3A_401, %swap3A_402] {strides = array<i32>} : memref<80x64xf32, #tpu.memory_space<vmem>>, vector<16xf32>,
      tpu.vector_store %arg19[%swap3A_401, %swap3A_402], %div3A_400 {strides = array<i32>} : memref<80x64xf32, #tpu.memory_space<vmem>>, vector<16xf32>,
      %swap3A_404 = arith.index_cast %add3A_376 : i32 to index
      %swap3A_405 = arith.constant 64 : index
      %swap3A_406 = tpu.vector_load %arg17[%swap3A_404, %swap3A_405] {strides = array<i32>} : memref<80x128xf32, #tpu.memory_space<vmem>>, vector<16xf32>,
      tpu.vector_store %arg17[%swap3A_404, %swap3A_405], %div3A_400 {strides = array<i32>} : memref<80x128xf32, #tpu.memory_space<vmem>>, vector<16xf32>,
      %get3A_407 = arith.index_cast %add3A_376 : i32 to index
      %get3A_408 = arith.constant 0 : index
      %get3A_409 = tpu.vector_load %arg17[%get3A_407, %get3A_408] {strides = array<i32>} : memref<80x128xf32, #tpu.memory_space<vmem>>, vector<16xf32>,
      %mul3A_410 = arith.mulf %get3A_409, %div3A_400 : vector<16xf32>
      %swap3A_411 = arith.index_cast %add3A_376 : i32 to index
      %swap3A_412 = arith.constant 0 : index
      %swap3A_413 = tpu.vector_load %arg17[%swap3A_411, %swap3A_412] {strides = array<i32>} : memref<80x128xf32, #tpu.memory_space<vmem>>, vector<16xf32>,
      tpu.vector_store %arg17[%swap3A_411, %swap3A_412], %mul3A_410 {strides = array<i32>} : memref<80x128xf32, #tpu.memory_space<vmem>>, vector<16xf32>,
      %get3A_414 = arith.index_cast %add3A_376 : i32 to index
      %get3A_415 = arith.constant 80 : index
      %get3A_416 = tpu.vector_load %arg17[%get3A_414, %get3A_415] {strides = array<i32>} : memref<80x128xf32, #tpu.memory_space<vmem>>, vector<16xf32>,
      %get3A_417 = arith.index_cast %add3A_376 : i32 to index
      %get3A_418 = arith.constant 16 : index
      %get3A_419 = tpu.vector_load %arg18[%get3A_417, %get3A_418] {strides = array<i32>} : memref<80x64xf32, #tpu.memory_space<vmem>>, vector<16xf32>,
      %mul3A_420 = arith.mulf %get3A_416, %get3A_419 : vector<16xf32>
      %get3A_421 = arith.index_cast %add3A_376 : i32 to index
      %get3A_422 = arith.constant 16 : index
      %get3A_423 = tpu.vector_load %arg19[%get3A_421, %get3A_422] {strides = array<i32>} : memref<80x64xf32, #tpu.memory_space<vmem>>, vector<16xf32>,
      %add3A_424 = arith.addf %mul3A_420, %get3A_423 : vector<16xf32>
      %max3A_425 = arith.constant -5.000000e+00 : f32
      %max3A_426 = vector.broadcast %max3A_425 : f32 to vector<16xf32>
      %max3A_427 = arith.maximumf %add3A_424, %max3A_426 : vector<16xf32>
      %min3A_428 = arith.constant 5.000000e+00 : f32
      %min3A_429 = vector.broadcast %min3A_428 : f32 to vector<16xf32>
      %min3A_430 = arith.minimumf %max3A_427, %min3A_429 : vector<16xf32>
      %exp3A_431 = math.exp %min3A_430 : vector<16xf32>
      %reduce_sum3A_432 = arith.constant true
      %reduce_sum3A_433 = vector.broadcast %reduce_sum3A_432 : i1 to vector<16xi1>
      %reduce_sum3A_434 = tpu.scan <sum>, %exp3A_431 masked %reduce_sum3A_433 : vector<16xf32>, vector<16xi1> -> vector<16xf32>
      %reduce_sum3A_435 = vector.extract %reduce_sum3A_434[15] : f32 from vector<16xf32>
      %div3A_436 = vector.broadcast %reduce_sum3A_435 : f32 to vector<16xf32>
      %div3A_437 = arith.divf %exp3A_431, %div3A_436 : vector<16xf32>
      %swap3A_438 = arith.index_cast %add3A_376 : i32 to index
      %swap3A_439 = arith.constant 16 : index
      %swap3A_440 = tpu.vector_load %arg19[%swap3A_438, %swap3A_439] {strides = array<i32>} : memref<80x64xf32, #tpu.memory_space<vmem>>, vector<16xf32>,
      tpu.vector_store %arg19[%swap3A_438, %swap3A_439], %div3A_437 {strides = array<i32>} : memref<80x64xf32, #tpu.memory_space<vmem>>, vector<16xf32>,
      %swap3A_441 = arith.index_cast %add3A_376 : i32 to index
      %swap3A_442 = arith.constant 80 : index
      %swap3A_443 = tpu.vector_load %arg17[%swap3A_441, %swap3A_442] {strides = array<i32>} : memref<80x128xf32, #tpu.memory_space<vmem>>, vector<16xf32>,
      tpu.vector_store %arg17[%swap3A_441, %swap3A_442], %div3A_437 {strides = array<i32>} : memref<80x128xf32, #tpu.memory_space<vmem>>, vector<16xf32>,
      %get3A_444 = arith.index_cast %add3A_376 : i32 to index
      %get3A_445 = arith.constant 16 : index
      %get3A_446 = tpu.vector_load %arg17[%get3A_444, %get3A_445] {strides = array<i32>} : memref<80x128xf32, #tpu.memory_space<vmem>>, vector<16xf32>,
      %mul3A_447 = arith.mulf %get3A_446, %div3A_437 : vector<16xf32>
      %swap3A_448 = arith.index_cast %add3A_376 : i32 to index
      %swap3A_449 = arith.constant 16 : index
      %swap3A_450 = tpu.vector_load %arg17[%swap3A_448, %swap3A_449] {strides = array<i32>} : memref<80x128xf32, #tpu.memory_space<vmem>>, vector<16xf32>,
      tpu.vector_store %arg17[%swap3A_448, %swap3A_449], %mul3A_447 {strides = array<i32>} : memref<80x128xf32, #tpu.memory_space<vmem>>, vector<16xf32>,
      %get3A_451 = arith.index_cast %add3A_376 : i32 to index
      %get3A_452 = arith.constant 96 : index
      %get3A_453 = tpu.vector_load %arg17[%get3A_451, %get3A_452] {strides = array<i32>} : memref<80x128xf32, #tpu.memory_space<vmem>>, vector<16xf32>,
      %get3A_454 = arith.index_cast %add3A_376 : i32 to index
      %get3A_455 = arith.constant 32 : index
      %get3A_456 = tpu.vector_load %arg18[%get3A_454, %get3A_455] {strides = array<i32>} : memref<80x64xf32, #tpu.memory_space<vmem>>, vector<16xf32>,
      %mul3A_457 = arith.mulf %get3A_453, %get3A_456 : vector<16xf32>
      %get3A_458 = arith.index_cast %add3A_376 : i32 to index
      %get3A_459 = arith.constant 32 : index
      %get3A_460 = tpu.vector_load %arg19[%get3A_458, %get3A_459] {strides = array<i32>} : memref<80x64xf32, #tpu.memory_space<vmem>>, vector<16xf32>,
      %add3A_461 = arith.addf %mul3A_457, %get3A_460 : vector<16xf32>
      %max3A_462 = arith.constant -5.000000e+00 : f32
      %max3A_463 = vector.broadcast %max3A_462 : f32 to vector<16xf32>
      %max3A_464 = arith.maximumf %add3A_461, %max3A_463 : vector<16xf32>
      %min3A_465 = arith.constant 5.000000e+00 : f32
      %min3A_466 = vector.broadcast %min3A_465 : f32 to vector<16xf32>
      %min3A_467 = arith.minimumf %max3A_464, %min3A_466 : vector<16xf32>
      %exp3A_468 = math.exp %min3A_467 : vector<16xf32>
      %reduce_sum3A_469 = arith.constant true
      %reduce_sum3A_470 = vector.broadcast %reduce_sum3A_469 : i1 to vector<16xi1>
      %reduce_sum3A_471 = tpu.scan <sum>, %exp3A_468 masked %reduce_sum3A_470 : vector<16xf32>, vector<16xi1> -> vector<16xf32>
      %reduce_sum3A_472 = vector.extract %reduce_sum3A_471[15] : f32 from vector<16xf32>
      %div3A_473 = vector.broadcast %reduce_sum3A_472 : f32 to vector<16xf32>
      %div3A_474 = arith.divf %exp3A_468, %div3A_473 : vector<16xf32>
      %swap3A_475 = arith.index_cast %add3A_376 : i32 to index
      %swap3A_476 = arith.constant 32 : index
      %swap3A_477 = tpu.vector_load %arg19[%swap3A_475, %swap3A_476] {strides = array<i32>} : memref<80x64xf32, #tpu.memory_space<vmem>>, vector<16xf32>,
      tpu.vector_store %arg19[%swap3A_475, %swap3A_476], %div3A_474 {strides = array<i32>} : memref<80x64xf32, #tpu.memory_space<vmem>>, vector<16xf32>,
      %swap3A_478 = arith.index_cast %add3A_376 : i32 to index
      %swap3A_479 = arith.constant 96 : index
      %swap3A_480 = tpu.vector_load %arg17[%swap3A_478, %swap3A_479] {strides = array<i32>} : memref<80x128xf32, #tpu.memory_space<vmem>>, vector<16xf32>,
      tpu.vector_store %arg17[%swap3A_478, %swap3A_479], %div3A_474 {strides = array<i32>} : memref<80x128xf32, #tpu.memory_space<vmem>>, vector<16xf32>,
      %get3A_481 = arith.index_cast %add3A_376 : i32 to index
      %get3A_482 = arith.constant 32 : index
      %get3A_483 = tpu.vector_load %arg17[%get3A_481, %get3A_482] {strides = array<i32>} : memref<80x128xf32, #tpu.memory_space<vmem>>, vector<16xf32>,
      %mul3A_484 = arith.mulf %get3A_483, %div3A_474 : vector<16xf32>
      %swap3A_485 = arith.index_cast %add3A_376 : i32 to index
      %swap3A_486 = arith.constant 32 : index
      %swap3A_487 = tpu.vector_load %arg17[%swap3A_485, %swap3A_486] {strides = array<i32>} : memref<80x128xf32, #tpu.memory_space<vmem>>, vector<16xf32>,
      tpu.vector_store %arg17[%swap3A_485, %swap3A_486], %mul3A_484 {strides = array<i32>} : memref<80x128xf32, #tpu.memory_space<vmem>>, vector<16xf32>,
      %get3A_488 = arith.index_cast %add3A_376 : i32 to index
      %get3A_489 = arith.constant 112 : index
      %get3A_490 = tpu.vector_load %arg17[%get3A_488, %get3A_489] {strides = array<i32>} : memref<80x128xf32, #tpu.memory_space<vmem>>, vector<16xf32>,
      %get3A_491 = arith.index_cast %add3A_376 : i32 to index
      %get3A_492 = arith.constant 48 : index
      %get3A_493 = tpu.vector_load %arg18[%get3A_491, %get3A_492] {strides = array<i32>} : memref<80x64xf32, #tpu.memory_space<vmem>>, vector<16xf32>,
      %mul3A_494 = arith.mulf %get3A_490, %get3A_493 : vector<16xf32>
      %get3A_495 = arith.index_cast %add3A_376 : i32 to index
      %get3A_496 = arith.constant 48 : index
      %get3A_497 = tpu.vector_load %arg19[%get3A_495, %get3A_496] {strides = array<i32>} : memref<80x64xf32, #tpu.memory_space<vmem>>, vector<16xf32>,
      %add3A_498 = arith.addf %mul3A_494, %get3A_497 : vector<16xf32>
      %max3A_499 = arith.constant -5.000000e+00 : f32
      %max3A_500 = vector.broadcast %max3A_499 : f32 to vector<16xf32>
      %max3A_501 = arith.maximumf %add3A_498, %max3A_500 : vector<16xf32>
      %min3A_502 = arith.constant 5.000000e+00 : f32
      %min3A_503 = vector.broadcast %min3A_502 : f32 to vector<16xf32>
      %min3A_504 = arith.minimumf %max3A_501, %min3A_503 : vector<16xf32>
      %exp3A_505 = math.exp %min3A_504 : vector<16xf32>
      %reduce_sum3A_506 = arith.constant true
      %reduce_sum3A_507 = vector.broadcast %reduce_sum3A_506 : i1 to vector<16xi1>
      %reduce_sum3A_508 = tpu.scan <sum>, %exp3A_505 masked %reduce_sum3A_507 : vector<16xf32>, vector<16xi1> -> vector<16xf32>
      %reduce_sum3A_509 = vector.extract %reduce_sum3A_508[15] : f32 from vector<16xf32>
      %div3A_510 = vector.broadcast %reduce_sum3A_509 : f32 to vector<16xf32>
      %div3A_511 = arith.divf %exp3A_505, %div3A_510 : vector<16xf32>
      %swap3A_512 = arith.index_cast %add3A_376 : i32 to index
      %swap3A_513 = arith.constant 48 : index
      %swap3A_514 = tpu.vector_load %arg19[%swap3A_512, %swap3A_513] {strides = array<i32>} : memref<80x64xf32, #tpu.memory_space<vmem>>, vector<16xf32>,
      tpu.vector_store %arg19[%swap3A_512, %swap3A_513], %div3A_511 {strides = array<i32>} : memref<80x64xf32, #tpu.memory_space<vmem>>, vector<16xf32>,
      %swap3A_515 = arith.index_cast %add3A_376 : i32 to index
      %swap3A_516 = arith.constant 112 : index
      %swap3A_517 = tpu.vector_load %arg17[%swap3A_515, %swap3A_516] {strides = array<i32>} : memref<80x128xf32, #tpu.memory_space<vmem>>, vector<16xf32>,
      tpu.vector_store %arg17[%swap3A_515, %swap3A_516], %div3A_511 {strides = array<i32>} : memref<80x128xf32, #tpu.memory_space<vmem>>, vector<16xf32>,
      %get3A_518 = arith.index_cast %add3A_376 : i32 to index
      %get3A_519 = arith.constant 48 : index
      %get3A_520 = tpu.vector_load %arg17[%get3A_518, %get3A_519] {strides = array<i32>} : memref<80x128xf32, #tpu.memory_space<vmem>>, vector<16xf32>,
      %mul3A_521 = arith.mulf %get3A_520, %div3A_511 : vector<16xf32>
      %swap3A_522 = arith.index_cast %add3A_376 : i32 to index
      %swap3A_523 = arith.constant 48 : index
      %swap3A_524 = tpu.vector_load %arg17[%swap3A_522, %swap3A_523] {strides = array<i32>} : memref<80x128xf32, #tpu.memory_space<vmem>>, vector<16xf32>,
      tpu.vector_store %arg17[%swap3A_522, %swap3A_523], %mul3A_521 {strides = array<i32>} : memref<80x128xf32, #tpu.memory_space<vmem>>, vector<16xf32>,
      %scan3A_525 = arith.constant 0 : i32
      scf.yield %scan3A_525 : i32
    }
    %scan3A_133 = arith.constant 40 : i32
    %dma_start3A_134 = tpu.memref_slice %arg7[%add3A_99, %mul3A_2] : memref<320000x128xf32, #tpu.memory_space<hbm>> -> memref<80x64xf32, #tpu.memory_space<hbm>>
    %dma_start3A_135 = tpu.memref_slice %arg7[%add3A_99, %mul3A_2] : memref<320000x128xf32, #tpu.memory_space<hbm>> -> memref<80x64xf32, #tpu.memory_space<hbm>>
    tpu.enqueue_dma source(%arg19 : memref<80x64xf32, #tpu.memory_space<vmem>>) target(%dma_start3A_135 : memref<80x64xf32, #tpu.memory_space<hbm>>) target_semaphore(%arg24 : memref<!tpu.dma_semaphore, #tpu.memory_space<semaphore_mem>>)
    %run_scoped3A_136 = arith.constant 1 : i32
    "tpu.region"() ({
      %run_scoped3A_228 = tpu.sem_alloc : memref<!tpu.dma_semaphore, #tpu.memory_space<semaphore_mem>>
      %dma_start3A_229 = arith.constant 0 : i32
      %dma_start3A_230 = tpu.memref_slice %arg14[%run_scoped3A_136, %dma_start3A_229] : memref<2x80xi32, #tpu.memory_space<vmem>> -> memref<1x80xi32, #tpu.memory_space<vmem>>
      %dma_start3A_231 = tpu.memref_squeeze %dma_start3A_230 : memref<1x80xi32, #tpu.memory_space<vmem>> -> memref<80xi32, #tpu.memory_space<vmem>>
      %dma_start3A_232 = arith.constant 0 : i32
      %dma_start3A_233 = arith.constant 0 : i32
      %dma_start3A_234 = tpu.memref_slice %arg20[%dma_start3A_232, %dma_start3A_233] : memref<10000x128xf32, #tpu.memory_space<vmem_shared>> -> memref<10000x128xf32, #tpu.memory_space<vmem_shared>>
      tpu.enqueue_indirect_dma source(%arg17 : memref<80x128xf32, #tpu.memory_space<vmem>>) target(%dma_start3A_234 : memref<10000x128xf32, #tpu.memory_space<vmem_shared>>) offsets(%dma_start3A_231 : memref<80xi32, #tpu.memory_space<vmem>>) semaphore(%run_scoped3A_228 : memref<!tpu.dma_semaphore, #tpu.memory_space<semaphore_mem>>) {add = true}
      %dma_wait3A_235 = arith.constant 0 : i32
      %dma_wait3A_236 = tpu.memref_slice %arg14[%run_scoped3A_136, %dma_wait3A_235] : memref<2x80xi32, #tpu.memory_space<vmem>> -> memref<1x80xi32, #tpu.memory_space<vmem>>
      %dma_wait3A_237 = tpu.memref_squeeze %dma_wait3A_236 : memref<1x80xi32, #tpu.memory_space<vmem>> -> memref<80xi32, #tpu.memory_space<vmem>>
      %dma_wait3A_238 = arith.constant 0 : i32
      %dma_wait3A_239 = arith.constant 0 : i32
      %dma_wait3A_240 = tpu.memref_slice %arg20[%dma_wait3A_238, %dma_wait3A_239] : memref<10000x128xf32, #tpu.memory_space<vmem_shared>> -> memref<10000x128xf32, #tpu.memory_space<vmem_shared>>
      tpu.wait_indirect_dma semaphore(%run_scoped3A_228 : memref<!tpu.dma_semaphore, #tpu.memory_space<semaphore_mem>>) src(%arg17 : memref<80x128xf32, #tpu.memory_space<vmem>>) dst(%dma_wait3A_240 : memref<10000x128xf32, #tpu.memory_space<vmem_shared>>)
      tpu.yield
    }) : () -> ()
    %dma_wait3A_137 = tpu.memref_slice %arg7[%add3A_99, %mul3A_2] : memref<320000x128xf32, #tpu.memory_space<hbm>> -> memref<80x64xf32, #tpu.memory_space<hbm>>
    %dma_wait3A_138 = tpu.memref_slice %arg7[%add3A_99, %mul3A_2] : memref<320000x128xf32, #tpu.memory_space<hbm>> -> memref<80x64xf32, #tpu.memory_space<hbm>>
    tpu.wait_dma2 semaphore(%arg24 : memref<!tpu.dma_semaphore, #tpu.memory_space<semaphore_mem>>) src(%arg19 : memref<80x64xf32, #tpu.memory_space<vmem>>) dst(%dma_wait3A_138 : memref<80x64xf32, #tpu.memory_space<hbm>>)
    %barrier3A_139 = arith.constant 0 : index
    tpu.barrier barrier_id(%barrier3A_139)
    %mul3A_140 = arith.constant 625 : i32
    %mul3A_141 = arith.muli %arg1, %mul3A_140 : i32
    %add3A_142 = arith.constant 0 : i32
    %add3A_143 = arith.addi %mul3A_141, %add3A_142 : i32
    "tpu.region"() ({
      %run_scoped3A_228 = tpu.sem_alloc : memref<!tpu.dma_semaphore, #tpu.memory_space<semaphore_mem>>
      %dma_start3A_229 = arith.constant 0 : i32
      %dma_start3A_230 = arith.constant 0 : i32
      %dma_start3A_231 = tpu.memref_slice %arg11[%dma_start3A_229, %dma_start3A_230] : memref<80x128xf32, #tpu.memory_space<vmem>> -> memref<80x128xf32, #tpu.memory_space<vmem>>
      %dma_start3A_232 = arith.constant 0 : i32
      %dma_start3A_233 = tpu.memref_slice %arg20[%add3A_143, %dma_start3A_232] : memref<10000x128xf32, #tpu.memory_space<vmem_shared>> -> memref<80x128xf32, #tpu.memory_space<vmem_shared>>
      %dma_start3A_234 = arith.constant 0 : i32
      %dma_start3A_235 = arith.constant 0 : i32
      %dma_start3A_236 = tpu.memref_slice %arg11[%dma_start3A_234, %dma_start3A_235] : memref<80x128xf32, #tpu.memory_space<vmem>> -> memref<80x128xf32, #tpu.memory_space<vmem>>
      %dma_start3A_237 = arith.constant 0 : i32
      %dma_start3A_238 = tpu.memref_slice %arg20[%add3A_143, %dma_start3A_237] : memref<10000x128xf32, #tpu.memory_space<vmem_shared>> -> memref<80x128xf32, #tpu.memory_space<vmem_shared>>
      tpu.enqueue_dma source(%dma_start3A_238 : memref<80x128xf32, #tpu.memory_space<vmem_shared>>) target(%dma_start3A_236 : memref<80x128xf32, #tpu.memory_space<vmem>>) target_semaphore(%run_scoped3A_228 : memref<!tpu.dma_semaphore, #tpu.memory_space<semaphore_mem>>)
      %dma_wait3A_239 = arith.constant 0 : i32
      %dma_wait3A_240 = arith.constant 0 : i32
      %dma_wait3A_241 = tpu.memref_slice %arg11[%dma_wait3A_239, %dma_wait3A_240] : memref<80x128xf32, #tpu.memory_space<vmem>> -> memref<80x128xf32, #tpu.memory_space<vmem>>
      %dma_wait3A_242 = arith.constant 0 : i32
      %dma_wait3A_243 = tpu.memref_slice %arg20[%add3A_143, %dma_wait3A_242] : memref<10000x128xf32, #tpu.memory_space<vmem_shared>> -> memref<80x128xf32, #tpu.memory_space<vmem_shared>>
      %dma_wait3A_244 = arith.constant 0 : i32
      %dma_wait3A_245 = arith.constant 0 : i32
      %dma_wait3A_246 = tpu.memref_slice %arg11[%dma_wait3A_244, %dma_wait3A_245] : memref<80x128xf32, #tpu.memory_space<vmem>> -> memref<80x128xf32, #tpu.memory_space<vmem>>
      %dma_wait3A_247 = arith.constant 0 : i32
      %dma_wait3A_248 = tpu.memref_slice %arg20[%add3A_143, %dma_wait3A_247] : memref<10000x128xf32, #tpu.memory_space<vmem_shared>> -> memref<80x128xf32, #tpu.memory_space<vmem_shared>>
      tpu.wait_dma2 semaphore(%run_scoped3A_228 : memref<!tpu.dma_semaphore, #tpu.memory_space<semaphore_mem>>) src(%dma_wait3A_248 : memref<80x128xf32, #tpu.memory_space<vmem_shared>>) dst(%dma_wait3A_246 : memref<80x128xf32, #tpu.memory_space<vmem>>)
      tpu.yield
    }) : () -> ()
    %scan3A_144 = arith.constant 0 : i32
    %scan3A_145 = arith.constant 0 : i32
    %scan3A_146 = arith.constant 80 : i32
    %scan3A_147 = arith.addi %scan3A_145, %scan3A_146 : i32
    %scan3A_148 = arith.constant 1 : i32
    %scan3A_149 = scf.for %scan3A_228 = %scan3A_145 to %scan3A_147 step %scan3A_148 iter_args(%scan3A_229 = %scan3A_144) -> (i32)  : i32 {
      %get3A = arith.index_cast %scan3A_228 : i32 to index
      %get3A_230 = arith.constant 0 : index
      %get3A_231 = tpu.vector_load %arg11[%get3A, %get3A_230] {strides = array<i32>} : memref<80x128xf32, #tpu.memory_space<vmem>>, vector<16xf32>,
      %get3A_232 = arith.index_cast %scan3A_228 : i32 to index
      %get3A_233 = arith.constant 64 : index
      %get3A_234 = tpu.vector_load %arg11[%get3A_232, %get3A_233] {strides = array<i32>} : memref<80x128xf32, #tpu.memory_space<vmem>>, vector<16xf32>,
      %add3A_235 = arith.constant 9.99999997E-7 : f32
      %add3A_236 = vector.broadcast %add3A_235 : f32 to vector<16xf32>
      %add3A_237 = arith.addf %get3A_234, %add3A_236 : vector<16xf32>
      %div3A = arith.divf %get3A_231, %add3A_237 : vector<16xf32>
      %swap3A = arith.index_cast %scan3A_228 : i32 to index
      %swap3A_238 = arith.constant 0 : index
      %swap3A_239 = tpu.vector_load %arg12[%swap3A, %swap3A_238] {strides = array<i32>} : memref<80x64xf32, #tpu.memory_space<vmem>>, vector<16xf32>,
      tpu.vector_store %arg12[%swap3A, %swap3A_238], %div3A {strides = array<i32>} : memref<80x64xf32, #tpu.memory_space<vmem>>, vector<16xf32>,
      %get3A_240 = arith.index_cast %scan3A_228 : i32 to index
      %get3A_241 = arith.constant 16 : index
      %get3A_242 = tpu.vector_load %arg11[%get3A_240, %get3A_241] {strides = array<i32>} : memref<80x128xf32, #tpu.memory_space<vmem>>, vector<16xf32>,
      %get3A_243 = arith.index_cast %scan3A_228 : i32 to index
      %get3A_244 = arith.constant 80 : index
      %get3A_245 = tpu.vector_load %arg11[%get3A_243, %get3A_244] {strides = array<i32>} : memref<80x128xf32, #tpu.memory_space<vmem>>, vector<16xf32>,
      %add3A_246 = arith.constant 9.99999997E-7 : f32
      %add3A_247 = vector.broadcast %add3A_246 : f32 to vector<16xf32>
      %add3A_248 = arith.addf %get3A_245, %add3A_247 : vector<16xf32>
      %div3A_249 = arith.divf %get3A_242, %add3A_248 : vector<16xf32>
      %swap3A_250 = arith.index_cast %scan3A_228 : i32 to index
      %swap3A_251 = arith.constant 16 : index
      %swap3A_252 = tpu.vector_load %arg12[%swap3A_250, %swap3A_251] {strides = array<i32>} : memref<80x64xf32, #tpu.memory_space<vmem>>, vector<16xf32>,
      tpu.vector_store %arg12[%swap3A_250, %swap3A_251], %div3A_249 {strides = array<i32>} : memref<80x64xf32, #tpu.memory_space<vmem>>, vector<16xf32>,
      %get3A_253 = arith.index_cast %scan3A_228 : i32 to index
      %get3A_254 = arith.constant 32 : index
      %get3A_255 = tpu.vector_load %arg11[%get3A_253, %get3A_254] {strides = array<i32>} : memref<80x128xf32, #tpu.memory_space<vmem>>, vector<16xf32>,
      %get3A_256 = arith.index_cast %scan3A_228 : i32 to index
      %get3A_257 = arith.constant 96 : index
      %get3A_258 = tpu.vector_load %arg11[%get3A_256, %get3A_257] {strides = array<i32>} : memref<80x128xf32, #tpu.memory_space<vmem>>, vector<16xf32>,
      %add3A_259 = arith.constant 9.99999997E-7 : f32
      %add3A_260 = vector.broadcast %add3A_259 : f32 to vector<16xf32>
      %add3A_261 = arith.addf %get3A_258, %add3A_260 : vector<16xf32>
      %div3A_262 = arith.divf %get3A_255, %add3A_261 : vector<16xf32>
      %swap3A_263 = arith.index_cast %scan3A_228 : i32 to index
      %swap3A_264 = arith.constant 32 : index
      %swap3A_265 = tpu.vector_load %arg12[%swap3A_263, %swap3A_264] {strides = array<i32>} : memref<80x64xf32, #tpu.memory_space<vmem>>, vector<16xf32>,
      tpu.vector_store %arg12[%swap3A_263, %swap3A_264], %div3A_262 {strides = array<i32>} : memref<80x64xf32, #tpu.memory_space<vmem>>, vector<16xf32>,
      %get3A_266 = arith.index_cast %scan3A_228 : i32 to index
      %get3A_267 = arith.constant 48 : index
      %get3A_268 = tpu.vector_load %arg11[%get3A_266, %get3A_267] {strides = array<i32>} : memref<80x128xf32, #tpu.memory_space<vmem>>, vector<16xf32>,
      %get3A_269 = arith.index_cast %scan3A_228 : i32 to index
      %get3A_270 = arith.constant 112 : index
      %get3A_271 = tpu.vector_load %arg11[%get3A_269, %get3A_270] {strides = array<i32>} : memref<80x128xf32, #tpu.memory_space<vmem>>, vector<16xf32>,
      %add3A_272 = arith.constant 9.99999997E-7 : f32
      %add3A_273 = vector.broadcast %add3A_272 : f32 to vector<16xf32>
      %add3A_274 = arith.addf %get3A_271, %add3A_273 : vector<16xf32>
      %div3A_275 = arith.divf %get3A_268, %add3A_274 : vector<16xf32>
      %swap3A_276 = arith.index_cast %scan3A_228 : i32 to index
      %swap3A_277 = arith.constant 48 : index
      %swap3A_278 = tpu.vector_load %arg12[%swap3A_276, %swap3A_277] {strides = array<i32>} : memref<80x64xf32, #tpu.memory_space<vmem>>, vector<16xf32>,
      tpu.vector_store %arg12[%swap3A_276, %swap3A_277], %div3A_275 {strides = array<i32>} : memref<80x64xf32, #tpu.memory_space<vmem>>, vector<16xf32>,
      %scan3A_279 = arith.constant 0 : i32
      scf.yield %scan3A_279 : i32
    }
    %scan3A_150 = arith.constant 80 : i32
    "tpu.region"() ({
      %run_scoped3A_228 = tpu.sem_alloc : memref<!tpu.dma_semaphore, #tpu.memory_space<semaphore_mem>>
      %dma_start3A_229 = arith.constant 0 : i32
      %dma_start3A_230 = arith.constant 0 : i32
      %dma_start3A_231 = tpu.memref_slice %arg12[%dma_start3A_229, %dma_start3A_230] : memref<80x64xf32, #tpu.memory_space<vmem>> -> memref<80x64xf32, #tpu.memory_space<vmem>>
      %dma_start3A_232 = tpu.memref_slice %arg6[%add3A_143, %mul3A_2] : memref<10000x128xf32, #tpu.memory_space<hbm>> -> memref<80x64xf32, #tpu.memory_space<hbm>>
      %dma_start3A_233 = tpu.memref_slice %arg6[%add3A_143, %mul3A_2] : memref<10000x128xf32, #tpu.memory_space<hbm>> -> memref<80x64xf32, #tpu.memory_space<hbm>>
      %dma_start3A_234 = arith.constant 0 : i32
      %dma_start3A_235 = arith.constant 0 : i32
      %dma_start3A_236 = tpu.memref_slice %arg12[%dma_start3A_234, %dma_start3A_235] : memref<80x64xf32, #tpu.memory_space<vmem>> -> memref<80x64xf32, #tpu.memory_space<vmem>>
      tpu.enqueue_dma source(%dma_start3A_236 : memref<80x64xf32, #tpu.memory_space<vmem>>) target(%dma_start3A_233 : memref<80x64xf32, #tpu.memory_space<hbm>>) target_semaphore(%run_scoped3A_228 : memref<!tpu.dma_semaphore, #tpu.memory_space<semaphore_mem>>)
      %dma_wait3A_237 = arith.constant 0 : i32
      %dma_wait3A_238 = arith.constant 0 : i32
      %dma_wait3A_239 = tpu.memref_slice %arg12[%dma_wait3A_237, %dma_wait3A_238] : memref<80x64xf32, #tpu.memory_space<vmem>> -> memref<80x64xf32, #tpu.memory_space<vmem>>
      %dma_wait3A_240 = tpu.memref_slice %arg6[%add3A_143, %mul3A_2] : memref<10000x128xf32, #tpu.memory_space<hbm>> -> memref<80x64xf32, #tpu.memory_space<hbm>>
      %dma_wait3A_241 = tpu.memref_slice %arg6[%add3A_143, %mul3A_2] : memref<10000x128xf32, #tpu.memory_space<hbm>> -> memref<80x64xf32, #tpu.memory_space<hbm>>
      %dma_wait3A_242 = arith.constant 0 : i32
      %dma_wait3A_243 = arith.constant 0 : i32
      %dma_wait3A_244 = tpu.memref_slice %arg12[%dma_wait3A_242, %dma_wait3A_243] : memref<80x64xf32, #tpu.memory_space<vmem>> -> memref<80x64xf32, #tpu.memory_space<vmem>>
      tpu.wait_dma2 semaphore(%run_scoped3A_228 : memref<!tpu.dma_semaphore, #tpu.memory_space<semaphore_mem>>) src(%dma_wait3A_244 : memref<80x64xf32, #tpu.memory_space<vmem>>) dst(%dma_wait3A_241 : memref<80x64xf32, #tpu.memory_space<hbm>>)
      tpu.yield
    }) : () -> ()
    %mul3A_151 = arith.constant 625 : i32
    %mul3A_152 = arith.muli %arg1, %mul3A_151 : i32
    %add3A_153 = arith.constant 80 : i32
    %add3A_154 = arith.addi %mul3A_152, %add3A_153 : i32
    "tpu.region"() ({
      %run_scoped3A_228 = tpu.sem_alloc : memref<!tpu.dma_semaphore, #tpu.memory_space<semaphore_mem>>
      %dma_start3A_229 = arith.constant 0 : i32
      %dma_start3A_230 = arith.constant 0 : i32
      %dma_start3A_231 = tpu.memref_slice %arg11[%dma_start3A_229, %dma_start3A_230] : memref<80x128xf32, #tpu.memory_space<vmem>> -> memref<80x128xf32, #tpu.memory_space<vmem>>
      %dma_start3A_232 = arith.constant 0 : i32
      %dma_start3A_233 = tpu.memref_slice %arg20[%add3A_154, %dma_start3A_232] : memref<10000x128xf32, #tpu.memory_space<vmem_shared>> -> memref<80x128xf32, #tpu.memory_space<vmem_shared>>
      %dma_start3A_234 = arith.constant 0 : i32
      %dma_start3A_235 = arith.constant 0 : i32
      %dma_start3A_236 = tpu.memref_slice %arg11[%dma_start3A_234, %dma_start3A_235] : memref<80x128xf32, #tpu.memory_space<vmem>> -> memref<80x128xf32, #tpu.memory_space<vmem>>
      %dma_start3A_237 = arith.constant 0 : i32
      %dma_start3A_238 = tpu.memref_slice %arg20[%add3A_154, %dma_start3A_237] : memref<10000x128xf32, #tpu.memory_space<vmem_shared>> -> memref<80x128xf32, #tpu.memory_space<vmem_shared>>
      tpu.enqueue_dma source(%dma_start3A_238 : memref<80x128xf32, #tpu.memory_space<vmem_shared>>) target(%dma_start3A_236 : memref<80x128xf32, #tpu.memory_space<vmem>>) target_semaphore(%run_scoped3A_228 : memref<!tpu.dma_semaphore, #tpu.memory_space<semaphore_mem>>)
      %dma_wait3A_239 = arith.constant 0 : i32
      %dma_wait3A_240 = arith.constant 0 : i32
      %dma_wait3A_241 = tpu.memref_slice %arg11[%dma_wait3A_239, %dma_wait3A_240] : memref<80x128xf32, #tpu.memory_space<vmem>> -> memref<80x128xf32, #tpu.memory_space<vmem>>
      %dma_wait3A_242 = arith.constant 0 : i32
      %dma_wait3A_243 = tpu.memref_slice %arg20[%add3A_154, %dma_wait3A_242] : memref<10000x128xf32, #tpu.memory_space<vmem_shared>> -> memref<80x128xf32, #tpu.memory_space<vmem_shared>>
      %dma_wait3A_244 = arith.constant 0 : i32
      %dma_wait3A_245 = arith.constant 0 : i32
      %dma_wait3A_246 = tpu.memref_slice %arg11[%dma_wait3A_244, %dma_wait3A_245] : memref<80x128xf32, #tpu.memory_space<vmem>> -> memref<80x128xf32, #tpu.memory_space<vmem>>
      %dma_wait3A_247 = arith.constant 0 : i32
      %dma_wait3A_248 = tpu.memref_slice %arg20[%add3A_154, %dma_wait3A_247] : memref<10000x128xf32, #tpu.memory_space<vmem_shared>> -> memref<80x128xf32, #tpu.memory_space<vmem_shared>>
      tpu.wait_dma2 semaphore(%run_scoped3A_228 : memref<!tpu.dma_semaphore, #tpu.memory_space<semaphore_mem>>) src(%dma_wait3A_248 : memref<80x128xf32, #tpu.memory_space<vmem_shared>>) dst(%dma_wait3A_246 : memref<80x128xf32, #tpu.memory_space<vmem>>)
      tpu.yield
    }) : () -> ()
    %scan3A_155 = arith.constant 0 : i32
    %scan3A_156 = arith.constant 0 : i32
    %scan3A_157 = arith.constant 80 : i32
    %scan3A_158 = arith.addi %scan3A_156, %scan3A_157 : i32
    %scan3A_159 = arith.constant 1 : i32
    %scan3A_160 = scf.for %scan3A_228 = %scan3A_156 to %scan3A_158 step %scan3A_159 iter_args(%scan3A_229 = %scan3A_155) -> (i32)  : i32 {
      %get3A = arith.index_cast %scan3A_228 : i32 to index
      %get3A_230 = arith.constant 0 : index
      %get3A_231 = tpu.vector_load %arg11[%get3A, %get3A_230] {strides = array<i32>} : memref<80x128xf32, #tpu.memory_space<vmem>>, vector<16xf32>,
      %get3A_232 = arith.index_cast %scan3A_228 : i32 to index
      %get3A_233 = arith.constant 64 : index
      %get3A_234 = tpu.vector_load %arg11[%get3A_232, %get3A_233] {strides = array<i32>} : memref<80x128xf32, #tpu.memory_space<vmem>>, vector<16xf32>,
      %add3A_235 = arith.constant 9.99999997E-7 : f32
      %add3A_236 = vector.broadcast %add3A_235 : f32 to vector<16xf32>
      %add3A_237 = arith.addf %get3A_234, %add3A_236 : vector<16xf32>
      %div3A = arith.divf %get3A_231, %add3A_237 : vector<16xf32>
      %swap3A = arith.index_cast %scan3A_228 : i32 to index
      %swap3A_238 = arith.constant 0 : index
      %swap3A_239 = tpu.vector_load %arg12[%swap3A, %swap3A_238] {strides = array<i32>} : memref<80x64xf32, #tpu.memory_space<vmem>>, vector<16xf32>,
      tpu.vector_store %arg12[%swap3A, %swap3A_238], %div3A {strides = array<i32>} : memref<80x64xf32, #tpu.memory_space<vmem>>, vector<16xf32>,
      %get3A_240 = arith.index_cast %scan3A_228 : i32 to index
      %get3A_241 = arith.constant 16 : index
      %get3A_242 = tpu.vector_load %arg11[%get3A_240, %get3A_241] {strides = array<i32>} : memref<80x128xf32, #tpu.memory_space<vmem>>, vector<16xf32>,
      %get3A_243 = arith.index_cast %scan3A_228 : i32 to index
      %get3A_244 = arith.constant 80 : index
      %get3A_245 = tpu.vector_load %arg11[%get3A_243, %get3A_244] {strides = array<i32>} : memref<80x128xf32, #tpu.memory_space<vmem>>, vector<16xf32>,
      %add3A_246 = arith.constant 9.99999997E-7 : f32
      %add3A_247 = vector.broadcast %add3A_246 : f32 to vector<16xf32>
      %add3A_248 = arith.addf %get3A_245, %add3A_247 : vector<16xf32>
      %div3A_249 = arith.divf %get3A_242, %add3A_248 : vector<16xf32>
      %swap3A_250 = arith.index_cast %scan3A_228 : i32 to index
      %swap3A_251 = arith.constant 16 : index
      %swap3A_252 = tpu.vector_load %arg12[%swap3A_250, %swap3A_251] {strides = array<i32>} : memref<80x64xf32, #tpu.memory_space<vmem>>, vector<16xf32>,
      tpu.vector_store %arg12[%swap3A_250, %swap3A_251], %div3A_249 {strides = array<i32>} : memref<80x64xf32, #tpu.memory_space<vmem>>, vector<16xf32>,
      %get3A_253 = arith.index_cast %scan3A_228 : i32 to index
      %get3A_254 = arith.constant 32 : index
      %get3A_255 = tpu.vector_load %arg11[%get3A_253, %get3A_254] {strides = array<i32>} : memref<80x128xf32, #tpu.memory_space<vmem>>, vector<16xf32>,
      %get3A_256 = arith.index_cast %scan3A_228 : i32 to index
      %get3A_257 = arith.constant 96 : index
      %get3A_258 = tpu.vector_load %arg11[%get3A_256, %get3A_257] {strides = array<i32>} : memref<80x128xf32, #tpu.memory_space<vmem>>, vector<16xf32>,
      %add3A_259 = arith.constant 9.99999997E-7 : f32
      %add3A_260 = vector.broadcast %add3A_259 : f32 to vector<16xf32>
      %add3A_261 = arith.addf %get3A_258, %add3A_260 : vector<16xf32>
      %div3A_262 = arith.divf %get3A_255, %add3A_261 : vector<16xf32>
      %swap3A_263 = arith.index_cast %scan3A_228 : i32 to index
      %swap3A_264 = arith.constant 32 : index
      %swap3A_265 = tpu.vector_load %arg12[%swap3A_263, %swap3A_264] {strides = array<i32>} : memref<80x64xf32, #tpu.memory_space<vmem>>, vector<16xf32>,
      tpu.vector_store %arg12[%swap3A_263, %swap3A_264], %div3A_262 {strides = array<i32>} : memref<80x64xf32, #tpu.memory_space<vmem>>, vector<16xf32>,
      %get3A_266 = arith.index_cast %scan3A_228 : i32 to index
      %get3A_267 = arith.constant 48 : index
      %get3A_268 = tpu.vector_load %arg11[%get3A_266, %get3A_267] {strides = array<i32>} : memref<80x128xf32, #tpu.memory_space<vmem>>, vector<16xf32>,
      %get3A_269 = arith.index_cast %scan3A_228 : i32 to index
      %get3A_270 = arith.constant 112 : index
      %get3A_271 = tpu.vector_load %arg11[%get3A_269, %get3A_270] {strides = array<i32>} : memref<80x128xf32, #tpu.memory_space<vmem>>, vector<16xf32>,
      %add3A_272 = arith.constant 9.99999997E-7 : f32
      %add3A_273 = vector.broadcast %add3A_272 : f32 to vector<16xf32>
      %add3A_274 = arith.addf %get3A_271, %add3A_273 : vector<16xf32>
      %div3A_275 = arith.divf %get3A_268, %add3A_274 : vector<16xf32>
      %swap3A_276 = arith.index_cast %scan3A_228 : i32 to index
      %swap3A_277 = arith.constant 48 : index
      %swap3A_278 = tpu.vector_load %arg12[%swap3A_276, %swap3A_277] {strides = array<i32>} : memref<80x64xf32, #tpu.memory_space<vmem>>, vector<16xf32>,
      tpu.vector_store %arg12[%swap3A_276, %swap3A_277], %div3A_275 {strides = array<i32>} : memref<80x64xf32, #tpu.memory_space<vmem>>, vector<16xf32>,
      %scan3A_279 = arith.constant 0 : i32
      scf.yield %scan3A_279 : i32
    }
    %scan3A_161 = arith.constant 80 : i32
    "tpu.region"() ({
      %run_scoped3A_228 = tpu.sem_alloc : memref<!tpu.dma_semaphore, #tpu.memory_space<semaphore_mem>>
      %dma_start3A_229 = arith.constant 0 : i32
      %dma_start3A_230 = arith.constant 0 : i32
      %dma_start3A_231 = tpu.memref_slice %arg12[%dma_start3A_229, %dma_start3A_230] : memref<80x64xf32, #tpu.memory_space<vmem>> -> memref<80x64xf32, #tpu.memory_space<vmem>>
      %dma_start3A_232 = tpu.memref_slice %arg6[%add3A_154, %mul3A_2] : memref<10000x128xf32, #tpu.memory_space<hbm>> -> memref<80x64xf32, #tpu.memory_space<hbm>>
      %dma_start3A_233 = tpu.memref_slice %arg6[%add3A_154, %mul3A_2] : memref<10000x128xf32, #tpu.memory_space<hbm>> -> memref<80x64xf32, #tpu.memory_space<hbm>>
      %dma_start3A_234 = arith.constant 0 : i32
      %dma_start3A_235 = arith.constant 0 : i32
      %dma_start3A_236 = tpu.memref_slice %arg12[%dma_start3A_234, %dma_start3A_235] : memref<80x64xf32, #tpu.memory_space<vmem>> -> memref<80x64xf32, #tpu.memory_space<vmem>>
      tpu.enqueue_dma source(%dma_start3A_236 : memref<80x64xf32, #tpu.memory_space<vmem>>) target(%dma_start3A_233 : memref<80x64xf32, #tpu.memory_space<hbm>>) target_semaphore(%run_scoped3A_228 : memref<!tpu.dma_semaphore, #tpu.memory_space<semaphore_mem>>)
      %dma_wait3A_237 = arith.constant 0 : i32
      %dma_wait3A_238 = arith.constant 0 : i32
      %dma_wait3A_239 = tpu.memref_slice %arg12[%dma_wait3A_237, %dma_wait3A_238] : memref<80x64xf32, #tpu.memory_space<vmem>> -> memref<80x64xf32, #tpu.memory_space<vmem>>
      %dma_wait3A_240 = tpu.memref_slice %arg6[%add3A_154, %mul3A_2] : memref<10000x128xf32, #tpu.memory_space<hbm>> -> memref<80x64xf32, #tpu.memory_space<hbm>>
      %dma_wait3A_241 = tpu.memref_slice %arg6[%add3A_154, %mul3A_2] : memref<10000x128xf32, #tpu.memory_space<hbm>> -> memref<80x64xf32, #tpu.memory_space<hbm>>
      %dma_wait3A_242 = arith.constant 0 : i32
      %dma_wait3A_243 = arith.constant 0 : i32
      %dma_wait3A_244 = tpu.memref_slice %arg12[%dma_wait3A_242, %dma_wait3A_243] : memref<80x64xf32, #tpu.memory_space<vmem>> -> memref<80x64xf32, #tpu.memory_space<vmem>>
      tpu.wait_dma2 semaphore(%run_scoped3A_228 : memref<!tpu.dma_semaphore, #tpu.memory_space<semaphore_mem>>) src(%dma_wait3A_244 : memref<80x64xf32, #tpu.memory_space<vmem>>) dst(%dma_wait3A_241 : memref<80x64xf32, #tpu.memory_space<hbm>>)
      tpu.yield
    }) : () -> ()
    %mul3A_162 = arith.constant 625 : i32
    %mul3A_163 = arith.muli %arg1, %mul3A_162 : i32
    %add3A_164 = arith.constant 160 : i32
    %add3A_165 = arith.addi %mul3A_163, %add3A_164 : i32
    "tpu.region"() ({
      %run_scoped3A_228 = tpu.sem_alloc : memref<!tpu.dma_semaphore, #tpu.memory_space<semaphore_mem>>
      %dma_start3A_229 = arith.constant 0 : i32
      %dma_start3A_230 = arith.constant 0 : i32
      %dma_start3A_231 = tpu.memref_slice %arg11[%dma_start3A_229, %dma_start3A_230] : memref<80x128xf32, #tpu.memory_space<vmem>> -> memref<80x128xf32, #tpu.memory_space<vmem>>
      %dma_start3A_232 = arith.constant 0 : i32
      %dma_start3A_233 = tpu.memref_slice %arg20[%add3A_165, %dma_start3A_232] : memref<10000x128xf32, #tpu.memory_space<vmem_shared>> -> memref<80x128xf32, #tpu.memory_space<vmem_shared>>
      %dma_start3A_234 = arith.constant 0 : i32
      %dma_start3A_235 = arith.constant 0 : i32
      %dma_start3A_236 = tpu.memref_slice %arg11[%dma_start3A_234, %dma_start3A_235] : memref<80x128xf32, #tpu.memory_space<vmem>> -> memref<80x128xf32, #tpu.memory_space<vmem>>
      %dma_start3A_237 = arith.constant 0 : i32
      %dma_start3A_238 = tpu.memref_slice %arg20[%add3A_165, %dma_start3A_237] : memref<10000x128xf32, #tpu.memory_space<vmem_shared>> -> memref<80x128xf32, #tpu.memory_space<vmem_shared>>
      tpu.enqueue_dma source(%dma_start3A_238 : memref<80x128xf32, #tpu.memory_space<vmem_shared>>) target(%dma_start3A_236 : memref<80x128xf32, #tpu.memory_space<vmem>>) target_semaphore(%run_scoped3A_228 : memref<!tpu.dma_semaphore, #tpu.memory_space<semaphore_mem>>)
      %dma_wait3A_239 = arith.constant 0 : i32
      %dma_wait3A_240 = arith.constant 0 : i32
      %dma_wait3A_241 = tpu.memref_slice %arg11[%dma_wait3A_239, %dma_wait3A_240] : memref<80x128xf32, #tpu.memory_space<vmem>> -> memref<80x128xf32, #tpu.memory_space<vmem>>
      %dma_wait3A_242 = arith.constant 0 : i32
      %dma_wait3A_243 = tpu.memref_slice %arg20[%add3A_165, %dma_wait3A_242] : memref<10000x128xf32, #tpu.memory_space<vmem_shared>> -> memref<80x128xf32, #tpu.memory_space<vmem_shared>>
      %dma_wait3A_244 = arith.constant 0 : i32
      %dma_wait3A_245 = arith.constant 0 : i32
      %dma_wait3A_246 = tpu.memref_slice %arg11[%dma_wait3A_244, %dma_wait3A_245] : memref<80x128xf32, #tpu.memory_space<vmem>> -> memref<80x128xf32, #tpu.memory_space<vmem>>
      %dma_wait3A_247 = arith.constant 0 : i32
      %dma_wait3A_248 = tpu.memref_slice %arg20[%add3A_165, %dma_wait3A_247] : memref<10000x128xf32, #tpu.memory_space<vmem_shared>> -> memref<80x128xf32, #tpu.memory_space<vmem_shared>>
      tpu.wait_dma2 semaphore(%run_scoped3A_228 : memref<!tpu.dma_semaphore, #tpu.memory_space<semaphore_mem>>) src(%dma_wait3A_248 : memref<80x128xf32, #tpu.memory_space<vmem_shared>>) dst(%dma_wait3A_246 : memref<80x128xf32, #tpu.memory_space<vmem>>)
      tpu.yield
    }) : () -> ()
    %scan3A_166 = arith.constant 0 : i32
    %scan3A_167 = arith.constant 0 : i32
    %scan3A_168 = arith.constant 80 : i32
    %scan3A_169 = arith.addi %scan3A_167, %scan3A_168 : i32
    %scan3A_170 = arith.constant 1 : i32
    %scan3A_171 = scf.for %scan3A_228 = %scan3A_167 to %scan3A_169 step %scan3A_170 iter_args(%scan3A_229 = %scan3A_166) -> (i32)  : i32 {
      %get3A = arith.index_cast %scan3A_228 : i32 to index
      %get3A_230 = arith.constant 0 : index
      %get3A_231 = tpu.vector_load %arg11[%get3A, %get3A_230] {strides = array<i32>} : memref<80x128xf32, #tpu.memory_space<vmem>>, vector<16xf32>,
      %get3A_232 = arith.index_cast %scan3A_228 : i32 to index
      %get3A_233 = arith.constant 64 : index
      %get3A_234 = tpu.vector_load %arg11[%get3A_232, %get3A_233] {strides = array<i32>} : memref<80x128xf32, #tpu.memory_space<vmem>>, vector<16xf32>,
      %add3A_235 = arith.constant 9.99999997E-7 : f32
      %add3A_236 = vector.broadcast %add3A_235 : f32 to vector<16xf32>
      %add3A_237 = arith.addf %get3A_234, %add3A_236 : vector<16xf32>
      %div3A = arith.divf %get3A_231, %add3A_237 : vector<16xf32>
      %swap3A = arith.index_cast %scan3A_228 : i32 to index
      %swap3A_238 = arith.constant 0 : index
      %swap3A_239 = tpu.vector_load %arg12[%swap3A, %swap3A_238] {strides = array<i32>} : memref<80x64xf32, #tpu.memory_space<vmem>>, vector<16xf32>,
      tpu.vector_store %arg12[%swap3A, %swap3A_238], %div3A {strides = array<i32>} : memref<80x64xf32, #tpu.memory_space<vmem>>, vector<16xf32>,
      %get3A_240 = arith.index_cast %scan3A_228 : i32 to index
      %get3A_241 = arith.constant 16 : index
      %get3A_242 = tpu.vector_load %arg11[%get3A_240, %get3A_241] {strides = array<i32>} : memref<80x128xf32, #tpu.memory_space<vmem>>, vector<16xf32>,
      %get3A_243 = arith.index_cast %scan3A_228 : i32 to index
      %get3A_244 = arith.constant 80 : index
      %get3A_245 = tpu.vector_load %arg11[%get3A_243, %get3A_244] {strides = array<i32>} : memref<80x128xf32, #tpu.memory_space<vmem>>, vector<16xf32>,
      %add3A_246 = arith.constant 9.99999997E-7 : f32
      %add3A_247 = vector.broadcast %add3A_246 : f32 to vector<16xf32>
      %add3A_248 = arith.addf %get3A_245, %add3A_247 : vector<16xf32>
      %div3A_249 = arith.divf %get3A_242, %add3A_248 : vector<16xf32>
      %swap3A_250 = arith.index_cast %scan3A_228 : i32 to index
      %swap3A_251 = arith.constant 16 : index
      %swap3A_252 = tpu.vector_load %arg12[%swap3A_250, %swap3A_251] {strides = array<i32>} : memref<80x64xf32, #tpu.memory_space<vmem>>, vector<16xf32>,
      tpu.vector_store %arg12[%swap3A_250, %swap3A_251], %div3A_249 {strides = array<i32>} : memref<80x64xf32, #tpu.memory_space<vmem>>, vector<16xf32>,
      %get3A_253 = arith.index_cast %scan3A_228 : i32 to index
      %get3A_254 = arith.constant 32 : index
      %get3A_255 = tpu.vector_load %arg11[%get3A_253, %get3A_254] {strides = array<i32>} : memref<80x128xf32, #tpu.memory_space<vmem>>, vector<16xf32>,
      %get3A_256 = arith.index_cast %scan3A_228 : i32 to index
      %get3A_257 = arith.constant 96 : index
      %get3A_258 = tpu.vector_load %arg11[%get3A_256, %get3A_257] {strides = array<i32>} : memref<80x128xf32, #tpu.memory_space<vmem>>, vector<16xf32>,
      %add3A_259 = arith.constant 9.99999997E-7 : f32
      %add3A_260 = vector.broadcast %add3A_259 : f32 to vector<16xf32>
      %add3A_261 = arith.addf %get3A_258, %add3A_260 : vector<16xf32>
      %div3A_262 = arith.divf %get3A_255, %add3A_261 : vector<16xf32>
      %swap3A_263 = arith.index_cast %scan3A_228 : i32 to index
      %swap3A_264 = arith.constant 32 : index
      %swap3A_265 = tpu.vector_load %arg12[%swap3A_263, %swap3A_264] {strides = array<i32>} : memref<80x64xf32, #tpu.memory_space<vmem>>, vector<16xf32>,
      tpu.vector_store %arg12[%swap3A_263, %swap3A_264], %div3A_262 {strides = array<i32>} : memref<80x64xf32, #tpu.memory_space<vmem>>, vector<16xf32>,
      %get3A_266 = arith.index_cast %scan3A_228 : i32 to index
      %get3A_267 = arith.constant 48 : index
      %get3A_268 = tpu.vector_load %arg11[%get3A_266, %get3A_267] {strides = array<i32>} : memref<80x128xf32, #tpu.memory_space<vmem>>, vector<16xf32>,
      %get3A_269 = arith.index_cast %scan3A_228 : i32 to index
      %get3A_270 = arith.constant 112 : index
      %get3A_271 = tpu.vector_load %arg11[%get3A_269, %get3A_270] {strides = array<i32>} : memref<80x128xf32, #tpu.memory_space<vmem>>, vector<16xf32>,
      %add3A_272 = arith.constant 9.99999997E-7 : f32
      %add3A_273 = vector.broadcast %add3A_272 : f32 to vector<16xf32>
      %add3A_274 = arith.addf %get3A_271, %add3A_273 : vector<16xf32>
      %div3A_275 = arith.divf %get3A_268, %add3A_274 : vector<16xf32>
      %swap3A_276 = arith.index_cast %scan3A_228 : i32 to index
      %swap3A_277 = arith.constant 48 : index
      %swap3A_278 = tpu.vector_load %arg12[%swap3A_276, %swap3A_277] {strides = array<i32>} : memref<80x64xf32, #tpu.memory_space<vmem>>, vector<16xf32>,
      tpu.vector_store %arg12[%swap3A_276, %swap3A_277], %div3A_275 {strides = array<i32>} : memref<80x64xf32, #tpu.memory_space<vmem>>, vector<16xf32>,
      %scan3A_279 = arith.constant 0 : i32
      scf.yield %scan3A_279 : i32
    }
    %scan3A_172 = arith.constant 80 : i32
    "tpu.region"() ({
      %run_scoped3A_228 = tpu.sem_alloc : memref<!tpu.dma_semaphore, #tpu.memory_space<semaphore_mem>>
      %dma_start3A_229 = arith.constant 0 : i32
      %dma_start3A_230 = arith.constant 0 : i32
      %dma_start3A_231 = tpu.memref_slice %arg12[%dma_start3A_229, %dma_start3A_230] : memref<80x64xf32, #tpu.memory_space<vmem>> -> memref<80x64xf32, #tpu.memory_space<vmem>>
      %dma_start3A_232 = tpu.memref_slice %arg6[%add3A_165, %mul3A_2] : memref<10000x128xf32, #tpu.memory_space<hbm>> -> memref<80x64xf32, #tpu.memory_space<hbm>>
      %dma_start3A_233 = tpu.memref_slice %arg6[%add3A_165, %mul3A_2] : memref<10000x128xf32, #tpu.memory_space<hbm>> -> memref<80x64xf32, #tpu.memory_space<hbm>>
      %dma_start3A_234 = arith.constant 0 : i32
      %dma_start3A_235 = arith.constant 0 : i32
      %dma_start3A_236 = tpu.memref_slice %arg12[%dma_start3A_234, %dma_start3A_235] : memref<80x64xf32, #tpu.memory_space<vmem>> -> memref<80x64xf32, #tpu.memory_space<vmem>>
      tpu.enqueue_dma source(%dma_start3A_236 : memref<80x64xf32, #tpu.memory_space<vmem>>) target(%dma_start3A_233 : memref<80x64xf32, #tpu.memory_space<hbm>>) target_semaphore(%run_scoped3A_228 : memref<!tpu.dma_semaphore, #tpu.memory_space<semaphore_mem>>)
      %dma_wait3A_237 = arith.constant 0 : i32
      %dma_wait3A_238 = arith.constant 0 : i32
      %dma_wait3A_239 = tpu.memref_slice %arg12[%dma_wait3A_237, %dma_wait3A_238] : memref<80x64xf32, #tpu.memory_space<vmem>> -> memref<80x64xf32, #tpu.memory_space<vmem>>
      %dma_wait3A_240 = tpu.memref_slice %arg6[%add3A_165, %mul3A_2] : memref<10000x128xf32, #tpu.memory_space<hbm>> -> memref<80x64xf32, #tpu.memory_space<hbm>>
      %dma_wait3A_241 = tpu.memref_slice %arg6[%add3A_165, %mul3A_2] : memref<10000x128xf32, #tpu.memory_space<hbm>> -> memref<80x64xf32, #tpu.memory_space<hbm>>
      %dma_wait3A_242 = arith.constant 0 : i32
      %dma_wait3A_243 = arith.constant 0 : i32
      %dma_wait3A_244 = tpu.memref_slice %arg12[%dma_wait3A_242, %dma_wait3A_243] : memref<80x64xf32, #tpu.memory_space<vmem>> -> memref<80x64xf32, #tpu.memory_space<vmem>>
      tpu.wait_dma2 semaphore(%run_scoped3A_228 : memref<!tpu.dma_semaphore, #tpu.memory_space<semaphore_mem>>) src(%dma_wait3A_244 : memref<80x64xf32, #tpu.memory_space<vmem>>) dst(%dma_wait3A_241 : memref<80x64xf32, #tpu.memory_space<hbm>>)
      tpu.yield
    }) : () -> ()
    %mul3A_173 = arith.constant 625 : i32
    %mul3A_174 = arith.muli %arg1, %mul3A_173 : i32
    %add3A_175 = arith.constant 240 : i32
    %add3A_176 = arith.addi %mul3A_174, %add3A_175 : i32
    "tpu.region"() ({
      %run_scoped3A_228 = tpu.sem_alloc : memref<!tpu.dma_semaphore, #tpu.memory_space<semaphore_mem>>
      %dma_start3A_229 = arith.constant 0 : i32
      %dma_start3A_230 = arith.constant 0 : i32
      %dma_start3A_231 = tpu.memref_slice %arg11[%dma_start3A_229, %dma_start3A_230] : memref<80x128xf32, #tpu.memory_space<vmem>> -> memref<80x128xf32, #tpu.memory_space<vmem>>
      %dma_start3A_232 = arith.constant 0 : i32
      %dma_start3A_233 = tpu.memref_slice %arg20[%add3A_176, %dma_start3A_232] : memref<10000x128xf32, #tpu.memory_space<vmem_shared>> -> memref<80x128xf32, #tpu.memory_space<vmem_shared>>
      %dma_start3A_234 = arith.constant 0 : i32
      %dma_start3A_235 = arith.constant 0 : i32
      %dma_start3A_236 = tpu.memref_slice %arg11[%dma_start3A_234, %dma_start3A_235] : memref<80x128xf32, #tpu.memory_space<vmem>> -> memref<80x128xf32, #tpu.memory_space<vmem>>
      %dma_start3A_237 = arith.constant 0 : i32
      %dma_start3A_238 = tpu.memref_slice %arg20[%add3A_176, %dma_start3A_237] : memref<10000x128xf32, #tpu.memory_space<vmem_shared>> -> memref<80x128xf32, #tpu.memory_space<vmem_shared>>
      tpu.enqueue_dma source(%dma_start3A_238 : memref<80x128xf32, #tpu.memory_space<vmem_shared>>) target(%dma_start3A_236 : memref<80x128xf32, #tpu.memory_space<vmem>>) target_semaphore(%run_scoped3A_228 : memref<!tpu.dma_semaphore, #tpu.memory_space<semaphore_mem>>)
      %dma_wait3A_239 = arith.constant 0 : i32
      %dma_wait3A_240 = arith.constant 0 : i32
      %dma_wait3A_241 = tpu.memref_slice %arg11[%dma_wait3A_239, %dma_wait3A_240] : memref<80x128xf32, #tpu.memory_space<vmem>> -> memref<80x128xf32, #tpu.memory_space<vmem>>
      %dma_wait3A_242 = arith.constant 0 : i32
      %dma_wait3A_243 = tpu.memref_slice %arg20[%add3A_176, %dma_wait3A_242] : memref<10000x128xf32, #tpu.memory_space<vmem_shared>> -> memref<80x128xf32, #tpu.memory_space<vmem_shared>>
      %dma_wait3A_244 = arith.constant 0 : i32
      %dma_wait3A_245 = arith.constant 0 : i32
      %dma_wait3A_246 = tpu.memref_slice %arg11[%dma_wait3A_244, %dma_wait3A_245] : memref<80x128xf32, #tpu.memory_space<vmem>> -> memref<80x128xf32, #tpu.memory_space<vmem>>
      %dma_wait3A_247 = arith.constant 0 : i32
      %dma_wait3A_248 = tpu.memref_slice %arg20[%add3A_176, %dma_wait3A_247] : memref<10000x128xf32, #tpu.memory_space<vmem_shared>> -> memref<80x128xf32, #tpu.memory_space<vmem_shared>>
      tpu.wait_dma2 semaphore(%run_scoped3A_228 : memref<!tpu.dma_semaphore, #tpu.memory_space<semaphore_mem>>) src(%dma_wait3A_248 : memref<80x128xf32, #tpu.memory_space<vmem_shared>>) dst(%dma_wait3A_246 : memref<80x128xf32, #tpu.memory_space<vmem>>)
      tpu.yield
    }) : () -> ()
    %scan3A_177 = arith.constant 0 : i32
    %scan3A_178 = arith.constant 0 : i32
    %scan3A_179 = arith.constant 80 : i32
    %scan3A_180 = arith.addi %scan3A_178, %scan3A_179 : i32
    %scan3A_181 = arith.constant 1 : i32
    %scan3A_182 = scf.for %scan3A_228 = %scan3A_178 to %scan3A_180 step %scan3A_181 iter_args(%scan3A_229 = %scan3A_177) -> (i32)  : i32 {
      %get3A = arith.index_cast %scan3A_228 : i32 to index
      %get3A_230 = arith.constant 0 : index
      %get3A_231 = tpu.vector_load %arg11[%get3A, %get3A_230] {strides = array<i32>} : memref<80x128xf32, #tpu.memory_space<vmem>>, vector<16xf32>,
      %get3A_232 = arith.index_cast %scan3A_228 : i32 to index
      %get3A_233 = arith.constant 64 : index
      %get3A_234 = tpu.vector_load %arg11[%get3A_232, %get3A_233] {strides = array<i32>} : memref<80x128xf32, #tpu.memory_space<vmem>>, vector<16xf32>,
      %add3A_235 = arith.constant 9.99999997E-7 : f32
      %add3A_236 = vector.broadcast %add3A_235 : f32 to vector<16xf32>
      %add3A_237 = arith.addf %get3A_234, %add3A_236 : vector<16xf32>
      %div3A = arith.divf %get3A_231, %add3A_237 : vector<16xf32>
      %swap3A = arith.index_cast %scan3A_228 : i32 to index
      %swap3A_238 = arith.constant 0 : index
      %swap3A_239 = tpu.vector_load %arg12[%swap3A, %swap3A_238] {strides = array<i32>} : memref<80x64xf32, #tpu.memory_space<vmem>>, vector<16xf32>,
      tpu.vector_store %arg12[%swap3A, %swap3A_238], %div3A {strides = array<i32>} : memref<80x64xf32, #tpu.memory_space<vmem>>, vector<16xf32>,
      %get3A_240 = arith.index_cast %scan3A_228 : i32 to index
      %get3A_241 = arith.constant 16 : index
      %get3A_242 = tpu.vector_load %arg11[%get3A_240, %get3A_241] {strides = array<i32>} : memref<80x128xf32, #tpu.memory_space<vmem>>, vector<16xf32>,
      %get3A_243 = arith.index_cast %scan3A_228 : i32 to index
      %get3A_244 = arith.constant 80 : index
      %get3A_245 = tpu.vector_load %arg11[%get3A_243, %get3A_244] {strides = array<i32>} : memref<80x128xf32, #tpu.memory_space<vmem>>, vector<16xf32>,
      %add3A_246 = arith.constant 9.99999997E-7 : f32
      %add3A_247 = vector.broadcast %add3A_246 : f32 to vector<16xf32>
      %add3A_248 = arith.addf %get3A_245, %add3A_247 : vector<16xf32>
      %div3A_249 = arith.divf %get3A_242, %add3A_248 : vector<16xf32>
      %swap3A_250 = arith.index_cast %scan3A_228 : i32 to index
      %swap3A_251 = arith.constant 16 : index
      %swap3A_252 = tpu.vector_load %arg12[%swap3A_250, %swap3A_251] {strides = array<i32>} : memref<80x64xf32, #tpu.memory_space<vmem>>, vector<16xf32>,
      tpu.vector_store %arg12[%swap3A_250, %swap3A_251], %div3A_249 {strides = array<i32>} : memref<80x64xf32, #tpu.memory_space<vmem>>, vector<16xf32>,
      %get3A_253 = arith.index_cast %scan3A_228 : i32 to index
      %get3A_254 = arith.constant 32 : index
      %get3A_255 = tpu.vector_load %arg11[%get3A_253, %get3A_254] {strides = array<i32>} : memref<80x128xf32, #tpu.memory_space<vmem>>, vector<16xf32>,
      %get3A_256 = arith.index_cast %scan3A_228 : i32 to index
      %get3A_257 = arith.constant 96 : index
      %get3A_258 = tpu.vector_load %arg11[%get3A_256, %get3A_257] {strides = array<i32>} : memref<80x128xf32, #tpu.memory_space<vmem>>, vector<16xf32>,
      %add3A_259 = arith.constant 9.99999997E-7 : f32
      %add3A_260 = vector.broadcast %add3A_259 : f32 to vector<16xf32>
      %add3A_261 = arith.addf %get3A_258, %add3A_260 : vector<16xf32>
      %div3A_262 = arith.divf %get3A_255, %add3A_261 : vector<16xf32>
      %swap3A_263 = arith.index_cast %scan3A_228 : i32 to index
      %swap3A_264 = arith.constant 32 : index
      %swap3A_265 = tpu.vector_load %arg12[%swap3A_263, %swap3A_264] {strides = array<i32>} : memref<80x64xf32, #tpu.memory_space<vmem>>, vector<16xf32>,
      tpu.vector_store %arg12[%swap3A_263, %swap3A_264], %div3A_262 {strides = array<i32>} : memref<80x64xf32, #tpu.memory_space<vmem>>, vector<16xf32>,
      %get3A_266 = arith.index_cast %scan3A_228 : i32 to index
      %get3A_267 = arith.constant 48 : index
      %get3A_268 = tpu.vector_load %arg11[%get3A_266, %get3A_267] {strides = array<i32>} : memref<80x128xf32, #tpu.memory_space<vmem>>, vector<16xf32>,
      %get3A_269 = arith.index_cast %scan3A_228 : i32 to index
      %get3A_270 = arith.constant 112 : index
      %get3A_271 = tpu.vector_load %arg11[%get3A_269, %get3A_270] {strides = array<i32>} : memref<80x128xf32, #tpu.memory_space<vmem>>, vector<16xf32>,
      %add3A_272 = arith.constant 9.99999997E-7 : f32
      %add3A_273 = vector.broadcast %add3A_272 : f32 to vector<16xf32>
      %add3A_274 = arith.addf %get3A_271, %add3A_273 : vector<16xf32>
      %div3A_275 = arith.divf %get3A_268, %add3A_274 : vector<16xf32>
      %swap3A_276 = arith.index_cast %scan3A_228 : i32 to index
      %swap3A_277 = arith.constant 48 : index
      %swap3A_278 = tpu.vector_load %arg12[%swap3A_276, %swap3A_277] {strides = array<i32>} : memref<80x64xf32, #tpu.memory_space<vmem>>, vector<16xf32>,
      tpu.vector_store %arg12[%swap3A_276, %swap3A_277], %div3A_275 {strides = array<i32>} : memref<80x64xf32, #tpu.memory_space<vmem>>, vector<16xf32>,
      %scan3A_279 = arith.constant 0 : i32
      scf.yield %scan3A_279 : i32
    }
    %scan3A_183 = arith.constant 80 : i32
    "tpu.region"() ({
      %run_scoped3A_228 = tpu.sem_alloc : memref<!tpu.dma_semaphore, #tpu.memory_space<semaphore_mem>>
      %dma_start3A_229 = arith.constant 0 : i32
      %dma_start3A_230 = arith.constant 0 : i32
      %dma_start3A_231 = tpu.memref_slice %arg12[%dma_start3A_229, %dma_start3A_230] : memref<80x64xf32, #tpu.memory_space<vmem>> -> memref<80x64xf32, #tpu.memory_space<vmem>>
      %dma_start3A_232 = tpu.memref_slice %arg6[%add3A_176, %mul3A_2] : memref<10000x128xf32, #tpu.memory_space<hbm>> -> memref<80x64xf32, #tpu.memory_space<hbm>>
      %dma_start3A_233 = tpu.memref_slice %arg6[%add3A_176, %mul3A_2] : memref<10000x128xf32, #tpu.memory_space<hbm>> -> memref<80x64xf32, #tpu.memory_space<hbm>>
      %dma_start3A_234 = arith.constant 0 : i32
      %dma_start3A_235 = arith.constant 0 : i32
      %dma_start3A_236 = tpu.memref_slice %arg12[%dma_start3A_234, %dma_start3A_235] : memref<80x64xf32, #tpu.memory_space<vmem>> -> memref<80x64xf32, #tpu.memory_space<vmem>>
      tpu.enqueue_dma source(%dma_start3A_236 : memref<80x64xf32, #tpu.memory_space<vmem>>) target(%dma_start3A_233 : memref<80x64xf32, #tpu.memory_space<hbm>>) target_semaphore(%run_scoped3A_228 : memref<!tpu.dma_semaphore, #tpu.memory_space<semaphore_mem>>)
      %dma_wait3A_237 = arith.constant 0 : i32
      %dma_wait3A_238 = arith.constant 0 : i32
      %dma_wait3A_239 = tpu.memref_slice %arg12[%dma_wait3A_237, %dma_wait3A_238] : memref<80x64xf32, #tpu.memory_space<vmem>> -> memref<80x64xf32, #tpu.memory_space<vmem>>
      %dma_wait3A_240 = tpu.memref_slice %arg6[%add3A_176, %mul3A_2] : memref<10000x128xf32, #tpu.memory_space<hbm>> -> memref<80x64xf32, #tpu.memory_space<hbm>>
      %dma_wait3A_241 = tpu.memref_slice %arg6[%add3A_176, %mul3A_2] : memref<10000x128xf32, #tpu.memory_space<hbm>> -> memref<80x64xf32, #tpu.memory_space<hbm>>
      %dma_wait3A_242 = arith.constant 0 : i32
      %dma_wait3A_243 = arith.constant 0 : i32
      %dma_wait3A_244 = tpu.memref_slice %arg12[%dma_wait3A_242, %dma_wait3A_243] : memref<80x64xf32, #tpu.memory_space<vmem>> -> memref<80x64xf32, #tpu.memory_space<vmem>>
      tpu.wait_dma2 semaphore(%run_scoped3A_228 : memref<!tpu.dma_semaphore, #tpu.memory_space<semaphore_mem>>) src(%dma_wait3A_244 : memref<80x64xf32, #tpu.memory_space<vmem>>) dst(%dma_wait3A_241 : memref<80x64xf32, #tpu.memory_space<hbm>>)
      tpu.yield
    }) : () -> ()
    %mul3A_184 = arith.constant 625 : i32
    %mul3A_185 = arith.muli %arg1, %mul3A_184 : i32
    %add3A_186 = arith.constant 320 : i32
    %add3A_187 = arith.addi %mul3A_185, %add3A_186 : i32
    "tpu.region"() ({
      %run_scoped3A_228 = tpu.sem_alloc : memref<!tpu.dma_semaphore, #tpu.memory_space<semaphore_mem>>
      %dma_start3A_229 = arith.constant 0 : i32
      %dma_start3A_230 = arith.constant 0 : i32
      %dma_start3A_231 = tpu.memref_slice %arg11[%dma_start3A_229, %dma_start3A_230] : memref<80x128xf32, #tpu.memory_space<vmem>> -> memref<80x128xf32, #tpu.memory_space<vmem>>
      %dma_start3A_232 = arith.constant 0 : i32
      %dma_start3A_233 = tpu.memref_slice %arg20[%add3A_187, %dma_start3A_232] : memref<10000x128xf32, #tpu.memory_space<vmem_shared>> -> memref<80x128xf32, #tpu.memory_space<vmem_shared>>
      %dma_start3A_234 = arith.constant 0 : i32
      %dma_start3A_235 = arith.constant 0 : i32
      %dma_start3A_236 = tpu.memref_slice %arg11[%dma_start3A_234, %dma_start3A_235] : memref<80x128xf32, #tpu.memory_space<vmem>> -> memref<80x128xf32, #tpu.memory_space<vmem>>
      %dma_start3A_237 = arith.constant 0 : i32
      %dma_start3A_238 = tpu.memref_slice %arg20[%add3A_187, %dma_start3A_237] : memref<10000x128xf32, #tpu.memory_space<vmem_shared>> -> memref<80x128xf32, #tpu.memory_space<vmem_shared>>
      tpu.enqueue_dma source(%dma_start3A_238 : memref<80x128xf32, #tpu.memory_space<vmem_shared>>) target(%dma_start3A_236 : memref<80x128xf32, #tpu.memory_space<vmem>>) target_semaphore(%run_scoped3A_228 : memref<!tpu.dma_semaphore, #tpu.memory_space<semaphore_mem>>)
      %dma_wait3A_239 = arith.constant 0 : i32
      %dma_wait3A_240 = arith.constant 0 : i32
      %dma_wait3A_241 = tpu.memref_slice %arg11[%dma_wait3A_239, %dma_wait3A_240] : memref<80x128xf32, #tpu.memory_space<vmem>> -> memref<80x128xf32, #tpu.memory_space<vmem>>
      %dma_wait3A_242 = arith.constant 0 : i32
      %dma_wait3A_243 = tpu.memref_slice %arg20[%add3A_187, %dma_wait3A_242] : memref<10000x128xf32, #tpu.memory_space<vmem_shared>> -> memref<80x128xf32, #tpu.memory_space<vmem_shared>>
      %dma_wait3A_244 = arith.constant 0 : i32
      %dma_wait3A_245 = arith.constant 0 : i32
      %dma_wait3A_246 = tpu.memref_slice %arg11[%dma_wait3A_244, %dma_wait3A_245] : memref<80x128xf32, #tpu.memory_space<vmem>> -> memref<80x128xf32, #tpu.memory_space<vmem>>
      %dma_wait3A_247 = arith.constant 0 : i32
      %dma_wait3A_248 = tpu.memref_slice %arg20[%add3A_187, %dma_wait3A_247] : memref<10000x128xf32, #tpu.memory_space<vmem_shared>> -> memref<80x128xf32, #tpu.memory_space<vmem_shared>>
      tpu.wait_dma2 semaphore(%run_scoped3A_228 : memref<!tpu.dma_semaphore, #tpu.memory_space<semaphore_mem>>) src(%dma_wait3A_248 : memref<80x128xf32, #tpu.memory_space<vmem_shared>>) dst(%dma_wait3A_246 : memref<80x128xf32, #tpu.memory_space<vmem>>)
      tpu.yield
    }) : () -> ()
    %scan3A_188 = arith.constant 0 : i32
    %scan3A_189 = arith.constant 0 : i32
    %scan3A_190 = arith.constant 80 : i32
    %scan3A_191 = arith.addi %scan3A_189, %scan3A_190 : i32
    %scan3A_192 = arith.constant 1 : i32
    %scan3A_193 = scf.for %scan3A_228 = %scan3A_189 to %scan3A_191 step %scan3A_192 iter_args(%scan3A_229 = %scan3A_188) -> (i32)  : i32 {
      %get3A = arith.index_cast %scan3A_228 : i32 to index
      %get3A_230 = arith.constant 0 : index
      %get3A_231 = tpu.vector_load %arg11[%get3A, %get3A_230] {strides = array<i32>} : memref<80x128xf32, #tpu.memory_space<vmem>>, vector<16xf32>,
      %get3A_232 = arith.index_cast %scan3A_228 : i32 to index
      %get3A_233 = arith.constant 64 : index
      %get3A_234 = tpu.vector_load %arg11[%get3A_232, %get3A_233] {strides = array<i32>} : memref<80x128xf32, #tpu.memory_space<vmem>>, vector<16xf32>,
      %add3A_235 = arith.constant 9.99999997E-7 : f32
      %add3A_236 = vector.broadcast %add3A_235 : f32 to vector<16xf32>
      %add3A_237 = arith.addf %get3A_234, %add3A_236 : vector<16xf32>
      %div3A = arith.divf %get3A_231, %add3A_237 : vector<16xf32>
      %swap3A = arith.index_cast %scan3A_228 : i32 to index
      %swap3A_238 = arith.constant 0 : index
      %swap3A_239 = tpu.vector_load %arg12[%swap3A, %swap3A_238] {strides = array<i32>} : memref<80x64xf32, #tpu.memory_space<vmem>>, vector<16xf32>,
      tpu.vector_store %arg12[%swap3A, %swap3A_238], %div3A {strides = array<i32>} : memref<80x64xf32, #tpu.memory_space<vmem>>, vector<16xf32>,
      %get3A_240 = arith.index_cast %scan3A_228 : i32 to index
      %get3A_241 = arith.constant 16 : index
      %get3A_242 = tpu.vector_load %arg11[%get3A_240, %get3A_241] {strides = array<i32>} : memref<80x128xf32, #tpu.memory_space<vmem>>, vector<16xf32>,
      %get3A_243 = arith.index_cast %scan3A_228 : i32 to index
      %get3A_244 = arith.constant 80 : index
      %get3A_245 = tpu.vector_load %arg11[%get3A_243, %get3A_244] {strides = array<i32>} : memref<80x128xf32, #tpu.memory_space<vmem>>, vector<16xf32>,
      %add3A_246 = arith.constant 9.99999997E-7 : f32
      %add3A_247 = vector.broadcast %add3A_246 : f32 to vector<16xf32>
      %add3A_248 = arith.addf %get3A_245, %add3A_247 : vector<16xf32>
      %div3A_249 = arith.divf %get3A_242, %add3A_248 : vector<16xf32>
      %swap3A_250 = arith.index_cast %scan3A_228 : i32 to index
      %swap3A_251 = arith.constant 16 : index
      %swap3A_252 = tpu.vector_load %arg12[%swap3A_250, %swap3A_251] {strides = array<i32>} : memref<80x64xf32, #tpu.memory_space<vmem>>, vector<16xf32>,
      tpu.vector_store %arg12[%swap3A_250, %swap3A_251], %div3A_249 {strides = array<i32>} : memref<80x64xf32, #tpu.memory_space<vmem>>, vector<16xf32>,
      %get3A_253 = arith.index_cast %scan3A_228 : i32 to index
      %get3A_254 = arith.constant 32 : index
      %get3A_255 = tpu.vector_load %arg11[%get3A_253, %get3A_254] {strides = array<i32>} : memref<80x128xf32, #tpu.memory_space<vmem>>, vector<16xf32>,
      %get3A_256 = arith.index_cast %scan3A_228 : i32 to index
      %get3A_257 = arith.constant 96 : index
      %get3A_258 = tpu.vector_load %arg11[%get3A_256, %get3A_257] {strides = array<i32>} : memref<80x128xf32, #tpu.memory_space<vmem>>, vector<16xf32>,
      %add3A_259 = arith.constant 9.99999997E-7 : f32
      %add3A_260 = vector.broadcast %add3A_259 : f32 to vector<16xf32>
      %add3A_261 = arith.addf %get3A_258, %add3A_260 : vector<16xf32>
      %div3A_262 = arith.divf %get3A_255, %add3A_261 : vector<16xf32>
      %swap3A_263 = arith.index_cast %scan3A_228 : i32 to index
      %swap3A_264 = arith.constant 32 : index
      %swap3A_265 = tpu.vector_load %arg12[%swap3A_263, %swap3A_264] {strides = array<i32>} : memref<80x64xf32, #tpu.memory_space<vmem>>, vector<16xf32>,
      tpu.vector_store %arg12[%swap3A_263, %swap3A_264], %div3A_262 {strides = array<i32>} : memref<80x64xf32, #tpu.memory_space<vmem>>, vector<16xf32>,
      %get3A_266 = arith.index_cast %scan3A_228 : i32 to index
      %get3A_267 = arith.constant 48 : index
      %get3A_268 = tpu.vector_load %arg11[%get3A_266, %get3A_267] {strides = array<i32>} : memref<80x128xf32, #tpu.memory_space<vmem>>, vector<16xf32>,
      %get3A_269 = arith.index_cast %scan3A_228 : i32 to index
      %get3A_270 = arith.constant 112 : index
      %get3A_271 = tpu.vector_load %arg11[%get3A_269, %get3A_270] {strides = array<i32>} : memref<80x128xf32, #tpu.memory_space<vmem>>, vector<16xf32>,
      %add3A_272 = arith.constant 9.99999997E-7 : f32
      %add3A_273 = vector.broadcast %add3A_272 : f32 to vector<16xf32>
      %add3A_274 = arith.addf %get3A_271, %add3A_273 : vector<16xf32>
      %div3A_275 = arith.divf %get3A_268, %add3A_274 : vector<16xf32>
      %swap3A_276 = arith.index_cast %scan3A_228 : i32 to index
      %swap3A_277 = arith.constant 48 : index
      %swap3A_278 = tpu.vector_load %arg12[%swap3A_276, %swap3A_277] {strides = array<i32>} : memref<80x64xf32, #tpu.memory_space<vmem>>, vector<16xf32>,
      tpu.vector_store %arg12[%swap3A_276, %swap3A_277], %div3A_275 {strides = array<i32>} : memref<80x64xf32, #tpu.memory_space<vmem>>, vector<16xf32>,
      %scan3A_279 = arith.constant 0 : i32
      scf.yield %scan3A_279 : i32
    }
    %scan3A_194 = arith.constant 80 : i32
    "tpu.region"() ({
      %run_scoped3A_228 = tpu.sem_alloc : memref<!tpu.dma_semaphore, #tpu.memory_space<semaphore_mem>>
      %dma_start3A_229 = arith.constant 0 : i32
      %dma_start3A_230 = arith.constant 0 : i32
      %dma_start3A_231 = tpu.memref_slice %arg12[%dma_start3A_229, %dma_start3A_230] : memref<80x64xf32, #tpu.memory_space<vmem>> -> memref<80x64xf32, #tpu.memory_space<vmem>>
      %dma_start3A_232 = tpu.memref_slice %arg6[%add3A_187, %mul3A_2] : memref<10000x128xf32, #tpu.memory_space<hbm>> -> memref<80x64xf32, #tpu.memory_space<hbm>>
      %dma_start3A_233 = tpu.memref_slice %arg6[%add3A_187, %mul3A_2] : memref<10000x128xf32, #tpu.memory_space<hbm>> -> memref<80x64xf32, #tpu.memory_space<hbm>>
      %dma_start3A_234 = arith.constant 0 : i32
      %dma_start3A_235 = arith.constant 0 : i32
      %dma_start3A_236 = tpu.memref_slice %arg12[%dma_start3A_234, %dma_start3A_235] : memref<80x64xf32, #tpu.memory_space<vmem>> -> memref<80x64xf32, #tpu.memory_space<vmem>>
      tpu.enqueue_dma source(%dma_start3A_236 : memref<80x64xf32, #tpu.memory_space<vmem>>) target(%dma_start3A_233 : memref<80x64xf32, #tpu.memory_space<hbm>>) target_semaphore(%run_scoped3A_228 : memref<!tpu.dma_semaphore, #tpu.memory_space<semaphore_mem>>)
      %dma_wait3A_237 = arith.constant 0 : i32
      %dma_wait3A_238 = arith.constant 0 : i32
      %dma_wait3A_239 = tpu.memref_slice %arg12[%dma_wait3A_237, %dma_wait3A_238] : memref<80x64xf32, #tpu.memory_space<vmem>> -> memref<80x64xf32, #tpu.memory_space<vmem>>
      %dma_wait3A_240 = tpu.memref_slice %arg6[%add3A_187, %mul3A_2] : memref<10000x128xf32, #tpu.memory_space<hbm>> -> memref<80x64xf32, #tpu.memory_space<hbm>>
      %dma_wait3A_241 = tpu.memref_slice %arg6[%add3A_187, %mul3A_2] : memref<10000x128xf32, #tpu.memory_space<hbm>> -> memref<80x64xf32, #tpu.memory_space<hbm>>
      %dma_wait3A_242 = arith.constant 0 : i32
      %dma_wait3A_243 = arith.constant 0 : i32
      %dma_wait3A_244 = tpu.memref_slice %arg12[%dma_wait3A_242, %dma_wait3A_243] : memref<80x64xf32, #tpu.memory_space<vmem>> -> memref<80x64xf32, #tpu.memory_space<vmem>>
      tpu.wait_dma2 semaphore(%run_scoped3A_228 : memref<!tpu.dma_semaphore, #tpu.memory_space<semaphore_mem>>) src(%dma_wait3A_244 : memref<80x64xf32, #tpu.memory_space<vmem>>) dst(%dma_wait3A_241 : memref<80x64xf32, #tpu.memory_space<hbm>>)
      tpu.yield
    }) : () -> ()
    %mul3A_195 = arith.constant 625 : i32
    %mul3A_196 = arith.muli %arg1, %mul3A_195 : i32
    %add3A_197 = arith.constant 400 : i32
    %add3A_198 = arith.addi %mul3A_196, %add3A_197 : i32
    "tpu.region"() ({
      %run_scoped3A_228 = tpu.sem_alloc : memref<!tpu.dma_semaphore, #tpu.memory_space<semaphore_mem>>
      %dma_start3A_229 = arith.constant 0 : i32
      %dma_start3A_230 = arith.constant 0 : i32
      %dma_start3A_231 = tpu.memref_slice %arg11[%dma_start3A_229, %dma_start3A_230] : memref<80x128xf32, #tpu.memory_space<vmem>> -> memref<80x128xf32, #tpu.memory_space<vmem>>
      %dma_start3A_232 = arith.constant 0 : i32
      %dma_start3A_233 = tpu.memref_slice %arg20[%add3A_198, %dma_start3A_232] : memref<10000x128xf32, #tpu.memory_space<vmem_shared>> -> memref<80x128xf32, #tpu.memory_space<vmem_shared>>
      %dma_start3A_234 = arith.constant 0 : i32
      %dma_start3A_235 = arith.constant 0 : i32
      %dma_start3A_236 = tpu.memref_slice %arg11[%dma_start3A_234, %dma_start3A_235] : memref<80x128xf32, #tpu.memory_space<vmem>> -> memref<80x128xf32, #tpu.memory_space<vmem>>
      %dma_start3A_237 = arith.constant 0 : i32
      %dma_start3A_238 = tpu.memref_slice %arg20[%add3A_198, %dma_start3A_237] : memref<10000x128xf32, #tpu.memory_space<vmem_shared>> -> memref<80x128xf32, #tpu.memory_space<vmem_shared>>
      tpu.enqueue_dma source(%dma_start3A_238 : memref<80x128xf32, #tpu.memory_space<vmem_shared>>) target(%dma_start3A_236 : memref<80x128xf32, #tpu.memory_space<vmem>>) target_semaphore(%run_scoped3A_228 : memref<!tpu.dma_semaphore, #tpu.memory_space<semaphore_mem>>)
      %dma_wait3A_239 = arith.constant 0 : i32
      %dma_wait3A_240 = arith.constant 0 : i32
      %dma_wait3A_241 = tpu.memref_slice %arg11[%dma_wait3A_239, %dma_wait3A_240] : memref<80x128xf32, #tpu.memory_space<vmem>> -> memref<80x128xf32, #tpu.memory_space<vmem>>
      %dma_wait3A_242 = arith.constant 0 : i32
      %dma_wait3A_243 = tpu.memref_slice %arg20[%add3A_198, %dma_wait3A_242] : memref<10000x128xf32, #tpu.memory_space<vmem_shared>> -> memref<80x128xf32, #tpu.memory_space<vmem_shared>>
      %dma_wait3A_244 = arith.constant 0 : i32
      %dma_wait3A_245 = arith.constant 0 : i32
      %dma_wait3A_246 = tpu.memref_slice %arg11[%dma_wait3A_244, %dma_wait3A_245] : memref<80x128xf32, #tpu.memory_space<vmem>> -> memref<80x128xf32, #tpu.memory_space<vmem>>
      %dma_wait3A_247 = arith.constant 0 : i32
      %dma_wait3A_248 = tpu.memref_slice %arg20[%add3A_198, %dma_wait3A_247] : memref<10000x128xf32, #tpu.memory_space<vmem_shared>> -> memref<80x128xf32, #tpu.memory_space<vmem_shared>>
      tpu.wait_dma2 semaphore(%run_scoped3A_228 : memref<!tpu.dma_semaphore, #tpu.memory_space<semaphore_mem>>) src(%dma_wait3A_248 : memref<80x128xf32, #tpu.memory_space<vmem_shared>>) dst(%dma_wait3A_246 : memref<80x128xf32, #tpu.memory_space<vmem>>)
      tpu.yield
    }) : () -> ()
    %scan3A_199 = arith.constant 0 : i32
    %scan3A_200 = arith.constant 0 : i32
    %scan3A_201 = arith.constant 80 : i32
    %scan3A_202 = arith.addi %scan3A_200, %scan3A_201 : i32
    %scan3A_203 = arith.constant 1 : i32
    %scan3A_204 = scf.for %scan3A_228 = %scan3A_200 to %scan3A_202 step %scan3A_203 iter_args(%scan3A_229 = %scan3A_199) -> (i32)  : i32 {
      %get3A = arith.index_cast %scan3A_228 : i32 to index
      %get3A_230 = arith.constant 0 : index
      %get3A_231 = tpu.vector_load %arg11[%get3A, %get3A_230] {strides = array<i32>} : memref<80x128xf32, #tpu.memory_space<vmem>>, vector<16xf32>,
      %get3A_232 = arith.index_cast %scan3A_228 : i32 to index
      %get3A_233 = arith.constant 64 : index
      %get3A_234 = tpu.vector_load %arg11[%get3A_232, %get3A_233] {strides = array<i32>} : memref<80x128xf32, #tpu.memory_space<vmem>>, vector<16xf32>,
      %add3A_235 = arith.constant 9.99999997E-7 : f32
      %add3A_236 = vector.broadcast %add3A_235 : f32 to vector<16xf32>
      %add3A_237 = arith.addf %get3A_234, %add3A_236 : vector<16xf32>
      %div3A = arith.divf %get3A_231, %add3A_237 : vector<16xf32>
      %swap3A = arith.index_cast %scan3A_228 : i32 to index
      %swap3A_238 = arith.constant 0 : index
      %swap3A_239 = tpu.vector_load %arg12[%swap3A, %swap3A_238] {strides = array<i32>} : memref<80x64xf32, #tpu.memory_space<vmem>>, vector<16xf32>,
      tpu.vector_store %arg12[%swap3A, %swap3A_238], %div3A {strides = array<i32>} : memref<80x64xf32, #tpu.memory_space<vmem>>, vector<16xf32>,
      %get3A_240 = arith.index_cast %scan3A_228 : i32 to index
      %get3A_241 = arith.constant 16 : index
      %get3A_242 = tpu.vector_load %arg11[%get3A_240, %get3A_241] {strides = array<i32>} : memref<80x128xf32, #tpu.memory_space<vmem>>, vector<16xf32>,
      %get3A_243 = arith.index_cast %scan3A_228 : i32 to index
      %get3A_244 = arith.constant 80 : index
      %get3A_245 = tpu.vector_load %arg11[%get3A_243, %get3A_244] {strides = array<i32>} : memref<80x128xf32, #tpu.memory_space<vmem>>, vector<16xf32>,
      %add3A_246 = arith.constant 9.99999997E-7 : f32
      %add3A_247 = vector.broadcast %add3A_246 : f32 to vector<16xf32>
      %add3A_248 = arith.addf %get3A_245, %add3A_247 : vector<16xf32>
      %div3A_249 = arith.divf %get3A_242, %add3A_248 : vector<16xf32>
      %swap3A_250 = arith.index_cast %scan3A_228 : i32 to index
      %swap3A_251 = arith.constant 16 : index
      %swap3A_252 = tpu.vector_load %arg12[%swap3A_250, %swap3A_251] {strides = array<i32>} : memref<80x64xf32, #tpu.memory_space<vmem>>, vector<16xf32>,
      tpu.vector_store %arg12[%swap3A_250, %swap3A_251], %div3A_249 {strides = array<i32>} : memref<80x64xf32, #tpu.memory_space<vmem>>, vector<16xf32>,
      %get3A_253 = arith.index_cast %scan3A_228 : i32 to index
      %get3A_254 = arith.constant 32 : index
      %get3A_255 = tpu.vector_load %arg11[%get3A_253, %get3A_254] {strides = array<i32>} : memref<80x128xf32, #tpu.memory_space<vmem>>, vector<16xf32>,
      %get3A_256 = arith.index_cast %scan3A_228 : i32 to index
      %get3A_257 = arith.constant 96 : index
      %get3A_258 = tpu.vector_load %arg11[%get3A_256, %get3A_257] {strides = array<i32>} : memref<80x128xf32, #tpu.memory_space<vmem>>, vector<16xf32>,
      %add3A_259 = arith.constant 9.99999997E-7 : f32
      %add3A_260 = vector.broadcast %add3A_259 : f32 to vector<16xf32>
      %add3A_261 = arith.addf %get3A_258, %add3A_260 : vector<16xf32>
      %div3A_262 = arith.divf %get3A_255, %add3A_261 : vector<16xf32>
      %swap3A_263 = arith.index_cast %scan3A_228 : i32 to index
      %swap3A_264 = arith.constant 32 : index
      %swap3A_265 = tpu.vector_load %arg12[%swap3A_263, %swap3A_264] {strides = array<i32>} : memref<80x64xf32, #tpu.memory_space<vmem>>, vector<16xf32>,
      tpu.vector_store %arg12[%swap3A_263, %swap3A_264], %div3A_262 {strides = array<i32>} : memref<80x64xf32, #tpu.memory_space<vmem>>, vector<16xf32>,
      %get3A_266 = arith.index_cast %scan3A_228 : i32 to index
      %get3A_267 = arith.constant 48 : index
      %get3A_268 = tpu.vector_load %arg11[%get3A_266, %get3A_267] {strides = array<i32>} : memref<80x128xf32, #tpu.memory_space<vmem>>, vector<16xf32>,
      %get3A_269 = arith.index_cast %scan3A_228 : i32 to index
      %get3A_270 = arith.constant 112 : index
      %get3A_271 = tpu.vector_load %arg11[%get3A_269, %get3A_270] {strides = array<i32>} : memref<80x128xf32, #tpu.memory_space<vmem>>, vector<16xf32>,
      %add3A_272 = arith.constant 9.99999997E-7 : f32
      %add3A_273 = vector.broadcast %add3A_272 : f32 to vector<16xf32>
      %add3A_274 = arith.addf %get3A_271, %add3A_273 : vector<16xf32>
      %div3A_275 = arith.divf %get3A_268, %add3A_274 : vector<16xf32>
      %swap3A_276 = arith.index_cast %scan3A_228 : i32 to index
      %swap3A_277 = arith.constant 48 : index
      %swap3A_278 = tpu.vector_load %arg12[%swap3A_276, %swap3A_277] {strides = array<i32>} : memref<80x64xf32, #tpu.memory_space<vmem>>, vector<16xf32>,
      tpu.vector_store %arg12[%swap3A_276, %swap3A_277], %div3A_275 {strides = array<i32>} : memref<80x64xf32, #tpu.memory_space<vmem>>, vector<16xf32>,
      %scan3A_279 = arith.constant 0 : i32
      scf.yield %scan3A_279 : i32
    }
    %scan3A_205 = arith.constant 80 : i32
    "tpu.region"() ({
      %run_scoped3A_228 = tpu.sem_alloc : memref<!tpu.dma_semaphore, #tpu.memory_space<semaphore_mem>>
      %dma_start3A_229 = arith.constant 0 : i32
      %dma_start3A_230 = arith.constant 0 : i32
      %dma_start3A_231 = tpu.memref_slice %arg12[%dma_start3A_229, %dma_start3A_230] : memref<80x64xf32, #tpu.memory_space<vmem>> -> memref<80x64xf32, #tpu.memory_space<vmem>>
      %dma_start3A_232 = tpu.memref_slice %arg6[%add3A_198, %mul3A_2] : memref<10000x128xf32, #tpu.memory_space<hbm>> -> memref<80x64xf32, #tpu.memory_space<hbm>>
      %dma_start3A_233 = tpu.memref_slice %arg6[%add3A_198, %mul3A_2] : memref<10000x128xf32, #tpu.memory_space<hbm>> -> memref<80x64xf32, #tpu.memory_space<hbm>>
      %dma_start3A_234 = arith.constant 0 : i32
      %dma_start3A_235 = arith.constant 0 : i32
      %dma_start3A_236 = tpu.memref_slice %arg12[%dma_start3A_234, %dma_start3A_235] : memref<80x64xf32, #tpu.memory_space<vmem>> -> memref<80x64xf32, #tpu.memory_space<vmem>>
      tpu.enqueue_dma source(%dma_start3A_236 : memref<80x64xf32, #tpu.memory_space<vmem>>) target(%dma_start3A_233 : memref<80x64xf32, #tpu.memory_space<hbm>>) target_semaphore(%run_scoped3A_228 : memref<!tpu.dma_semaphore, #tpu.memory_space<semaphore_mem>>)
      %dma_wait3A_237 = arith.constant 0 : i32
      %dma_wait3A_238 = arith.constant 0 : i32
      %dma_wait3A_239 = tpu.memref_slice %arg12[%dma_wait3A_237, %dma_wait3A_238] : memref<80x64xf32, #tpu.memory_space<vmem>> -> memref<80x64xf32, #tpu.memory_space<vmem>>
      %dma_wait3A_240 = tpu.memref_slice %arg6[%add3A_198, %mul3A_2] : memref<10000x128xf32, #tpu.memory_space<hbm>> -> memref<80x64xf32, #tpu.memory_space<hbm>>
      %dma_wait3A_241 = tpu.memref_slice %arg6[%add3A_198, %mul3A_2] : memref<10000x128xf32, #tpu.memory_space<hbm>> -> memref<80x64xf32, #tpu.memory_space<hbm>>
      %dma_wait3A_242 = arith.constant 0 : i32
      %dma_wait3A_243 = arith.constant 0 : i32
      %dma_wait3A_244 = tpu.memref_slice %arg12[%dma_wait3A_242, %dma_wait3A_243] : memref<80x64xf32, #tpu.memory_space<vmem>> -> memref<80x64xf32, #tpu.memory_space<vmem>>
      tpu.wait_dma2 semaphore(%run_scoped3A_228 : memref<!tpu.dma_semaphore, #tpu.memory_space<semaphore_mem>>) src(%dma_wait3A_244 : memref<80x64xf32, #tpu.memory_space<vmem>>) dst(%dma_wait3A_241 : memref<80x64xf32, #tpu.memory_space<hbm>>)
      tpu.yield
    }) : () -> ()
    %mul3A_206 = arith.constant 625 : i32
    %mul3A_207 = arith.muli %arg1, %mul3A_206 : i32
    %add3A_208 = arith.constant 480 : i32
    %add3A_209 = arith.addi %mul3A_207, %add3A_208 : i32
    "tpu.region"() ({
      %run_scoped3A_228 = tpu.sem_alloc : memref<!tpu.dma_semaphore, #tpu.memory_space<semaphore_mem>>
      %dma_start3A_229 = arith.constant 0 : i32
      %dma_start3A_230 = arith.constant 0 : i32
      %dma_start3A_231 = tpu.memref_slice %arg11[%dma_start3A_229, %dma_start3A_230] : memref<80x128xf32, #tpu.memory_space<vmem>> -> memref<80x128xf32, #tpu.memory_space<vmem>>
      %dma_start3A_232 = arith.constant 0 : i32
      %dma_start3A_233 = tpu.memref_slice %arg20[%add3A_209, %dma_start3A_232] : memref<10000x128xf32, #tpu.memory_space<vmem_shared>> -> memref<80x128xf32, #tpu.memory_space<vmem_shared>>
      %dma_start3A_234 = arith.constant 0 : i32
      %dma_start3A_235 = arith.constant 0 : i32
      %dma_start3A_236 = tpu.memref_slice %arg11[%dma_start3A_234, %dma_start3A_235] : memref<80x128xf32, #tpu.memory_space<vmem>> -> memref<80x128xf32, #tpu.memory_space<vmem>>
      %dma_start3A_237 = arith.constant 0 : i32
      %dma_start3A_238 = tpu.memref_slice %arg20[%add3A_209, %dma_start3A_237] : memref<10000x128xf32, #tpu.memory_space<vmem_shared>> -> memref<80x128xf32, #tpu.memory_space<vmem_shared>>
      tpu.enqueue_dma source(%dma_start3A_238 : memref<80x128xf32, #tpu.memory_space<vmem_shared>>) target(%dma_start3A_236 : memref<80x128xf32, #tpu.memory_space<vmem>>) target_semaphore(%run_scoped3A_228 : memref<!tpu.dma_semaphore, #tpu.memory_space<semaphore_mem>>)
      %dma_wait3A_239 = arith.constant 0 : i32
      %dma_wait3A_240 = arith.constant 0 : i32
      %dma_wait3A_241 = tpu.memref_slice %arg11[%dma_wait3A_239, %dma_wait3A_240] : memref<80x128xf32, #tpu.memory_space<vmem>> -> memref<80x128xf32, #tpu.memory_space<vmem>>
      %dma_wait3A_242 = arith.constant 0 : i32
      %dma_wait3A_243 = tpu.memref_slice %arg20[%add3A_209, %dma_wait3A_242] : memref<10000x128xf32, #tpu.memory_space<vmem_shared>> -> memref<80x128xf32, #tpu.memory_space<vmem_shared>>
      %dma_wait3A_244 = arith.constant 0 : i32
      %dma_wait3A_245 = arith.constant 0 : i32
      %dma_wait3A_246 = tpu.memref_slice %arg11[%dma_wait3A_244, %dma_wait3A_245] : memref<80x128xf32, #tpu.memory_space<vmem>> -> memref<80x128xf32, #tpu.memory_space<vmem>>
      %dma_wait3A_247 = arith.constant 0 : i32
      %dma_wait3A_248 = tpu.memref_slice %arg20[%add3A_209, %dma_wait3A_247] : memref<10000x128xf32, #tpu.memory_space<vmem_shared>> -> memref<80x128xf32, #tpu.memory_space<vmem_shared>>
      tpu.wait_dma2 semaphore(%run_scoped3A_228 : memref<!tpu.dma_semaphore, #tpu.memory_space<semaphore_mem>>) src(%dma_wait3A_248 : memref<80x128xf32, #tpu.memory_space<vmem_shared>>) dst(%dma_wait3A_246 : memref<80x128xf32, #tpu.memory_space<vmem>>)
      tpu.yield
    }) : () -> ()
    %scan3A_210 = arith.constant 0 : i32
    %scan3A_211 = arith.constant 0 : i32
    %scan3A_212 = arith.constant 80 : i32
    %scan3A_213 = arith.addi %scan3A_211, %scan3A_212 : i32
    %scan3A_214 = arith.constant 1 : i32
    %scan3A_215 = scf.for %scan3A_228 = %scan3A_211 to %scan3A_213 step %scan3A_214 iter_args(%scan3A_229 = %scan3A_210) -> (i32)  : i32 {
      %get3A = arith.index_cast %scan3A_228 : i32 to index
      %get3A_230 = arith.constant 0 : index
      %get3A_231 = tpu.vector_load %arg11[%get3A, %get3A_230] {strides = array<i32>} : memref<80x128xf32, #tpu.memory_space<vmem>>, vector<16xf32>,
      %get3A_232 = arith.index_cast %scan3A_228 : i32 to index
      %get3A_233 = arith.constant 64 : index
      %get3A_234 = tpu.vector_load %arg11[%get3A_232, %get3A_233] {strides = array<i32>} : memref<80x128xf32, #tpu.memory_space<vmem>>, vector<16xf32>,
      %add3A_235 = arith.constant 9.99999997E-7 : f32
      %add3A_236 = vector.broadcast %add3A_235 : f32 to vector<16xf32>
      %add3A_237 = arith.addf %get3A_234, %add3A_236 : vector<16xf32>
      %div3A = arith.divf %get3A_231, %add3A_237 : vector<16xf32>
      %swap3A = arith.index_cast %scan3A_228 : i32 to index
      %swap3A_238 = arith.constant 0 : index
      %swap3A_239 = tpu.vector_load %arg12[%swap3A, %swap3A_238] {strides = array<i32>} : memref<80x64xf32, #tpu.memory_space<vmem>>, vector<16xf32>,
      tpu.vector_store %arg12[%swap3A, %swap3A_238], %div3A {strides = array<i32>} : memref<80x64xf32, #tpu.memory_space<vmem>>, vector<16xf32>,
      %get3A_240 = arith.index_cast %scan3A_228 : i32 to index
      %get3A_241 = arith.constant 16 : index
      %get3A_242 = tpu.vector_load %arg11[%get3A_240, %get3A_241] {strides = array<i32>} : memref<80x128xf32, #tpu.memory_space<vmem>>, vector<16xf32>,
      %get3A_243 = arith.index_cast %scan3A_228 : i32 to index
      %get3A_244 = arith.constant 80 : index
      %get3A_245 = tpu.vector_load %arg11[%get3A_243, %get3A_244] {strides = array<i32>} : memref<80x128xf32, #tpu.memory_space<vmem>>, vector<16xf32>,
      %add3A_246 = arith.constant 9.99999997E-7 : f32
      %add3A_247 = vector.broadcast %add3A_246 : f32 to vector<16xf32>
      %add3A_248 = arith.addf %get3A_245, %add3A_247 : vector<16xf32>
      %div3A_249 = arith.divf %get3A_242, %add3A_248 : vector<16xf32>
      %swap3A_250 = arith.index_cast %scan3A_228 : i32 to index
      %swap3A_251 = arith.constant 16 : index
      %swap3A_252 = tpu.vector_load %arg12[%swap3A_250, %swap3A_251] {strides = array<i32>} : memref<80x64xf32, #tpu.memory_space<vmem>>, vector<16xf32>,
      tpu.vector_store %arg12[%swap3A_250, %swap3A_251], %div3A_249 {strides = array<i32>} : memref<80x64xf32, #tpu.memory_space<vmem>>, vector<16xf32>,
      %get3A_253 = arith.index_cast %scan3A_228 : i32 to index
      %get3A_254 = arith.constant 32 : index
      %get3A_255 = tpu.vector_load %arg11[%get3A_253, %get3A_254] {strides = array<i32>} : memref<80x128xf32, #tpu.memory_space<vmem>>, vector<16xf32>,
      %get3A_256 = arith.index_cast %scan3A_228 : i32 to index
      %get3A_257 = arith.constant 96 : index
      %get3A_258 = tpu.vector_load %arg11[%get3A_256, %get3A_257] {strides = array<i32>} : memref<80x128xf32, #tpu.memory_space<vmem>>, vector<16xf32>,
      %add3A_259 = arith.constant 9.99999997E-7 : f32
      %add3A_260 = vector.broadcast %add3A_259 : f32 to vector<16xf32>
      %add3A_261 = arith.addf %get3A_258, %add3A_260 : vector<16xf32>
      %div3A_262 = arith.divf %get3A_255, %add3A_261 : vector<16xf32>
      %swap3A_263 = arith.index_cast %scan3A_228 : i32 to index
      %swap3A_264 = arith.constant 32 : index
      %swap3A_265 = tpu.vector_load %arg12[%swap3A_263, %swap3A_264] {strides = array<i32>} : memref<80x64xf32, #tpu.memory_space<vmem>>, vector<16xf32>,
      tpu.vector_store %arg12[%swap3A_263, %swap3A_264], %div3A_262 {strides = array<i32>} : memref<80x64xf32, #tpu.memory_space<vmem>>, vector<16xf32>,
      %get3A_266 = arith.index_cast %scan3A_228 : i32 to index
      %get3A_267 = arith.constant 48 : index
      %get3A_268 = tpu.vector_load %arg11[%get3A_266, %get3A_267] {strides = array<i32>} : memref<80x128xf32, #tpu.memory_space<vmem>>, vector<16xf32>,
      %get3A_269 = arith.index_cast %scan3A_228 : i32 to index
      %get3A_270 = arith.constant 112 : index
      %get3A_271 = tpu.vector_load %arg11[%get3A_269, %get3A_270] {strides = array<i32>} : memref<80x128xf32, #tpu.memory_space<vmem>>, vector<16xf32>,
      %add3A_272 = arith.constant 9.99999997E-7 : f32
      %add3A_273 = vector.broadcast %add3A_272 : f32 to vector<16xf32>
      %add3A_274 = arith.addf %get3A_271, %add3A_273 : vector<16xf32>
      %div3A_275 = arith.divf %get3A_268, %add3A_274 : vector<16xf32>
      %swap3A_276 = arith.index_cast %scan3A_228 : i32 to index
      %swap3A_277 = arith.constant 48 : index
      %swap3A_278 = tpu.vector_load %arg12[%swap3A_276, %swap3A_277] {strides = array<i32>} : memref<80x64xf32, #tpu.memory_space<vmem>>, vector<16xf32>,
      tpu.vector_store %arg12[%swap3A_276, %swap3A_277], %div3A_275 {strides = array<i32>} : memref<80x64xf32, #tpu.memory_space<vmem>>, vector<16xf32>,
      %scan3A_279 = arith.constant 0 : i32
      scf.yield %scan3A_279 : i32
    }
    %scan3A_216 = arith.constant 80 : i32
    "tpu.region"() ({
      %run_scoped3A_228 = tpu.sem_alloc : memref<!tpu.dma_semaphore, #tpu.memory_space<semaphore_mem>>
      %dma_start3A_229 = arith.constant 0 : i32
      %dma_start3A_230 = arith.constant 0 : i32
      %dma_start3A_231 = tpu.memref_slice %arg12[%dma_start3A_229, %dma_start3A_230] : memref<80x64xf32, #tpu.memory_space<vmem>> -> memref<80x64xf32, #tpu.memory_space<vmem>>
      %dma_start3A_232 = tpu.memref_slice %arg6[%add3A_209, %mul3A_2] : memref<10000x128xf32, #tpu.memory_space<hbm>> -> memref<80x64xf32, #tpu.memory_space<hbm>>
      %dma_start3A_233 = tpu.memref_slice %arg6[%add3A_209, %mul3A_2] : memref<10000x128xf32, #tpu.memory_space<hbm>> -> memref<80x64xf32, #tpu.memory_space<hbm>>
      %dma_start3A_234 = arith.constant 0 : i32
      %dma_start3A_235 = arith.constant 0 : i32
      %dma_start3A_236 = tpu.memref_slice %arg12[%dma_start3A_234, %dma_start3A_235] : memref<80x64xf32, #tpu.memory_space<vmem>> -> memref<80x64xf32, #tpu.memory_space<vmem>>
      tpu.enqueue_dma source(%dma_start3A_236 : memref<80x64xf32, #tpu.memory_space<vmem>>) target(%dma_start3A_233 : memref<80x64xf32, #tpu.memory_space<hbm>>) target_semaphore(%run_scoped3A_228 : memref<!tpu.dma_semaphore, #tpu.memory_space<semaphore_mem>>)
      %dma_wait3A_237 = arith.constant 0 : i32
      %dma_wait3A_238 = arith.constant 0 : i32
      %dma_wait3A_239 = tpu.memref_slice %arg12[%dma_wait3A_237, %dma_wait3A_238] : memref<80x64xf32, #tpu.memory_space<vmem>> -> memref<80x64xf32, #tpu.memory_space<vmem>>
      %dma_wait3A_240 = tpu.memref_slice %arg6[%add3A_209, %mul3A_2] : memref<10000x128xf32, #tpu.memory_space<hbm>> -> memref<80x64xf32, #tpu.memory_space<hbm>>
      %dma_wait3A_241 = tpu.memref_slice %arg6[%add3A_209, %mul3A_2] : memref<10000x128xf32, #tpu.memory_space<hbm>> -> memref<80x64xf32, #tpu.memory_space<hbm>>
      %dma_wait3A_242 = arith.constant 0 : i32
      %dma_wait3A_243 = arith.constant 0 : i32
      %dma_wait3A_244 = tpu.memref_slice %arg12[%dma_wait3A_242, %dma_wait3A_243] : memref<80x64xf32, #tpu.memory_space<vmem>> -> memref<80x64xf32, #tpu.memory_space<vmem>>
      tpu.wait_dma2 semaphore(%run_scoped3A_228 : memref<!tpu.dma_semaphore, #tpu.memory_space<semaphore_mem>>) src(%dma_wait3A_244 : memref<80x64xf32, #tpu.memory_space<vmem>>) dst(%dma_wait3A_241 : memref<80x64xf32, #tpu.memory_space<hbm>>)
      tpu.yield
    }) : () -> ()
    %mul3A_217 = arith.constant 625 : i32
    %mul3A_218 = arith.muli %arg1, %mul3A_217 : i32
    %add3A_219 = arith.constant 560 : i32
    %add3A_220 = arith.addi %mul3A_218, %add3A_219 : i32
    "tpu.region"() ({
      %run_scoped3A_228 = tpu.sem_alloc : memref<!tpu.dma_semaphore, #tpu.memory_space<semaphore_mem>>
      %dma_start3A_229 = arith.constant 0 : i32
      %dma_start3A_230 = arith.constant 0 : i32
      %dma_start3A_231 = tpu.memref_slice %arg11[%dma_start3A_229, %dma_start3A_230] : memref<80x128xf32, #tpu.memory_space<vmem>> -> memref<65x128xf32, #tpu.memory_space<vmem>>
      %dma_start3A_232 = arith.constant 0 : i32
      %dma_start3A_233 = tpu.memref_slice %arg20[%add3A_220, %dma_start3A_232] : memref<10000x128xf32, #tpu.memory_space<vmem_shared>> -> memref<65x128xf32, #tpu.memory_space<vmem_shared>>
      %dma_start3A_234 = arith.constant 0 : i32
      %dma_start3A_235 = arith.constant 0 : i32
      %dma_start3A_236 = tpu.memref_slice %arg11[%dma_start3A_234, %dma_start3A_235] : memref<80x128xf32, #tpu.memory_space<vmem>> -> memref<65x128xf32, #tpu.memory_space<vmem>>
      %dma_start3A_237 = arith.constant 0 : i32
      %dma_start3A_238 = tpu.memref_slice %arg20[%add3A_220, %dma_start3A_237] : memref<10000x128xf32, #tpu.memory_space<vmem_shared>> -> memref<65x128xf32, #tpu.memory_space<vmem_shared>>
      tpu.enqueue_dma source(%dma_start3A_238 : memref<65x128xf32, #tpu.memory_space<vmem_shared>>) target(%dma_start3A_236 : memref<65x128xf32, #tpu.memory_space<vmem>>) target_semaphore(%run_scoped3A_228 : memref<!tpu.dma_semaphore, #tpu.memory_space<semaphore_mem>>)
      %dma_wait3A_239 = arith.constant 0 : i32
      %dma_wait3A_240 = arith.constant 0 : i32
      %dma_wait3A_241 = tpu.memref_slice %arg11[%dma_wait3A_239, %dma_wait3A_240] : memref<80x128xf32, #tpu.memory_space<vmem>> -> memref<65x128xf32, #tpu.memory_space<vmem>>
      %dma_wait3A_242 = arith.constant 0 : i32
      %dma_wait3A_243 = tpu.memref_slice %arg20[%add3A_220, %dma_wait3A_242] : memref<10000x128xf32, #tpu.memory_space<vmem_shared>> -> memref<65x128xf32, #tpu.memory_space<vmem_shared>>
      %dma_wait3A_244 = arith.constant 0 : i32
      %dma_wait3A_245 = arith.constant 0 : i32
      %dma_wait3A_246 = tpu.memref_slice %arg11[%dma_wait3A_244, %dma_wait3A_245] : memref<80x128xf32, #tpu.memory_space<vmem>> -> memref<65x128xf32, #tpu.memory_space<vmem>>
      %dma_wait3A_247 = arith.constant 0 : i32
      %dma_wait3A_248 = tpu.memref_slice %arg20[%add3A_220, %dma_wait3A_247] : memref<10000x128xf32, #tpu.memory_space<vmem_shared>> -> memref<65x128xf32, #tpu.memory_space<vmem_shared>>
      tpu.wait_dma2 semaphore(%run_scoped3A_228 : memref<!tpu.dma_semaphore, #tpu.memory_space<semaphore_mem>>) src(%dma_wait3A_248 : memref<65x128xf32, #tpu.memory_space<vmem_shared>>) dst(%dma_wait3A_246 : memref<65x128xf32, #tpu.memory_space<vmem>>)
      tpu.yield
    }) : () -> ()
    %scan3A_221 = arith.constant 0 : i32
    %scan3A_222 = arith.constant 0 : i32
    %scan3A_223 = arith.constant 65 : i32
    %scan3A_224 = arith.addi %scan3A_222, %scan3A_223 : i32
    %scan3A_225 = arith.constant 1 : i32
    %scan3A_226 = scf.for %scan3A_228 = %scan3A_222 to %scan3A_224 step %scan3A_225 iter_args(%scan3A_229 = %scan3A_221) -> (i32)  : i32 {
      %get3A = arith.index_cast %scan3A_228 : i32 to index
      %get3A_230 = arith.constant 0 : index
      %get3A_231 = tpu.vector_load %arg11[%get3A, %get3A_230] {strides = array<i32>} : memref<80x128xf32, #tpu.memory_space<vmem>>, vector<16xf32>,
      %get3A_232 = arith.index_cast %scan3A_228 : i32 to index
      %get3A_233 = arith.constant 64 : index
      %get3A_234 = tpu.vector_load %arg11[%get3A_232, %get3A_233] {strides = array<i32>} : memref<80x128xf32, #tpu.memory_space<vmem>>, vector<16xf32>,
      %add3A_235 = arith.constant 9.99999997E-7 : f32
      %add3A_236 = vector.broadcast %add3A_235 : f32 to vector<16xf32>
      %add3A_237 = arith.addf %get3A_234, %add3A_236 : vector<16xf32>
      %div3A = arith.divf %get3A_231, %add3A_237 : vector<16xf32>
      %swap3A = arith.index_cast %scan3A_228 : i32 to index
      %swap3A_238 = arith.constant 0 : index
      %swap3A_239 = tpu.vector_load %arg12[%swap3A, %swap3A_238] {strides = array<i32>} : memref<80x64xf32, #tpu.memory_space<vmem>>, vector<16xf32>,
      tpu.vector_store %arg12[%swap3A, %swap3A_238], %div3A {strides = array<i32>} : memref<80x64xf32, #tpu.memory_space<vmem>>, vector<16xf32>,
      %get3A_240 = arith.index_cast %scan3A_228 : i32 to index
      %get3A_241 = arith.constant 16 : index
      %get3A_242 = tpu.vector_load %arg11[%get3A_240, %get3A_241] {strides = array<i32>} : memref<80x128xf32, #tpu.memory_space<vmem>>, vector<16xf32>,
      %get3A_243 = arith.index_cast %scan3A_228 : i32 to index
      %get3A_244 = arith.constant 80 : index
      %get3A_245 = tpu.vector_load %arg11[%get3A_243, %get3A_244] {strides = array<i32>} : memref<80x128xf32, #tpu.memory_space<vmem>>, vector<16xf32>,
      %add3A_246 = arith.constant 9.99999997E-7 : f32
      %add3A_247 = vector.broadcast %add3A_246 : f32 to vector<16xf32>
      %add3A_248 = arith.addf %get3A_245, %add3A_247 : vector<16xf32>
      %div3A_249 = arith.divf %get3A_242, %add3A_248 : vector<16xf32>
      %swap3A_250 = arith.index_cast %scan3A_228 : i32 to index
      %swap3A_251 = arith.constant 16 : index
      %swap3A_252 = tpu.vector_load %arg12[%swap3A_250, %swap3A_251] {strides = array<i32>} : memref<80x64xf32, #tpu.memory_space<vmem>>, vector<16xf32>,
      tpu.vector_store %arg12[%swap3A_250, %swap3A_251], %div3A_249 {strides = array<i32>} : memref<80x64xf32, #tpu.memory_space<vmem>>, vector<16xf32>,
      %get3A_253 = arith.index_cast %scan3A_228 : i32 to index
      %get3A_254 = arith.constant 32 : index
      %get3A_255 = tpu.vector_load %arg11[%get3A_253, %get3A_254] {strides = array<i32>} : memref<80x128xf32, #tpu.memory_space<vmem>>, vector<16xf32>,
      %get3A_256 = arith.index_cast %scan3A_228 : i32 to index
      %get3A_257 = arith.constant 96 : index
      %get3A_258 = tpu.vector_load %arg11[%get3A_256, %get3A_257] {strides = array<i32>} : memref<80x128xf32, #tpu.memory_space<vmem>>, vector<16xf32>,
      %add3A_259 = arith.constant 9.99999997E-7 : f32
      %add3A_260 = vector.broadcast %add3A_259 : f32 to vector<16xf32>
      %add3A_261 = arith.addf %get3A_258, %add3A_260 : vector<16xf32>
      %div3A_262 = arith.divf %get3A_255, %add3A_261 : vector<16xf32>
      %swap3A_263 = arith.index_cast %scan3A_228 : i32 to index
      %swap3A_264 = arith.constant 32 : index
      %swap3A_265 = tpu.vector_load %arg12[%swap3A_263, %swap3A_264] {strides = array<i32>} : memref<80x64xf32, #tpu.memory_space<vmem>>, vector<16xf32>,
      tpu.vector_store %arg12[%swap3A_263, %swap3A_264], %div3A_262 {strides = array<i32>} : memref<80x64xf32, #tpu.memory_space<vmem>>, vector<16xf32>,
      %get3A_266 = arith.index_cast %scan3A_228 : i32 to index
      %get3A_267 = arith.constant 48 : index
      %get3A_268 = tpu.vector_load %arg11[%get3A_266, %get3A_267] {strides = array<i32>} : memref<80x128xf32, #tpu.memory_space<vmem>>, vector<16xf32>,
      %get3A_269 = arith.index_cast %scan3A_228 : i32 to index
      %get3A_270 = arith.constant 112 : index
      %get3A_271 = tpu.vector_load %arg11[%get3A_269, %get3A_270] {strides = array<i32>} : memref<80x128xf32, #tpu.memory_space<vmem>>, vector<16xf32>,
      %add3A_272 = arith.constant 9.99999997E-7 : f32
      %add3A_273 = vector.broadcast %add3A_272 : f32 to vector<16xf32>
      %add3A_274 = arith.addf %get3A_271, %add3A_273 : vector<16xf32>
      %div3A_275 = arith.divf %get3A_268, %add3A_274 : vector<16xf32>
      %swap3A_276 = arith.index_cast %scan3A_228 : i32 to index
      %swap3A_277 = arith.constant 48 : index
      %swap3A_278 = tpu.vector_load %arg12[%swap3A_276, %swap3A_277] {strides = array<i32>} : memref<80x64xf32, #tpu.memory_space<vmem>>, vector<16xf32>,
      tpu.vector_store %arg12[%swap3A_276, %swap3A_277], %div3A_275 {strides = array<i32>} : memref<80x64xf32, #tpu.memory_space<vmem>>, vector<16xf32>,
      %scan3A_279 = arith.constant 0 : i32
      scf.yield %scan3A_279 : i32
    }
    %scan3A_227 = arith.constant 65 : i32
    "tpu.region"() ({
      %run_scoped3A_228 = tpu.sem_alloc : memref<!tpu.dma_semaphore, #tpu.memory_space<semaphore_mem>>
      %dma_start3A_229 = arith.constant 0 : i32
      %dma_start3A_230 = arith.constant 0 : i32
      %dma_start3A_231 = tpu.memref_slice %arg12[%dma_start3A_229, %dma_start3A_230] : memref<80x64xf32, #tpu.memory_space<vmem>> -> memref<65x64xf32, #tpu.memory_space<vmem>>
      %dma_start3A_232 = tpu.memref_slice %arg6[%add3A_220, %mul3A_2] : memref<10000x128xf32, #tpu.memory_space<hbm>> -> memref<65x64xf32, #tpu.memory_space<hbm>>
      %dma_start3A_233 = tpu.memref_slice %arg6[%add3A_220, %mul3A_2] : memref<10000x128xf32, #tpu.memory_space<hbm>> -> memref<65x64xf32, #tpu.memory_space<hbm>>
      %dma_start3A_234 = arith.constant 0 : i32
      %dma_start3A_235 = arith.constant 0 : i32
      %dma_start3A_236 = tpu.memref_slice %arg12[%dma_start3A_234, %dma_start3A_235] : memref<80x64xf32, #tpu.memory_space<vmem>> -> memref<65x64xf32, #tpu.memory_space<vmem>>
      tpu.enqueue_dma source(%dma_start3A_236 : memref<65x64xf32, #tpu.memory_space<vmem>>) target(%dma_start3A_233 : memref<65x64xf32, #tpu.memory_space<hbm>>) target_semaphore(%run_scoped3A_228 : memref<!tpu.dma_semaphore, #tpu.memory_space<semaphore_mem>>)
      %dma_wait3A_237 = arith.constant 0 : i32
      %dma_wait3A_238 = arith.constant 0 : i32
      %dma_wait3A_239 = tpu.memref_slice %arg12[%dma_wait3A_237, %dma_wait3A_238] : memref<80x64xf32, #tpu.memory_space<vmem>> -> memref<65x64xf32, #tpu.memory_space<vmem>>
      %dma_wait3A_240 = tpu.memref_slice %arg6[%add3A_220, %mul3A_2] : memref<10000x128xf32, #tpu.memory_space<hbm>> -> memref<65x64xf32, #tpu.memory_space<hbm>>
      %dma_wait3A_241 = tpu.memref_slice %arg6[%add3A_220, %mul3A_2] : memref<10000x128xf32, #tpu.memory_space<hbm>> -> memref<65x64xf32, #tpu.memory_space<hbm>>
      %dma_wait3A_242 = arith.constant 0 : i32
      %dma_wait3A_243 = arith.constant 0 : i32
      %dma_wait3A_244 = tpu.memref_slice %arg12[%dma_wait3A_242, %dma_wait3A_243] : memref<80x64xf32, #tpu.memory_space<vmem>> -> memref<65x64xf32, #tpu.memory_space<vmem>>
      tpu.wait_dma2 semaphore(%run_scoped3A_228 : memref<!tpu.dma_semaphore, #tpu.memory_space<semaphore_mem>>) src(%dma_wait3A_244 : memref<65x64xf32, #tpu.memory_space<vmem>>) dst(%dma_wait3A_241 : memref<65x64xf32, #tpu.memory_space<hbm>>)
      tpu.yield
    }) : () -> ()
    return
  }
}

module attributes {stable_mosaic.version = 14 : i64} {
  func.func @_qkv_body(%arg0: i32, %arg1: memref<1xf32, #tpu.memory_space<smem>>, %arg2: memref<2000x128xf32, #tpu.memory_space<vmem>>, %arg3: memref<128x128xf32, #tpu.memory_space<vmem>>, %arg4: memref<128xf32, #tpu.memory_space<vmem>>, %arg5: memref<128x128xf32, #tpu.memory_space<vmem>>, %arg6: memref<128xf32, #tpu.memory_space<vmem>>, %arg7: memref<128x128xf32, #tpu.memory_space<vmem>>, %arg8: memref<128xf32, #tpu.memory_space<vmem>>, %arg9: memref<128xf32, #tpu.memory_space<vmem>>, %arg10: memref<128xf32, #tpu.memory_space<vmem>>, %arg11: memref<2x2000x64xf32, #tpu.memory_space<vmem>>, %arg12: memref<2x2000x128xf32, #tpu.memory_space<vmem>>) attributes {dimension_semantics = [#tpu.dimension_semantics<arbitrary>], iteration_bounds = array<i64: 5>, scalar_prefetch = 0 : i64, scratch_operands = 0 : i64, tpu.core_type = #tpu.core_type<tc>, window_params = [{transform_indices = @transform_0, window_bounds = array<i64: 1>}, {transform_indices = @transform_1, window_bounds = array<i64: 2000, 128>}, {pipeline_mode = #tpu.pipeline_mode<synchronous>, transform_indices = @transform_2, window_bounds = array<i64: 128, 128>}, {pipeline_mode = #tpu.pipeline_mode<synchronous>, transform_indices = @transform_3, window_bounds = array<i64: 128>}, {pipeline_mode = #tpu.pipeline_mode<synchronous>, transform_indices = @transform_4, window_bounds = array<i64: 128, 128>}, {pipeline_mode = #tpu.pipeline_mode<synchronous>, transform_indices = @transform_5, window_bounds = array<i64: 128>}, {pipeline_mode = #tpu.pipeline_mode<synchronous>, transform_indices = @transform_6, window_bounds = array<i64: 128, 128>}, {pipeline_mode = #tpu.pipeline_mode<synchronous>, transform_indices = @transform_7, window_bounds = array<i64: 128>}, {pipeline_mode = #tpu.pipeline_mode<synchronous>, transform_indices = @transform_8, window_bounds = array<i64: 128>}, {pipeline_mode = #tpu.pipeline_mode<synchronous>, transform_indices = @transform_9, window_bounds = array<i64: 128>}, {transform_indices = @transform_10, window_bounds = array<i64: 2, 2000, 64>}, {transform_indices = @transform_11, window_bounds = array<i64: 2, 2000, 128>}]} {
    %get3A = arith.constant 0 : index
    %get3A_0 = arith.constant 0 : index
    %get3A_1 = vector.load %arg2[%get3A, %get3A_0] : memref<2000x128xf32, #tpu.memory_space<vmem>>, vector<2000x128xf32>
    %get3A_2 = arith.constant 0 : index
    %get3A_3 = vector.load %arg9[%get3A_2] : memref<128xf32, #tpu.memory_space<vmem>>, vector<128xf32>
    %get3A_4 = arith.constant 0 : index
    %get3A_5 = vector.load %arg10[%get3A_4] : memref<128xf32, #tpu.memory_space<vmem>>, vector<128xf32>
    %get3A_6 = arith.constant 0 : index
    %get3A_7 = memref.load %arg1[%get3A_6] : memref<1xf32, #tpu.memory_space<smem>>
    %mul3A = arith.constant 4.000000e+00 : f32
    %mul3A_8 = arith.mulf %mul3A, %get3A_7 : f32
    %div3A = arith.constant 1.000000e+00 : f32
    %div3A_9 = arith.divf %div3A, %mul3A_8 : f32
    %get3A_10 = arith.constant 0 : index
    %get3A_11 = arith.constant 0 : index
    %get3A_12 = vector.load %arg3[%get3A_10, %get3A_11] : memref<128x128xf32, #tpu.memory_space<vmem>>, vector<128x128xf32>
    %dot_general3A = arith.constant dense<0.000000e+00> : vector<2000x128xf32>
    %dot_general3A_13 = tpu.matmul %get3A_1, %get3A_12, %dot_general3A {dimension_numbers = #tpu.dot_dimension_numbers<[1], [0], [0], [1], [0, 0, 1, 1], [], []>, transpose_lhs_hint = false} : vector<2000x128xf32>, vector<128x128xf32>, vector<2000x128xf32> -> vector<2000x128xf32>
    %get3A_14 = arith.constant 0 : index
    %get3A_15 = vector.load %arg4[%get3A_14] : memref<128xf32, #tpu.memory_space<vmem>>, vector<128xf32>
    %broadcast_in_dim3A = vector.shape_cast %get3A_15 : vector<128xf32> to vector<1x128xf32>
    %add3A = vector.broadcast %broadcast_in_dim3A : vector<1x128xf32> to vector<2000x128xf32>
    %add3A_16 = arith.addf %dot_general3A_13, %add3A : vector<2000x128xf32>
    %reduce_sum3A = arith.constant dense<0.000000e+00> : vector<2000xf32>
    %reduce_sum3A_17 = vector.multi_reduction <add>, %add3A_16, %reduce_sum3A [1] : vector<2000x128xf32> to vector<2000xf32>
    %broadcast_in_dim3A_18 = vector.shape_cast %reduce_sum3A_17 : vector<2000xf32> to vector<2000x1xf32>
    %div3A_19 = arith.constant 1.280000e+02 : f32
    %div3A_20 = vector.broadcast %div3A_19 : f32 to vector<2000x1xf32>
    %div3A_21 = arith.divf %broadcast_in_dim3A_18, %div3A_20 : vector<2000x1xf32>
    %sub3A = vector.broadcast %div3A_21 : vector<2000x1xf32> to vector<2000x128xf32>
    %sub3A_22 = arith.subf %add3A_16, %sub3A : vector<2000x128xf32>
    %integer_pow3A = arith.mulf %sub3A_22, %sub3A_22 : vector<2000x128xf32>
    %reduce_sum3A_23 = arith.constant dense<0.000000e+00> : vector<2000xf32>
    %reduce_sum3A_24 = vector.multi_reduction <add>, %integer_pow3A, %reduce_sum3A_23 [1] : vector<2000x128xf32> to vector<2000xf32>
    %broadcast_in_dim3A_25 = vector.shape_cast %reduce_sum3A_24 : vector<2000xf32> to vector<2000x1xf32>
    %div3A_26 = arith.constant 1.280000e+02 : f32
    %div3A_27 = vector.broadcast %div3A_26 : f32 to vector<2000x1xf32>
    %div3A_28 = arith.divf %broadcast_in_dim3A_25, %div3A_27 : vector<2000x1xf32>
    %sub3A_29 = vector.broadcast %div3A_21 : vector<2000x1xf32> to vector<2000x128xf32>
    %sub3A_30 = arith.subf %add3A_16, %sub3A_29 : vector<2000x128xf32>
    %add3A_31 = arith.constant 9.99999974E-6 : f32
    %add3A_32 = vector.broadcast %add3A_31 : f32 to vector<2000x1xf32>
    %add3A_33 = arith.addf %div3A_28, %add3A_32 : vector<2000x1xf32>
    %sqrt3A = math.sqrt %add3A_33 : vector<2000x1xf32>
    %div3A_34 = vector.broadcast %sqrt3A : vector<2000x1xf32> to vector<2000x128xf32>
    %div3A_35 = arith.divf %sub3A_30, %div3A_34 : vector<2000x128xf32>
    %broadcast_in_dim3A_36 = vector.shape_cast %get3A_3 : vector<128xf32> to vector<1x128xf32>
    %mul3A_37 = vector.broadcast %broadcast_in_dim3A_36 : vector<1x128xf32> to vector<2000x128xf32>
    %mul3A_38 = arith.mulf %div3A_35, %mul3A_37 : vector<2000x128xf32>
    %broadcast_in_dim3A_39 = vector.shape_cast %get3A_5 : vector<128xf32> to vector<1x128xf32>
    %add3A_40 = vector.broadcast %broadcast_in_dim3A_39 : vector<1x128xf32> to vector<2000x128xf32>
    %add3A_41 = arith.addf %mul3A_38, %add3A_40 : vector<2000x128xf32>
    %mul3A_42 = vector.broadcast %div3A_9 : f32 to vector<2000x128xf32>
    %mul3A_43 = arith.mulf %add3A_41, %mul3A_42 : vector<2000x128xf32>
    %get3A_44 = arith.constant 0 : index
    %get3A_45 = arith.constant 0 : index
    %get3A_46 = vector.load %arg5[%get3A_44, %get3A_45] : memref<128x128xf32, #tpu.memory_space<vmem>>, vector<128x128xf32>
    %dot_general3A_47 = arith.constant dense<0.000000e+00> : vector<2000x128xf32>
    %dot_general3A_48 = tpu.matmul %get3A_1, %get3A_46, %dot_general3A_47 {dimension_numbers = #tpu.dot_dimension_numbers<[1], [0], [0], [1], [0, 0, 1, 1], [], []>, transpose_lhs_hint = false} : vector<2000x128xf32>, vector<128x128xf32>, vector<2000x128xf32> -> vector<2000x128xf32>
    %get3A_49 = arith.constant 0 : index
    %get3A_50 = vector.load %arg6[%get3A_49] : memref<128xf32, #tpu.memory_space<vmem>>, vector<128xf32>
    %broadcast_in_dim3A_51 = vector.shape_cast %get3A_50 : vector<128xf32> to vector<1x128xf32>
    %add3A_52 = vector.broadcast %broadcast_in_dim3A_51 : vector<1x128xf32> to vector<2000x128xf32>
    %add3A_53 = arith.addf %dot_general3A_48, %add3A_52 : vector<2000x128xf32>
    %reduce_sum3A_54 = arith.constant dense<0.000000e+00> : vector<2000xf32>
    %reduce_sum3A_55 = vector.multi_reduction <add>, %add3A_53, %reduce_sum3A_54 [1] : vector<2000x128xf32> to vector<2000xf32>
    %broadcast_in_dim3A_56 = vector.shape_cast %reduce_sum3A_55 : vector<2000xf32> to vector<2000x1xf32>
    %div3A_57 = arith.constant 1.280000e+02 : f32
    %div3A_58 = vector.broadcast %div3A_57 : f32 to vector<2000x1xf32>
    %div3A_59 = arith.divf %broadcast_in_dim3A_56, %div3A_58 : vector<2000x1xf32>
    %sub3A_60 = vector.broadcast %div3A_59 : vector<2000x1xf32> to vector<2000x128xf32>
    %sub3A_61 = arith.subf %add3A_53, %sub3A_60 : vector<2000x128xf32>
    %integer_pow3A_62 = arith.mulf %sub3A_61, %sub3A_61 : vector<2000x128xf32>
    %reduce_sum3A_63 = arith.constant dense<0.000000e+00> : vector<2000xf32>
    %reduce_sum3A_64 = vector.multi_reduction <add>, %integer_pow3A_62, %reduce_sum3A_63 [1] : vector<2000x128xf32> to vector<2000xf32>
    %broadcast_in_dim3A_65 = vector.shape_cast %reduce_sum3A_64 : vector<2000xf32> to vector<2000x1xf32>
    %div3A_66 = arith.constant 1.280000e+02 : f32
    %div3A_67 = vector.broadcast %div3A_66 : f32 to vector<2000x1xf32>
    %div3A_68 = arith.divf %broadcast_in_dim3A_65, %div3A_67 : vector<2000x1xf32>
    %sub3A_69 = vector.broadcast %div3A_59 : vector<2000x1xf32> to vector<2000x128xf32>
    %sub3A_70 = arith.subf %add3A_53, %sub3A_69 : vector<2000x128xf32>
    %add3A_71 = arith.constant 9.99999974E-6 : f32
    %add3A_72 = vector.broadcast %add3A_71 : f32 to vector<2000x1xf32>
    %add3A_73 = arith.addf %div3A_68, %add3A_72 : vector<2000x1xf32>
    %sqrt3A_74 = math.sqrt %add3A_73 : vector<2000x1xf32>
    %div3A_75 = vector.broadcast %sqrt3A_74 : vector<2000x1xf32> to vector<2000x128xf32>
    %div3A_76 = arith.divf %sub3A_70, %div3A_75 : vector<2000x128xf32>
    %broadcast_in_dim3A_77 = vector.shape_cast %get3A_3 : vector<128xf32> to vector<1x128xf32>
    %mul3A_78 = vector.broadcast %broadcast_in_dim3A_77 : vector<1x128xf32> to vector<2000x128xf32>
    %mul3A_79 = arith.mulf %div3A_76, %mul3A_78 : vector<2000x128xf32>
    %broadcast_in_dim3A_80 = vector.shape_cast %get3A_5 : vector<128xf32> to vector<1x128xf32>
    %add3A_81 = vector.broadcast %broadcast_in_dim3A_80 : vector<1x128xf32> to vector<2000x128xf32>
    %add3A_82 = arith.addf %mul3A_79, %add3A_81 : vector<2000x128xf32>
    %get3A_83 = arith.constant 0 : index
    %get3A_84 = arith.constant 0 : index
    %get3A_85 = vector.load %arg7[%get3A_83, %get3A_84] : memref<128x128xf32, #tpu.memory_space<vmem>>, vector<128x128xf32>
    %dot_general3A_86 = arith.constant dense<0.000000e+00> : vector<2000x128xf32>
    %dot_general3A_87 = tpu.matmul %get3A_1, %get3A_85, %dot_general3A_86 {dimension_numbers = #tpu.dot_dimension_numbers<[1], [0], [0], [1], [0, 0, 1, 1], [], []>, transpose_lhs_hint = false} : vector<2000x128xf32>, vector<128x128xf32>, vector<2000x128xf32> -> vector<2000x128xf32>
    %get3A_88 = arith.constant 0 : index
    %get3A_89 = vector.load %arg8[%get3A_88] : memref<128xf32, #tpu.memory_space<vmem>>, vector<128xf32>
    %broadcast_in_dim3A_90 = vector.shape_cast %get3A_89 : vector<128xf32> to vector<1x128xf32>
    %add3A_91 = vector.broadcast %broadcast_in_dim3A_90 : vector<1x128xf32> to vector<2000x128xf32>
    %add3A_92 = arith.addf %dot_general3A_87, %add3A_91 : vector<2000x128xf32>
    %reduce_sum3A_93 = arith.constant dense<0.000000e+00> : vector<2000xf32>
    %reduce_sum3A_94 = vector.multi_reduction <add>, %add3A_92, %reduce_sum3A_93 [1] : vector<2000x128xf32> to vector<2000xf32>
    %broadcast_in_dim3A_95 = vector.shape_cast %reduce_sum3A_94 : vector<2000xf32> to vector<2000x1xf32>
    %div3A_96 = arith.constant 1.280000e+02 : f32
    %div3A_97 = vector.broadcast %div3A_96 : f32 to vector<2000x1xf32>
    %div3A_98 = arith.divf %broadcast_in_dim3A_95, %div3A_97 : vector<2000x1xf32>
    %sub3A_99 = vector.broadcast %div3A_98 : vector<2000x1xf32> to vector<2000x128xf32>
    %sub3A_100 = arith.subf %add3A_92, %sub3A_99 : vector<2000x128xf32>
    %integer_pow3A_101 = arith.mulf %sub3A_100, %sub3A_100 : vector<2000x128xf32>
    %reduce_sum3A_102 = arith.constant dense<0.000000e+00> : vector<2000xf32>
    %reduce_sum3A_103 = vector.multi_reduction <add>, %integer_pow3A_101, %reduce_sum3A_102 [1] : vector<2000x128xf32> to vector<2000xf32>
    %broadcast_in_dim3A_104 = vector.shape_cast %reduce_sum3A_103 : vector<2000xf32> to vector<2000x1xf32>
    %div3A_105 = arith.constant 1.280000e+02 : f32
    %div3A_106 = vector.broadcast %div3A_105 : f32 to vector<2000x1xf32>
    %div3A_107 = arith.divf %broadcast_in_dim3A_104, %div3A_106 : vector<2000x1xf32>
    %sub3A_108 = vector.broadcast %div3A_98 : vector<2000x1xf32> to vector<2000x128xf32>
    %sub3A_109 = arith.subf %add3A_92, %sub3A_108 : vector<2000x128xf32>
    %add3A_110 = arith.constant 9.99999974E-6 : f32
    %add3A_111 = vector.broadcast %add3A_110 : f32 to vector<2000x1xf32>
    %add3A_112 = arith.addf %div3A_107, %add3A_111 : vector<2000x1xf32>
    %sqrt3A_113 = math.sqrt %add3A_112 : vector<2000x1xf32>
    %div3A_114 = vector.broadcast %sqrt3A_113 : vector<2000x1xf32> to vector<2000x128xf32>
    %div3A_115 = arith.divf %sub3A_109, %div3A_114 : vector<2000x128xf32>
    %broadcast_in_dim3A_116 = vector.shape_cast %get3A_3 : vector<128xf32> to vector<1x128xf32>
    %mul3A_117 = vector.broadcast %broadcast_in_dim3A_116 : vector<1x128xf32> to vector<2000x128xf32>
    %mul3A_118 = arith.mulf %div3A_115, %mul3A_117 : vector<2000x128xf32>
    %broadcast_in_dim3A_119 = vector.shape_cast %get3A_5 : vector<128xf32> to vector<1x128xf32>
    %add3A_120 = vector.broadcast %broadcast_in_dim3A_119 : vector<1x128xf32> to vector<2000x128xf32>
    %add3A_121 = arith.addf %mul3A_118, %add3A_120 : vector<2000x128xf32>
    %slice3A = vector.extract_strided_slice %mul3A_43 {offsets = [0, 0], sizes = [2000, 64], strides = [1, 1]} : vector<2000x128xf32> to vector<2000x64xf32>
    %swap3A = arith.constant 0 : index
    %swap3A_122 = arith.constant 0 : index
    %swap3A_123 = arith.constant 0 : index
    %swap3A_124 = vector.load %arg11[%swap3A, %swap3A_122, %swap3A_123] : memref<2x2000x64xf32, #tpu.memory_space<vmem>>, vector<1x2000x64xf32>
    %swap3A_125 = vector.shape_cast %swap3A_124 : vector<1x2000x64xf32> to vector<2000x64xf32>
    %swap3A_126 = vector.shape_cast %slice3A : vector<2000x64xf32> to vector<1x2000x64xf32>
    tpu.vector_store %arg11[%swap3A, %swap3A_122, %swap3A_123], %swap3A_126 {strides = array<i32>} : memref<2x2000x64xf32, #tpu.memory_space<vmem>>, vector<1x2000x64xf32>,
    %slice3A_127 = vector.extract_strided_slice %mul3A_43 {offsets = [0, 64], sizes = [2000, 64], strides = [1, 1]} : vector<2000x128xf32> to vector<2000x64xf32>
    %swap3A_128 = arith.constant 1 : index
    %swap3A_129 = arith.constant 0 : index
    %swap3A_130 = arith.constant 0 : index
    %swap3A_131 = vector.load %arg11[%swap3A_128, %swap3A_129, %swap3A_130] : memref<2x2000x64xf32, #tpu.memory_space<vmem>>, vector<1x2000x64xf32>
    %swap3A_132 = vector.shape_cast %swap3A_131 : vector<1x2000x64xf32> to vector<2000x64xf32>
    %swap3A_133 = vector.shape_cast %slice3A_127 : vector<2000x64xf32> to vector<1x2000x64xf32>
    tpu.vector_store %arg11[%swap3A_128, %swap3A_129, %swap3A_130], %swap3A_133 {strides = array<i32>} : memref<2x2000x64xf32, #tpu.memory_space<vmem>>, vector<1x2000x64xf32>,
    %slice3A_134 = vector.extract_strided_slice %add3A_121 {offsets = [0, 0], sizes = [2000, 64], strides = [1, 1]} : vector<2000x128xf32> to vector<2000x64xf32>
    %slice3A_135 = vector.extract_strided_slice %add3A_82 {offsets = [0, 0], sizes = [2000, 64], strides = [1, 1]} : vector<2000x128xf32> to vector<2000x64xf32>
    %concatenate3A = tpu.concatenate %slice3A_134, %slice3A_135 in 1 : vector<2000x64xf32>, vector<2000x64xf32> -> vector<2000x128xf32>
    %swap3A_136 = arith.constant 0 : index
    %swap3A_137 = arith.constant 0 : index
    %swap3A_138 = arith.constant 0 : index
    %swap3A_139 = vector.load %arg12[%swap3A_136, %swap3A_137, %swap3A_138] : memref<2x2000x128xf32, #tpu.memory_space<vmem>>, vector<1x2000x128xf32>
    %swap3A_140 = vector.shape_cast %swap3A_139 : vector<1x2000x128xf32> to vector<2000x128xf32>
    %swap3A_141 = vector.shape_cast %concatenate3A : vector<2000x128xf32> to vector<1x2000x128xf32>
    tpu.vector_store %arg12[%swap3A_136, %swap3A_137, %swap3A_138], %swap3A_141 {strides = array<i32>} : memref<2x2000x128xf32, #tpu.memory_space<vmem>>, vector<1x2000x128xf32>,
    %slice3A_142 = vector.extract_strided_slice %add3A_121 {offsets = [0, 64], sizes = [2000, 64], strides = [1, 1]} : vector<2000x128xf32> to vector<2000x64xf32>
    %slice3A_143 = vector.extract_strided_slice %add3A_82 {offsets = [0, 64], sizes = [2000, 64], strides = [1, 1]} : vector<2000x128xf32> to vector<2000x64xf32>
    %concatenate3A_144 = tpu.concatenate %slice3A_142, %slice3A_143 in 1 : vector<2000x64xf32>, vector<2000x64xf32> -> vector<2000x128xf32>
    %swap3A_145 = arith.constant 1 : index
    %swap3A_146 = arith.constant 0 : index
    %swap3A_147 = arith.constant 0 : index
    %swap3A_148 = vector.load %arg12[%swap3A_145, %swap3A_146, %swap3A_147] : memref<2x2000x128xf32, #tpu.memory_space<vmem>>, vector<1x2000x128xf32>
    %swap3A_149 = vector.shape_cast %swap3A_148 : vector<1x2000x128xf32> to vector<2000x128xf32>
    %swap3A_150 = vector.shape_cast %concatenate3A_144 : vector<2000x128xf32> to vector<1x2000x128xf32>
    tpu.vector_store %arg12[%swap3A_145, %swap3A_146, %swap3A_147], %swap3A_150 {strides = array<i32>} : memref<2x2000x128xf32, #tpu.memory_space<vmem>>, vector<1x2000x128xf32>,
    return
  }
  func.func @transform_0(%arg0: i32) -> i32 {
    %c0_i32 = arith.constant 0 : i32
    %c0_i32_0 = arith.constant 0 : i32
    return %c0_i32 : i32
  }
  func.func @transform_1(%arg0: i32) -> (i32, i32) {
    %c0_i32 = arith.constant 0 : i32
    %c0_i32_0 = arith.constant 0 : i32
    return %arg0, %c0_i32 : i32, i32
  }
  func.func @transform_2(%arg0: i32) -> (i32, i32) {
    %c0_i32 = arith.constant 0 : i32
    %c0_i32_0 = arith.constant 0 : i32
    %c0_i32_1 = arith.constant 0 : i32
    return %c0_i32, %c0_i32_0 : i32, i32
  }
  func.func @transform_3(%arg0: i32) -> i32 {
    %c0_i32 = arith.constant 0 : i32
    %c0_i32_0 = arith.constant 0 : i32
    return %c0_i32 : i32
  }
  func.func @transform_4(%arg0: i32) -> (i32, i32) {
    %c0_i32 = arith.constant 0 : i32
    %c0_i32_0 = arith.constant 0 : i32
    %c0_i32_1 = arith.constant 0 : i32
    return %c0_i32, %c0_i32_0 : i32, i32
  }
  func.func @transform_5(%arg0: i32) -> i32 {
    %c0_i32 = arith.constant 0 : i32
    %c0_i32_0 = arith.constant 0 : i32
    return %c0_i32 : i32
  }
  func.func @transform_6(%arg0: i32) -> (i32, i32) {
    %c0_i32 = arith.constant 0 : i32
    %c0_i32_0 = arith.constant 0 : i32
    %c0_i32_1 = arith.constant 0 : i32
    return %c0_i32, %c0_i32_0 : i32, i32
  }
  func.func @transform_7(%arg0: i32) -> i32 {
    %c0_i32 = arith.constant 0 : i32
    %c0_i32_0 = arith.constant 0 : i32
    return %c0_i32 : i32
  }
  func.func @transform_8(%arg0: i32) -> i32 {
    %c0_i32 = arith.constant 0 : i32
    %c0_i32_0 = arith.constant 0 : i32
    return %c0_i32 : i32
  }
  func.func @transform_9(%arg0: i32) -> i32 {
    %c0_i32 = arith.constant 0 : i32
    %c0_i32_0 = arith.constant 0 : i32
    return %c0_i32 : i32
  }
  func.func @transform_10(%arg0: i32) -> (i32, i32, i32) {
    %c0_i32 = arith.constant 0 : i32
    %c0_i32_0 = arith.constant 0 : i32
    %c0_i32_1 = arith.constant 0 : i32
    return %c0_i32, %arg0, %c0_i32_0 : i32, i32, i32
  }
  func.func @transform_11(%arg0: i32) -> (i32, i32, i32) {
    %c0_i32 = arith.constant 0 : i32
    %c0_i32_0 = arith.constant 0 : i32
    %c0_i32_1 = arith.constant 0 : i32
    return %c0_i32, %arg0, %c0_i32_0 : i32, i32, i32
  }
}

module attributes {stable_mosaic.version = 14 : i64} {
  func.func @_base_body(%arg0: i32, %arg1: memref<2000x128xf32, #tpu.memory_space<vmem>>, %arg2: memref<2000x128xf32, #tpu.memory_space<vmem>>, %arg3: memref<128x128xf32, #tpu.memory_space<vmem>>, %arg4: memref<128xf32, #tpu.memory_space<vmem>>, %arg5: memref<128x128xf32, #tpu.memory_space<vmem>>, %arg6: memref<128xf32, #tpu.memory_space<vmem>>, %arg7: memref<1x128xf32, #tpu.memory_space<vmem>>, %arg8: memref<128xf32, #tpu.memory_space<vmem>>, %arg9: memref<128xf32, #tpu.memory_space<vmem>>, %arg10: memref<2000x128xf32, #tpu.memory_space<vmem>>) attributes {dimension_semantics = [#tpu.dimension_semantics<arbitrary>], iteration_bounds = array<i64: 160>, scalar_prefetch = 0 : i64, scratch_operands = 0 : i64, tpu.core_type = #tpu.core_type<tc>, window_params = [{transform_indices = @transform_0, window_bounds = array<i64: 2000, 128>}, {transform_indices = @transform_1, window_bounds = array<i64: 2000, 128>}, {pipeline_mode = #tpu.pipeline_mode<synchronous>, transform_indices = @transform_2, window_bounds = array<i64: 128, 128>}, {pipeline_mode = #tpu.pipeline_mode<synchronous>, transform_indices = @transform_3, window_bounds = array<i64: 128>}, {pipeline_mode = #tpu.pipeline_mode<synchronous>, transform_indices = @transform_4, window_bounds = array<i64: 128, 128>}, {pipeline_mode = #tpu.pipeline_mode<synchronous>, transform_indices = @transform_5, window_bounds = array<i64: 128>}, {pipeline_mode = #tpu.pipeline_mode<synchronous>, transform_indices = @transform_6, window_bounds = array<i64: 1, 128>}, {pipeline_mode = #tpu.pipeline_mode<synchronous>, transform_indices = @transform_7, window_bounds = array<i64: 128>}, {pipeline_mode = #tpu.pipeline_mode<synchronous>, transform_indices = @transform_8, window_bounds = array<i64: 128>}, {transform_indices = @transform_9, window_bounds = array<i64: 2000, 128>}]} {
    %get3A = arith.constant 0 : index
    %get3A_0 = vector.load %arg8[%get3A] : memref<128xf32, #tpu.memory_space<vmem>>, vector<128xf32>
    %get3A_1 = arith.constant 0 : index
    %get3A_2 = vector.load %arg9[%get3A_1] : memref<128xf32, #tpu.memory_space<vmem>>, vector<128xf32>
    %get3A_3 = arith.constant 0 : index
    %get3A_4 = arith.constant 0 : index
    %get3A_5 = vector.load %arg1[%get3A_3, %get3A_4] : memref<2000x128xf32, #tpu.memory_space<vmem>>, vector<2000x128xf32>
    %get3A_6 = arith.constant 0 : index
    %get3A_7 = arith.constant 0 : index
    %get3A_8 = vector.load %arg3[%get3A_6, %get3A_7] : memref<128x128xf32, #tpu.memory_space<vmem>>, vector<128x128xf32>
    %dot_general3A = arith.constant dense<0.000000e+00> : vector<2000x128xf32>
    %dot_general3A_9 = tpu.matmul %get3A_5, %get3A_8, %dot_general3A {dimension_numbers = #tpu.dot_dimension_numbers<[1], [0], [0], [1], [0, 0, 1, 1], [], []>, transpose_lhs_hint = false} : vector<2000x128xf32>, vector<128x128xf32>, vector<2000x128xf32> -> vector<2000x128xf32>
    %get3A_10 = arith.constant 0 : index
    %get3A_11 = vector.load %arg4[%get3A_10] : memref<128xf32, #tpu.memory_space<vmem>>, vector<128xf32>
    %broadcast_in_dim3A = vector.shape_cast %get3A_11 : vector<128xf32> to vector<1x128xf32>
    %add3A = vector.broadcast %broadcast_in_dim3A : vector<1x128xf32> to vector<2000x128xf32>
    %add3A_12 = arith.addf %dot_general3A_9, %add3A : vector<2000x128xf32>
    %reduce_sum3A = arith.constant dense<0.000000e+00> : vector<2000xf32>
    %reduce_sum3A_13 = vector.multi_reduction <add>, %add3A_12, %reduce_sum3A [1] : vector<2000x128xf32> to vector<2000xf32>
    %broadcast_in_dim3A_14 = vector.shape_cast %reduce_sum3A_13 : vector<2000xf32> to vector<2000x1xf32>
    %div3A = arith.constant 1.280000e+02 : f32
    %div3A_15 = vector.broadcast %div3A : f32 to vector<2000x1xf32>
    %div3A_16 = arith.divf %broadcast_in_dim3A_14, %div3A_15 : vector<2000x1xf32>
    %sub3A = vector.broadcast %div3A_16 : vector<2000x1xf32> to vector<2000x128xf32>
    %sub3A_17 = arith.subf %add3A_12, %sub3A : vector<2000x128xf32>
    %integer_pow3A = arith.mulf %sub3A_17, %sub3A_17 : vector<2000x128xf32>
    %reduce_sum3A_18 = arith.constant dense<0.000000e+00> : vector<2000xf32>
    %reduce_sum3A_19 = vector.multi_reduction <add>, %integer_pow3A, %reduce_sum3A_18 [1] : vector<2000x128xf32> to vector<2000xf32>
    %broadcast_in_dim3A_20 = vector.shape_cast %reduce_sum3A_19 : vector<2000xf32> to vector<2000x1xf32>
    %div3A_21 = arith.constant 1.280000e+02 : f32
    %div3A_22 = vector.broadcast %div3A_21 : f32 to vector<2000x1xf32>
    %div3A_23 = arith.divf %broadcast_in_dim3A_20, %div3A_22 : vector<2000x1xf32>
    %sub3A_24 = vector.broadcast %div3A_16 : vector<2000x1xf32> to vector<2000x128xf32>
    %sub3A_25 = arith.subf %add3A_12, %sub3A_24 : vector<2000x128xf32>
    %add3A_26 = arith.constant 9.99999974E-6 : f32
    %add3A_27 = vector.broadcast %add3A_26 : f32 to vector<2000x1xf32>
    %add3A_28 = arith.addf %div3A_23, %add3A_27 : vector<2000x1xf32>
    %sqrt3A = math.sqrt %add3A_28 : vector<2000x1xf32>
    %div3A_29 = vector.broadcast %sqrt3A : vector<2000x1xf32> to vector<2000x128xf32>
    %div3A_30 = arith.divf %sub3A_25, %div3A_29 : vector<2000x128xf32>
    %broadcast_in_dim3A_31 = vector.shape_cast %get3A_0 : vector<128xf32> to vector<1x128xf32>
    %mul3A = vector.broadcast %broadcast_in_dim3A_31 : vector<1x128xf32> to vector<2000x128xf32>
    %mul3A_32 = arith.mulf %div3A_30, %mul3A : vector<2000x128xf32>
    %broadcast_in_dim3A_33 = vector.shape_cast %get3A_2 : vector<128xf32> to vector<1x128xf32>
    %add3A_34 = vector.broadcast %broadcast_in_dim3A_33 : vector<1x128xf32> to vector<2000x128xf32>
    %add3A_35 = arith.addf %mul3A_32, %add3A_34 : vector<2000x128xf32>
    %get3A_36 = arith.constant 0 : index
    %get3A_37 = arith.constant 0 : index
    %get3A_38 = vector.load %arg2[%get3A_36, %get3A_37] : memref<2000x128xf32, #tpu.memory_space<vmem>>, vector<2000x128xf32>
    %get3A_39 = arith.constant 0 : index
    %get3A_40 = arith.constant 0 : index
    %get3A_41 = vector.load %arg5[%get3A_39, %get3A_40] : memref<128x128xf32, #tpu.memory_space<vmem>>, vector<128x128xf32>
    %dot_general3A_42 = arith.constant dense<0.000000e+00> : vector<2000x128xf32>
    %dot_general3A_43 = tpu.matmul %get3A_38, %get3A_41, %dot_general3A_42 {dimension_numbers = #tpu.dot_dimension_numbers<[1], [0], [0], [1], [0, 0, 1, 1], [], []>, transpose_lhs_hint = false} : vector<2000x128xf32>, vector<128x128xf32>, vector<2000x128xf32> -> vector<2000x128xf32>
    %get3A_44 = arith.constant 0 : index
    %get3A_45 = vector.load %arg6[%get3A_44] : memref<128xf32, #tpu.memory_space<vmem>>, vector<128xf32>
    %broadcast_in_dim3A_46 = vector.shape_cast %get3A_45 : vector<128xf32> to vector<1x128xf32>
    %add3A_47 = vector.broadcast %broadcast_in_dim3A_46 : vector<1x128xf32> to vector<2000x128xf32>
    %add3A_48 = arith.addf %dot_general3A_43, %add3A_47 : vector<2000x128xf32>
    %get3A_49 = arith.constant 0 : index
    %get3A_50 = arith.constant 0 : index
    %get3A_51 = vector.load %arg7[%get3A_49, %get3A_50] : memref<1x128xf32, #tpu.memory_space<vmem>>, vector<1x128xf32>
    %add3A_52 = vector.broadcast %get3A_51 : vector<1x128xf32> to vector<2000x128xf32>
    %add3A_53 = arith.addf %add3A_48, %add3A_52 : vector<2000x128xf32>
    %reduce_sum3A_54 = arith.constant dense<0.000000e+00> : vector<2000xf32>
    %reduce_sum3A_55 = vector.multi_reduction <add>, %add3A_53, %reduce_sum3A_54 [1] : vector<2000x128xf32> to vector<2000xf32>
    %broadcast_in_dim3A_56 = vector.shape_cast %reduce_sum3A_55 : vector<2000xf32> to vector<2000x1xf32>
    %div3A_57 = arith.constant 1.280000e+02 : f32
    %div3A_58 = vector.broadcast %div3A_57 : f32 to vector<2000x1xf32>
    %div3A_59 = arith.divf %broadcast_in_dim3A_56, %div3A_58 : vector<2000x1xf32>
    %sub3A_60 = vector.broadcast %div3A_59 : vector<2000x1xf32> to vector<2000x128xf32>
    %sub3A_61 = arith.subf %add3A_53, %sub3A_60 : vector<2000x128xf32>
    %integer_pow3A_62 = arith.mulf %sub3A_61, %sub3A_61 : vector<2000x128xf32>
    %reduce_sum3A_63 = arith.constant dense<0.000000e+00> : vector<2000xf32>
    %reduce_sum3A_64 = vector.multi_reduction <add>, %integer_pow3A_62, %reduce_sum3A_63 [1] : vector<2000x128xf32> to vector<2000xf32>
    %broadcast_in_dim3A_65 = vector.shape_cast %reduce_sum3A_64 : vector<2000xf32> to vector<2000x1xf32>
    %div3A_66 = arith.constant 1.280000e+02 : f32
    %div3A_67 = vector.broadcast %div3A_66 : f32 to vector<2000x1xf32>
    %div3A_68 = arith.divf %broadcast_in_dim3A_65, %div3A_67 : vector<2000x1xf32>
    %sub3A_69 = vector.broadcast %div3A_59 : vector<2000x1xf32> to vector<2000x128xf32>
    %sub3A_70 = arith.subf %add3A_53, %sub3A_69 : vector<2000x128xf32>
    %add3A_71 = arith.constant 9.99999974E-6 : f32
    %add3A_72 = vector.broadcast %add3A_71 : f32 to vector<2000x1xf32>
    %add3A_73 = arith.addf %div3A_68, %add3A_72 : vector<2000x1xf32>
    %sqrt3A_74 = math.sqrt %add3A_73 : vector<2000x1xf32>
    %div3A_75 = vector.broadcast %sqrt3A_74 : vector<2000x1xf32> to vector<2000x128xf32>
    %div3A_76 = arith.divf %sub3A_70, %div3A_75 : vector<2000x128xf32>
    %broadcast_in_dim3A_77 = vector.shape_cast %get3A_0 : vector<128xf32> to vector<1x128xf32>
    %mul3A_78 = vector.broadcast %broadcast_in_dim3A_77 : vector<1x128xf32> to vector<2000x128xf32>
    %mul3A_79 = arith.mulf %div3A_76, %mul3A_78 : vector<2000x128xf32>
    %broadcast_in_dim3A_80 = vector.shape_cast %get3A_2 : vector<128xf32> to vector<1x128xf32>
    %add3A_81 = vector.broadcast %broadcast_in_dim3A_80 : vector<1x128xf32> to vector<2000x128xf32>
    %add3A_82 = arith.addf %mul3A_79, %add3A_81 : vector<2000x128xf32>
    %add3A_83 = arith.addf %add3A_35, %add3A_82 : vector<2000x128xf32>
    %swap3A = arith.constant 0 : index
    %swap3A_84 = arith.constant 0 : index
    %swap3A_85 = vector.load %arg10[%swap3A, %swap3A_84] : memref<2000x128xf32, #tpu.memory_space<vmem>>, vector<2000x128xf32>
    tpu.vector_store %arg10[%swap3A, %swap3A_84], %add3A_83 {strides = array<i32>} : memref<2000x128xf32, #tpu.memory_space<vmem>>, vector<2000x128xf32>,
    return
  }
  func.func @transform_0(%arg0: i32) -> (i32, i32) {
    %c0_i32 = arith.constant 0 : i32
    %c0_i32_0 = arith.constant 0 : i32
    return %arg0, %c0_i32 : i32, i32
  }
  func.func @transform_1(%arg0: i32) -> (i32, i32) {
    %c0_i32 = arith.constant 0 : i32
    %c0_i32_0 = arith.constant 0 : i32
    return %arg0, %c0_i32 : i32, i32
  }
  func.func @transform_2(%arg0: i32) -> (i32, i32) {
    %c0_i32 = arith.constant 0 : i32
    %c0_i32_0 = arith.constant 0 : i32
    %c0_i32_1 = arith.constant 0 : i32
    return %c0_i32, %c0_i32_0 : i32, i32
  }
  func.func @transform_3(%arg0: i32) -> i32 {
    %c0_i32 = arith.constant 0 : i32
    %c0_i32_0 = arith.constant 0 : i32
    return %c0_i32 : i32
  }
  func.func @transform_4(%arg0: i32) -> (i32, i32) {
    %c0_i32 = arith.constant 0 : i32
    %c0_i32_0 = arith.constant 0 : i32
    %c0_i32_1 = arith.constant 0 : i32
    return %c0_i32, %c0_i32_0 : i32, i32
  }
  func.func @transform_5(%arg0: i32) -> i32 {
    %c0_i32 = arith.constant 0 : i32
    %c0_i32_0 = arith.constant 0 : i32
    return %c0_i32 : i32
  }
  func.func @transform_6(%arg0: i32) -> (i32, i32) {
    %c0_i32 = arith.constant 0 : i32
    %c0_i32_0 = arith.constant 0 : i32
    %c0_i32_1 = arith.constant 0 : i32
    return %c0_i32, %c0_i32_0 : i32, i32
  }
  func.func @transform_7(%arg0: i32) -> i32 {
    %c0_i32 = arith.constant 0 : i32
    %c0_i32_0 = arith.constant 0 : i32
    return %c0_i32 : i32
  }
  func.func @transform_8(%arg0: i32) -> i32 {
    %c0_i32 = arith.constant 0 : i32
    %c0_i32_0 = arith.constant 0 : i32
    return %c0_i32 : i32
  }
  func.func @transform_9(%arg0: i32) -> (i32, i32) {
    %c0_i32 = arith.constant 0 : i32
    %c0_i32_0 = arith.constant 0 : i32
    return %arg0, %c0_i32 : i32, i32
  }
}

</mosaic_0001>

<sc_bundles>
// kernel: kernel.5.cloned.1.call-start
scs
__scs_entry_jumppad:
0x0: {  	(pc) =	sbr.rel $0x88, $3  }
0x1: {  	(tag) =	ssettag $0x0;
	lr =	simm.s32 $0x1  }
0x2: {  	[smem:$0x3F8F] =	sst lr;
	_ =	strace $0xD0000000  }
0x3: {  	_ = 	snop  }
0x4: {  	_ = 	snop  }
0x5: {  	_ = 	snop  }
0x6: {  	_ = 	snop  }
0x7: {  	_ = 	snop  }
__scs_overlays_trampoline_lowered:
0x8: {  	[smem:$0x3F9E] =	sst s0  }
0x9: {  	[smem:$0x3F9F] =	sst s1  }
0xa: {  	[smem:$0x3FA0] =	sst s2  }
0xb: {  	[smem:$0x3FA1] =	sst s3  }
0xc: {  	[smem:$0x3FA2] =	sst s4  }
0xd: {  	[smem:$0x3FA3] =	sst s5  }
0xe: {  	[smem:$0x3FA4] =	sst s6  }
0xf: {  	[smem:$0x3FA5] =	sst s7  }
0x10: {  	[smem:$0x3FA6] =	sst s8  }
0x11: {  	[smem:$0x3FA7] =	sst s9;
	s0 =	simm.s32 @!p0 $0x0  }
0x12: {  	s1 =	sld [smem:$0x3F8D];
	s0 =	simm.s32 @p0 $0x1  }
0x13: {  	[smem:$0x3FA8] =	sst s0;
	s0 =	simm.s32 @!p1 $0x0  }
0x14: {  	s2 =	sld [smem:$0x3F8C];
	s0 =	simm.s32 @p1 $0x1  }
0x15: {  	[smem:$0x3FA9] =	sst s0;
	s0 =	simm.s32 @!p2 $0x0  }
0x16: {  	s3 =	sld [smem:$0x3FDB];
	s0 =	simm.s32 @p2 $0x1  }
0x17: {  	s4 =	simm.s32 $0x1BF5;
	[smem:$0x3FAB] =	sst s0  }
0x18: {  	s0 =	sld [smem:$0x3F8E];
	_ =	swait.ge [sflag:s4], $0x0  }
0x19: {  	s7 =	sld [smem:$0x3F8F]  }
0x1a: {  	s8 =	sadd.s32 $0xFFFFE003, lr  }
0x1b: {  	s9 =	sadd.s32 $0xFFFFFEF7, lr;
	s5 =	simm.s32 $0xFFFFFFFF;
	p2 =	slt.u32 s8, $0xFFFFF086  }
0x1c: {  	p1 =	slt.u32 s9, $0xF7A;
	s5 =	simm.s32 @!p2 $0x0  }
0x1d: {  	s5 =	simm.s32 @p1 $0x1;
	p0 =	seq.s32 s7, s2  }
0x1e: {  	s7 =	smul.u32 @!p0 $0xF7A, s2;
	p2 =	seq.s32 @!p0 s5, $0x0  }
0x1f: {  	s9 =	smul.u32 $0xF7A, s1;
	s8 =	simm.s32 @!p0 $0x1BF5;
	p2 =	por !p2, p0  }
0x20: {  	[sflag:s8] =	ssyncset.s32 @!p0 $0xFFFFF086;
	s6 =	sadd.s32 @!p0 s3, s7;
	s7 =	simm.s32 @!p0 $0x108  }
0x21: {  	s3 =	sadd.s32 s3, s9;
	s6 =	sadd.s32 @!p0 $0x88, s6;
	s7 =	simm.s32 @p2 $0x1082  }
0x22: {  	[simem:s7], [sflag:s8] =	dma.local @!p0 [hbm:s6], $0xF7A  }
0x23: {  	s9 =	sor.u32 $0xD0000000, s2;
	s6 =	simm.s32 $0x108;
	_ =	swait.ge @!p0 [sflag:s8], $0x0  }
0x24: {  	s3 =	sadd.s32 $0x88, s3;
	s6 =	simm.s32 @!p1 $0x1082;
	[sflag:s4] =	ssyncset.s32 $0xFFFFF086  }
0x25: {  	[simem:s6], [sflag:s4] =	dma.local [hbm:s3], $0xF7A  }
0x26: {  	[smem:$0x3F8F] =	sst s1;
	(tag) =	ssettag s2;
	_ =	strace s9  }
0x27: {  	s1 =	sld [smem:$0x3F9F]  }
0x28: {  	s2 =	sld [smem:$0x3FA0]  }
0x29: {  	s4 =	sld [smem:$0x3FA2]  }
0x2a: {  	p0 =	seq.s32 s5, $0x0;
	s5 =	sld [smem:$0x3FA3]  }
0x2b: {  	s6 =	sld [smem:$0x3FA4]  }
0x2c: {  	s7 =	sld [smem:$0x3FA5]  }
0x2d: {  	s3 =	simm.s32 $0x108;
	s8 =	sld [smem:$0x3FA6]  }
0x2e: {  	s3 =	simm.s32 @!p0 $0x1082;
	s9 =	sld [smem:$0x3FA7]  }
0x2f: {  	lr =	sadd.s32 s0, s3;
	s0 =	sld [smem:$0x3F9E]  }
0x30: {  	s3 =	sld [smem:$0x3FA1]  }
0x31: {  	[smem:$0x3FAA] =	sst s10  }
0x32: {  	s10 =	sld [smem:$0x3FA8];
	_ =	sdelay $0x3  }
0x33: {  	p0 =	seq.s32 s10, $0x1;
	s10 =	sld [smem:$0x3FAA];
	_ =	sdelay $0x3  }
0x34: {  	[smem:$0x3FAA] =	sst s10  }
0x35: {  	s10 =	sld [smem:$0x3FA9];
	_ =	sdelay $0x3  }
0x36: {  	p1 =	seq.s32 s10, $0x1;
	s10 =	sld [smem:$0x3FAA];
	_ =	sdelay $0x3  }
0x37: {  	[smem:$0x3FAA] =	sst s10  }
0x38: {  	s10 =	sld [smem:$0x3FAB]  }
0x39: {  	_ = 	snop;
	(pc) =	sbr.ind lr, $3  }
0x3a: {  	_ = 	snop  }
0x3b: {  	_ = 	snop  }
0x3c: {  	p2 =	seq.s32 s10, $0x1;
	s10 =	sld [smem:$0x3FAA]  }
0x3d: {  	_ =	shalt  }
0x3e: {  	_ =	shalt  }
0x3f: {  	_ =	shalt  }
0x40: {  	_ =	shalt  }
0x41: {  	_ =	shalt  }
0x42: {  	_ =	shalt  }
0x43: {  	_ =	shalt  }
0x44: {  	_ =	shalt  }
0x45: {  	_ =	shalt  }
0x46: {  	_ =	shalt  }
0x47: {  	_ =	shalt  }
0x48: {  	_ =	shalt  }
0x49: {  	_ =	shalt  }
0x4a: {  	_ =	shalt  }
0x4b: {  	_ =	shalt  }
0x4c: {  	_ =	shalt  }
0x4d: {  	_ =	shalt  }
0x4e: {  	_ =	shalt  }
0x4f: {  	_ =	shalt  }
0x50: {  	_ =	shalt  }
0x51: {  	_ =	shalt  }
0x52: {  	_ =	shalt  }
0x53: {  	_ =	shalt  }
0x54: {  	_ =	shalt  }
0x55: {  	_ =	shalt  }
0x56: {  	_ =	shalt  }
0x57: {  	_ =	shalt  }
0x58: {  	_ =	shalt  }
0x59: {  	_ =	shalt  }
0x5a: {  	_ =	shalt  }
0x5b: {  	_ =	shalt  }
0x5c: {  	_ =	shalt  }
0x5d: {  	_ =	shalt  }
0x5e: {  	_ =	shalt  }
0x5f: {  	_ =	shalt  }
0x60: {  	_ =	shalt  }
0x61: {  	_ =	shalt  }
0x62: {  	_ =	shalt  }
0x63: {  	_ =	shalt  }
0x64: {  	_ =	shalt  }
0x65: {  	_ =	shalt  }
0x66: {  	_ =	shalt  }
0x67: {  	_ =	shalt  }
0x68: {  	_ =	shalt  }
0x69: {  	_ =	shalt  }
0x6a: {  	_ =	shalt  }
0x6b: {  	_ =	shalt  }
0x6c: {  	_ =	shalt  }
0x6d: {  	_ =	shalt  }
0x6e: {  	_ =	shalt  }
0x6f: {  	_ =	shalt  }
0x70: {  	_ =	shalt  }
0x71: {  	_ =	shalt  }
0x72: {  	_ =	shalt  }
0x73: {  	_ =	shalt  }
0x74: {  	_ =	shalt  }
0x75: {  	_ =	shalt  }
0x76: {  	_ =	shalt  }
0x77: {  	_ =	shalt  }
0x78: {  	_ =	shalt  }
0x79: {  	_ =	shalt  }
0x7a: {  	_ =	shalt  }
0x7b: {  	_ =	shalt  }
0x7c: {  	_ =	shalt  }
0x7d: {  	_ =	shalt  }
0x7e: {  	_ =	shalt  }
0x7f: {  	_ =	shalt  }
0x80: {  	_ =	shalt  }
0x81: {  	_ =	shalt  }
0x82: {  	_ =	shalt  }
0x83: {  	_ =	shalt  }
0x84: {  	_ =	shalt  }
0x85: {  	_ =	shalt  }
0x86: {  	_ =	shalt  }
0x87: {  	_ =	shalt  }
.Lfunc_end0:
.L_simem_size_0:
called_computation.1_lowered:
.L_overlay_start_0:
0x88: {  	s2 =	sld [smem:$0x3FD9]  }
0x89: {  	s3 =	sld [smem:$0x3FFE];
	_ =	sdelay $0x1  }
0x8a: {  	s1 =	srdreg.scid  }
0x8b: {  	s0 =	sand.u32 $0x1, s1  }
0x8c: {  	s14 =	sshll.u32 s0, $0xA;
	s2 =	sadd.s32 s3, s2  }
0x8d: {  	s2 =	sadd.s32 s2, s14  }
0x8e: {  	[smem:$0x3FB6] =	sst s2  }
0x8f: {  	_ = 	snop  }
0x90: {  	s2 =	sld [smem:$0x3FD0];
	_ =	sdelay $0x2  }
0x91: {  	s15 =	simm.s32 $0xA;
	s4 =	simm.s32 $0x10  }
0x92: {  	[smem:s4], [sflag:s15] =	dma.local [hbm:s2], $0x1  }
0x93: {  	_ =	swait.eq [sflag:s15], $0x1  }
0x94: {  	[sflag:s15] =	ssyncset.done $0x0  }
0x95: {  	s16 =	sld [smem:$0x10];
	[sflag:s15] =	ssyncadd.s32 $0xFFFFFFFF  }
0x96: {  	s17 =	sld [smem:$0x11];
	(tm) =	ssettm $0x1  }
0x97: {  	s18 =	sld [smem:$0x3FFB];
	_ =	sdelay $0x3  }
0x98: {  	_ =	strace s18  }
0x99: {  	s4 =	sld [smem:$0x3FFC];
	_ =	sdelay $0x3  }
0x9a: {  	_ =	strace s4  }
0x9b: {  	s4 =	sld [smem:$0x3FFD];
	_ =	sdelay $0x3  }
0x9c: {  	_ =	strace s4  }
0x9d: {  	_ =	strace $0x8FFFFFFF  }
0x9e: {  	s19 =	sld [smem:$0x3FDB];
	_ =	sdelay $0x1  }
0x9f: {  	s5 =	simm.s32 $_scs_section_size  }
0xa0: {  	s6 =	simm.s32 $_size__tile_overlayer_lowered;
	s7 =	simm.s32 $_tile_overlayer_lowered  }
0xa1: {  	s22 =	simm.s32 $0x1BFF;
	s21 =	sshll.u32 s7, $0x1;
	s4 =	sadd.s32 s5, s19  }
0xa2: {  	s8 =	simm.s32 $0x0;
	s20 =	sshll.u32 s6, $0x1;
	s6 =	sadd.s32 s21, s4  }
0xa3: {  	[timem:s8], [sflag:s22] =	dma.local [hbm:s6], s20  }
0xa4: {  	_ =	swait.ge [sflag:s22], s20  }
0xa5: {  	s5 =	ssub.s32 $0x0, s20;
	[sflag:s22] =	ssyncset.done $0x0  }
0xa6: {  	[sflag:s22] =	ssyncadd.s32 s5;
	_ =	sdelay $0x1  }
0xa7: {  	s23 =	simm.s32 $0x1B8B  }
0xa8: {  	_ =	swait.ge [sflag:s23], $0x1  }
0xa9: {  	[sflag:s23] =	ssyncset.done $0x0  }
0xaa: {  	s25 =	simm.s32 $0x1B8E;
	s24 =	sld [smem:$0x3FFE];
	[sflag:s23] =	ssyncadd.s32 $0xFFFFFFFF  }
0xab: {  	s26 =	simm.s32 $execute0_lowered;
	[smem:$0x3FD2] =	sst s25  }
0xac: {  	s6 =	sshll.u32 s26, $0x1;
	_ =	strace $0x80000046;
	[dreg:$0x1] =	wrdreg $0xFFFFFFFF  }
0xad: {  	s28 =	simm.s32 $_size_execute0_lowered;
	s4 =	sadd.s32 s4, s6;
	[dreg:$0x0] =	wrdreg $0x0  }
0xae: {  	s6 =	sshll.u32 s28, $0x1;
	[dreg:$0x2] =	wrdreg s4  }
0xaf: {  	[dreg:$0x3] =	wrdreg s6  }
0xb0: {  	[dreg:$0x4] =	wrdreg $0xC0  }
0xb1: {  	_ =	task [dreg:s8], $0x5FFFF  }
0xb2: {  	[dreg:$0x1] =	wrdreg $0xFFFFFFFF  }
0xb3: {  	[dreg:$0x0] =	wrdreg $0x60  }
0xb4: {  	[dreg:$0x2] =	wrdreg s16  }
0xb5: {  	[dreg:$0x3] =	wrdreg s24  }
0xb6: {  	[dreg:$0x4] =	wrdreg s17  }
0xb7: {  	[dreg:$0x5] =	wrdreg $0xA2800  }
0xb8: {  	[dreg:$0x6] =	wrdreg $0x9  }
0xb9: {  	_ =	task.clear_ibuf [dreg:s8], $0x7FFFF;
	_ =	strace $0x90000046  }
0xba: {  	s29 =	simm.s32 $0x9;
	_ =	strace $0x80000048  }
0xbb: {  	_ =	swait.ge [sflag:s29], $0x1  }
0xbc: {  	[sflag:s29] =	ssyncadd.s32 $0xFFFFFFFF  }
0xbd: {  	_ =	strace $0x90000048  }
0xbe: {  	_ =	sfence  }
0xbf: {  	s30 =	sld [smem:$0x0];
	_ =	sdelay $0x2  }
0xc0: {  	s31 =	sshll.u32 s1, $0xD;
	s1 =	sshrl.u32 s1, $0x2  }
0xc1: {  	s3 =	sand.u32 $0x4000, s31;
	s1 =	sadd.s32 s1, s30  }
0xc2: {  	s0 =	sor.u32 s3, s0;
	s1 =	sshll.u32 s1, $0x11  }
0xc3: {  	s0 =	sor.u32 s1, s0  }
0xc4: {  	s0 =	sadd.s32 $0x8F2B, s0  }
0xc5: {  	[sflag:s0] =	ssyncadd.remote.s32 $0x1  }
0xc6: {  	_ =	sfence.sel $0xFFFF  }
0xc7: {  	[dreg:$0x0] =	wrdreg $0xFFFFFFFF;
	(pc) =	sbr.abs _section_cstart, $3  }
0xc8: {  	[dreg:$0x1] =	wrdreg $0xFFFFFFFF  }
0xc9: {  	_ =	task.clear_ibuf [dreg:s8], $0x2FFFF;
	_ =	strace $0x9FFFFFFF  }
0xca: {  	(tm) =	ssettm $0x7FFFFFFF  }
0xcb: {  	_ =	shalt  }
tec
execute0_lowered:
.L_overlay_start_1:
0x0: {  	(tag) =	ssettag $0x1  }
0x1: {  	s0 =	rddreg [dreg:$0x0]  }
0x2: {  	s4 =	rddreg [dreg:$0x1]  }
0x3: {  	s2 =	rddreg [dreg:$0x2];
	s1 =	srdreg.scid  }
0x4: {  	s3 =	rddreg [dreg:$0x3];
	s19 =	stileid.u32  }
0x5: {  	s21 =	simm.s32 $0x0;
	s29 =	simm.s32 $0x2940;
	s30 =	simm.s32 $0x40  }
0x6: {  	s31 =	simm.s32 $0x80;
	s6 =	sand.u32 $0x1, s1;
	s7 =	smul.u32 $0x13880, s19  }
0x7: {  	[smem:$0x7FF] =	sst s21;
	s8 =	sadd.s32 $0x64800, s4;
	s1 =	ssub.s32 $0x2, s6  }
0x8: {  	s5 =	sshrl.u32 s1, $0x1;
	s9 =	sadd.s32 $0x2800, s7;
	s10 =	sadd.s32 $0x5000, s7  }
0x9: {  	s11 =	sadd.s32 $0x7800, s7;
	s12 =	sadd.s32 $0xA000, s7;
	s13 =	sadd.s32 $0xC800, s7  }
0xa: {  	s14 =	sadd.s32 $0xF000, s7;
	s1 =	ssub.s32 s1, s5;
	s5 =	sshll.u32 s6, $0x6  }
0xb: {  	s18 =	sadd.s32 $0x11800, s7;
	s28 =	sadd.s32 s7, s3;
	s15 =	sor.u32 s5, s7  }
0xc: {  	s16 =	sor.u32 s5, s9;
	s22 =	sor.u32 s5, s10;
	s24 =	sor.u32 s5, s11  }
0xd: {  	s26 =	sor.u32 s5, s12;
	s7 =	sadd.s32 s9, s3;
	s9 =	sadd.s32 s11, s3  }
0xe: {  	s15 =	sshrl.u32 s15, $0x3;
	s20 =	sshrl.u32 s16, $0x3;
	s23 =	sshrl.u32 s22, $0x3  }
0xf: {  	s25 =	sshrl.u32 s24, $0x3;
	s17 =	sshrl.u32 s26, $0x3;
	s15 =	sadd.s32 s8, s15  }
0x10: {  	[dreg:$0x6] =	wrdreg s15;
	s15 =	sadd.s32 s8, s20;
	s20 =	sor.u32 s5, s13  }
0x11: {  	[dreg:$0x7] =	wrdreg s15;
	s15 =	sadd.s32 s8, s23;
	s22 =	sshrl.u32 s20, $0x3  }
0x12: {  	s23 =	sor.u32 s5, s14;
	[dreg:$0x8] =	wrdreg s15;
	s15 =	sadd.s32 s8, s25  }
0x13: {  	s24 =	sshrl.u32 s23, $0x3;
	[dreg:$0x9] =	wrdreg s15;
	s15 =	sadd.s32 s8, s17  }
0x14: {  	s25 =	sor.u32 s5, s18;
	[dreg:$0xa] =	wrdreg s15;
	s15 =	sadd.s32 s8, s22  }
0x15: {  	s26 =	sshrl.u32 s25, $0x3;
	[dreg:$0xb] =	wrdreg s15;
	s15 =	sadd.s32 s8, s24  }
0x16: {  	s11 =	sadd.s32 s12, s3;
	s8 =	sadd.s32 s8, s26;
	[dreg:$0xc] =	wrdreg s15  }
0x17: {  	s12 =	sadd.s32 s13, s3;
	s1 =	smax.u32 s1, $0x1;
	[dreg:$0xd] =	wrdreg s8  }
0x18: {  	s8 =	sadd.s32 s10, s3;
	_ =	strace $0x80000047;
	[dreg:$0xf] =	wrdreg s7  }
0x19: {  	s16 =	sadd.s32 $0x2C00, s4;
	s20 =	smul.u32 $0x4E20, s19;
	[dreg:$0x10] =	wrdreg s8  }
0x1a: {  	s13 =	sadd.s32 s14, s3;
	s14 =	sadd.s32 s18, s3;
	[dreg:$0x11] =	wrdreg s9  }
0x1b: {  	s17 =	sadd.s32 $0x8BA00, s4;
	s22 =	sadd.s32 $0x50, s20;
	[dreg:$0x12] =	wrdreg s11  }
0x1c: {  	s18 =	sshrl.u32 s20, $0x3;
	s23 =	sshrl.u32 s22, $0x3;
	[dreg:$0x13] =	wrdreg s12  }
0x1d: {  	s15 =	sadd.s32 $0x16600, s4;
	s4 =	smul.u32 $0x2710, s6;
	[dreg:$0x14] =	wrdreg s13  }
0x1e: {  	s10 =	smul.u32 $0x271000, s19;
	[dreg:$0x15] =	wrdreg s14;
	s7 =	sadd.s32 s16, s18  }
0x1f: {  	s8 =	sshll.u32 s22, $0x7;
	[dreg:$0x1c] =	wrdreg s1;
	s9 =	simm.s32 $0x5  }
0x20: {  	s12 =	simm.s32 $0x4E200;
	s13 =	simm.s32 $0x1;
	s11 =	simm.s32 $0x3D40  }
0x21: {  	s22 =	simm.s32 $0x7A80;
	[dreg:$0xe] =	wrdreg s28;
	s6 =	sor.u32 s5, s10  }
0x22: {  	[dreg:$0x16] =	wrdreg s7;
	s24 =	sor.u32 s5, s8;
	s10 =	simm.s32 $0x50  }
0x23: {  	s19 =	sshrl.u32 s6, $0x3;
	s25 =	sadd.s32 $0x26C000, s6;
	s6 =	sadd.s32 $0x26E800, s6  }
0x24: {  	s7 =	sadd.s32 s2, s19;
	s8 =	sshrl.u32 s25, $0x3;
	s6 =	sshrl.u32 s6, $0x3  }
0x25: {  	s19 =	simm.s32 $0x5280;
	[dreg:$0x17] =	wrdreg s7;
	s7 =	sadd.s32 s16, s23  }
0x26: {  	s25 =	simm.s32 $0x5190;
	s26 =	sadd.s32 s17, s8;
	[dreg:$0x18] =	wrdreg s7  }
0x27: {  	s6 =	sadd.s32 s17, s6;
	s8 =	simm.s32 $0x140;
	[dreg:$0x1a] =	wrdreg s26  }
0x28: {  	s23 =	simm.s32 $0x8E80;
	s7 =	sshrl.u32 s24, $0x3;
	[dreg:$0x1b] =	wrdreg s6  }
0x29: {  	s6 =	simm.s32 $0x2;
	s24 =	simm.s32 $0x3;
	s7 =	sadd.s32 s2, s7  }
0x2a: {  	v1 =	vimm.f32 $0.0e+00;
	v0 =	vmov s4;
	s26 =	simm.s32 $0x4;
	[dreg:$0x19] =	wrdreg s7;
	s7 =	sor.u32 $0x2800, s5  }
.LBB2_1:
0x2b: {  	[dreg:$0x5] =	wrdreg s21;
	s1 =	simm.s32 $0x0;
	s4 =	simm.s32 $0x200  }
.LBB2_2:
0x2c: {  	p0 =	sne.s32 s4, $0x9E00;
	[tilespmem:s1+$0x1B0] =	vst v1  }
0x2d: {  	[tilespmem:s1+$0x140] =	vst v1  }
0x2e: {  	[tilespmem:s1+$0x150] =	vst v1  }
.Ltmp0:
0x2f: {  	[tilespmem:s1+$0x160] =	vst v1;
	(pc) =	sbr.rel @p0 .LBB2_2-.Ltmp0, $4  }
0x30: {  	[tilespmem:s1+$0x170] =	vst v1  }
0x31: {  	[tilespmem:s1+$0x180] =	vst v1  }
0x32: {  	[tilespmem:s1+$0x190] =	vst v1  }
0x33: {  	[tilespmem:s1+$0x1A0] =	vst v1;
	s1 =	sshra.s32 s4, $0x2;
	s4 =	sadd.s32 $0x200, s4  }
0x34: {  	[tilespmem:s1+$0x1B0] =	vst v1  }
0x35: {  	[tilespmem:s1+$0x140] =	vst v1  }
0x36: {  	[tilespmem:s1+$0x150] =	vst v1  }
0x37: {  	[tilespmem:s1+$0x160] =	vst v1  }
0x38: {  	[tilespmem:s1+$0x170] =	vst v1  }
0x39: {  	[tilespmem:s1+$0x180] =	vst v1  }
0x3a: {  	[tilespmem:s1+$0x190] =	vst v1  }
0x3b: {  	[tilespmem:s1+$0x1A0] =	vst v1  }
0x3c: {  	[spmem:s28] =	stream.linear.scatter [tilespmem:s8], [sflag:$0x5], $0x2800, $0x38;
	[tilespmem:$0x1DB00] =	vst v63  }
0x3d: {  	_ =	swait.ge [sflag:s9], $0x2800  }
0x3e: {  	[sflag:s9] =	ssyncset.done $0x0  }
0x3f: {  	s18 =	rddreg [dreg:$0xf];
	[sflag:s9] =	ssyncadd.s32 $0xFFFFD800  }
0x40: {  	[spmem:s18] =	stream.linear.scatter [tilespmem:s8], [sflag:$0x5], $0x2800, $0x38;
	[tilespmem:$0x1DB00] =	vst v63  }
0x41: {  	_ =	swait.ge [sflag:s9], $0x2800  }
0x42: {  	[sflag:s9] =	ssyncset.done $0x0  }
0x43: {  	s21 =	rddreg [dreg:$0x10];
	[sflag:s9] =	ssyncadd.s32 $0xFFFFD800  }
0x44: {  	[spmem:s21] =	stream.linear.scatter [tilespmem:s8], [sflag:$0x5], $0x2800, $0x38;
	[tilespmem:$0x1DB00] =	vst v63  }
0x45: {  	_ =	swait.ge [sflag:s9], $0x2800  }
0x46: {  	[sflag:s9] =	ssyncset.done $0x0  }
0x47: {  	s28 =	rddreg [dreg:$0x11];
	[sflag:s9] =	ssyncadd.s32 $0xFFFFD800  }
0x48: {  	[spmem:s28] =	stream.linear.scatter [tilespmem:s8], [sflag:$0x5], $0x2800, $0x38;
	[tilespmem:$0x1DB00] =	vst v63  }
0x49: {  	_ =	swait.ge [sflag:s9], $0x2800  }
0x4a: {  	[sflag:s9] =	ssyncset.done $0x0  }
0x4b: {  	s4 =	rddreg [dreg:$0x12];
	[sflag:s9] =	ssyncadd.s32 $0xFFFFD800  }
0x4c: {  	[spmem:s4] =	stream.linear.scatter [tilespmem:s8], [sflag:$0x5], $0x2800, $0x38;
	[tilespmem:$0x1DB00] =	vst v63  }
0x4d: {  	_ =	swait.ge [sflag:s9], $0x2800  }
0x4e: {  	[sflag:s9] =	ssyncset.done $0x0  }
0x4f: {  	s14 =	rddreg [dreg:$0x13];
	[sflag:s9] =	ssyncadd.s32 $0xFFFFD800  }
0x50: {  	[spmem:s14] =	stream.linear.scatter [tilespmem:s8], [sflag:$0x5], $0x2800, $0x38;
	[tilespmem:$0x1DB00] =	vst v63  }
0x51: {  	_ =	swait.ge [sflag:s9], $0x2800  }
0x52: {  	[sflag:s9] =	ssyncset.done $0x0  }
0x53: {  	s18 =	rddreg [dreg:$0x14];
	[sflag:s9] =	ssyncadd.s32 $0xFFFFD800  }
0x54: {  	[spmem:s18] =	stream.linear.scatter [tilespmem:s8], [sflag:$0x5], $0x2800, $0x38;
	[tilespmem:$0x1DB00] =	vst v63  }
0x55: {  	_ =	swait.ge [sflag:s9], $0x2800  }
0x56: {  	[sflag:s9] =	ssyncset.done $0x0  }
0x57: {  	s21 =	rddreg [dreg:$0x15];
	[sflag:s9] =	ssyncadd.s32 $0xFFFFD800  }
0x58: {  	[spmem:s21] =	stream.linear.scatter [tilespmem:s8], [sflag:$0x5], $0x2080, $0x38;
	[tilespmem:$0x1DB00] =	vst v63  }
0x59: {  	_ =	swait.ge [sflag:s9], $0x2080  }
0x5a: {  	[sflag:s9] =	ssyncset.done $0x0  }
0x5b: {  	[sflag:s9] =	ssyncadd.s32 $0xFFFFDF80  }
0x5c: {  	[bflag:$0x0] =	sbarrier.arrive $0xFFFF  }
0x5d: {  	s4 =	simm.s32 $0x0;
	s28 =	rddreg [dreg:$0x16]  }
0x5e: {  	[tilespmem:s4], [sflag:$0x1] =	stream.strided.gather [hbm4b:s28+s10], $0xA0, s12, s10, $0x38;
	[tilespmem:$0x1DB00] =	vst v63  }
0x5f: {  	_ =	swait.ge [sflag:s13], $0xA0  }
0x60: {  	[sflag:s13] =	ssyncset.done $0x0  }
0x61: {  	[sflag:s13] =	ssyncadd.s32 $0xFFFFFF60  }
0x62: {  	v2 =	vld [tilespmem:$0x0]  }
0x63: {  	v3 =	vld [tilespmem:$0x50]  }
0x64: {  	v4 =	vld [tilespmem:$0x10]  }
0x65: {  	v5 =	vld [tilespmem:$0x60]  }
0x66: {  	v6 =	vld [tilespmem:$0x20]  }
0x67: {  	v7 =	vld [tilespmem:$0x70];
	v2 =	vadd.s32 v0, v2  }
0x68: {  	[tilespmem:$0xA0] =	vst v2;
	v2 =	vadd.s32 v0, v3;
	v3 =	vld [tilespmem:$0x30]  }
0x69: {  	v54 =	vld [tilespmem:$0x80];
	[tilespmem:$0xF0] =	vst v2;
	v2 =	vadd.s32 v0, v4  }
0x6a: {  	v55 =	vld [tilespmem:$0x40];
	[tilespmem:$0xB0] =	vst v2;
	v2 =	vadd.s32 v0, v5  }
0x6b: {  	v56 =	vld [tilespmem:$0x90];
	[tilespmem:$0x100] =	vst v2;
	v2 =	vadd.s32 v0, v6  }
0x6c: {  	[tilespmem:$0xC0] =	vst v2;
	v2 =	vadd.s32 v0, v7  }
0x6d: {  	[tilespmem:$0x110] =	vst v2;
	v2 =	vadd.s32 v0, v3  }
0x6e: {  	[tilespmem:$0xD0] =	vst v2;
	v2 =	vadd.s32 v0, v54  }
0x6f: {  	[tilespmem:$0x120] =	vst v2;
	v2 =	vadd.s32 v0, v55  }
0x70: {  	[tilespmem:$0xE0] =	vst v2;
	v2 =	vadd.s32 v0, v56  }
0x71: {  	s14 =	simm.s32 $0xA0;
	[tilespmem:$0x130] =	vst v2  }
0x72: {  	[tilespmem:s8], [sflag:$0x1] =	stream.indirect.gather [hbm4b:s15+s10], $0x80, s14, s10, $0xb8;
	[tilespmem:$0x1DB00] =	vst v63  }
0x73: {  	s18 =	simm.s32 $0xF0  }
0x74: {  	[tilespmem:s29], [sflag:$0x1] =	stream.indirect.gather [hbm4b:s0+s10], $0x40, s18, s10, $0xb8;
	[tilespmem:$0x1DB00] =	vst v63  }
0x75: {  	s21 =	rddreg [dreg:$0x17]  }
0x76: {  	[tilespmem:s11], [sflag:$0x1] =	stream.strided.gather [hbm4b:s21+s30], $0x1400, s31, s30, $0x38;
	[tilespmem:$0x1DB00] =	vst v63  }
0x77: {  	s28 =	rddreg [dreg:$0x18];
	s14 =	simm.s32 $0x5140  }
0x78: {  	[tilespmem:s14], [sflag:$0x2] =	stream.strided.gather [hbm4b:s28+s10], $0xA0, s12, s10, $0x38;
	[tilespmem:$0x1DB00] =	vst v63  }
0x79: {  	_ =	swait.ge [sflag:s6], $0xA0  }
0x7a: {  	[sflag:s6] =	ssyncset.done $0x0  }
0x7b: {  	[sflag:s6] =	ssyncadd.s32 $0xFFFFFF60  }
0x7c: {  	v2 =	vld [tilespmem:$0x5140]  }
0x7d: {  	v3 =	vld [tilespmem:$0x5190]  }
0x7e: {  	v57 =	vld [tilespmem:$0x5150]  }
0x7f: {  	v58 =	vld [tilespmem:$0x51A0]  }
0x80: {  	v59 =	vld [tilespmem:$0x5160]  }
0x81: {  	v60 =	vld [tilespmem:$0x51B0];
	v2 =	vadd.s32 v0, v2  }
0x82: {  	[tilespmem:$0x51E0] =	vst v2;
	v2 =	vadd.s32 v0, v3;
	v3 =	vld [tilespmem:$0x5170]  }
0x83: {  	v61 =	vld [tilespmem:$0x51C0];
	[tilespmem:$0x5230] =	vst v2;
	v2 =	vadd.s32 v0, v57  }
0x84: {  	v62 =	vld [tilespmem:$0x5180];
	[tilespmem:$0x51F0] =	vst v2;
	v2 =	vadd.s32 v0, v58  }
0x85: {  	v63 =	vld [tilespmem:$0x51D0];
	[tilespmem:$0x5240] =	vst v2;
	v2 =	vadd.s32 v0, v59  }
0x86: {  	[tilespmem:$0x5200] =	vst v2;
	v2 =	vadd.s32 v0, v60  }
0x87: {  	[tilespmem:$0x5250] =	vst v2;
	v2 =	vadd.s32 v0, v3  }
0x88: {  	[tilespmem:$0x5210] =	vst v2;
	v2 =	vadd.s32 v0, v61  }
0x89: {  	[tilespmem:$0x5260] =	vst v2;
	v2 =	vadd.s32 v0, v62  }
0x8a: {  	[tilespmem:$0x5220] =	vst v2;
	v2 =	vadd.s32 v0, v63  }
0x8b: {  	s18 =	simm.s32 $0x51E0;
	[tilespmem:$0x5270] =	vst v2  }
0x8c: {  	[tilespmem:s19], [sflag:$0x2] =	stream.indirect.gather [hbm4b:s15+s10], $0x80, s18, s10, $0xb8;
	[tilespmem:$0x1DB00] =	vst v63  }
0x8d: {  	s21 =	simm.s32 $0x5230  }
0x8e: {  	[tilespmem:s22], [sflag:$0x2] =	stream.indirect.gather [hbm4b:s0+s10], $0x40, s21, s10, $0xb8;
	[tilespmem:$0x1DB00] =	vst v63  }
0x8f: {  	s28 =	rddreg [dreg:$0x19]  }
0x90: {  	[tilespmem:s23], [sflag:$0x2] =	stream.strided.gather [hbm4b:s28+s30], $0x1400, s31, s30, $0x38;
	[tilespmem:$0x1DB00] =	vst v63  }
.LBB2_4:
0x91: {  	_ =	swait.ge [sflag:s13], $0x2800  }
0x92: {  	[sflag:s13] =	ssyncset.done $0x0  }
0x93: {  	[sflag:s13] =	ssyncadd.s32 $0xFFFFD800  }
0x94: {  	_ =	swait.ge [sflag:s13], $0x1400  }
0x95: {  	[sflag:s13] =	ssyncset.done $0x0  }
0x96: {  	[sflag:s13] =	ssyncadd.s32 $0xFFFFEC00  }
0x97: {  	_ =	swait.ge [sflag:s13], $0x1400  }
0x98: {  	[sflag:s13] =	ssyncset.done $0x0  }
0x99: {  	s1 =	simm.s32 $0x1C0;
	s14 =	simm.s32 $0x0;
	[sflag:s13] =	ssyncadd.s32 $0xFFFFEC00  }
.LBB2_5:
0x9a: {  	v2 =	vld [tilespmem:s1+$0xFFFFFFC0];
	s18 =	sshra.s32 s14, $0x2  }
0x9b: {  	v3 =	vld [tilespmem:s18+$0x2940];
	_ =	sdelay $0x1  }
0x9c: {  	v4 =	vld [tilespmem:s18+$0x3D40];
	_ =	sdelay $0x2  }
0x9d: {  	v2 =	vmul.f32 v3, v2;
	_ =	sdelay $0x1  }
0x9e: {  	v2 =	vadd.f32 v4, v2;
	_ =	sdelay $0x1  }
0x9f: {  	v2 =	vmax.f32 v2, $-5.000000000e+00  }
0xa0: {  	v2 =	vmin.f32 v2, $5.000000000e+00  }
0xa1: {  	v2 =	vmul.f32 $1.442695020e+00, v2;
	_ =	sdelay $0x1  }
0xa2: {  	(erf) = vpow2.f32 v2;
	_ =	sdelay $0x8  }
0xa3: {  	v2 =	vpop (erf)  }
0xa4: {  	(xrf2) =	vadd.scan.msk.f32 $0xffff, v2;
	_ =	sdelay $0x9  }
0xa5: {  	v3, _, _ =	vpop (xrf2)  }
0xa6: {  	v3 =	vbroadcast v3, $0xF;
	_ =	sdelay $0x1  }
0xa7: {  	(erf) = vrcp.f32 v3;
	_ =	sdelay $0x8  }
0xa8: {  	v3 =	vpop (erf)  }
0xa9: {  	v2 =	vmul.f32 v3, v2;
	_ =	sdelay $0x1  }
0xaa: {  	[tilespmem:s18+$0x3D40] =	vst v2  }
0xab: {  	v3 =	vld [tilespmem:s1+$0xFFFFFF80];
	_ =	sdelay $0x4  }
0xac: {  	v3 =	vmul.f32 v2, v3  }
0xad: {  	[tilespmem:s1+$0xFFFFFFC0] =	vst v2  }
0xae: {  	v2 =	vld [tilespmem:s1+$0xFFFFFFD0];
	[tilespmem:s1+$0xFFFFFF80] =	vst v3  }
0xaf: {  	v3 =	vld [tilespmem:s18+$0x2950];
	_ =	sdelay $0x1  }
0xb0: {  	v57 =	vld [tilespmem:s18+$0x3D50];
	_ =	sdelay $0x2  }
0xb1: {  	v2 =	vmul.f32 v3, v2;
	_ =	sdelay $0x1  }
0xb2: {  	v2 =	vadd.f32 v57, v2;
	_ =	sdelay $0x1  }
0xb3: {  	v2 =	vmax.f32 v2, $-5.000000000e+00  }
0xb4: {  	v2 =	vmin.f32 v2, $5.000000000e+00  }
0xb5: {  	v2 =	vmul.f32 $1.442695020e+00, v2;
	_ =	sdelay $0x1  }
0xb6: {  	(erf) = vpow2.f32 v2;
	_ =	sdelay $0x8  }
0xb7: {  	v2 =	vpop (erf)  }
0xb8: {  	(xrf2) =	vadd.scan.msk.f32 $0xffff, v2;
	_ =	sdelay $0x9  }
0xb9: {  	v3, _, _ =	vpop (xrf2)  }
0xba: {  	v3 =	vbroadcast v3, $0xF;
	_ =	sdelay $0x1  }
0xbb: {  	(erf) = vrcp.f32 v3;
	_ =	sdelay $0x8  }
0xbc: {  	v3 =	vpop (erf)  }
0xbd: {  	v2 =	vmul.f32 v3, v2;
	_ =	sdelay $0x1  }
0xbe: {  	[tilespmem:s18+$0x3D50] =	vst v2  }
0xbf: {  	v3 =	vld [tilespmem:s1+$0xFFFFFF90];
	_ =	sdelay $0x4  }
0xc0: {  	v3 =	vmul.f32 v2, v3  }
0xc1: {  	[tilespmem:s1+$0xFFFFFFD0] =	vst v2  }
0xc2: {  	v2 =	vld [tilespmem:s1+$0xFFFFFFE0];
	[tilespmem:s1+$0xFFFFFF90] =	vst v3  }
0xc3: {  	v3 =	vld [tilespmem:s18+$0x2960];
	_ =	sdelay $0x1  }
0xc4: {  	v58 =	vld [tilespmem:s18+$0x3D60];
	_ =	sdelay $0x2  }
0xc5: {  	v2 =	vmul.f32 v3, v2;
	_ =	sdelay $0x1  }
0xc6: {  	v2 =	vadd.f32 v58, v2;
	_ =	sdelay $0x1  }
0xc7: {  	v2 =	vmax.f32 v2, $-5.000000000e+00  }
0xc8: {  	v2 =	vmin.f32 v2, $5.000000000e+00  }
0xc9: {  	v2 =	vmul.f32 $1.442695020e+00, v2;
	_ =	sdelay $0x1  }
0xca: {  	(erf) = vpow2.f32 v2;
	_ =	sdelay $0x8  }
0xcb: {  	v2 =	vpop (erf)  }
0xcc: {  	(xrf2) =	vadd.scan.msk.f32 $0xffff, v2;
	_ =	sdelay $0x9  }
0xcd: {  	v3, _, _ =	vpop (xrf2)  }
0xce: {  	v3 =	vbroadcast v3, $0xF;
	_ =	sdelay $0x1  }
0xcf: {  	(erf) = vrcp.f32 v3;
	_ =	sdelay $0x8  }
0xd0: {  	v3 =	vpop (erf)  }
0xd1: {  	v2 =	vmul.f32 v3, v2;
	_ =	sdelay $0x1  }
0xd2: {  	[tilespmem:s18+$0x3D60] =	vst v2  }
0xd3: {  	v3 =	vld [tilespmem:s1+$0xFFFFFFA0];
	_ =	sdelay $0x4  }
0xd4: {  	v3 =	vmul.f32 v2, v3  }
0xd5: {  	[tilespmem:s1+$0xFFFFFFE0] =	vst v2  }
0xd6: {  	v2 =	vld [tilespmem:s1+$0xFFFFFFF0];
	[tilespmem:s1+$0xFFFFFFA0] =	vst v3  }
0xd7: {  	v3 =	vld [tilespmem:s18+$0x2970];
	_ =	sdelay $0x1  }
0xd8: {  	v59 =	vld [tilespmem:s18+$0x3D70];
	_ =	sdelay $0x2  }
0xd9: {  	v2 =	vmul.f32 v3, v2;
	_ =	sdelay $0x1  }
0xda: {  	v2 =	vadd.f32 v59, v2;
	_ =	sdelay $0x1  }
0xdb: {  	v2 =	vmax.f32 v2, $-5.000000000e+00  }
0xdc: {  	v2 =	vmin.f32 v2, $5.000000000e+00  }
0xdd: {  	v2 =	vmul.f32 $1.442695020e+00, v2;
	_ =	sdelay $0x1  }
0xde: {  	(erf) = vpow2.f32 v2;
	_ =	sdelay $0x8  }
0xdf: {  	v2 =	vpop (erf)  }
0xe0: {  	(xrf2) =	vadd.scan.msk.f32 $0xffff, v2;
	_ =	sdelay $0x9  }
0xe1: {  	v3, _, _ =	vpop (xrf2)  }
0xe2: {  	v3 =	vbroadcast v3, $0xF;
	_ =	sdelay $0x1  }
0xe3: {  	(erf) = vrcp.f32 v3;
	_ =	sdelay $0x8  }
0xe4: {  	v3 =	vpop (erf)  }
0xe5: {  	v2 =	vmul.f32 v3, v2;
	_ =	sdelay $0x1  }
0xe6: {  	[tilespmem:s18+$0x3D70] =	vst v2  }
0xe7: {  	v3 =	vld [tilespmem:s1+$0xFFFFFFB0];
	_ =	sdelay $0x4  }
0xe8: {  	v3 =	vmul.f32 v2, v3  }
0xe9: {  	[tilespmem:s1+$0xFFFFFFF0] =	vst v2  }
0xea: {  	v2 =	vld [tilespmem:s1+$0x40];
	[tilespmem:s1+$0xFFFFFFB0] =	vst v3  }
0xeb: {  	v3 =	vld [tilespmem:s18+$0x2980];
	_ =	sdelay $0x1  }
0xec: {  	v60 =	vld [tilespmem:s18+$0x3D80];
	_ =	sdelay $0x2  }
0xed: {  	v2 =	vmul.f32 v3, v2;
	_ =	sdelay $0x1  }
0xee: {  	v2 =	vadd.f32 v60, v2;
	_ =	sdelay $0x1  }
0xef: {  	v2 =	vmax.f32 v2, $-5.000000000e+00  }
0xf0: {  	v2 =	vmin.f32 v2, $5.000000000e+00  }
0xf1: {  	v2 =	vmul.f32 $1.442695020e+00, v2;
	_ =	sdelay $0x1  }
0xf2: {  	(erf) = vpow2.f32 v2;
	_ =	sdelay $0x8  }
0xf3: {  	v2 =	vpop (erf)  }
0xf4: {  	(xrf2) =	vadd.scan.msk.f32 $0xffff, v2;
	_ =	sdelay $0x9  }
0xf5: {  	v3, _, _ =	vpop (xrf2)  }
0xf6: {  	v3 =	vbroadcast v3, $0xF;
	_ =	sdelay $0x1  }
0xf7: {  	(erf) = vrcp.f32 v3;
	_ =	sdelay $0x8  }
0xf8: {  	v3 =	vpop (erf)  }
0xf9: {  	v2 =	vmul.f32 v3, v2;
	_ =	sdelay $0x1  }
0xfa: {  	[tilespmem:s18+$0x3D80] =	vst v2  }
0xfb: {  	v3 =	vld [tilespmem:s1+$0x0];
	_ =	sdelay $0x4  }
0xfc: {  	v3 =	vmul.f32 v2, v3  }
0xfd: {  	[tilespmem:s1+$0x40] =	vst v2  }
0xfe: {  	v2 =	vld [tilespmem:s1+$0x50];
	[tilespmem:s1+$0x0] =	vst v3  }
0xff: {  	v3 =	vld [tilespmem:s18+$0x2990];
	_ =	sdelay $0x1  }
0x100: {  	v61 =	vld [tilespmem:s18+$0x3D90];
	_ =	sdelay $0x2  }
0x101: {  	v2 =	vmul.f32 v3, v2;
	_ =	sdelay $0x1  }
0x102: {  	v2 =	vadd.f32 v61, v2;
	_ =	sdelay $0x1  }
0x103: {  	v2 =	vmax.f32 v2, $-5.000000000e+00  }
0x104: {  	v2 =	vmin.f32 v2, $5.000000000e+00  }
0x105: {  	v2 =	vmul.f32 $1.442695020e+00, v2;
	_ =	sdelay $0x1  }
0x106: {  	(erf) = vpow2.f32 v2;
	_ =	sdelay $0x8  }
0x107: {  	v2 =	vpop (erf)  }
0x108: {  	(xrf2) =	vadd.scan.msk.f32 $0xffff, v2;
	_ =	sdelay $0x9  }
0x109: {  	v3, _, _ =	vpop (xrf2)  }
0x10a: {  	v3 =	vbroadcast v3, $0xF;
	_ =	sdelay $0x1  }
0x10b: {  	(erf) = vrcp.f32 v3;
	_ =	sdelay $0x8  }
0x10c: {  	v3 =	vpop (erf)  }
0x10d: {  	v2 =	vmul.f32 v3, v2;
	_ =	sdelay $0x1  }
0x10e: {  	[tilespmem:s18+$0x3D90] =	vst v2  }
0x10f: {  	v3 =	vld [tilespmem:s1+$0x10];
	_ =	sdelay $0x4  }
0x110: {  	v3 =	vmul.f32 v2, v3  }
0x111: {  	[tilespmem:s1+$0x50] =	vst v2  }
0x112: {  	v2 =	vld [tilespmem:s1+$0x60];
	[tilespmem:s1+$0x10] =	vst v3  }
0x113: {  	v3 =	vld [tilespmem:s18+$0x29A0];
	_ =	sdelay $0x1  }
0x114: {  	v62 =	vld [tilespmem:s18+$0x3DA0];
	_ =	sdelay $0x2  }
0x115: {  	v2 =	vmul.f32 v3, v2;
	_ =	sdelay $0x1  }
0x116: {  	v2 =	vadd.f32 v62, v2;
	_ =	sdelay $0x1  }
0x117: {  	v2 =	vmax.f32 v2, $-5.000000000e+00  }
0x118: {  	v2 =	vmin.f32 v2, $5.000000000e+00  }
0x119: {  	v2 =	vmul.f32 $1.442695020e+00, v2;
	_ =	sdelay $0x1  }
0x11a: {  	(erf) = vpow2.f32 v2;
	_ =	sdelay $0x8  }
0x11b: {  	v2 =	vpop (erf)  }
0x11c: {  	(xrf2) =	vadd.scan.msk.f32 $0xffff, v2;
	_ =	sdelay $0x9  }
0x11d: {  	v3, _, _ =	vpop (xrf2)  }
0x11e: {  	v3 =	vbroadcast v3, $0xF;
	_ =	sdelay $0x1  }
0x11f: {  	(erf) = vrcp.f32 v3;
	_ =	sdelay $0x8  }
0x120: {  	v3 =	vpop (erf)  }
0x121: {  	v2 =	vmul.f32 v3, v2;
	_ =	sdelay $0x1  }
0x122: {  	[tilespmem:s18+$0x3DA0] =	vst v2  }
0x123: {  	v3 =	vld [tilespmem:s1+$0x20];
	_ =	sdelay $0x4  }
0x124: {  	v3 =	vmul.f32 v2, v3  }
0x125: {  	[tilespmem:s1+$0x60] =	vst v2  }
0x126: {  	v2 =	vld [tilespmem:s1+$0x70];
	[tilespmem:s1+$0x20] =	vst v3  }
0x127: {  	v3 =	vld [tilespmem:s18+$0x29B0];
	_ =	sdelay $0x1  }
0x128: {  	v63 =	vld [tilespmem:s18+$0x3DB0];
	_ =	sdelay $0x2  }
0x129: {  	v2 =	vmul.f32 v3, v2;
	_ =	sdelay $0x1  }
0x12a: {  	v2 =	vadd.f32 v63, v2;
	_ =	sdelay $0x1  }
0x12b: {  	v2 =	vmax.f32 v2, $-5.000000000e+00  }
0x12c: {  	v2 =	vmin.f32 v2, $5.000000000e+00  }
0x12d: {  	v2 =	vmul.f32 $1.442695020e+00, v2;
	_ =	sdelay $0x1  }
0x12e: {  	(erf) = vpow2.f32 v2;
	_ =	sdelay $0x8  }
0x12f: {  	v2 =	vpop (erf)  }
0x130: {  	(xrf2) =	vadd.scan.msk.f32 $0xffff, v2;
	_ =	sdelay $0x9  }
0x131: {  	v3, _, _ =	vpop (xrf2)  }
0x132: {  	v3 =	vbroadcast v3, $0xF;
	_ =	sdelay $0x1  }
0x133: {  	(erf) = vrcp.f32 v3;
	_ =	sdelay $0x8  }
0x134: {  	v3 =	vpop (erf)  }
0x135: {  	v2 =	vmul.f32 v3, v2;
	_ =	sdelay $0x1  }
0x136: {  	[tilespmem:s18+$0x3DB0] =	vst v2  }
0x137: {  	v3 =	vld [tilespmem:s1+$0x30];
	_ =	sdelay $0x1  }
0x138: {  	p0 =	sne.s32 s14, $0x4E00  }
.Ltmp1:
0x139: {  	_ = 	snop;
	(pc) =	sbr.rel @p0 .LBB2_5-.Ltmp1, $4  }
0x13a: {  	_ = 	snop  }
0x13b: {  	v3 =	vmul.f32 v2, v3  }
0x13c: {  	[tilespmem:s1+$0x70] =	vst v2  }
0x13d: {  	s14 =	sadd.s32 $0x200, s14;
	[tilespmem:s1+$0x30] =	vst v3;
	s1 =	sadd.s32 $0x100, s1  }
0x13e: {  	s1 =	smul.u32 $0xA0, s4;
	_ =	sdelay $0x1  }
0x13f: {  	s14 =	sadd.s32 s20, s1  }
0x140: {  	s28 =	sshll.u32 s14, $0x7  }
0x141: {  	s18 =	sor.u32 s5, s28  }
0x142: {  	s1 =	sshrl.u32 s18, $0x3  }
0x143: {  	s1 =	sadd.s32 s17, s1  }
0x144: {  	[hbm4b:s1+s30] =	stream.strided.scatter [tilespmem:s11], [sflag:$0x3], $0x1400, s31, s30, $0x38;
	[tilespmem:$0x1DB00] =	vst v63  }
0x145: {  	_ = 	snop  }
0x146: {  	[spmem:s3] =	stream.indirect.scatter.add.f32 [tilespmem:s8], [sflag:$0x5], $0x80, s10, s10, $0xb8;
	[tilespmem:$0x1DB00] =	vst v63  }
0x147: {  	s18 =	sadd.s32 $0xA0, s14;
	_ =	swait.ge [sflag:s9], $0x2800  }
0x148: {  	s21 =	sshrl.u32 s18, $0x3;
	[sflag:s9] =	ssyncset.done $0x0  }
0x149: {  	s21 =	sadd.s32 s16, s21;
	s1 =	simm.s32 $0x0;
	[sflag:s9] =	ssyncadd.s32 $0xFFFFD800  }
0x14a: {  	[tilespmem:s1], [sflag:$0x1] =	stream.strided.gather [hbm4b:s21+s10], $0xA0, s12, s10, $0x38;
	[tilespmem:$0x1DB00] =	vst v63  }
0x14b: {  	_ =	swait.ge [sflag:s13], $0xA0  }
0x14c: {  	[sflag:s13] =	ssyncset.done $0x0  }
0x14d: {  	[sflag:s13] =	ssyncadd.s32 $0xFFFFFF60  }
0x14e: {  	v2 =	vld [tilespmem:$0x0]  }
0x14f: {  	v3 =	vld [tilespmem:$0x50]  }
0x150: {  	v4 =	vld [tilespmem:$0x10]  }
0x151: {  	v5 =	vld [tilespmem:$0x60]  }
0x152: {  	v6 =	vld [tilespmem:$0x20]  }
0x153: {  	v7 =	vld [tilespmem:$0x70];
	v2 =	vadd.s32 v0, v2  }
0x154: {  	[tilespmem:$0xA0] =	vst v2;
	v2 =	vadd.s32 v0, v3;
	v3 =	vld [tilespmem:$0x30]  }
0x155: {  	v61 =	vld [tilespmem:$0x80];
	[tilespmem:$0xF0] =	vst v2;
	v2 =	vadd.s32 v0, v4  }
0x156: {  	v62 =	vld [tilespmem:$0x40];
	[tilespmem:$0xB0] =	vst v2;
	v2 =	vadd.s32 v0, v5  }
0x157: {  	v63 =	vld [tilespmem:$0x90];
	[tilespmem:$0x100] =	vst v2;
	v2 =	vadd.s32 v0, v6  }
0x158: {  	[tilespmem:$0xC0] =	vst v2;
	v2 =	vadd.s32 v0, v7  }
0x159: {  	[tilespmem:$0x110] =	vst v2;
	v2 =	vadd.s32 v0, v3  }
0x15a: {  	[tilespmem:$0xD0] =	vst v2;
	v2 =	vadd.s32 v0, v61  }
0x15b: {  	[tilespmem:$0x120] =	vst v2;
	v2 =	vadd.s32 v0, v62  }
0x15c: {  	[tilespmem:$0xE0] =	vst v2;
	v2 =	vadd.s32 v0, v63  }
0x15d: {  	s21 =	simm.s32 $0xA0;
	[tilespmem:$0x130] =	vst v2  }
0x15e: {  	[tilespmem:s8], [sflag:$0x1] =	stream.indirect.gather [hbm4b:s15+s10], $0x80, s21, s10, $0xb8;
	[tilespmem:$0x1DB00] =	vst v63  }
0x15f: {  	s18 =	sshll.u32 s18, $0x7;
	s21 =	simm.s32 $0xF0  }
0x160: {  	[tilespmem:s29], [sflag:$0x1] =	stream.indirect.gather [hbm4b:s0+s10], $0x40, s21, s10, $0xb8;
	[tilespmem:$0x1DB00] =	vst v63  }
0x161: {  	s18 =	sor.u32 s5, s18;
	_ =	swait.ge [sflag:s24], $0x1400  }
0x162: {  	s18 =	sshrl.u32 s18, $0x3;
	[sflag:s24] =	ssyncset.done $0x0  }
0x163: {  	s18 =	sadd.s32 s2, s18;
	[sflag:s24] =	ssyncadd.s32 $0xFFFFEC00  }
0x164: {  	[tilespmem:s11], [sflag:$0x1] =	stream.strided.gather [hbm4b:s18+s30], $0x1400, s31, s30, $0x38;
	[tilespmem:$0x1DB00] =	vst v63  }
0x165: {  	_ =	swait.ge [sflag:s6], $0x2800  }
0x166: {  	[sflag:s6] =	ssyncset.done $0x0  }
0x167: {  	[sflag:s6] =	ssyncadd.s32 $0xFFFFD800  }
0x168: {  	_ =	swait.ge [sflag:s6], $0x1400  }
0x169: {  	[sflag:s6] =	ssyncset.done $0x0  }
0x16a: {  	[sflag:s6] =	ssyncadd.s32 $0xFFFFEC00  }
0x16b: {  	_ =	swait.ge [sflag:s6], $0x1400  }
0x16c: {  	[sflag:s6] =	ssyncset.done $0x0  }
0x16d: {  	s18 =	simm.s32 $0x5300;
	[sflag:s6] =	ssyncadd.s32 $0xFFFFEC00  }
.LBB2_7:
0x16e: {  	v2 =	vld [tilespmem:s18+$0xFFFFFFC0];
	s21 =	sshra.s32 s1, $0x2  }
0x16f: {  	v3 =	vld [tilespmem:s21+$0x7A80];
	_ =	sdelay $0x1  }
0x170: {  	v4 =	vld [tilespmem:s21+$0x8E80];
	_ =	sdelay $0x2  }
0x171: {  	v2 =	vmul.f32 v3, v2;
	_ =	sdelay $0x1  }
0x172: {  	v2 =	vadd.f32 v4, v2;
	_ =	sdelay $0x1  }
0x173: {  	v2 =	vmax.f32 v2, $-5.000000000e+00  }
0x174: {  	v2 =	vmin.f32 v2, $5.000000000e+00  }
0x175: {  	v2 =	vmul.f32 $1.442695020e+00, v2;
	_ =	sdelay $0x1  }
0x176: {  	(erf) = vpow2.f32 v2;
	_ =	sdelay $0x8  }
0x177: {  	v2 =	vpop (erf)  }
0x178: {  	(xrf2) =	vadd.scan.msk.f32 $0xffff, v2;
	_ =	sdelay $0x9  }
0x179: {  	v3, _, _ =	vpop (xrf2)  }
0x17a: {  	v3 =	vbroadcast v3, $0xF;
	_ =	sdelay $0x1  }
0x17b: {  	(erf) = vrcp.f32 v3;
	_ =	sdelay $0x8  }
0x17c: {  	v3 =	vpop (erf)  }
0x17d: {  	v2 =	vmul.f32 v3, v2;
	_ =	sdelay $0x1  }
0x17e: {  	[tilespmem:s21+$0x8E80] =	vst v2  }
0x17f: {  	v3 =	vld [tilespmem:s18+$0xFFFFFF80];
	_ =	sdelay $0x4  }
0x180: {  	v3 =	vmul.f32 v2, v3  }
0x181: {  	[tilespmem:s18+$0xFFFFFFC0] =	vst v2  }
0x182: {  	v2 =	vld [tilespmem:s18+$0xFFFFFFD0];
	[tilespmem:s18+$0xFFFFFF80] =	vst v3  }
0x183: {  	v3 =	vld [tilespmem:s21+$0x7A90];
	_ =	sdelay $0x1  }
0x184: {  	v57 =	vld [tilespmem:s21+$0x8E90];
	_ =	sdelay $0x2  }
0x185: {  	v2 =	vmul.f32 v3, v2;
	_ =	sdelay $0x1  }
0x186: {  	v2 =	vadd.f32 v57, v2;
	_ =	sdelay $0x1  }
0x187: {  	v2 =	vmax.f32 v2, $-5.000000000e+00  }
0x188: {  	v2 =	vmin.f32 v2, $5.000000000e+00  }
0x189: {  	v2 =	vmul.f32 $1.442695020e+00, v2;
	_ =	sdelay $0x1  }
0x18a: {  	(erf) = vpow2.f32 v2;
	_ =	sdelay $0x8  }
0x18b: {  	v2 =	vpop (erf)  }
0x18c: {  	(xrf2) =	vadd.scan.msk.f32 $0xffff, v2;
	_ =	sdelay $0x9  }
0x18d: {  	v3, _, _ =	vpop (xrf2)  }
0x18e: {  	v3 =	vbroadcast v3, $0xF;
	_ =	sdelay $0x1  }
0x18f: {  	(erf) = vrcp.f32 v3;
	_ =	sdelay $0x8  }
0x190: {  	v3 =	vpop (erf)  }
0x191: {  	v2 =	vmul.f32 v3, v2;
	_ =	sdelay $0x1  }
0x192: {  	[tilespmem:s21+$0x8E90] =	vst v2  }
0x193: {  	v3 =	vld [tilespmem:s18+$0xFFFFFF90];
	_ =	sdelay $0x4  }
0x194: {  	v3 =	vmul.f32 v2, v3  }
0x195: {  	[tilespmem:s18+$0xFFFFFFD0] =	vst v2  }
0x196: {  	v2 =	vld [tilespmem:s18+$0xFFFFFFE0];
	[tilespmem:s18+$0xFFFFFF90] =	vst v3  }
0x197: {  	v3 =	vld [tilespmem:s21+$0x7AA0];
	_ =	sdelay $0x1  }
0x198: {  	v58 =	vld [tilespmem:s21+$0x8EA0];
	_ =	sdelay $0x2  }
0x199: {  	v2 =	vmul.f32 v3, v2;
	_ =	sdelay $0x1  }
0x19a: {  	v2 =	vadd.f32 v58, v2;
	_ =	sdelay $0x1  }
0x19b: {  	v2 =	vmax.f32 v2, $-5.000000000e+00  }
0x19c: {  	v2 =	vmin.f32 v2, $5.000000000e+00  }
0x19d: {  	v2 =	vmul.f32 $1.442695020e+00, v2;
	_ =	sdelay $0x1  }
0x19e: {  	(erf) = vpow2.f32 v2;
	_ =	sdelay $0x8  }
0x19f: {  	v2 =	vpop (erf)  }
0x1a0: {  	(xrf2) =	vadd.scan.msk.f32 $0xffff, v2;
	_ =	sdelay $0x9  }
0x1a1: {  	v3, _, _ =	vpop (xrf2)  }
0x1a2: {  	v3 =	vbroadcast v3, $0xF;
	_ =	sdelay $0x1  }
0x1a3: {  	(erf) = vrcp.f32 v3;
	_ =	sdelay $0x8  }
0x1a4: {  	v3 =	vpop (erf)  }
0x1a5: {  	v2 =	vmul.f32 v3, v2;
	_ =	sdelay $0x1  }
0x1a6: {  	[tilespmem:s21+$0x8EA0] =	vst v2  }
0x1a7: {  	v3 =	vld [tilespmem:s18+$0xFFFFFFA0];
	_ =	sdelay $0x4  }
0x1a8: {  	v3 =	vmul.f32 v2, v3  }
0x1a9: {  	[tilespmem:s18+$0xFFFFFFE0] =	vst v2  }
0x1aa: {  	v2 =	vld [tilespmem:s18+$0xFFFFFFF0];
	[tilespmem:s18+$0xFFFFFFA0] =	vst v3  }
0x1ab: {  	v3 =	vld [tilespmem:s21+$0x7AB0];
	_ =	sdelay $0x1  }
0x1ac: {  	v59 =	vld [tilespmem:s21+$0x8EB0];
	_ =	sdelay $0x2  }
0x1ad: {  	v2 =	vmul.f32 v3, v2;
	_ =	sdelay $0x1  }
0x1ae: {  	v2 =	vadd.f32 v59, v2;
	_ =	sdelay $0x1  }
0x1af: {  	v2 =	vmax.f32 v2, $-5.000000000e+00  }
0x1b0: {  	v2 =	vmin.f32 v2, $5.000000000e+00  }
0x1b1: {  	v2 =	vmul.f32 $1.442695020e+00, v2;
	_ =	sdelay $0x1  }
0x1b2: {  	(erf) = vpow2.f32 v2;
	_ =	sdelay $0x8  }
0x1b3: {  	v2 =	vpop (erf)  }
0x1b4: {  	(xrf2) =	vadd.scan.msk.f32 $0xffff, v2;
	_ =	sdelay $0x9  }
0x1b5: {  	v3, _, _ =	vpop (xrf2)  }
0x1b6: {  	v3 =	vbroadcast v3, $0xF;
	_ =	sdelay $0x1  }
0x1b7: {  	(erf) = vrcp.f32 v3;
	_ =	sdelay $0x8  }
0x1b8: {  	v3 =	vpop (erf)  }
0x1b9: {  	v2 =	vmul.f32 v3, v2;
	_ =	sdelay $0x1  }
0x1ba: {  	[tilespmem:s21+$0x8EB0] =	vst v2  }
0x1bb: {  	v3 =	vld [tilespmem:s18+$0xFFFFFFB0];
	_ =	sdelay $0x4  }
0x1bc: {  	v3 =	vmul.f32 v2, v3  }
0x1bd: {  	[tilespmem:s18+$0xFFFFFFF0] =	vst v2  }
0x1be: {  	v2 =	vld [tilespmem:s18+$0x40];
	[tilespmem:s18+$0xFFFFFFB0] =	vst v3  }
0x1bf: {  	v3 =	vld [tilespmem:s21+$0x7AC0];
	_ =	sdelay $0x1  }
0x1c0: {  	v60 =	vld [tilespmem:s21+$0x8EC0];
	_ =	sdelay $0x2  }
0x1c1: {  	v2 =	vmul.f32 v3, v2;
	_ =	sdelay $0x1  }
0x1c2: {  	v2 =	vadd.f32 v60, v2;
	_ =	sdelay $0x1  }
0x1c3: {  	v2 =	vmax.f32 v2, $-5.000000000e+00  }
0x1c4: {  	v2 =	vmin.f32 v2, $5.000000000e+00  }
0x1c5: {  	v2 =	vmul.f32 $1.442695020e+00, v2;
	_ =	sdelay $0x1  }
0x1c6: {  	(erf) = vpow2.f32 v2;
	_ =	sdelay $0x8  }
0x1c7: {  	v2 =	vpop (erf)  }
0x1c8: {  	(xrf2) =	vadd.scan.msk.f32 $0xffff, v2;
	_ =	sdelay $0x9  }
0x1c9: {  	v3, _, _ =	vpop (xrf2)  }
0x1ca: {  	v3 =	vbroadcast v3, $0xF;
	_ =	sdelay $0x1  }
0x1cb: {  	(erf) = vrcp.f32 v3;
	_ =	sdelay $0x8  }
0x1cc: {  	v3 =	vpop (erf)  }
0x1cd: {  	v2 =	vmul.f32 v3, v2;
	_ =	sdelay $0x1  }
0x1ce: {  	[tilespmem:s21+$0x8EC0] =	vst v2  }
0x1cf: {  	v3 =	vld [tilespmem:s18+$0x0];
	_ =	sdelay $0x4  }
0x1d0: {  	v3 =	vmul.f32 v2, v3  }
0x1d1: {  	[tilespmem:s18+$0x40] =	vst v2  }
0x1d2: {  	v2 =	vld [tilespmem:s18+$0x50];
	[tilespmem:s18+$0x0] =	vst v3  }
0x1d3: {  	v3 =	vld [tilespmem:s21+$0x7AD0];
	_ =	sdelay $0x1  }
0x1d4: {  	v61 =	vld [tilespmem:s21+$0x8ED0];
	_ =	sdelay $0x2  }
0x1d5: {  	v2 =	vmul.f32 v3, v2;
	_ =	sdelay $0x1  }
0x1d6: {  	v2 =	vadd.f32 v61, v2;
	_ =	sdelay $0x1  }
0x1d7: {  	v2 =	vmax.f32 v2, $-5.000000000e+00  }
0x1d8: {  	v2 =	vmin.f32 v2, $5.000000000e+00  }
0x1d9: {  	v2 =	vmul.f32 $1.442695020e+00, v2;
	_ =	sdelay $0x1  }
0x1da: {  	(erf) = vpow2.f32 v2;
	_ =	sdelay $0x8  }
0x1db: {  	v2 =	vpop (erf)  }
0x1dc: {  	(xrf2) =	vadd.scan.msk.f32 $0xffff, v2;
	_ =	sdelay $0x9  }
0x1dd: {  	v3, _, _ =	vpop (xrf2)  }
0x1de: {  	v3 =	vbroadcast v3, $0xF;
	_ =	sdelay $0x1  }
0x1df: {  	(erf) = vrcp.f32 v3;
	_ =	sdelay $0x8  }
0x1e0: {  	v3 =	vpop (erf)  }
0x1e1: {  	v2 =	vmul.f32 v3, v2;
	_ =	sdelay $0x1  }
0x1e2: {  	[tilespmem:s21+$0x8ED0] =	vst v2  }
0x1e3: {  	v3 =	vld [tilespmem:s18+$0x10];
	_ =	sdelay $0x4  }
0x1e4: {  	v3 =	vmul.f32 v2, v3  }
0x1e5: {  	[tilespmem:s18+$0x50] =	vst v2  }
0x1e6: {  	v2 =	vld [tilespmem:s18+$0x60];
	[tilespmem:s18+$0x10] =	vst v3  }
0x1e7: {  	v3 =	vld [tilespmem:s21+$0x7AE0];
	_ =	sdelay $0x1  }
0x1e8: {  	v62 =	vld [tilespmem:s21+$0x8EE0];
	_ =	sdelay $0x2  }
0x1e9: {  	v2 =	vmul.f32 v3, v2;
	_ =	sdelay $0x1  }
0x1ea: {  	v2 =	vadd.f32 v62, v2;
	_ =	sdelay $0x1  }
0x1eb: {  	v2 =	vmax.f32 v2, $-5.000000000e+00  }
0x1ec: {  	v2 =	vmin.f32 v2, $5.000000000e+00  }
0x1ed: {  	v2 =	vmul.f32 $1.442695020e+00, v2;
	_ =	sdelay $0x1  }
0x1ee: {  	(erf) = vpow2.f32 v2;
	_ =	sdelay $0x8  }
0x1ef: {  	v2 =	vpop (erf)  }
0x1f0: {  	(xrf2) =	vadd.scan.msk.f32 $0xffff, v2;
	_ =	sdelay $0x9  }
0x1f1: {  	v3, _, _ =	vpop (xrf2)  }
0x1f2: {  	v3 =	vbroadcast v3, $0xF;
	_ =	sdelay $0x1  }
0x1f3: {  	(erf) = vrcp.f32 v3;
	_ =	sdelay $0x8  }
0x1f4: {  	v3 =	vpop (erf)  }
0x1f5: {  	v2 =	vmul.f32 v3, v2;
	_ =	sdelay $0x1  }
0x1f6: {  	[tilespmem:s21+$0x8EE0] =	vst v2  }
0x1f7: {  	v3 =	vld [tilespmem:s18+$0x20];
	_ =	sdelay $0x4  }
0x1f8: {  	v3 =	vmul.f32 v2, v3  }
0x1f9: {  	[tilespmem:s18+$0x60] =	vst v2  }
0x1fa: {  	v2 =	vld [tilespmem:s18+$0x70];
	[tilespmem:s18+$0x20] =	vst v3  }
0x1fb: {  	v3 =	vld [tilespmem:s21+$0x7AF0];
	_ =	sdelay $0x1  }
0x1fc: {  	v63 =	vld [tilespmem:s21+$0x8EF0];
	_ =	sdelay $0x2  }
0x1fd: {  	v2 =	vmul.f32 v3, v2;
	_ =	sdelay $0x1  }
0x1fe: {  	v2 =	vadd.f32 v63, v2;
	_ =	sdelay $0x1  }
0x1ff: {  	v2 =	vmax.f32 v2, $-5.000000000e+00  }
0x200: {  	v2 =	vmin.f32 v2, $5.000000000e+00  }
0x201: {  	v2 =	vmul.f32 $1.442695020e+00, v2;
	_ =	sdelay $0x1  }
0x202: {  	(erf) = vpow2.f32 v2;
	_ =	sdelay $0x8  }
0x203: {  	v2 =	vpop (erf)  }
0x204: {  	(xrf2) =	vadd.scan.msk.f32 $0xffff, v2;
	_ =	sdelay $0x9  }
0x205: {  	v3, _, _ =	vpop (xrf2)  }
0x206: {  	v3 =	vbroadcast v3, $0xF;
	_ =	sdelay $0x1  }
0x207: {  	(erf) = vrcp.f32 v3;
	_ =	sdelay $0x8  }
0x208: {  	v3 =	vpop (erf)  }
0x209: {  	v2 =	vmul.f32 v3, v2;
	_ =	sdelay $0x1  }
0x20a: {  	[tilespmem:s21+$0x8EF0] =	vst v2  }
0x20b: {  	v3 =	vld [tilespmem:s18+$0x30];
	_ =	sdelay $0x1  }
0x20c: {  	p0 =	sne.s32 s1, $0x4E00  }
.Ltmp2:
0x20d: {  	_ = 	snop;
	(pc) =	sbr.rel @p0 .LBB2_7-.Ltmp2, $4  }
0x20e: {  	_ = 	snop  }
0x20f: {  	v3 =	vmul.f32 v2, v3  }
0x210: {  	[tilespmem:s18+$0x70] =	vst v2  }
0x211: {  	s1 =	sadd.s32 $0x200, s1;
	[tilespmem:s18+$0x30] =	vst v3;
	s18 =	sadd.s32 $0x100, s18  }
0x212: {  	s1 =	sadd.s32 s7, s28  }
0x213: {  	s1 =	sshrl.u32 s1, $0x3  }
0x214: {  	s1 =	sadd.s32 s17, s1  }
0x215: {  	[hbm4b:s1+s30] =	stream.strided.scatter [tilespmem:s23], [sflag:$0x4], $0x1400, s31, s30, $0x38;
	[tilespmem:$0x1DB00] =	vst v63  }
0x216: {  	_ = 	snop  }
0x217: {  	[spmem:s3] =	stream.indirect.scatter.add.f32 [tilespmem:s19], [sflag:$0x5], $0x80, s25, s10, $0xb8;
	[tilespmem:$0x1DB00] =	vst v63  }
0x218: {  	s1 =	sadd.s32 $0xF0, s14;
	_ =	swait.ge [sflag:s9], $0x2800  }
0x219: {  	s14 =	sshrl.u32 s1, $0x3;
	[sflag:s9] =	ssyncset.done $0x0  }
0x21a: {  	s18 =	simm.s32 $0x5140;
	s14 =	sadd.s32 s16, s14;
	[sflag:s9] =	ssyncadd.s32 $0xFFFFD800  }
0x21b: {  	[tilespmem:s18], [sflag:$0x2] =	stream.strided.gather [hbm4b:s14+s10], $0xA0, s12, s10, $0x38;
	[tilespmem:$0x1DB00] =	vst v63  }
0x21c: {  	_ =	swait.ge [sflag:s6], $0xA0  }
0x21d: {  	[sflag:s6] =	ssyncset.done $0x0  }
0x21e: {  	[sflag:s6] =	ssyncadd.s32 $0xFFFFFF60  }
0x21f: {  	v2 =	vld [tilespmem:$0x5140]  }
0x220: {  	v3 =	vld [tilespmem:$0x5190]  }
0x221: {  	v4 =	vld [tilespmem:$0x5150]  }
0x222: {  	v5 =	vld [tilespmem:$0x51A0]  }
0x223: {  	v6 =	vld [tilespmem:$0x5160]  }
0x224: {  	v7 =	vld [tilespmem:$0x51B0];
	v2 =	vadd.s32 v0, v2  }
0x225: {  	[tilespmem:$0x51E0] =	vst v2;
	v2 =	vadd.s32 v0, v3;
	v3 =	vld [tilespmem:$0x5170]  }
0x226: {  	v61 =	vld [tilespmem:$0x51C0];
	[tilespmem:$0x5230] =	vst v2;
	v2 =	vadd.s32 v0, v4  }
0x227: {  	v62 =	vld [tilespmem:$0x5180];
	[tilespmem:$0x51F0] =	vst v2;
	v2 =	vadd.s32 v0, v5  }
0x228: {  	v63 =	vld [tilespmem:$0x51D0];
	[tilespmem:$0x5240] =	vst v2;
	v2 =	vadd.s32 v0, v6  }
0x229: {  	[tilespmem:$0x5200] =	vst v2;
	v2 =	vadd.s32 v0, v7  }
0x22a: {  	[tilespmem:$0x5250] =	vst v2;
	v2 =	vadd.s32 v0, v3  }
0x22b: {  	[tilespmem:$0x5210] =	vst v2;
	v2 =	vadd.s32 v0, v61  }
0x22c: {  	[tilespmem:$0x5260] =	vst v2;
	v2 =	vadd.s32 v0, v62  }
0x22d: {  	[tilespmem:$0x5220] =	vst v2;
	v2 =	vadd.s32 v0, v63  }
0x22e: {  	s21 =	simm.s32 $0x51E0;
	s4 =	sadd.s32 $0x1, s4;
	[tilespmem:$0x5270] =	vst v2  }
0x22f: {  	[tilespmem:s19], [sflag:$0x2] =	stream.indirect.gather [hbm4b:s15+s10], $0x80, s21, s10, $0xb8;
	[tilespmem:$0x1DB00] =	vst v63  }
0x230: {  	s28 =	simm.s32 $0x5230;
	p0 =	sne.s32 s4, $0x7C  }
0x231: {  	[tilespmem:s22], [sflag:$0x2] =	stream.indirect.gather [hbm4b:s0+s10], $0x40, s28, s10, $0xb8;
	[tilespmem:$0x1DB00] =	vst v63  }
.Ltmp3:
0x232: {  	s1 =	sshll.u32 s1, $0x7;
	(pc) =	sbr.rel @p0 .LBB2_4-.Ltmp3, $4  }
0x233: {  	s1 =	sor.u32 s5, s1;
	_ =	swait.ge [sflag:s26], $0x1400  }
0x234: {  	s1 =	sshrl.u32 s1, $0x3;
	[sflag:s26] =	ssyncset.done $0x0  }
0x235: {  	s1 =	sadd.s32 s2, s1;
	[sflag:s26] =	ssyncadd.s32 $0xFFFFEC00  }
0x236: {  	[tilespmem:s23], [sflag:$0x2] =	stream.strided.gather [hbm4b:s1+s30], $0x1400, s31, s30, $0x38;
	[tilespmem:$0x1DB00] =	vst v63  }
0x237: {  	_ =	swait.ge [sflag:s13], $0x2800  }
0x238: {  	[sflag:s13] =	ssyncset.done $0x0  }
0x239: {  	[sflag:s13] =	ssyncadd.s32 $0xFFFFD800  }
0x23a: {  	_ =	swait.ge [sflag:s13], $0x1400  }
0x23b: {  	[sflag:s13] =	ssyncset.done $0x0  }
0x23c: {  	[sflag:s13] =	ssyncadd.s32 $0xFFFFEC00  }
0x23d: {  	_ =	swait.ge [sflag:s13], $0x1400  }
0x23e: {  	[sflag:s13] =	ssyncset.done $0x0  }
0x23f: {  	s1 =	simm.s32 $0x0;
	s4 =	simm.s32 $0x1C0;
	[sflag:s13] =	ssyncadd.s32 $0xFFFFEC00  }
.LBB2_10:
0x240: {  	v2 =	vld [tilespmem:s4+$0xFFFFFFC0];
	s14 =	sshra.s32 s1, $0x2  }
0x241: {  	v3 =	vld [tilespmem:s14+$0x2940];
	_ =	sdelay $0x1  }
0x242: {  	v4 =	vld [tilespmem:s14+$0x3D40];
	_ =	sdelay $0x2  }
0x243: {  	v2 =	vmul.f32 v3, v2;
	_ =	sdelay $0x1  }
0x244: {  	v2 =	vadd.f32 v4, v2;
	_ =	sdelay $0x1  }
0x245: {  	v2 =	vmax.f32 v2, $-5.000000000e+00  }
0x246: {  	v2 =	vmin.f32 v2, $5.000000000e+00  }
0x247: {  	v2 =	vmul.f32 $1.442695020e+00, v2;
	_ =	sdelay $0x1  }
0x248: {  	(erf) = vpow2.f32 v2;
	_ =	sdelay $0x8  }
0x249: {  	v2 =	vpop (erf)  }
0x24a: {  	(xrf2) =	vadd.scan.msk.f32 $0xffff, v2;
	_ =	sdelay $0x9  }
0x24b: {  	v3, _, _ =	vpop (xrf2)  }
0x24c: {  	v3 =	vbroadcast v3, $0xF;
	_ =	sdelay $0x1  }
0x24d: {  	(erf) = vrcp.f32 v3;
	_ =	sdelay $0x8  }
0x24e: {  	v3 =	vpop (erf)  }
0x24f: {  	v2 =	vmul.f32 v3, v2;
	_ =	sdelay $0x1  }
0x250: {  	[tilespmem:s14+$0x3D40] =	vst v2  }
0x251: {  	v3 =	vld [tilespmem:s4+$0xFFFFFF80];
	_ =	sdelay $0x4  }
0x252: {  	v3 =	vmul.f32 v2, v3  }
0x253: {  	[tilespmem:s4+$0xFFFFFFC0] =	vst v2  }
0x254: {  	v2 =	vld [tilespmem:s4+$0xFFFFFFD0];
	[tilespmem:s4+$0xFFFFFF80] =	vst v3  }
0x255: {  	v3 =	vld [tilespmem:s14+$0x2950];
	_ =	sdelay $0x1  }
0x256: {  	v57 =	vld [tilespmem:s14+$0x3D50];
	_ =	sdelay $0x2  }
0x257: {  	v2 =	vmul.f32 v3, v2;
	_ =	sdelay $0x1  }
0x258: {  	v2 =	vadd.f32 v57, v2;
	_ =	sdelay $0x1  }
0x259: {  	v2 =	vmax.f32 v2, $-5.000000000e+00  }
0x25a: {  	v2 =	vmin.f32 v2, $5.000000000e+00  }
0x25b: {  	v2 =	vmul.f32 $1.442695020e+00, v2;
	_ =	sdelay $0x1  }
0x25c: {  	(erf) = vpow2.f32 v2;
	_ =	sdelay $0x8  }
0x25d: {  	v2 =	vpop (erf)  }
0x25e: {  	(xrf2) =	vadd.scan.msk.f32 $0xffff, v2;
	_ =	sdelay $0x9  }
0x25f: {  	v3, _, _ =	vpop (xrf2)  }
0x260: {  	v3 =	vbroadcast v3, $0xF;
	_ =	sdelay $0x1  }
0x261: {  	(erf) = vrcp.f32 v3;
	_ =	sdelay $0x8  }
0x262: {  	v3 =	vpop (erf)  }
0x263: {  	v2 =	vmul.f32 v3, v2;
	_ =	sdelay $0x1  }
0x264: {  	[tilespmem:s14+$0x3D50] =	vst v2  }
0x265: {  	v3 =	vld [tilespmem:s4+$0xFFFFFF90];
	_ =	sdelay $0x4  }
0x266: {  	v3 =	vmul.f32 v2, v3  }
0x267: {  	[tilespmem:s4+$0xFFFFFFD0] =	vst v2  }
0x268: {  	v2 =	vld [tilespmem:s4+$0xFFFFFFE0];
	[tilespmem:s4+$0xFFFFFF90] =	vst v3  }
0x269: {  	v3 =	vld [tilespmem:s14+$0x2960];
	_ =	sdelay $0x1  }
0x26a: {  	v58 =	vld [tilespmem:s14+$0x3D60];
	_ =	sdelay $0x2  }
0x26b: {  	v2 =	vmul.f32 v3, v2;
	_ =	sdelay $0x1  }
0x26c: {  	v2 =	vadd.f32 v58, v2;
	_ =	sdelay $0x1  }
0x26d: {  	v2 =	vmax.f32 v2, $-5.000000000e+00  }
0x26e: {  	v2 =	vmin.f32 v2, $5.000000000e+00  }
0x26f: {  	v2 =	vmul.f32 $1.442695020e+00, v2;
	_ =	sdelay $0x1  }
0x270: {  	(erf) = vpow2.f32 v2;
	_ =	sdelay $0x8  }
0x271: {  	v2 =	vpop (erf)  }
0x272: {  	(xrf2) =	vadd.scan.msk.f32 $0xffff, v2;
	_ =	sdelay $0x9  }
0x273: {  	v3, _, _ =	vpop (xrf2)  }
0x274: {  	v3 =	vbroadcast v3, $0xF;
	_ =	sdelay $0x1  }
0x275: {  	(erf) = vrcp.f32 v3;
	_ =	sdelay $0x8  }
0x276: {  	v3 =	vpop (erf)  }
0x277: {  	v2 =	vmul.f32 v3, v2;
	_ =	sdelay $0x1  }
0x278: {  	[tilespmem:s14+$0x3D60] =	vst v2  }
0x279: {  	v3 =	vld [tilespmem:s4+$0xFFFFFFA0];
	_ =	sdelay $0x4  }
0x27a: {  	v3 =	vmul.f32 v2, v3  }
0x27b: {  	[tilespmem:s4+$0xFFFFFFE0] =	vst v2  }
0x27c: {  	v2 =	vld [tilespmem:s4+$0xFFFFFFF0];
	[tilespmem:s4+$0xFFFFFFA0] =	vst v3  }
0x27d: {  	v3 =	vld [tilespmem:s14+$0x2970];
	_ =	sdelay $0x1  }
0x27e: {  	v59 =	vld [tilespmem:s14+$0x3D70];
	_ =	sdelay $0x2  }
0x27f: {  	v2 =	vmul.f32 v3, v2;
	_ =	sdelay $0x1  }
0x280: {  	v2 =	vadd.f32 v59, v2;
	_ =	sdelay $0x1  }
0x281: {  	v2 =	vmax.f32 v2, $-5.000000000e+00  }
0x282: {  	v2 =	vmin.f32 v2, $5.000000000e+00  }
0x283: {  	v2 =	vmul.f32 $1.442695020e+00, v2;
	_ =	sdelay $0x1  }
0x284: {  	(erf) = vpow2.f32 v2;
	_ =	sdelay $0x8  }
0x285: {  	v2 =	vpop (erf)  }
0x286: {  	(xrf2) =	vadd.scan.msk.f32 $0xffff, v2;
	_ =	sdelay $0x9  }
0x287: {  	v3, _, _ =	vpop (xrf2)  }
0x288: {  	v3 =	vbroadcast v3, $0xF;
	_ =	sdelay $0x1  }
0x289: {  	(erf) = vrcp.f32 v3;
	_ =	sdelay $0x8  }
0x28a: {  	v3 =	vpop (erf)  }
0x28b: {  	v2 =	vmul.f32 v3, v2;
	_ =	sdelay $0x1  }
0x28c: {  	[tilespmem:s14+$0x3D70] =	vst v2  }
0x28d: {  	v3 =	vld [tilespmem:s4+$0xFFFFFFB0];
	_ =	sdelay $0x4  }
0x28e: {  	v3 =	vmul.f32 v2, v3  }
0x28f: {  	[tilespmem:s4+$0xFFFFFFF0] =	vst v2  }
0x290: {  	v2 =	vld [tilespmem:s4+$0x40];
	[tilespmem:s4+$0xFFFFFFB0] =	vst v3  }
0x291: {  	v3 =	vld [tilespmem:s14+$0x2980];
	_ =	sdelay $0x1  }
0x292: {  	v60 =	vld [tilespmem:s14+$0x3D80];
	_ =	sdelay $0x2  }
0x293: {  	v2 =	vmul.f32 v3, v2;
	_ =	sdelay $0x1  }
0x294: {  	v2 =	vadd.f32 v60, v2;
	_ =	sdelay $0x1  }
0x295: {  	v2 =	vmax.f32 v2, $-5.000000000e+00  }
0x296: {  	v2 =	vmin.f32 v2, $5.000000000e+00  }
0x297: {  	v2 =	vmul.f32 $1.442695020e+00, v2;
	_ =	sdelay $0x1  }
0x298: {  	(erf) = vpow2.f32 v2;
	_ =	sdelay $0x8  }
0x299: {  	v2 =	vpop (erf)  }
0x29a: {  	(xrf2) =	vadd.scan.msk.f32 $0xffff, v2;
	_ =	sdelay $0x9  }
0x29b: {  	v3, _, _ =	vpop (xrf2)  }
0x29c: {  	v3 =	vbroadcast v3, $0xF;
	_ =	sdelay $0x1  }
0x29d: {  	(erf) = vrcp.f32 v3;
	_ =	sdelay $0x8  }
0x29e: {  	v3 =	vpop (erf)  }
0x29f: {  	v2 =	vmul.f32 v3, v2;
	_ =	sdelay $0x1  }
0x2a0: {  	[tilespmem:s14+$0x3D80] =	vst v2  }
0x2a1: {  	v3 =	vld [tilespmem:s4+$0x0];
	_ =	sdelay $0x4  }
0x2a2: {  	v3 =	vmul.f32 v2, v3  }
0x2a3: {  	[tilespmem:s4+$0x40] =	vst v2  }
0x2a4: {  	v2 =	vld [tilespmem:s4+$0x50];
	[tilespmem:s4+$0x0] =	vst v3  }
0x2a5: {  	v3 =	vld [tilespmem:s14+$0x2990];
	_ =	sdelay $0x1  }
0x2a6: {  	v61 =	vld [tilespmem:s14+$0x3D90];
	_ =	sdelay $0x2  }
0x2a7: {  	v2 =	vmul.f32 v3, v2;
	_ =	sdelay $0x1  }
0x2a8: {  	v2 =	vadd.f32 v61, v2;
	_ =	sdelay $0x1  }
0x2a9: {  	v2 =	vmax.f32 v2, $-5.000000000e+00  }
0x2aa: {  	v2 =	vmin.f32 v2, $5.000000000e+00  }
0x2ab: {  	v2 =	vmul.f32 $1.442695020e+00, v2;
	_ =	sdelay $0x1  }
0x2ac: {  	(erf) = vpow2.f32 v2;
	_ =	sdelay $0x8  }
0x2ad: {  	v2 =	vpop (erf)  }
0x2ae: {  	(xrf2) =	vadd.scan.msk.f32 $0xffff, v2;
	_ =	sdelay $0x9  }
0x2af: {  	v3, _, _ =	vpop (xrf2)  }
0x2b0: {  	v3 =	vbroadcast v3, $0xF;
	_ =	sdelay $0x1  }
0x2b1: {  	(erf) = vrcp.f32 v3;
	_ =	sdelay $0x8  }
0x2b2: {  	v3 =	vpop (erf)  }
0x2b3: {  	v2 =	vmul.f32 v3, v2;
	_ =	sdelay $0x1  }
0x2b4: {  	[tilespmem:s14+$0x3D90] =	vst v2  }
0x2b5: {  	v3 =	vld [tilespmem:s4+$0x10];
	_ =	sdelay $0x4  }
0x2b6: {  	v3 =	vmul.f32 v2, v3  }
0x2b7: {  	[tilespmem:s4+$0x50] =	vst v2  }
0x2b8: {  	v2 =	vld [tilespmem:s4+$0x60];
	[tilespmem:s4+$0x10] =	vst v3  }
0x2b9: {  	v3 =	vld [tilespmem:s14+$0x29A0];
	_ =	sdelay $0x1  }
0x2ba: {  	v62 =	vld [tilespmem:s14+$0x3DA0];
	_ =	sdelay $0x2  }
0x2bb: {  	v2 =	vmul.f32 v3, v2;
	_ =	sdelay $0x1  }
0x2bc: {  	v2 =	vadd.f32 v62, v2;
	_ =	sdelay $0x1  }
0x2bd: {  	v2 =	vmax.f32 v2, $-5.000000000e+00  }
0x2be: {  	v2 =	vmin.f32 v2, $5.000000000e+00  }
0x2bf: {  	v2 =	vmul.f32 $1.442695020e+00, v2;
	_ =	sdelay $0x1  }
0x2c0: {  	(erf) = vpow2.f32 v2;
	_ =	sdelay $0x8  }
0x2c1: {  	v2 =	vpop (erf)  }
0x2c2: {  	(xrf2) =	vadd.scan.msk.f32 $0xffff, v2;
	_ =	sdelay $0x9  }
0x2c3: {  	v3, _, _ =	vpop (xrf2)  }
0x2c4: {  	v3 =	vbroadcast v3, $0xF;
	_ =	sdelay $0x1  }
0x2c5: {  	(erf) = vrcp.f32 v3;
	_ =	sdelay $0x8  }
0x2c6: {  	v3 =	vpop (erf)  }
0x2c7: {  	v2 =	vmul.f32 v3, v2;
	_ =	sdelay $0x1  }
0x2c8: {  	[tilespmem:s14+$0x3DA0] =	vst v2  }
0x2c9: {  	v3 =	vld [tilespmem:s4+$0x20];
	_ =	sdelay $0x4  }
0x2ca: {  	v3 =	vmul.f32 v2, v3  }
0x2cb: {  	[tilespmem:s4+$0x60] =	vst v2  }
0x2cc: {  	v2 =	vld [tilespmem:s4+$0x70];
	[tilespmem:s4+$0x20] =	vst v3  }
0x2cd: {  	v3 =	vld [tilespmem:s14+$0x29B0];
	_ =	sdelay $0x1  }
0x2ce: {  	v63 =	vld [tilespmem:s14+$0x3DB0];
	_ =	sdelay $0x2  }
0x2cf: {  	v2 =	vmul.f32 v3, v2;
	_ =	sdelay $0x1  }
0x2d0: {  	v2 =	vadd.f32 v63, v2;
	_ =	sdelay $0x1  }
0x2d1: {  	v2 =	vmax.f32 v2, $-5.000000000e+00  }
0x2d2: {  	v2 =	vmin.f32 v2, $5.000000000e+00  }
0x2d3: {  	v2 =	vmul.f32 $1.442695020e+00, v2;
	_ =	sdelay $0x1  }
0x2d4: {  	(erf) = vpow2.f32 v2;
	_ =	sdelay $0x8  }
0x2d5: {  	v2 =	vpop (erf)  }
0x2d6: {  	(xrf2) =	vadd.scan.msk.f32 $0xffff, v2;
	_ =	sdelay $0x9  }
0x2d7: {  	v3, _, _ =	vpop (xrf2)  }
0x2d8: {  	v3 =	vbroadcast v3, $0xF;
	_ =	sdelay $0x1  }
0x2d9: {  	(erf) = vrcp.f32 v3;
	_ =	sdelay $0x8  }
0x2da: {  	v3 =	vpop (erf)  }
0x2db: {  	v2 =	vmul.f32 v3, v2;
	_ =	sdelay $0x1  }
0x2dc: {  	[tilespmem:s14+$0x3DB0] =	vst v2  }
0x2dd: {  	v3 =	vld [tilespmem:s4+$0x30];
	_ =	sdelay $0x1  }
0x2de: {  	p0 =	sne.s32 s1, $0x4E00  }
.Ltmp4:
0x2df: {  	_ = 	snop;
	(pc) =	sbr.rel @p0 .LBB2_10-.Ltmp4, $4  }
0x2e0: {  	_ = 	snop  }
0x2e1: {  	v3 =	vmul.f32 v2, v3  }
0x2e2: {  	[tilespmem:s4+$0x70] =	vst v2  }
0x2e3: {  	s1 =	sadd.s32 $0x200, s1;
	[tilespmem:s4+$0x30] =	vst v3;
	s4 =	sadd.s32 $0x100, s4  }
0x2e4: {  	s1 =	rddreg [dreg:$0x1a]  }
0x2e5: {  	[hbm4b:s1+s30] =	stream.strided.scatter [tilespmem:s11], [sflag:$0x3], $0x1400, s31, s30, $0x38;
	[tilespmem:$0x1DB00] =	vst v63  }
0x2e6: {  	_ = 	snop  }
0x2e7: {  	[spmem:s3] =	stream.indirect.scatter.add.f32 [tilespmem:s8], [sflag:$0x5], $0x80, s10, s10, $0xb8;
	[tilespmem:$0x1DB00] =	vst v63  }
0x2e8: {  	_ =	swait.ge [sflag:s9], $0x2800  }
0x2e9: {  	[sflag:s9] =	ssyncset.done $0x0  }
0x2ea: {  	[sflag:s9] =	ssyncadd.s32 $0xFFFFD800  }
0x2eb: {  	_ =	swait.ge [sflag:s24], $0x1400  }
0x2ec: {  	[sflag:s24] =	ssyncset.done $0x0  }
0x2ed: {  	[sflag:s24] =	ssyncadd.s32 $0xFFFFEC00  }
0x2ee: {  	_ =	swait.ge [sflag:s6], $0x2800  }
0x2ef: {  	[sflag:s6] =	ssyncset.done $0x0  }
0x2f0: {  	[sflag:s6] =	ssyncadd.s32 $0xFFFFD800  }
0x2f1: {  	_ =	swait.ge [sflag:s6], $0x1400  }
0x2f2: {  	[sflag:s6] =	ssyncset.done $0x0  }
0x2f3: {  	[sflag:s6] =	ssyncadd.s32 $0xFFFFEC00  }
0x2f4: {  	_ =	swait.ge [sflag:s6], $0x1400  }
0x2f5: {  	s4 =	simm.s32 $0x5300;
	[sflag:s6] =	ssyncset.done $0x0;
	s21 =	rddreg [dreg:$0x5]  }
0x2f6: {  	s1 =	simm.s32 $0x0;
	s28 =	rddreg [dreg:$0xe];
	[sflag:s6] =	ssyncadd.s32 $0xFFFFEC00  }
.LBB2_12:
0x2f7: {  	v2 =	vld [tilespmem:s4+$0xFFFFFFC0];
	s14 =	sshra.s32 s1, $0x2  }
0x2f8: {  	v3 =	vld [tilespmem:s14+$0x7A80];
	_ =	sdelay $0x1  }
0x2f9: {  	v4 =	vld [tilespmem:s14+$0x8E80];
	_ =	sdelay $0x2  }
0x2fa: {  	v2 =	vmul.f32 v3, v2;
	_ =	sdelay $0x1  }
0x2fb: {  	v2 =	vadd.f32 v4, v2;
	_ =	sdelay $0x1  }
0x2fc: {  	v2 =	vmax.f32 v2, $-5.000000000e+00  }
0x2fd: {  	v2 =	vmin.f32 v2, $5.000000000e+00  }
0x2fe: {  	v2 =	vmul.f32 $1.442695020e+00, v2;
	_ =	sdelay $0x1  }
0x2ff: {  	(erf) = vpow2.f32 v2;
	_ =	sdelay $0x8  }
0x300: {  	v2 =	vpop (erf)  }
0x301: {  	(xrf2) =	vadd.scan.msk.f32 $0xffff, v2;
	_ =	sdelay $0x9  }
0x302: {  	v3, _, _ =	vpop (xrf2)  }
0x303: {  	v3 =	vbroadcast v3, $0xF;
	_ =	sdelay $0x1  }
0x304: {  	(erf) = vrcp.f32 v3;
	_ =	sdelay $0x8  }
0x305: {  	v3 =	vpop (erf)  }
0x306: {  	v2 =	vmul.f32 v3, v2;
	_ =	sdelay $0x1  }
0x307: {  	[tilespmem:s14+$0x8E80] =	vst v2  }
0x308: {  	v3 =	vld [tilespmem:s4+$0xFFFFFF80];
	_ =	sdelay $0x4  }
0x309: {  	v3 =	vmul.f32 v2, v3  }
0x30a: {  	[tilespmem:s4+$0xFFFFFFC0] =	vst v2  }
0x30b: {  	v2 =	vld [tilespmem:s4+$0xFFFFFFD0];
	[tilespmem:s4+$0xFFFFFF80] =	vst v3  }
0x30c: {  	v3 =	vld [tilespmem:s14+$0x7A90];
	_ =	sdelay $0x1  }
0x30d: {  	v57 =	vld [tilespmem:s14+$0x8E90];
	_ =	sdelay $0x2  }
0x30e: {  	v2 =	vmul.f32 v3, v2;
	_ =	sdelay $0x1  }
0x30f: {  	v2 =	vadd.f32 v57, v2;
	_ =	sdelay $0x1  }
0x310: {  	v2 =	vmax.f32 v2, $-5.000000000e+00  }
0x311: {  	v2 =	vmin.f32 v2, $5.000000000e+00  }
0x312: {  	v2 =	vmul.f32 $1.442695020e+00, v2;
	_ =	sdelay $0x1  }
0x313: {  	(erf) = vpow2.f32 v2;
	_ =	sdelay $0x8  }
0x314: {  	v2 =	vpop (erf)  }
0x315: {  	(xrf2) =	vadd.scan.msk.f32 $0xffff, v2;
	_ =	sdelay $0x9  }
0x316: {  	v3, _, _ =	vpop (xrf2)  }
0x317: {  	v3 =	vbroadcast v3, $0xF;
	_ =	sdelay $0x1  }
0x318: {  	(erf) = vrcp.f32 v3;
	_ =	sdelay $0x8  }
0x319: {  	v3 =	vpop (erf)  }
0x31a: {  	v2 =	vmul.f32 v3, v2;
	_ =	sdelay $0x1  }
0x31b: {  	[tilespmem:s14+$0x8E90] =	vst v2  }
0x31c: {  	v3 =	vld [tilespmem:s4+$0xFFFFFF90];
	_ =	sdelay $0x4  }
0x31d: {  	v3 =	vmul.f32 v2, v3  }
0x31e: {  	[tilespmem:s4+$0xFFFFFFD0] =	vst v2  }
0x31f: {  	v2 =	vld [tilespmem:s4+$0xFFFFFFE0];
	[tilespmem:s4+$0xFFFFFF90] =	vst v3  }
0x320: {  	v3 =	vld [tilespmem:s14+$0x7AA0];
	_ =	sdelay $0x1  }
0x321: {  	v58 =	vld [tilespmem:s14+$0x8EA0];
	_ =	sdelay $0x2  }
0x322: {  	v2 =	vmul.f32 v3, v2;
	_ =	sdelay $0x1  }
0x323: {  	v2 =	vadd.f32 v58, v2;
	_ =	sdelay $0x1  }
0x324: {  	v2 =	vmax.f32 v2, $-5.000000000e+00  }
0x325: {  	v2 =	vmin.f32 v2, $5.000000000e+00  }
0x326: {  	v2 =	vmul.f32 $1.442695020e+00, v2;
	_ =	sdelay $0x1  }
0x327: {  	(erf) = vpow2.f32 v2;
	_ =	sdelay $0x8  }
0x328: {  	v2 =	vpop (erf)  }
0x329: {  	(xrf2) =	vadd.scan.msk.f32 $0xffff, v2;
	_ =	sdelay $0x9  }
0x32a: {  	v3, _, _ =	vpop (xrf2)  }
0x32b: {  	v3 =	vbroadcast v3, $0xF;
	_ =	sdelay $0x1  }
0x32c: {  	(erf) = vrcp.f32 v3;
	_ =	sdelay $0x8  }
0x32d: {  	v3 =	vpop (erf)  }
0x32e: {  	v2 =	vmul.f32 v3, v2;
	_ =	sdelay $0x1  }
0x32f: {  	[tilespmem:s14+$0x8EA0] =	vst v2  }
0x330: {  	v3 =	vld [tilespmem:s4+$0xFFFFFFA0];
	_ =	sdelay $0x4  }
0x331: {  	v3 =	vmul.f32 v2, v3  }
0x332: {  	[tilespmem:s4+$0xFFFFFFE0] =	vst v2  }
0x333: {  	v2 =	vld [tilespmem:s4+$0xFFFFFFF0];
	[tilespmem:s4+$0xFFFFFFA0] =	vst v3  }
0x334: {  	v3 =	vld [tilespmem:s14+$0x7AB0];
	_ =	sdelay $0x1  }
0x335: {  	v59 =	vld [tilespmem:s14+$0x8EB0];
	_ =	sdelay $0x2  }
0x336: {  	v2 =	vmul.f32 v3, v2;
	_ =	sdelay $0x1  }
0x337: {  	v2 =	vadd.f32 v59, v2;
	_ =	sdelay $0x1  }
0x338: {  	v2 =	vmax.f32 v2, $-5.000000000e+00  }
0x339: {  	v2 =	vmin.f32 v2, $5.000000000e+00  }
0x33a: {  	v2 =	vmul.f32 $1.442695020e+00, v2;
	_ =	sdelay $0x1  }
0x33b: {  	(erf) = vpow2.f32 v2;
	_ =	sdelay $0x8  }
0x33c: {  	v2 =	vpop (erf)  }
0x33d: {  	(xrf2) =	vadd.scan.msk.f32 $0xffff, v2;
	_ =	sdelay $0x9  }
0x33e: {  	v3, _, _ =	vpop (xrf2)  }
0x33f: {  	v3 =	vbroadcast v3, $0xF;
	_ =	sdelay $0x1  }
0x340: {  	(erf) = vrcp.f32 v3;
	_ =	sdelay $0x8  }
0x341: {  	v3 =	vpop (erf)  }
0x342: {  	v2 =	vmul.f32 v3, v2;
	_ =	sdelay $0x1  }
0x343: {  	[tilespmem:s14+$0x8EB0] =	vst v2  }
0x344: {  	v3 =	vld [tilespmem:s4+$0xFFFFFFB0];
	_ =	sdelay $0x4  }
0x345: {  	v3 =	vmul.f32 v2, v3  }
0x346: {  	[tilespmem:s4+$0xFFFFFFF0] =	vst v2  }
0x347: {  	v2 =	vld [tilespmem:s4+$0x40];
	[tilespmem:s4+$0xFFFFFFB0] =	vst v3  }
0x348: {  	v3 =	vld [tilespmem:s14+$0x7AC0];
	_ =	sdelay $0x1  }
0x349: {  	v60 =	vld [tilespmem:s14+$0x8EC0];
	_ =	sdelay $0x2  }
0x34a: {  	v2 =	vmul.f32 v3, v2;
	_ =	sdelay $0x1  }
0x34b: {  	v2 =	vadd.f32 v60, v2;
	_ =	sdelay $0x1  }
0x34c: {  	v2 =	vmax.f32 v2, $-5.000000000e+00  }
0x34d: {  	v2 =	vmin.f32 v2, $5.000000000e+00  }
0x34e: {  	v2 =	vmul.f32 $1.442695020e+00, v2;
	_ =	sdelay $0x1  }
0x34f: {  	(erf) = vpow2.f32 v2;
	_ =	sdelay $0x8  }
0x350: {  	v2 =	vpop (erf)  }
0x351: {  	(xrf2) =	vadd.scan.msk.f32 $0xffff, v2;
	_ =	sdelay $0x9  }
0x352: {  	v3, _, _ =	vpop (xrf2)  }
0x353: {  	v3 =	vbroadcast v3, $0xF;
	_ =	sdelay $0x1  }
0x354: {  	(erf) = vrcp.f32 v3;
	_ =	sdelay $0x8  }
0x355: {  	v3 =	vpop (erf)  }
0x356: {  	v2 =	vmul.f32 v3, v2;
	_ =	sdelay $0x1  }
0x357: {  	[tilespmem:s14+$0x8EC0] =	vst v2  }
0x358: {  	v3 =	vld [tilespmem:s4+$0x0];
	_ =	sdelay $0x4  }
0x359: {  	v3 =	vmul.f32 v2, v3  }
0x35a: {  	[tilespmem:s4+$0x40] =	vst v2  }
0x35b: {  	v2 =	vld [tilespmem:s4+$0x50];
	[tilespmem:s4+$0x0] =	vst v3  }
0x35c: {  	v3 =	vld [tilespmem:s14+$0x7AD0];
	_ =	sdelay $0x1  }
0x35d: {  	v61 =	vld [tilespmem:s14+$0x8ED0];
	_ =	sdelay $0x2  }
0x35e: {  	v2 =	vmul.f32 v3, v2;
	_ =	sdelay $0x1  }
0x35f: {  	v2 =	vadd.f32 v61, v2;
	_ =	sdelay $0x1  }
0x360: {  	v2 =	vmax.f32 v2, $-5.000000000e+00  }
0x361: {  	v2 =	vmin.f32 v2, $5.000000000e+00  }
0x362: {  	v2 =	vmul.f32 $1.442695020e+00, v2;
	_ =	sdelay $0x1  }
0x363: {  	(erf) = vpow2.f32 v2;
	_ =	sdelay $0x8  }
0x364: {  	v2 =	vpop (erf)  }
0x365: {  	(xrf2) =	vadd.scan.msk.f32 $0xffff, v2;
	_ =	sdelay $0x9  }
0x366: {  	v3, _, _ =	vpop (xrf2)  }
0x367: {  	v3 =	vbroadcast v3, $0xF;
	_ =	sdelay $0x1  }
0x368: {  	(erf) = vrcp.f32 v3;
	_ =	sdelay $0x8  }
0x369: {  	v3 =	vpop (erf)  }
0x36a: {  	v2 =	vmul.f32 v3, v2;
	_ =	sdelay $0x1  }
0x36b: {  	[tilespmem:s14+$0x8ED0] =	vst v2  }
0x36c: {  	v3 =	vld [tilespmem:s4+$0x10];
	_ =	sdelay $0x4  }
0x36d: {  	v3 =	vmul.f32 v2, v3  }
0x36e: {  	[tilespmem:s4+$0x50] =	vst v2  }
0x36f: {  	v2 =	vld [tilespmem:s4+$0x60];
	[tilespmem:s4+$0x10] =	vst v3  }
0x370: {  	v3 =	vld [tilespmem:s14+$0x7AE0];
	_ =	sdelay $0x1  }
0x371: {  	v62 =	vld [tilespmem:s14+$0x8EE0];
	_ =	sdelay $0x2  }
0x372: {  	v2 =	vmul.f32 v3, v2;
	_ =	sdelay $0x1  }
0x373: {  	v2 =	vadd.f32 v62, v2;
	_ =	sdelay $0x1  }
0x374: {  	v2 =	vmax.f32 v2, $-5.000000000e+00  }
0x375: {  	v2 =	vmin.f32 v2, $5.000000000e+00  }
0x376: {  	v2 =	vmul.f32 $1.442695020e+00, v2;
	_ =	sdelay $0x1  }
0x377: {  	(erf) = vpow2.f32 v2;
	_ =	sdelay $0x8  }
0x378: {  	v2 =	vpop (erf)  }
0x379: {  	(xrf2) =	vadd.scan.msk.f32 $0xffff, v2;
	_ =	sdelay $0x9  }
0x37a: {  	v3, _, _ =	vpop (xrf2)  }
0x37b: {  	v3 =	vbroadcast v3, $0xF;
	_ =	sdelay $0x1  }
0x37c: {  	(erf) = vrcp.f32 v3;
	_ =	sdelay $0x8  }
0x37d: {  	v3 =	vpop (erf)  }
0x37e: {  	v2 =	vmul.f32 v3, v2;
	_ =	sdelay $0x1  }
0x37f: {  	[tilespmem:s14+$0x8EE0] =	vst v2  }
0x380: {  	v3 =	vld [tilespmem:s4+$0x20];
	_ =	sdelay $0x4  }
0x381: {  	v3 =	vmul.f32 v2, v3  }
0x382: {  	[tilespmem:s4+$0x60] =	vst v2  }
0x383: {  	v2 =	vld [tilespmem:s4+$0x70];
	[tilespmem:s4+$0x20] =	vst v3  }
0x384: {  	v3 =	vld [tilespmem:s14+$0x7AF0];
	_ =	sdelay $0x1  }
0x385: {  	v63 =	vld [tilespmem:s14+$0x8EF0];
	_ =	sdelay $0x2  }
0x386: {  	v2 =	vmul.f32 v3, v2;
	_ =	sdelay $0x1  }
0x387: {  	v2 =	vadd.f32 v63, v2;
	_ =	sdelay $0x1  }
0x388: {  	v2 =	vmax.f32 v2, $-5.000000000e+00  }
0x389: {  	v2 =	vmin.f32 v2, $5.000000000e+00  }
0x38a: {  	v2 =	vmul.f32 $1.442695020e+00, v2;
	_ =	sdelay $0x1  }
0x38b: {  	(erf) = vpow2.f32 v2;
	_ =	sdelay $0x8  }
0x38c: {  	v2 =	vpop (erf)  }
0x38d: {  	(xrf2) =	vadd.scan.msk.f32 $0xffff, v2;
	_ =	sdelay $0x9  }
0x38e: {  	v3, _, _ =	vpop (xrf2)  }
0x38f: {  	v3 =	vbroadcast v3, $0xF;
	_ =	sdelay $0x1  }
0x390: {  	(erf) = vrcp.f32 v3;
	_ =	sdelay $0x8  }
0x391: {  	v3 =	vpop (erf)  }
0x392: {  	v2 =	vmul.f32 v3, v2;
	_ =	sdelay $0x1  }
0x393: {  	[tilespmem:s14+$0x8EF0] =	vst v2  }
0x394: {  	v3 =	vld [tilespmem:s4+$0x30];
	_ =	sdelay $0x1  }
0x395: {  	p0 =	sne.s32 s1, $0x4E00  }
.Ltmp5:
0x396: {  	_ = 	snop;
	(pc) =	sbr.rel @p0 .LBB2_12-.Ltmp5, $4  }
0x397: {  	_ = 	snop  }
0x398: {  	v3 =	vmul.f32 v2, v3  }
0x399: {  	[tilespmem:s4+$0x70] =	vst v2  }
0x39a: {  	s1 =	sadd.s32 $0x200, s1;
	[tilespmem:s4+$0x30] =	vst v3;
	s4 =	sadd.s32 $0x100, s4  }
0x39b: {  	s1 =	rddreg [dreg:$0x1b]  }
0x39c: {  	[hbm4b:s1+s30] =	stream.strided.scatter [tilespmem:s23], [sflag:$0x4], $0x1400, s31, s30, $0x38;
	[tilespmem:$0x1DB00] =	vst v63  }
0x39d: {  	_ = 	snop  }
0x39e: {  	[spmem:s3] =	stream.indirect.scatter.add.f32 [tilespmem:s19], [sflag:$0x5], $0x80, s25, s10, $0xb8;
	[tilespmem:$0x1DB00] =	vst v63  }
0x39f: {  	_ =	swait.ge [sflag:s9], $0x2800  }
0x3a0: {  	[sflag:s9] =	ssyncset.done $0x0  }
0x3a1: {  	[sflag:s9] =	ssyncadd.s32 $0xFFFFD800  }
0x3a2: {  	_ =	swait.ge [sflag:s26], $0x1400  }
0x3a3: {  	[sflag:s26] =	ssyncset.done $0x0  }
0x3a4: {  	[sflag:s26] =	ssyncadd.s32 $0xFFFFEC00  }
0x3a5: {  	[bflag:$0x0] =	sbarrier.arrive $0xFFFF  }
0x3a6: {  	[tilespmem:s8], [sflag:$0x5] =	stream.linear.gather [spmem:s28], $0x2800, $0x38;
	[tilespmem:$0x1DB00] =	vst v63  }
0x3a7: {  	_ =	swait.ge [sflag:s9], $0x2800  }
0x3a8: {  	[sflag:s9] =	ssyncset.done $0x0  }
0x3a9: {  	s1 =	simm.s32 $0x180;
	[sflag:s9] =	ssyncadd.s32 $0xFFFFD800  }
0x3aa: {  	s4 =	simm.s32 $0x0;
	s14 =	simm.s32 $0x100;
	v2 =	vld [tilespmem:s1+$0x0]  }
.LBB2_14:
0x3ab: {  	p0 =	sne.s32 s14, $0x4F00;
	v3 =	vld [tilespmem:s1+$0xFFFFFFC0];
	_ =	sdelay $0x3  }
0x3ac: {  	v2 =	vadd.f32 $9.999999970e-07, v2;
	_ =	sdelay $0x1  }
0x3ad: {  	(erf) = vrcp.f32 v2;
	_ =	sdelay $0x8  }
0x3ae: {  	v2 =	vpop (erf)  }
0x3af: {  	v2 =	vmul.f32 v2, v3  }
0x3b0: {  	s18 =	sshra.s32 s4, $0x2;
	s4 =	smov.u32 s14  }
0x3b1: {  	[tilespmem:s18+$0x2940] =	vst v2  }
0x3b2: {  	v2 =	vld [tilespmem:s1+$0x10];
	_ =	sdelay $0x4  }
0x3b3: {  	v2 =	vadd.f32 $9.999999970e-07, v2;
	_ =	sdelay $0x1  }
0x3b4: {  	(erf) = vrcp.f32 v2;
	_ =	sdelay $0x4  }
0x3b5: {  	v2 =	vld [tilespmem:s1+$0xFFFFFFD0];
	_ =	sdelay $0x3  }
0x3b6: {  	v3 =	vpop (erf)  }
0x3b7: {  	v2 =	vmul.f32 v3, v2;
	_ =	sdelay $0x1  }
0x3b8: {  	[tilespmem:s18+$0x2950] =	vst v2  }
0x3b9: {  	v2 =	vld [tilespmem:s1+$0x20];
	_ =	sdelay $0x4  }
0x3ba: {  	v2 =	vadd.f32 $9.999999970e-07, v2;
	_ =	sdelay $0x1  }
0x3bb: {  	(erf) = vrcp.f32 v2;
	_ =	sdelay $0x4  }
0x3bc: {  	v2 =	vld [tilespmem:s1+$0xFFFFFFE0];
	_ =	sdelay $0x3  }
0x3bd: {  	v3 =	vpop (erf)  }
0x3be: {  	v2 =	vmul.f32 v3, v2;
	_ =	sdelay $0x1  }
0x3bf: {  	[tilespmem:s18+$0x2960] =	vst v2  }
0x3c0: {  	v2 =	vld [tilespmem:s1+$0x30]  }
0x3c1: {  	v3 =	vld [tilespmem:s1+$0xFFFFFFF0];
	_ =	sdelay $0x3  }
0x3c2: {  	v2 =	vadd.f32 $9.999999970e-07, v2;
	_ =	sdelay $0x1  }
0x3c3: {  	(erf) = vrcp.f32 v2;
	_ =	sdelay $0x8  }
.Ltmp6:
0x3c4: {  	v2 =	vpop (erf);
	(pc) =	sbr.rel @p0 .LBB2_14-.Ltmp6, $3  }
0x3c5: {  	v2 =	vmul.f32 v2, v3;
	_ =	sdelay $0x1  }
0x3c6: {  	s1 =	sadd.s32 $0x80, s1;
	[tilespmem:s18+$0x2970] =	vst v2  }
0x3c7: {  	s14 =	sadd.s32 $0x100, s14;
	v2 =	vld [tilespmem:s1+$0x0]  }
0x3c8: {  	_ =	sdelay $0x3  }
0x3c9: {  	v2 =	vadd.f32 $9.999999970e-07, v2;
	_ =	sdelay $0x1  }
0x3ca: {  	(erf) = vrcp.f32 v2;
	_ =	sdelay $0x4  }
0x3cb: {  	v2 =	vld [tilespmem:s1+$0xFFFFFFC0];
	_ =	sdelay $0x3  }
0x3cc: {  	v3 =	vpop (erf)  }
0x3cd: {  	v2 =	vmul.f32 v3, v2  }
0x3ce: {  	s4 =	sshra.s32 s4, $0x2  }
0x3cf: {  	[tilespmem:s4+$0x2940] =	vst v2  }
0x3d0: {  	v2 =	vld [tilespmem:s1+$0x10];
	_ =	sdelay $0x4  }
0x3d1: {  	v2 =	vadd.f32 $9.999999970e-07, v2;
	_ =	sdelay $0x1  }
0x3d2: {  	(erf) = vrcp.f32 v2;
	_ =	sdelay $0x4  }
0x3d3: {  	v2 =	vld [tilespmem:s1+$0xFFFFFFD0];
	_ =	sdelay $0x3  }
0x3d4: {  	v3 =	vpop (erf)  }
0x3d5: {  	v2 =	vmul.f32 v3, v2;
	_ =	sdelay $0x1  }
0x3d6: {  	[tilespmem:s4+$0x2950] =	vst v2  }
0x3d7: {  	v2 =	vld [tilespmem:s1+$0x20];
	_ =	sdelay $0x4  }
0x3d8: {  	v2 =	vadd.f32 $9.999999970e-07, v2;
	_ =	sdelay $0x1  }
0x3d9: {  	(erf) = vrcp.f32 v2;
	_ =	sdelay $0x4  }
0x3da: {  	v2 =	vld [tilespmem:s1+$0xFFFFFFE0];
	_ =	sdelay $0x3  }
0x3db: {  	v3 =	vpop (erf)  }
0x3dc: {  	v2 =	vmul.f32 v3, v2;
	_ =	sdelay $0x1  }
0x3dd: {  	[tilespmem:s4+$0x2960] =	vst v2  }
0x3de: {  	v2 =	vld [tilespmem:s1+$0x30];
	_ =	sdelay $0x4  }
0x3df: {  	v2 =	vadd.f32 $9.999999970e-07, v2;
	_ =	sdelay $0x1  }
0x3e0: {  	(erf) = vrcp.f32 v2;
	_ =	sdelay $0x4  }
0x3e1: {  	v2 =	vld [tilespmem:s1+$0xFFFFFFF0];
	_ =	sdelay $0x3  }
0x3e2: {  	v3 =	vpop (erf)  }
0x3e3: {  	v2 =	vmul.f32 v3, v2;
	_ =	sdelay $0x1  }
0x3e4: {  	s14 =	rddreg [dreg:$0x6];
	[tilespmem:s4+$0x2970] =	vst v2  }
0x3e5: {  	[hbm4b:s14+s30] =	stream.strided.scatter [tilespmem:s29], [sflag:$0x5], $0x1400, s31, s30, $0x38;
	[tilespmem:$0x1DB00] =	vst v63  }
0x3e6: {  	_ =	swait.ge [sflag:s9], $0x1400  }
0x3e7: {  	[sflag:s9] =	ssyncset.done $0x0  }
0x3e8: {  	s18 =	rddreg [dreg:$0xf];
	[sflag:s9] =	ssyncadd.s32 $0xFFFFEC00  }
0x3e9: {  	[tilespmem:s8], [sflag:$0x5] =	stream.linear.gather [spmem:s18], $0x2800, $0x38;
	[tilespmem:$0x1DB00] =	vst v63  }
0x3ea: {  	_ =	swait.ge [sflag:s9], $0x2800  }
0x3eb: {  	[sflag:s9] =	ssyncset.done $0x0  }
0x3ec: {  	s1 =	simm.s32 $0x180;
	[sflag:s9] =	ssyncadd.s32 $0xFFFFD800  }
0x3ed: {  	s4 =	simm.s32 $0x0;
	s14 =	simm.s32 $0x100;
	v2 =	vld [tilespmem:s1+$0x0]  }
.LBB2_16:
0x3ee: {  	p0 =	sne.s32 s14, $0x4F00;
	v3 =	vld [tilespmem:s1+$0xFFFFFFC0];
	_ =	sdelay $0x3  }
0x3ef: {  	v2 =	vadd.f32 $9.999999970e-07, v2;
	_ =	sdelay $0x1  }
0x3f0: {  	(erf) = vrcp.f32 v2;
	_ =	sdelay $0x8  }
0x3f1: {  	v2 =	vpop (erf)  }
0x3f2: {  	v2 =	vmul.f32 v2, v3  }
0x3f3: {  	s18 =	sshra.s32 s4, $0x2;
	s4 =	smov.u32 s14  }
0x3f4: {  	[tilespmem:s18+$0x2940] =	vst v2  }
0x3f5: {  	v2 =	vld [tilespmem:s1+$0x10];
	_ =	sdelay $0x4  }
0x3f6: {  	v2 =	vadd.f32 $9.999999970e-07, v2;
	_ =	sdelay $0x1  }
0x3f7: {  	(erf) = vrcp.f32 v2;
	_ =	sdelay $0x4  }
0x3f8: {  	v2 =	vld [tilespmem:s1+$0xFFFFFFD0];
	_ =	sdelay $0x3  }
0x3f9: {  	v3 =	vpop (erf)  }
0x3fa: {  	v2 =	vmul.f32 v3, v2;
	_ =	sdelay $0x1  }
0x3fb: {  	[tilespmem:s18+$0x2950] =	vst v2  }
0x3fc: {  	v2 =	vld [tilespmem:s1+$0x20];
	_ =	sdelay $0x4  }
0x3fd: {  	v2 =	vadd.f32 $9.999999970e-07, v2;
	_ =	sdelay $0x1  }
0x3fe: {  	(erf) = vrcp.f32 v2;
	_ =	sdelay $0x4  }
0x3ff: {  	v2 =	vld [tilespmem:s1+$0xFFFFFFE0];
	_ =	sdelay $0x3  }
0x400: {  	v3 =	vpop (erf)  }
0x401: {  	v2 =	vmul.f32 v3, v2;
	_ =	sdelay $0x1  }
0x402: {  	[tilespmem:s18+$0x2960] =	vst v2  }
0x403: {  	v2 =	vld [tilespmem:s1+$0x30]  }
0x404: {  	v3 =	vld [tilespmem:s1+$0xFFFFFFF0];
	_ =	sdelay $0x3  }
0x405: {  	v2 =	vadd.f32 $9.999999970e-07, v2;
	_ =	sdelay $0x1  }
0x406: {  	(erf) = vrcp.f32 v2;
	_ =	sdelay $0x8  }
.Ltmp7:
0x407: {  	v2 =	vpop (erf);
	(pc) =	sbr.rel @p0 .LBB2_16-.Ltmp7, $3  }
0x408: {  	v2 =	vmul.f32 v2, v3;
	_ =	sdelay $0x1  }
0x409: {  	s1 =	sadd.s32 $0x80, s1;
	[tilespmem:s18+$0x2970] =	vst v2  }
0x40a: {  	s14 =	sadd.s32 $0x100, s14;
	v2 =	vld [tilespmem:s1+$0x0]  }
0x40b: {  	_ =	sdelay $0x3  }
0x40c: {  	v2 =	vadd.f32 $9.999999970e-07, v2;
	_ =	sdelay $0x1  }
0x40d: {  	(erf) = vrcp.f32 v2;
	_ =	sdelay $0x4  }
0x40e: {  	v2 =	vld [tilespmem:s1+$0xFFFFFFC0];
	_ =	sdelay $0x3  }
0x40f: {  	v3 =	vpop (erf)  }
0x410: {  	v2 =	vmul.f32 v3, v2  }
0x411: {  	s4 =	sshra.s32 s4, $0x2  }
0x412: {  	[tilespmem:s4+$0x2940] =	vst v2  }
0x413: {  	v2 =	vld [tilespmem:s1+$0x10];
	_ =	sdelay $0x4  }
0x414: {  	v2 =	vadd.f32 $9.999999970e-07, v2;
	_ =	sdelay $0x1  }
0x415: {  	(erf) = vrcp.f32 v2;
	_ =	sdelay $0x4  }
0x416: {  	v2 =	vld [tilespmem:s1+$0xFFFFFFD0];
	_ =	sdelay $0x3  }
0x417: {  	v3 =	vpop (erf)  }
0x418: {  	v2 =	vmul.f32 v3, v2;
	_ =	sdelay $0x1  }
0x419: {  	[tilespmem:s4+$0x2950] =	vst v2  }
0x41a: {  	v2 =	vld [tilespmem:s1+$0x20];
	_ =	sdelay $0x4  }
0x41b: {  	v2 =	vadd.f32 $9.999999970e-07, v2;
	_ =	sdelay $0x1  }
0x41c: {  	(erf) = vrcp.f32 v2;
	_ =	sdelay $0x4  }
0x41d: {  	v2 =	vld [tilespmem:s1+$0xFFFFFFE0];
	_ =	sdelay $0x3  }
0x41e: {  	v3 =	vpop (erf)  }
0x41f: {  	v2 =	vmul.f32 v3, v2;
	_ =	sdelay $0x1  }
0x420: {  	[tilespmem:s4+$0x2960] =	vst v2  }
0x421: {  	v2 =	vld [tilespmem:s1+$0x30];
	_ =	sdelay $0x4  }
0x422: {  	v2 =	vadd.f32 $9.999999970e-07, v2;
	_ =	sdelay $0x1  }
0x423: {  	(erf) = vrcp.f32 v2;
	_ =	sdelay $0x4  }
0x424: {  	v2 =	vld [tilespmem:s1+$0xFFFFFFF0];
	_ =	sdelay $0x3  }
0x425: {  	v3 =	vpop (erf)  }
0x426: {  	v2 =	vmul.f32 v3, v2;
	_ =	sdelay $0x1  }
0x427: {  	s14 =	rddreg [dreg:$0x7];
	[tilespmem:s4+$0x2970] =	vst v2  }
0x428: {  	[hbm4b:s14+s30] =	stream.strided.scatter [tilespmem:s29], [sflag:$0x5], $0x1400, s31, s30, $0x38;
	[tilespmem:$0x1DB00] =	vst v63  }
0x429: {  	_ =	swait.ge [sflag:s9], $0x1400  }
0x42a: {  	[sflag:s9] =	ssyncset.done $0x0  }
0x42b: {  	s18 =	rddreg [dreg:$0x10];
	[sflag:s9] =	ssyncadd.s32 $0xFFFFEC00  }
0x42c: {  	[tilespmem:s8], [sflag:$0x5] =	stream.linear.gather [spmem:s18], $0x2800, $0x38;
	[tilespmem:$0x1DB00] =	vst v63  }
0x42d: {  	_ =	swait.ge [sflag:s9], $0x2800  }
0x42e: {  	[sflag:s9] =	ssyncset.done $0x0  }
0x42f: {  	s1 =	simm.s32 $0x180;
	[sflag:s9] =	ssyncadd.s32 $0xFFFFD800  }
0x430: {  	s4 =	simm.s32 $0x0;
	s14 =	simm.s32 $0x100;
	v2 =	vld [tilespmem:s1+$0x0]  }
.LBB2_18:
0x431: {  	p0 =	sne.s32 s14, $0x4F00;
	v3 =	vld [tilespmem:s1+$0xFFFFFFC0];
	_ =	sdelay $0x3  }
0x432: {  	v2 =	vadd.f32 $9.999999970e-07, v2;
	_ =	sdelay $0x1  }
0x433: {  	(erf) = vrcp.f32 v2;
	_ =	sdelay $0x8  }
0x434: {  	v2 =	vpop (erf)  }
0x435: {  	v2 =	vmul.f32 v2, v3  }
0x436: {  	s18 =	sshra.s32 s4, $0x2;
	s4 =	smov.u32 s14  }
0x437: {  	[tilespmem:s18+$0x2940] =	vst v2  }
0x438: {  	v2 =	vld [tilespmem:s1+$0x10];
	_ =	sdelay $0x4  }
0x439: {  	v2 =	vadd.f32 $9.999999970e-07, v2;
	_ =	sdelay $0x1  }
0x43a: {  	(erf) = vrcp.f32 v2;
	_ =	sdelay $0x4  }
0x43b: {  	v2 =	vld [tilespmem:s1+$0xFFFFFFD0];
	_ =	sdelay $0x3  }
0x43c: {  	v3 =	vpop (erf)  }
0x43d: {  	v2 =	vmul.f32 v3, v2;
	_ =	sdelay $0x1  }
0x43e: {  	[tilespmem:s18+$0x2950] =	vst v2  }
0x43f: {  	v2 =	vld [tilespmem:s1+$0x20];
	_ =	sdelay $0x4  }
0x440: {  	v2 =	vadd.f32 $9.999999970e-07, v2;
	_ =	sdelay $0x1  }
0x441: {  	(erf) = vrcp.f32 v2;
	_ =	sdelay $0x4  }
0x442: {  	v2 =	vld [tilespmem:s1+$0xFFFFFFE0];
	_ =	sdelay $0x3  }
0x443: {  	v3 =	vpop (erf)  }
0x444: {  	v2 =	vmul.f32 v3, v2;
	_ =	sdelay $0x1  }
0x445: {  	[tilespmem:s18+$0x2960] =	vst v2  }
0x446: {  	v2 =	vld [tilespmem:s1+$0x30]  }
0x447: {  	v3 =	vld [tilespmem:s1+$0xFFFFFFF0];
	_ =	sdelay $0x3  }
0x448: {  	v2 =	vadd.f32 $9.999999970e-07, v2;
	_ =	sdelay $0x1  }
0x449: {  	(erf) = vrcp.f32 v2;
	_ =	sdelay $0x8  }
.Ltmp8:
0x44a: {  	v2 =	vpop (erf);
	(pc) =	sbr.rel @p0 .LBB2_18-.Ltmp8, $3  }
0x44b: {  	v2 =	vmul.f32 v2, v3;
	_ =	sdelay $0x1  }
0x44c: {  	s1 =	sadd.s32 $0x80, s1;
	[tilespmem:s18+$0x2970] =	vst v2  }
0x44d: {  	s14 =	sadd.s32 $0x100, s14;
	v2 =	vld [tilespmem:s1+$0x0]  }
0x44e: {  	_ =	sdelay $0x3  }
0x44f: {  	v2 =	vadd.f32 $9.999999970e-07, v2;
	_ =	sdelay $0x1  }
0x450: {  	(erf) = vrcp.f32 v2;
	_ =	sdelay $0x4  }
0x451: {  	v2 =	vld [tilespmem:s1+$0xFFFFFFC0];
	_ =	sdelay $0x3  }
0x452: {  	v3 =	vpop (erf)  }
0x453: {  	v2 =	vmul.f32 v3, v2  }
0x454: {  	s4 =	sshra.s32 s4, $0x2  }
0x455: {  	[tilespmem:s4+$0x2940] =	vst v2  }
0x456: {  	v2 =	vld [tilespmem:s1+$0x10];
	_ =	sdelay $0x4  }
0x457: {  	v2 =	vadd.f32 $9.999999970e-07, v2;
	_ =	sdelay $0x1  }
0x458: {  	(erf) = vrcp.f32 v2;
	_ =	sdelay $0x4  }
0x459: {  	v2 =	vld [tilespmem:s1+$0xFFFFFFD0];
	_ =	sdelay $0x3  }
0x45a: {  	v3 =	vpop (erf)  }
0x45b: {  	v2 =	vmul.f32 v3, v2;
	_ =	sdelay $0x1  }
0x45c: {  	[tilespmem:s4+$0x2950] =	vst v2  }
0x45d: {  	v2 =	vld [tilespmem:s1+$0x20];
	_ =	sdelay $0x4  }
0x45e: {  	v2 =	vadd.f32 $9.999999970e-07, v2;
	_ =	sdelay $0x1  }
0x45f: {  	(erf) = vrcp.f32 v2;
	_ =	sdelay $0x4  }
0x460: {  	v2 =	vld [tilespmem:s1+$0xFFFFFFE0];
	_ =	sdelay $0x3  }
0x461: {  	v3 =	vpop (erf)  }
0x462: {  	v2 =	vmul.f32 v3, v2;
	_ =	sdelay $0x1  }
0x463: {  	[tilespmem:s4+$0x2960] =	vst v2  }
0x464: {  	v2 =	vld [tilespmem:s1+$0x30];
	_ =	sdelay $0x4  }
0x465: {  	v2 =	vadd.f32 $9.999999970e-07, v2;
	_ =	sdelay $0x1  }
0x466: {  	(erf) = vrcp.f32 v2;
	_ =	sdelay $0x4  }
0x467: {  	v2 =	vld [tilespmem:s1+$0xFFFFFFF0];
	_ =	sdelay $0x3  }
0x468: {  	v3 =	vpop (erf)  }
0x469: {  	v2 =	vmul.f32 v3, v2;
	_ =	sdelay $0x1  }
0x46a: {  	s14 =	rddreg [dreg:$0x8];
	[tilespmem:s4+$0x2970] =	vst v2  }
0x46b: {  	[hbm4b:s14+s30] =	stream.strided.scatter [tilespmem:s29], [sflag:$0x5], $0x1400, s31, s30, $0x38;
	[tilespmem:$0x1DB00] =	vst v63  }
0x46c: {  	_ =	swait.ge [sflag:s9], $0x1400  }
0x46d: {  	[sflag:s9] =	ssyncset.done $0x0  }
0x46e: {  	s18 =	rddreg [dreg:$0x11];
	[sflag:s9] =	ssyncadd.s32 $0xFFFFEC00  }
0x46f: {  	[tilespmem:s8], [sflag:$0x5] =	stream.linear.gather [spmem:s18], $0x2800, $0x38;
	[tilespmem:$0x1DB00] =	vst v63  }
0x470: {  	_ =	swait.ge [sflag:s9], $0x2800  }
0x471: {  	[sflag:s9] =	ssyncset.done $0x0  }
0x472: {  	s1 =	simm.s32 $0x180;
	[sflag:s9] =	ssyncadd.s32 $0xFFFFD800  }
0x473: {  	s4 =	simm.s32 $0x0;
	s14 =	simm.s32 $0x100;
	v2 =	vld [tilespmem:s1+$0x0]  }
.LBB2_20:
0x474: {  	p0 =	sne.s32 s14, $0x4F00;
	v3 =	vld [tilespmem:s1+$0xFFFFFFC0];
	_ =	sdelay $0x3  }
0x475: {  	v2 =	vadd.f32 $9.999999970e-07, v2;
	_ =	sdelay $0x1  }
0x476: {  	(erf) = vrcp.f32 v2;
	_ =	sdelay $0x8  }
0x477: {  	v2 =	vpop (erf)  }
0x478: {  	v2 =	vmul.f32 v2, v3  }
0x479: {  	s18 =	sshra.s32 s4, $0x2;
	s4 =	smov.u32 s14  }
0x47a: {  	[tilespmem:s18+$0x2940] =	vst v2  }
0x47b: {  	v2 =	vld [tilespmem:s1+$0x10];
	_ =	sdelay $0x4  }
0x47c: {  	v2 =	vadd.f32 $9.999999970e-07, v2;
	_ =	sdelay $0x1  }
0x47d: {  	(erf) = vrcp.f32 v2;
	_ =	sdelay $0x4  }
0x47e: {  	v2 =	vld [tilespmem:s1+$0xFFFFFFD0];
	_ =	sdelay $0x3  }
0x47f: {  	v3 =	vpop (erf)  }
0x480: {  	v2 =	vmul.f32 v3, v2;
	_ =	sdelay $0x1  }
0x481: {  	[tilespmem:s18+$0x2950] =	vst v2  }
0x482: {  	v2 =	vld [tilespmem:s1+$0x20];
	_ =	sdelay $0x4  }
0x483: {  	v2 =	vadd.f32 $9.999999970e-07, v2;
	_ =	sdelay $0x1  }
0x484: {  	(erf) = vrcp.f32 v2;
	_ =	sdelay $0x4  }
0x485: {  	v2 =	vld [tilespmem:s1+$0xFFFFFFE0];
	_ =	sdelay $0x3  }
0x486: {  	v3 =	vpop (erf)  }
0x487: {  	v2 =	vmul.f32 v3, v2;
	_ =	sdelay $0x1  }
0x488: {  	[tilespmem:s18+$0x2960] =	vst v2  }
0x489: {  	v2 =	vld [tilespmem:s1+$0x30]  }
0x48a: {  	v3 =	vld [tilespmem:s1+$0xFFFFFFF0];
	_ =	sdelay $0x3  }
0x48b: {  	v2 =	vadd.f32 $9.999999970e-07, v2;
	_ =	sdelay $0x1  }
0x48c: {  	(erf) = vrcp.f32 v2;
	_ =	sdelay $0x8  }
.Ltmp9:
0x48d: {  	v2 =	vpop (erf);
	(pc) =	sbr.rel @p0 .LBB2_20-.Ltmp9, $3  }
0x48e: {  	v2 =	vmul.f32 v2, v3;
	_ =	sdelay $0x1  }
0x48f: {  	s1 =	sadd.s32 $0x80, s1;
	[tilespmem:s18+$0x2970] =	vst v2  }
0x490: {  	s14 =	sadd.s32 $0x100, s14;
	v2 =	vld [tilespmem:s1+$0x0]  }
0x491: {  	_ =	sdelay $0x3  }
0x492: {  	v2 =	vadd.f32 $9.999999970e-07, v2;
	_ =	sdelay $0x1  }
0x493: {  	(erf) = vrcp.f32 v2;
	_ =	sdelay $0x4  }
0x494: {  	v2 =	vld [tilespmem:s1+$0xFFFFFFC0];
	_ =	sdelay $0x3  }
0x495: {  	v3 =	vpop (erf)  }
0x496: {  	v2 =	vmul.f32 v3, v2  }
0x497: {  	s4 =	sshra.s32 s4, $0x2  }
0x498: {  	[tilespmem:s4+$0x2940] =	vst v2  }
0x499: {  	v2 =	vld [tilespmem:s1+$0x10];
	_ =	sdelay $0x4  }
0x49a: {  	v2 =	vadd.f32 $9.999999970e-07, v2;
	_ =	sdelay $0x1  }
0x49b: {  	(erf) = vrcp.f32 v2;
	_ =	sdelay $0x4  }
0x49c: {  	v2 =	vld [tilespmem:s1+$0xFFFFFFD0];
	_ =	sdelay $0x3  }
0x49d: {  	v3 =	vpop (erf)  }
0x49e: {  	v2 =	vmul.f32 v3, v2;
	_ =	sdelay $0x1  }
0x49f: {  	[tilespmem:s4+$0x2950] =	vst v2  }
0x4a0: {  	v2 =	vld [tilespmem:s1+$0x20];
	_ =	sdelay $0x4  }
0x4a1: {  	v2 =	vadd.f32 $9.999999970e-07, v2;
	_ =	sdelay $0x1  }
0x4a2: {  	(erf) = vrcp.f32 v2;
	_ =	sdelay $0x4  }
0x4a3: {  	v2 =	vld [tilespmem:s1+$0xFFFFFFE0];
	_ =	sdelay $0x3  }
0x4a4: {  	v3 =	vpop (erf)  }
0x4a5: {  	v2 =	vmul.f32 v3, v2;
	_ =	sdelay $0x1  }
0x4a6: {  	[tilespmem:s4+$0x2960] =	vst v2  }
0x4a7: {  	v2 =	vld [tilespmem:s1+$0x30];
	_ =	sdelay $0x4  }
0x4a8: {  	v2 =	vadd.f32 $9.999999970e-07, v2;
	_ =	sdelay $0x1  }
0x4a9: {  	(erf) = vrcp.f32 v2;
	_ =	sdelay $0x4  }
0x4aa: {  	v2 =	vld [tilespmem:s1+$0xFFFFFFF0];
	_ =	sdelay $0x3  }
0x4ab: {  	v3 =	vpop (erf)  }
0x4ac: {  	v2 =	vmul.f32 v3, v2;
	_ =	sdelay $0x1  }
0x4ad: {  	s14 =	rddreg [dreg:$0x9];
	[tilespmem:s4+$0x2970] =	vst v2  }
0x4ae: {  	[hbm4b:s14+s30] =	stream.strided.scatter [tilespmem:s29], [sflag:$0x5], $0x1400, s31, s30, $0x38;
	[tilespmem:$0x1DB00] =	vst v63  }
0x4af: {  	_ =	swait.ge [sflag:s9], $0x1400  }
0x4b0: {  	[sflag:s9] =	ssyncset.done $0x0  }
0x4b1: {  	s18 =	rddreg [dreg:$0x12];
	[sflag:s9] =	ssyncadd.s32 $0xFFFFEC00  }
0x4b2: {  	[tilespmem:s8], [sflag:$0x5] =	stream.linear.gather [spmem:s18], $0x2800, $0x38;
	[tilespmem:$0x1DB00] =	vst v63  }
0x4b3: {  	_ =	swait.ge [sflag:s9], $0x2800  }
0x4b4: {  	[sflag:s9] =	ssyncset.done $0x0  }
0x4b5: {  	s1 =	simm.s32 $0x180;
	[sflag:s9] =	ssyncadd.s32 $0xFFFFD800  }
0x4b6: {  	s4 =	simm.s32 $0x0;
	s14 =	simm.s32 $0x100;
	v2 =	vld [tilespmem:s1+$0x0]  }
.LBB2_22:
0x4b7: {  	p0 =	sne.s32 s14, $0x4F00;
	v3 =	vld [tilespmem:s1+$0xFFFFFFC0];
	_ =	sdelay $0x3  }
0x4b8: {  	v2 =	vadd.f32 $9.999999970e-07, v2;
	_ =	sdelay $0x1  }
0x4b9: {  	(erf) = vrcp.f32 v2;
	_ =	sdelay $0x8  }
0x4ba: {  	v2 =	vpop (erf)  }
0x4bb: {  	v2 =	vmul.f32 v2, v3  }
0x4bc: {  	s18 =	sshra.s32 s4, $0x2;
	s4 =	smov.u32 s14  }
0x4bd: {  	[tilespmem:s18+$0x2940] =	vst v2  }
0x4be: {  	v2 =	vld [tilespmem:s1+$0x10];
	_ =	sdelay $0x4  }
0x4bf: {  	v2 =	vadd.f32 $9.999999970e-07, v2;
	_ =	sdelay $0x1  }
0x4c0: {  	(erf) = vrcp.f32 v2;
	_ =	sdelay $0x4  }
0x4c1: {  	v2 =	vld [tilespmem:s1+$0xFFFFFFD0];
	_ =	sdelay $0x3  }
0x4c2: {  	v3 =	vpop (erf)  }
0x4c3: {  	v2 =	vmul.f32 v3, v2;
	_ =	sdelay $0x1  }
0x4c4: {  	[tilespmem:s18+$0x2950] =	vst v2  }
0x4c5: {  	v2 =	vld [tilespmem:s1+$0x20];
	_ =	sdelay $0x4  }
0x4c6: {  	v2 =	vadd.f32 $9.999999970e-07, v2;
	_ =	sdelay $0x1  }
0x4c7: {  	(erf) = vrcp.f32 v2;
	_ =	sdelay $0x4  }
0x4c8: {  	v2 =	vld [tilespmem:s1+$0xFFFFFFE0];
	_ =	sdelay $0x3  }
0x4c9: {  	v3 =	vpop (erf)  }
0x4ca: {  	v2 =	vmul.f32 v3, v2;
	_ =	sdelay $0x1  }
0x4cb: {  	[tilespmem:s18+$0x2960] =	vst v2  }
0x4cc: {  	v2 =	vld [tilespmem:s1+$0x30]  }
0x4cd: {  	v3 =	vld [tilespmem:s1+$0xFFFFFFF0];
	_ =	sdelay $0x3  }
0x4ce: {  	v2 =	vadd.f32 $9.999999970e-07, v2;
	_ =	sdelay $0x1  }
0x4cf: {  	(erf) = vrcp.f32 v2;
	_ =	sdelay $0x8  }
.Ltmp10:
0x4d0: {  	v2 =	vpop (erf);
	(pc) =	sbr.rel @p0 .LBB2_22-.Ltmp10, $3  }
0x4d1: {  	v2 =	vmul.f32 v2, v3;
	_ =	sdelay $0x1  }
0x4d2: {  	s1 =	sadd.s32 $0x80, s1;
	[tilespmem:s18+$0x2970] =	vst v2  }
0x4d3: {  	s14 =	sadd.s32 $0x100, s14;
	v2 =	vld [tilespmem:s1+$0x0]  }
0x4d4: {  	_ =	sdelay $0x3  }
0x4d5: {  	v2 =	vadd.f32 $9.999999970e-07, v2;
	_ =	sdelay $0x1  }
0x4d6: {  	(erf) = vrcp.f32 v2;
	_ =	sdelay $0x4  }
0x4d7: {  	v2 =	vld [tilespmem:s1+$0xFFFFFFC0];
	_ =	sdelay $0x3  }
0x4d8: {  	v3 =	vpop (erf)  }
0x4d9: {  	v2 =	vmul.f32 v3, v2  }
0x4da: {  	s4 =	sshra.s32 s4, $0x2  }
0x4db: {  	[tilespmem:s4+$0x2940] =	vst v2  }
0x4dc: {  	v2 =	vld [tilespmem:s1+$0x10];
	_ =	sdelay $0x4  }
0x4dd: {  	v2 =	vadd.f32 $9.999999970e-07, v2;
	_ =	sdelay $0x1  }
0x4de: {  	(erf) = vrcp.f32 v2;
	_ =	sdelay $0x4  }
0x4df: {  	v2 =	vld [tilespmem:s1+$0xFFFFFFD0];
	_ =	sdelay $0x3  }
0x4e0: {  	v3 =	vpop (erf)  }
0x4e1: {  	v2 =	vmul.f32 v3, v2;
	_ =	sdelay $0x1  }
0x4e2: {  	[tilespmem:s4+$0x2950] =	vst v2  }
0x4e3: {  	v2 =	vld [tilespmem:s1+$0x20];
	_ =	sdelay $0x4  }
0x4e4: {  	v2 =	vadd.f32 $9.999999970e-07, v2;
	_ =	sdelay $0x1  }
0x4e5: {  	(erf) = vrcp.f32 v2;
	_ =	sdelay $0x4  }
0x4e6: {  	v2 =	vld [tilespmem:s1+$0xFFFFFFE0];
	_ =	sdelay $0x3  }
0x4e7: {  	v3 =	vpop (erf)  }
0x4e8: {  	v2 =	vmul.f32 v3, v2;
	_ =	sdelay $0x1  }
0x4e9: {  	[tilespmem:s4+$0x2960] =	vst v2  }
0x4ea: {  	v2 =	vld [tilespmem:s1+$0x30];
	_ =	sdelay $0x4  }
0x4eb: {  	v2 =	vadd.f32 $9.999999970e-07, v2;
	_ =	sdelay $0x1  }
0x4ec: {  	(erf) = vrcp.f32 v2;
	_ =	sdelay $0x4  }
0x4ed: {  	v2 =	vld [tilespmem:s1+$0xFFFFFFF0];
	_ =	sdelay $0x3  }
0x4ee: {  	v3 =	vpop (erf)  }
0x4ef: {  	v2 =	vmul.f32 v3, v2;
	_ =	sdelay $0x1  }
0x4f0: {  	s14 =	rddreg [dreg:$0xa];
	[tilespmem:s4+$0x2970] =	vst v2  }
0x4f1: {  	[hbm4b:s14+s30] =	stream.strided.scatter [tilespmem:s29], [sflag:$0x5], $0x1400, s31, s30, $0x38;
	[tilespmem:$0x1DB00] =	vst v63  }
0x4f2: {  	_ =	swait.ge [sflag:s9], $0x1400  }
0x4f3: {  	[sflag:s9] =	ssyncset.done $0x0  }
0x4f4: {  	s18 =	rddreg [dreg:$0x13];
	[sflag:s9] =	ssyncadd.s32 $0xFFFFEC00  }
0x4f5: {  	[tilespmem:s8], [sflag:$0x5] =	stream.linear.gather [spmem:s18], $0x2800, $0x38;
	[tilespmem:$0x1DB00] =	vst v63  }
0x4f6: {  	_ =	swait.ge [sflag:s9], $0x2800  }
0x4f7: {  	[sflag:s9] =	ssyncset.done $0x0  }
0x4f8: {  	s1 =	simm.s32 $0x180;
	[sflag:s9] =	ssyncadd.s32 $0xFFFFD800  }
0x4f9: {  	s4 =	simm.s32 $0x0;
	s14 =	simm.s32 $0x100;
	v2 =	vld [tilespmem:s1+$0x0]  }
.LBB2_24:
0x4fa: {  	p0 =	sne.s32 s14, $0x4F00;
	v3 =	vld [tilespmem:s1+$0xFFFFFFC0];
	_ =	sdelay $0x3  }
0x4fb: {  	v2 =	vadd.f32 $9.999999970e-07, v2;
	_ =	sdelay $0x1  }
0x4fc: {  	(erf) = vrcp.f32 v2;
	_ =	sdelay $0x8  }
0x4fd: {  	v2 =	vpop (erf)  }
0x4fe: {  	v2 =	vmul.f32 v2, v3  }
0x4ff: {  	s18 =	sshra.s32 s4, $0x2;
	s4 =	smov.u32 s14  }
0x500: {  	[tilespmem:s18+$0x2940] =	vst v2  }
0x501: {  	v2 =	vld [tilespmem:s1+$0x10];
	_ =	sdelay $0x4  }
0x502: {  	v2 =	vadd.f32 $9.999999970e-07, v2;
	_ =	sdelay $0x1  }
0x503: {  	(erf) = vrcp.f32 v2;
	_ =	sdelay $0x4  }
0x504: {  	v2 =	vld [tilespmem:s1+$0xFFFFFFD0];
	_ =	sdelay $0x3  }
0x505: {  	v3 =	vpop (erf)  }
0x506: {  	v2 =	vmul.f32 v3, v2;
	_ =	sdelay $0x1  }
0x507: {  	[tilespmem:s18+$0x2950] =	vst v2  }
0x508: {  	v2 =	vld [tilespmem:s1+$0x20];
	_ =	sdelay $0x4  }
0x509: {  	v2 =	vadd.f32 $9.999999970e-07, v2;
	_ =	sdelay $0x1  }
0x50a: {  	(erf) = vrcp.f32 v2;
	_ =	sdelay $0x4  }
0x50b: {  	v2 =	vld [tilespmem:s1+$0xFFFFFFE0];
	_ =	sdelay $0x3  }
0x50c: {  	v3 =	vpop (erf)  }
0x50d: {  	v2 =	vmul.f32 v3, v2;
	_ =	sdelay $0x1  }
0x50e: {  	[tilespmem:s18+$0x2960] =	vst v2  }
0x50f: {  	v2 =	vld [tilespmem:s1+$0x30]  }
0x510: {  	v3 =	vld [tilespmem:s1+$0xFFFFFFF0];
	_ =	sdelay $0x3  }
0x511: {  	v2 =	vadd.f32 $9.999999970e-07, v2;
	_ =	sdelay $0x1  }
0x512: {  	(erf) = vrcp.f32 v2;
	_ =	sdelay $0x8  }
.Ltmp11:
0x513: {  	v2 =	vpop (erf);
	(pc) =	sbr.rel @p0 .LBB2_24-.Ltmp11, $3  }
0x514: {  	v2 =	vmul.f32 v2, v3;
	_ =	sdelay $0x1  }
0x515: {  	s1 =	sadd.s32 $0x80, s1;
	[tilespmem:s18+$0x2970] =	vst v2  }
0x516: {  	s14 =	sadd.s32 $0x100, s14;
	v2 =	vld [tilespmem:s1+$0x0]  }
0x517: {  	_ =	sdelay $0x3  }
0x518: {  	v2 =	vadd.f32 $9.999999970e-07, v2;
	_ =	sdelay $0x1  }
0x519: {  	(erf) = vrcp.f32 v2;
	_ =	sdelay $0x4  }
0x51a: {  	v2 =	vld [tilespmem:s1+$0xFFFFFFC0];
	_ =	sdelay $0x3  }
0x51b: {  	v3 =	vpop (erf)  }
0x51c: {  	v2 =	vmul.f32 v3, v2  }
0x51d: {  	s4 =	sshra.s32 s4, $0x2  }
0x51e: {  	[tilespmem:s4+$0x2940] =	vst v2  }
0x51f: {  	v2 =	vld [tilespmem:s1+$0x10];
	_ =	sdelay $0x4  }
0x520: {  	v2 =	vadd.f32 $9.999999970e-07, v2;
	_ =	sdelay $0x1  }
0x521: {  	(erf) = vrcp.f32 v2;
	_ =	sdelay $0x4  }
0x522: {  	v2 =	vld [tilespmem:s1+$0xFFFFFFD0];
	_ =	sdelay $0x3  }
0x523: {  	v3 =	vpop (erf)  }
0x524: {  	v2 =	vmul.f32 v3, v2;
	_ =	sdelay $0x1  }
0x525: {  	[tilespmem:s4+$0x2950] =	vst v2  }
0x526: {  	v2 =	vld [tilespmem:s1+$0x20];
	_ =	sdelay $0x4  }
0x527: {  	v2 =	vadd.f32 $9.999999970e-07, v2;
	_ =	sdelay $0x1  }
0x528: {  	(erf) = vrcp.f32 v2;
	_ =	sdelay $0x4  }
0x529: {  	v2 =	vld [tilespmem:s1+$0xFFFFFFE0];
	_ =	sdelay $0x3  }
0x52a: {  	v3 =	vpop (erf)  }
0x52b: {  	v2 =	vmul.f32 v3, v2;
	_ =	sdelay $0x1  }
0x52c: {  	[tilespmem:s4+$0x2960] =	vst v2  }
0x52d: {  	v2 =	vld [tilespmem:s1+$0x30];
	_ =	sdelay $0x4  }
0x52e: {  	v2 =	vadd.f32 $9.999999970e-07, v2;
	_ =	sdelay $0x1  }
0x52f: {  	(erf) = vrcp.f32 v2;
	_ =	sdelay $0x4  }
0x530: {  	v2 =	vld [tilespmem:s1+$0xFFFFFFF0];
	_ =	sdelay $0x3  }
0x531: {  	v3 =	vpop (erf)  }
0x532: {  	v2 =	vmul.f32 v3, v2;
	_ =	sdelay $0x1  }
0x533: {  	s14 =	rddreg [dreg:$0xb];
	[tilespmem:s4+$0x2970] =	vst v2  }
0x534: {  	[hbm4b:s14+s30] =	stream.strided.scatter [tilespmem:s29], [sflag:$0x5], $0x1400, s31, s30, $0x38;
	[tilespmem:$0x1DB00] =	vst v63  }
0x535: {  	_ =	swait.ge [sflag:s9], $0x1400  }
0x536: {  	[sflag:s9] =	ssyncset.done $0x0  }
0x537: {  	s18 =	rddreg [dreg:$0x14];
	[sflag:s9] =	ssyncadd.s32 $0xFFFFEC00  }
0x538: {  	[tilespmem:s8], [sflag:$0x5] =	stream.linear.gather [spmem:s18], $0x2800, $0x38;
	[tilespmem:$0x1DB00] =	vst v63  }
0x539: {  	_ =	swait.ge [sflag:s9], $0x2800  }
0x53a: {  	[sflag:s9] =	ssyncset.done $0x0  }
0x53b: {  	s1 =	simm.s32 $0x180;
	[sflag:s9] =	ssyncadd.s32 $0xFFFFD800  }
0x53c: {  	s4 =	simm.s32 $0x0;
	s14 =	simm.s32 $0x100;
	v2 =	vld [tilespmem:s1+$0x0]  }
.LBB2_26:
0x53d: {  	p0 =	sne.s32 s14, $0x4F00;
	v3 =	vld [tilespmem:s1+$0xFFFFFFC0];
	_ =	sdelay $0x3  }
0x53e: {  	v2 =	vadd.f32 $9.999999970e-07, v2;
	_ =	sdelay $0x1  }
0x53f: {  	(erf) = vrcp.f32 v2;
	_ =	sdelay $0x8  }
0x540: {  	v2 =	vpop (erf)  }
0x541: {  	v2 =	vmul.f32 v2, v3  }
0x542: {  	s18 =	sshra.s32 s4, $0x2;
	s4 =	smov.u32 s14  }
0x543: {  	[tilespmem:s18+$0x2940] =	vst v2  }
0x544: {  	v2 =	vld [tilespmem:s1+$0x10];
	_ =	sdelay $0x4  }
0x545: {  	v2 =	vadd.f32 $9.999999970e-07, v2;
	_ =	sdelay $0x1  }
0x546: {  	(erf) = vrcp.f32 v2;
	_ =	sdelay $0x4  }
0x547: {  	v2 =	vld [tilespmem:s1+$0xFFFFFFD0];
	_ =	sdelay $0x3  }
0x548: {  	v3 =	vpop (erf)  }
0x549: {  	v2 =	vmul.f32 v3, v2;
	_ =	sdelay $0x1  }
0x54a: {  	[tilespmem:s18+$0x2950] =	vst v2  }
0x54b: {  	v2 =	vld [tilespmem:s1+$0x20];
	_ =	sdelay $0x4  }
0x54c: {  	v2 =	vadd.f32 $9.999999970e-07, v2;
	_ =	sdelay $0x1  }
0x54d: {  	(erf) = vrcp.f32 v2;
	_ =	sdelay $0x4  }
0x54e: {  	v2 =	vld [tilespmem:s1+$0xFFFFFFE0];
	_ =	sdelay $0x3  }
0x54f: {  	v3 =	vpop (erf)  }
0x550: {  	v2 =	vmul.f32 v3, v2;
	_ =	sdelay $0x1  }
0x551: {  	[tilespmem:s18+$0x2960] =	vst v2  }
0x552: {  	v2 =	vld [tilespmem:s1+$0x30]  }
0x553: {  	v3 =	vld [tilespmem:s1+$0xFFFFFFF0];
	_ =	sdelay $0x3  }
0x554: {  	v2 =	vadd.f32 $9.999999970e-07, v2;
	_ =	sdelay $0x1  }
0x555: {  	(erf) = vrcp.f32 v2;
	_ =	sdelay $0x8  }
.Ltmp12:
0x556: {  	v2 =	vpop (erf);
	(pc) =	sbr.rel @p0 .LBB2_26-.Ltmp12, $3  }
0x557: {  	v2 =	vmul.f32 v2, v3;
	_ =	sdelay $0x1  }
0x558: {  	s1 =	sadd.s32 $0x80, s1;
	[tilespmem:s18+$0x2970] =	vst v2  }
0x559: {  	s14 =	sadd.s32 $0x100, s14;
	v2 =	vld [tilespmem:s1+$0x0]  }
0x55a: {  	_ =	sdelay $0x3  }
0x55b: {  	v2 =	vadd.f32 $9.999999970e-07, v2;
	_ =	sdelay $0x1  }
0x55c: {  	(erf) = vrcp.f32 v2;
	_ =	sdelay $0x4  }
0x55d: {  	v2 =	vld [tilespmem:s1+$0xFFFFFFC0];
	_ =	sdelay $0x3  }
0x55e: {  	v3 =	vpop (erf)  }
0x55f: {  	v2 =	vmul.f32 v3, v2  }
0x560: {  	s4 =	sshra.s32 s4, $0x2  }
0x561: {  	[tilespmem:s4+$0x2940] =	vst v2  }
0x562: {  	v2 =	vld [tilespmem:s1+$0x10];
	_ =	sdelay $0x4  }
0x563: {  	v2 =	vadd.f32 $9.999999970e-07, v2;
	_ =	sdelay $0x1  }
0x564: {  	(erf) = vrcp.f32 v2;
	_ =	sdelay $0x4  }
0x565: {  	v2 =	vld [tilespmem:s1+$0xFFFFFFD0];
	_ =	sdelay $0x3  }
0x566: {  	v3 =	vpop (erf)  }
0x567: {  	v2 =	vmul.f32 v3, v2;
	_ =	sdelay $0x1  }
0x568: {  	[tilespmem:s4+$0x2950] =	vst v2  }
0x569: {  	v2 =	vld [tilespmem:s1+$0x20];
	_ =	sdelay $0x4  }
0x56a: {  	v2 =	vadd.f32 $9.999999970e-07, v2;
	_ =	sdelay $0x1  }
0x56b: {  	(erf) = vrcp.f32 v2;
	_ =	sdelay $0x4  }
0x56c: {  	v2 =	vld [tilespmem:s1+$0xFFFFFFE0];
	_ =	sdelay $0x3  }
0x56d: {  	v3 =	vpop (erf)  }
0x56e: {  	v2 =	vmul.f32 v3, v2;
	_ =	sdelay $0x1  }
0x56f: {  	[tilespmem:s4+$0x2960] =	vst v2  }
0x570: {  	v2 =	vld [tilespmem:s1+$0x30];
	_ =	sdelay $0x4  }
0x571: {  	v2 =	vadd.f32 $9.999999970e-07, v2;
	_ =	sdelay $0x1  }
0x572: {  	(erf) = vrcp.f32 v2;
	_ =	sdelay $0x4  }
0x573: {  	v2 =	vld [tilespmem:s1+$0xFFFFFFF0];
	_ =	sdelay $0x3  }
0x574: {  	v3 =	vpop (erf)  }
0x575: {  	v2 =	vmul.f32 v3, v2;
	_ =	sdelay $0x1  }
0x576: {  	s14 =	rddreg [dreg:$0xc];
	[tilespmem:s4+$0x2970] =	vst v2  }
0x577: {  	[hbm4b:s14+s30] =	stream.strided.scatter [tilespmem:s29], [sflag:$0x5], $0x1400, s31, s30, $0x38;
	[tilespmem:$0x1DB00] =	vst v63  }
0x578: {  	_ =	swait.ge [sflag:s9], $0x1400  }
0x579: {  	[sflag:s9] =	ssyncset.done $0x0  }
0x57a: {  	s18 =	rddreg [dreg:$0x15];
	[sflag:s9] =	ssyncadd.s32 $0xFFFFEC00  }
0x57b: {  	[tilespmem:s8], [sflag:$0x5] =	stream.linear.gather [spmem:s18], $0x2080, $0x38;
	[tilespmem:$0x1DB00] =	vst v63  }
0x57c: {  	_ =	swait.ge [sflag:s9], $0x2080  }
0x57d: {  	[sflag:s9] =	ssyncset.done $0x0  }
0x57e: {  	s1 =	simm.s32 $0x180;
	[sflag:s9] =	ssyncadd.s32 $0xFFFFDF80  }
0x57f: {  	s4 =	simm.s32 $0x0;
	s14 =	simm.s32 $0x100;
	v2 =	vld [tilespmem:s1+$0x0]  }
.LBB2_28:
0x580: {  	p0 =	sne.s32 s14, $0x4000;
	v3 =	vld [tilespmem:s1+$0xFFFFFFC0];
	_ =	sdelay $0x3  }
0x581: {  	v2 =	vadd.f32 $9.999999970e-07, v2;
	_ =	sdelay $0x1  }
0x582: {  	(erf) = vrcp.f32 v2;
	_ =	sdelay $0x8  }
0x583: {  	v2 =	vpop (erf)  }
0x584: {  	v2 =	vmul.f32 v2, v3  }
0x585: {  	s18 =	sshra.s32 s4, $0x2;
	s4 =	smov.u32 s14  }
0x586: {  	[tilespmem:s18+$0x2940] =	vst v2  }
0x587: {  	v2 =	vld [tilespmem:s1+$0x10];
	_ =	sdelay $0x4  }
0x588: {  	v2 =	vadd.f32 $9.999999970e-07, v2;
	_ =	sdelay $0x1  }
0x589: {  	(erf) = vrcp.f32 v2;
	_ =	sdelay $0x4  }
0x58a: {  	v2 =	vld [tilespmem:s1+$0xFFFFFFD0];
	_ =	sdelay $0x3  }
0x58b: {  	v3 =	vpop (erf)  }
0x58c: {  	v2 =	vmul.f32 v3, v2;
	_ =	sdelay $0x1  }
0x58d: {  	[tilespmem:s18+$0x2950] =	vst v2  }
0x58e: {  	v2 =	vld [tilespmem:s1+$0x20];
	_ =	sdelay $0x4  }
0x58f: {  	v2 =	vadd.f32 $9.999999970e-07, v2;
	_ =	sdelay $0x1  }
0x590: {  	(erf) = vrcp.f32 v2;
	_ =	sdelay $0x4  }
0x591: {  	v2 =	vld [tilespmem:s1+$0xFFFFFFE0];
	_ =	sdelay $0x3  }
0x592: {  	v3 =	vpop (erf)  }
0x593: {  	v2 =	vmul.f32 v3, v2;
	_ =	sdelay $0x1  }
0x594: {  	[tilespmem:s18+$0x2960] =	vst v2  }
0x595: {  	v2 =	vld [tilespmem:s1+$0x30]  }
0x596: {  	v3 =	vld [tilespmem:s1+$0xFFFFFFF0];
	_ =	sdelay $0x3  }
0x597: {  	v2 =	vadd.f32 $9.999999970e-07, v2;
	_ =	sdelay $0x1  }
0x598: {  	(erf) = vrcp.f32 v2;
	_ =	sdelay $0x8  }
.Ltmp13:
0x599: {  	v2 =	vpop (erf);
	(pc) =	sbr.rel @p0 .LBB2_28-.Ltmp13, $3  }
0x59a: {  	v2 =	vmul.f32 v2, v3;
	_ =	sdelay $0x1  }
0x59b: {  	s1 =	sadd.s32 $0x80, s1;
	[tilespmem:s18+$0x2970] =	vst v2  }
0x59c: {  	s14 =	sadd.s32 $0x100, s14;
	v2 =	vld [tilespmem:s1+$0x0]  }
0x59d: {  	_ =	sdelay $0x3  }
0x59e: {  	v2 =	vadd.f32 $9.999999970e-07, v2;
	_ =	sdelay $0x1  }
0x59f: {  	(erf) = vrcp.f32 v2;
	_ =	sdelay $0x4  }
0x5a0: {  	v2 =	vld [tilespmem:s1+$0xFFFFFFC0];
	_ =	sdelay $0x3  }
0x5a1: {  	v3 =	vpop (erf)  }
0x5a2: {  	v2 =	vmul.f32 v3, v2  }
0x5a3: {  	s4 =	sshra.s32 s4, $0x2  }
0x5a4: {  	[tilespmem:s4+$0x2940] =	vst v2  }
0x5a5: {  	v2 =	vld [tilespmem:s1+$0x10];
	_ =	sdelay $0x4  }
0x5a6: {  	v2 =	vadd.f32 $9.999999970e-07, v2;
	_ =	sdelay $0x1  }
0x5a7: {  	(erf) = vrcp.f32 v2;
	_ =	sdelay $0x4  }
0x5a8: {  	v2 =	vld [tilespmem:s1+$0xFFFFFFD0];
	_ =	sdelay $0x3  }
0x5a9: {  	v3 =	vpop (erf)  }
0x5aa: {  	v2 =	vmul.f32 v3, v2;
	_ =	sdelay $0x1  }
0x5ab: {  	[tilespmem:s4+$0x2950] =	vst v2  }
0x5ac: {  	v2 =	vld [tilespmem:s1+$0x20];
	_ =	sdelay $0x4  }
0x5ad: {  	v2 =	vadd.f32 $9.999999970e-07, v2;
	_ =	sdelay $0x1  }
0x5ae: {  	(erf) = vrcp.f32 v2;
	_ =	sdelay $0x4  }
0x5af: {  	v2 =	vld [tilespmem:s1+$0xFFFFFFE0];
	_ =	sdelay $0x3  }
0x5b0: {  	v3 =	vpop (erf)  }
0x5b1: {  	v2 =	vmul.f32 v3, v2;
	_ =	sdelay $0x1  }
0x5b2: {  	[tilespmem:s4+$0x2960] =	vst v2  }
0x5b3: {  	v2 =	vld [tilespmem:s1+$0x30];
	_ =	sdelay $0x4  }
0x5b4: {  	v2 =	vadd.f32 $9.999999970e-07, v2;
	_ =	sdelay $0x1  }
0x5b5: {  	(erf) = vrcp.f32 v2;
	_ =	sdelay $0x4  }
0x5b6: {  	v2 =	vld [tilespmem:s1+$0xFFFFFFF0];
	_ =	sdelay $0x3  }
0x5b7: {  	v3 =	vpop (erf)  }
0x5b8: {  	v2 =	vmul.f32 v3, v2;
	_ =	sdelay $0x1  }
0x5b9: {  	s14 =	rddreg [dreg:$0xd];
	[tilespmem:s4+$0x2970] =	vst v2  }
0x5ba: {  	[hbm4b:s14+s30] =	stream.strided.scatter [tilespmem:s29], [sflag:$0x5], $0x1040, s31, s30, $0x38;
	[tilespmem:$0x1DB00] =	vst v63  }
0x5bb: {  	_ =	swait.ge [sflag:s9], $0x1040  }
0x5bc: {  	s21 =	sadd.s32 $0x1, s21;
	s18 =	rddreg [dreg:$0x1c]  }
0x5bd: {  	p0 =	sne.s32 s21, s18  }
.Ltmp14:
0x5be: {  	_ = 	snop;
	(pc) =	sbr.rel @p0 .LBB2_1-.Ltmp14, $3  }
0x5bf: {  	_ =	sdelay $0x1  }
0x5c0: {  	[sflag:s9] =	ssyncset.done $0x0  }
0x5c1: {  	[sflag:s9] =	ssyncadd.s32 $0xFFFFEFC0  }
0x5c2: {  	_ =	sfence.sel $0x180000  }
0x5c3: {  	[bflag:$0x0] =	sbarrier.arrive $0xFFFF  }
0x5c4: {  	_ =	strace $0x90000047  }
0x5c5: {  	s0 =	stileid.u32;
	[bflag:$0x2] =	sbarrier.arrive $0xFFFF  }
0x5c6: {  	p0 =	sne.s32 s0, $0x0;
	s0 =	rddreg [dreg:$0x4]  }
0x5c7: {  	s0 =	sadd.s32 @!p0 $0x100000, s0  }
0x5c8: {  	[sflag:s0] =	ssyncadd.tile.s32 @!p0 $0x1;
	_ =	shalt  }
.Lfunc_end2:
_tile_overlayer_lowered:
.L_overlay_start_2:
0x5c9: {  	(tag) =	ssettag $0x2  }
0x5ca: {  	s0 =	rddreg [dreg:$0x0];
	s2 =	stileid.u32  }
0x5cb: {  	s1 =	rddreg [dreg:$0x1];
	p0 =	sne.s32 s2, $0x0  }
0x5cc: {  	s3 =	rddreg [dreg:$0x2];
	[bflag:$0x3] =	sbarrier.arrive $0xFFFF;
	s2 =	simm.s32 @!p0 $0x1C05  }
0x5cd: {  	[timem:s3], [sflag:s2] =	dma.local @!p0 [hbm:s0], s1  }
0x5ce: {  	s0 =	simm.s32 @!p0 $0x5  }
0x5cf: {  	_ =	swait.ge @!p0 [sflag:s0], s1  }
0x5d0: {  	s1 =	ssub.s32 @!p0 $0x0, s1;
	[sflag:s0] =	ssyncset.done @!p0 $0x0  }
0x5d1: {  	[sflag:s0] =	ssyncadd.s32 @!p0 s1  }
0x5d2: {  	[bflag:$0x3] =	sbarrier.arrive $0xFFFF  }
0x5d3: {  	_ =	shalt  }

// kernel: sparse-core-data-format-call.cloned.1.call-start
scs
called_computation_lowered:
.L_overlay_start_0:
0x0: {  	s2 =	sld [smem:$0x3FD9]  }
0x1: {  	s3 =	sld [smem:$0x3FFE];
	_ =	sdelay $0x1  }
0x2: {  	s1 =	srdreg.scid  }
0x3: {  	s0 =	sand.u32 $0x1, s1  }
0x4: {  	s15 =	sshll.u32 s0, $0xA;
	s2 =	sadd.s32 s3, s2  }
0x5: {  	s2 =	sadd.s32 s2, s15  }
0x6: {  	[smem:$0x3FB6] =	sst s2  }
0x7: {  	_ = 	snop  }
0x8: {  	s2 =	sld [smem:$0x3FD0];
	_ =	sdelay $0x2  }
0x9: {  	s16 =	simm.s32 $0xA;
	s4 =	simm.s32 $0x10  }
0xa: {  	[smem:s4], [sflag:s16] =	dma.local [hbm:s2], $0x1  }
0xb: {  	_ =	swait.eq [sflag:s16], $0x1  }
0xc: {  	[sflag:s16] =	ssyncset.done $0x0  }
0xd: {  	[sflag:s16] =	ssyncadd.s32 $0xFFFFFFFF  }
0xe: {  	s17 =	sld [smem:$0x11];
	(tm) =	ssettm $0x1  }
0xf: {  	s18 =	sld [smem:$0x3FFB];
	_ =	sdelay $0x3  }
0x10: {  	_ =	strace s18  }
0x11: {  	s3 =	sld [smem:$0x3FFC];
	_ =	sdelay $0x3  }
0x12: {  	_ =	strace s3  }
0x13: {  	s3 =	sld [smem:$0x3FFD];
	_ =	sdelay $0x3  }
0x14: {  	_ =	strace s3  }
0x15: {  	_ =	strace $0x8FFFFFFF  }
0x16: {  	s19 =	sld [smem:$0x3FDB];
	_ =	sdelay $0x1  }
0x17: {  	s20 =	simm.s32 $_scs_section_size  }
0x18: {  	s5 =	simm.s32 $_size__tile_overlayer_lowered;
	s6 =	simm.s32 $_tile_overlayer_lowered  }
0x19: {  	s23 =	simm.s32 $0x1BFF;
	s22 =	sshll.u32 s6, $0x1;
	s3 =	sadd.s32 s20, s19  }
0x1a: {  	s7 =	simm.s32 $0x0;
	s21 =	sshll.u32 s5, $0x1;
	s5 =	sadd.s32 s22, s3  }
0x1b: {  	[timem:s7], [sflag:s23] =	dma.local [hbm:s5], s21  }
0x1c: {  	_ =	swait.ge [sflag:s23], s21  }
0x1d: {  	s4 =	ssub.s32 $0x0, s21;
	[sflag:s23] =	ssyncset.done $0x0  }
0x1e: {  	[sflag:s23] =	ssyncadd.s32 s4;
	_ =	sdelay $0x1  }
0x1f: {  	s24 =	simm.s32 $0x1B8B  }
0x20: {  	_ =	swait.ge [sflag:s24], $0x1  }
0x21: {  	[sflag:s24] =	ssyncset.done $0x0  }
0x22: {  	s26 =	simm.s32 $0x1B8E;
	s25 =	sld [smem:$0x3FFE];
	[sflag:s24] =	ssyncadd.s32 $0xFFFFFFFF  }
0x23: {  	s27 =	simm.s32 $execute0_lowered;
	[smem:$0x3FD2] =	sst s26  }
0x24: {  	s5 =	sshll.u32 s27, $0x1;
	_ =	strace $0x80000049;
	[dreg:$0x1] =	wrdreg $0xFFFFFFFF  }
0x25: {  	s28 =	simm.s32 $_size_execute0_lowered;
	s3 =	sadd.s32 s3, s5;
	[dreg:$0x0] =	wrdreg $0x0  }
0x26: {  	s5 =	sshll.u32 s28, $0x1;
	[dreg:$0x2] =	wrdreg s3  }
0x27: {  	[dreg:$0x3] =	wrdreg s5  }
0x28: {  	[dreg:$0x4] =	wrdreg $0xC0  }
0x29: {  	_ =	task [dreg:s7], $0x5FFFF  }
0x2a: {  	[dreg:$0x1] =	wrdreg $0xFFFFFFFF  }
0x2b: {  	[dreg:$0x0] =	wrdreg $0x60  }
0x2c: {  	[dreg:$0x2] =	wrdreg s25  }
0x2d: {  	[dreg:$0x3] =	wrdreg s17  }
0x2e: {  	[dreg:$0x4] =	wrdreg $0x9  }
0x2f: {  	_ =	task.clear_ibuf [dreg:s7], $0x5FFFF;
	_ =	strace $0x90000049  }
0x30: {  	s29 =	simm.s32 $0x9;
	_ =	strace $0x8000004B  }
0x31: {  	_ =	swait.ge [sflag:s29], $0x1  }
0x32: {  	[sflag:s29] =	ssyncadd.s32 $0xFFFFFFFF  }
0x33: {  	_ =	strace $0x9000004B  }
0x34: {  	_ =	sfence  }
0x35: {  	s30 =	sld [smem:$0x0];
	_ =	sdelay $0x2  }
0x36: {  	s31 =	sshll.u32 s1, $0xD;
	s1 =	sshrl.u32 s1, $0x2  }
0x37: {  	s3 =	sand.u32 $0x4000, s31;
	s1 =	sadd.s32 s1, s30  }
0x38: {  	s0 =	sor.u32 s3, s0;
	s1 =	sshll.u32 s1, $0x11  }
0x39: {  	s0 =	sor.u32 s1, s0  }
0x3a: {  	s0 =	sadd.s32 $0x8F2B, s0  }
0x3b: {  	[sflag:s0] =	ssyncadd.remote.s32 $0x1  }
0x3c: {  	_ =	sfence.sel $0xFFFF  }
0x3d: {  	[dreg:$0x0] =	wrdreg $0xFFFFFFFF;
	(pc) =	sbr.abs _section_cstart, $3  }
0x3e: {  	[dreg:$0x1] =	wrdreg $0xFFFFFFFF  }
0x3f: {  	_ =	task.clear_ibuf [dreg:s7], $0x2FFFF;
	_ =	strace $0x9FFFFFFF  }
0x40: {  	(tm) =	ssettm $0x7FFFFFFF  }
0x41: {  	_ =	shalt  }
tec
execute0_lowered:
.L_overlay_start_1:
0x0: {  	(tag) =	ssettag $0x1  }
0x1: {  	s0 =	srdreg.scid  }
0x2: {  	s1 =	sshll.u32 s0, $0x4  }
0x3: {  	s4 =	rddreg [dreg:$0x0];
	s0 =	stileid.u32;
	s1 =	sand.u32 $0x10, s1  }
0x4: {  	s2 =	rddreg [dreg:$0x1];
	s7 =	simm.s32 $0x1;
	s1 =	sor.u32 s0, s1  }
0x5: {  	s8 =	simm.s32 $0x2;
	s11 =	simm.s32 $0x0;
	s3 =	sshll.u32 s1, $0x7  }
0x6: {  	s10 =	simm.s32 $0x0;
	s4 =	sadd.s32 $0x8BA00, s4;
	s6 =	ssub.s32 $0x4E200, s3  }
.Ltmp0:
0x7: {  	s1 =	rddreg [dreg:$0x2];
	s5 =	sand.u32 $0xF80, s6;
	(pc) =	sbr.rel .LBB1_1-.Ltmp0, $4  }
0x8: {  	_ =	strace $0x8000004A;
	s9 =	smov.u32 s3;
	p0 =	sne.s32 s5, $0x0  }
0x9: {  	s6 =	sshrl.u32 s6, $0xC;
	s5 =	simm.s32 $0x1;
	s7 =	simm.s32 @!p0 $0x0  }
0xa: {  	[sflag:s5] =	ssyncpa.u1 $0x0;
	p0 =	por $0x0, $0x0;
	s6 =	sadd.s32 s7, s6  }
0xb: {  	[sflag:s8] =	ssyncpa.u1 $0x0;
	s8 =	simm.s32 $0x271000;
	s7 =	sadd.s32 $0x1, s6  }
.LBB1_4:
0xc: {  	v5 =	vld [tilespmem:s15+$0xFFFFFFD0];
	[tilespmem:s14+$0x2040 ss:$0x81] =	vst.msk $0xffff, v3;
	s17 =	sshll.u32 s11, $0x3  }
0xd: {  	v58 =	vld [tilespmem:s15+$0xFFFFFFE0];
	[tilespmem:s14+$0x2850 ss:$0x81] =	vst.msk $0xffff, v4;
	s25 =	sand.u32 $0x7F, s11;
	s17 =	sand.u32 $0xFFFFFC00, s17  }
0xe: {  	s16 =	sshra.s32 s16, $0x2;
	v59 =	vld [tilespmem:s15+$0xFFFFFFF0];
	[tilespmem:s14+$0x3060 ss:$0x81] =	vst.msk $0xffff, v2;
	s11 =	sor.u32 s25, s17  }
0xf: {  	v60 =	vld [tilespmem:s15+$0x0];
	[tilespmem:s14+$0x0 ss:$0x81] =	vst.msk $0xffff, v0;
	s13 =	sadd.s32 s16, s13;
	s26 =	smulhi.u32 $0xD1B71759, s11  }
0x10: {  	v61 =	vld [tilespmem:s15+$0x10];
	[tilespmem:s13+$0x3870 ss:$0x81] =	vst.msk $0xffff, v1  }
0x11: {  	v62 =	vld [tilespmem:s15+$0x20];
	s27 =	smulhi.u32 $0xD1B71759, s17;
	[tilespmem:s13+$0x810 ss:$0x81] =	vst.msk $0xffff, v5;
	s14 =	sshrl.u32 s26, $0x12  }
0x12: {  	v63 =	vld [tilespmem:s15+$0xFFFFFFC0];
	[tilespmem:s13+$0x1020 ss:$0x81] =	vst.msk $0xffff, v58;
	s14 =	smul.u32 $0x4E200, s14  }
0x13: {  	s28 =	sshrl.u32 s27, $0x12;
	[tilespmem:s13+$0x1830 ss:$0x81] =	vst.msk $0xffff, v59  }
0x14: {  	[tilespmem:s13+$0x2040 ss:$0x81] =	vst.msk $0xffff, v60;
	s29 =	sand.u32 $0x7F, s28;
	s11 =	ssub.s32 s11, s14  }
0x15: {  	[tilespmem:s13+$0x2850 ss:$0x81] =	vst.msk $0xffff, v61;
	s14 =	smul.u32 $0x9C40, s29;
	s30 =	sshrl.u32 s11, $0x3;
	s11 =	sand.u32 $0x7, s11  }
0x16: {  	[tilespmem:s13+$0x3060 ss:$0x81] =	vst.msk $0xffff, v62;
	s15 =	sadd.s32 s2, s30;
	s11 =	sshll.u32 s11, $0x12  }
0x17: {  	[tilespmem:s13+$0x0 ss:$0x81] =	vst.msk $0xffff, v63;
	s31 =	sadd.s32 s14, s15;
	s11 =	sor.u32 $0x400, s11  }
0x18: {  	[hbm4b:s31+s11] =	stream.strided.scatter [tilespmem:s12], [sflag:$0x2], $0x4000, s8, s11, $0x20;
	[tilespmem:$0x10100] =	vst v63  }
.LBB1_5:
0x19: {  	s13 =	sadd.s32 $0x1000, s9  }
0x1a: {  	p2 =	sgt.s32 s13, $0x4E1FF  }
0x1b: {  	s13 =	smov.u32 @p2 s3;
	p2 =	sne.s32 s10, s7  }
.Ltmp1:
0x1c: {  	p1 =	slt.u32 s10, $0x2;
	(pc) =	sbr.rel @!p2 .LBB1_6-.Ltmp1, $4  }
0x1d: {  	s12 =	simm.s32 @!p1 $0x2  }
0x1e: {  	s14 =	sadd.s32 $0x1, s10;
	_ =	swait.ge @!p1 [sflag:s12], $0x4000  }
0x1f: {  	s11 =	smov.u32 s9;
	p0 =	por !p0, !p0;
	[sflag:s12] =	ssyncset.done @!p1 $0x0  }
0x20: {  	s10 =	smov.u32 s14;
	s9 =	smov.u32 s13;
	[sflag:s12] =	ssyncadd.s32 @!p1 $0xFFFFC000  }
.LBB1_1:
0x21: {  	p1 =	sge.u32 s10, s6  }
0x22: {  	s12 =	sand.u32 @!p1 $0x1FFFFFF, s9  }
0x23: {  	s13 =	smulhi.u32 @!p1 $0x1A36E2F, s12;
	_ =	sdelay $0x1  }
0x24: {  	s13 =	sshrl.u32 @!p1 s13, $0xB  }
0x25: {  	s13 =	smul.u32 @!p1 $0x4E200, s13;
	_ =	sdelay $0x1  }
0x26: {  	s14 =	sxor.u32 @!p1 $0xFFFFFFFF, s10;
	s12 =	ssub.s32 @!p1 s12, s13  }
0x27: {  	s31 =	sadd.s32 $0xFFFFFFFF, s10;
	s13 =	sshll.u32 @!p1 s14, $0xE;
	s12 =	sshll.u32 @!p1 s12, $0x4  }
0x28: {  	s14 =	simm.s32 @!p1 $0x0;
	s13 =	sand.u32 @!p1 $0x4000, s13;
	s12 =	sadd.s32 @!p1 s4, s12  }
0x29: {  	[tilespmem:s13], [sflag:$0x1] =	stream.linear.gather @!p1 [hbm4b:s12+s14], $0x4000, $0x38;
	[tilespmem:$0x10100] =	vst v63  }
0x2a: {  	p1 =	sge.u32 s31, s6  }
.Ltmp2:
0x2b: {  	_ = 	snop;
	(pc) =	sbr.rel @p1 .LBB1_5-.Ltmp2, $1  }
0x2c: {  	_ =	sdelay $0x3  }
0x2d: {  	s12 =	simm.s32 $0x1  }
0x2e: {  	_ =	swait.ge [sflag:s5], $0x4000;
	s12 =	simm.s32 @!p0 $0x0  }
0x2f: {  	[sflag:s5] =	ssyncset.done $0x0;
	s13 =	sshll.u32 s12, $0xE  }
0x30: {  	[sflag:s5] =	ssyncadd.s32 $0xFFFFC000;
	s15 =	sor.u32 $0x40, s13  }
0x31: {  	s12 =	smul.u32 $0x10200, s12;
	v0 =	vld [tilespmem:s15+$0x30]  }
0x32: {  	v1 =	vld [tilespmem:s15+$0xFFFFFFD0]  }
0x33: {  	s12 =	sshrl.u32 s12, $0x2;
	v5 =	vld [tilespmem:s15+$0xFFFFFFE0]  }
0x34: {  	v6 =	vld [tilespmem:s15+$0xFFFFFFF0];
	s13 =	sor.u32 $0x8000, s12  }
0x35: {  	s31 =	sand.u32 $0x1, s10;
	v3 =	vld [tilespmem:s15+$0x0];
	s14 =	sadd.s32 $0x0, s13  }
0x36: {  	v4 =	vld [tilespmem:s15+$0x10];
	s12 =	smul.u32 $0x10200, s31;
	[tilespmem:s14+$0x3870 ss:$0x81] =	vst.msk $0xffff, v0  }
0x37: {  	v2 =	vld [tilespmem:s15+$0x20];
	[tilespmem:s14+$0x810 ss:$0x81] =	vst.msk $0xffff, v1  }
0x38: {  	s12 =	sshrl.u32 s12, $0x2;
	v0 =	vld [tilespmem:s15+$0xFFFFFFC0];
	[tilespmem:s14+$0x1020 ss:$0x81] =	vst.msk $0xffff, v5;
	s15 =	sadd.s32 $0x80, s15  }
0x39: {  	s16 =	simm.s32 $0x4;
	s17 =	simm.s32 $0x8;
	s12 =	sor.u32 $0x8000, s12;
	[tilespmem:s14+$0x1830 ss:$0x81] =	vst.msk $0xffff, v6;
	v1 =	vld [tilespmem:s15+$0x30]  }
.LBB1_3:
0x3a: {  	p1 =	sne.s32 s17, $0x1FC;
	v5 =	vld [tilespmem:s15+$0xFFFFFFD0];
	[tilespmem:s14+$0x2040 ss:$0x81] =	vst.msk $0xffff, v3  }
0x3b: {  	v6 =	vld [tilespmem:s15+$0xFFFFFFE0];
	[tilespmem:s14+$0x2850 ss:$0x81] =	vst.msk $0xffff, v4  }
0x3c: {  	s18 =	sshra.s32 s16, $0x2;
	s16 =	smov.u32 s17;
	v7 =	vld [tilespmem:s15+$0xFFFFFFF0];
	[tilespmem:s14+$0x3060 ss:$0x81] =	vst.msk $0xffff, v2  }
.Ltmp3:
0x3d: {  	v3 =	vld [tilespmem:s15+$0x0];
	[tilespmem:s14+$0x0 ss:$0x81] =	vst.msk $0xffff, v0;
	s14 =	sadd.s32 s18, s13;
	(pc) =	sbr.rel @p1 .LBB1_3-.Ltmp3, $4  }
0x3e: {  	v4 =	vld [tilespmem:s15+$0x10];
	[tilespmem:s14+$0x3870 ss:$0x81] =	vst.msk $0xffff, v1  }
0x3f: {  	[tilespmem:s14+$0x810 ss:$0x81] =	vst.msk $0xffff, v5;
	v2 =	vld [tilespmem:s15+$0x20]  }
0x40: {  	v0 =	vld [tilespmem:s15+$0xFFFFFFC0];
	[tilespmem:s14+$0x1020 ss:$0x81] =	vst.msk $0xffff, v6;
	s15 =	sadd.s32 $0x80, s15  }
0x41: {  	s17 =	sadd.s32 $0x4, s17;
	v1 =	vld [tilespmem:s15+$0x30];
	[tilespmem:s14+$0x1830 ss:$0x81] =	vst.msk $0xffff, v7  }
.Ltmp4:
0x42: {  	_ = 	snop;
	(pc) =	sbr.rel .LBB1_4-.Ltmp4, $1  }
0x43: {  	_ =	sdelay $0x3  }
.LBB1_6:
0x44: {  	_ =	sfence.sel $0x180000  }
0x45: {  	s2 =	simm.s32 $0x1;
	[bflag:$0x0] =	sbarrier.arrive $0xFFFF  }
0x46: {  	s31 =	simm.s32 $0x2;
	[sflag:s2] =	ssyncpa.u1 $0x1  }
0x47: {  	[sflag:s31] =	ssyncpa.u1 $0x1  }
0x48: {  	p0 =	sne.s32 s0, $0x0;
	_ =	strace $0x9000004A  }
0x49: {  	s0 =	sadd.s32 @!p0 $0x100000, s1;
	[bflag:$0x2] =	sbarrier.arrive $0xFFFF  }
0x4a: {  	[sflag:s0] =	ssyncadd.tile.s32 @!p0 $0x1;
	_ =	shalt  }
.Lfunc_end1:
_tile_overlayer_lowered:
.L_overlay_start_2:
0x4b: {  	(tag) =	ssettag $0x2  }
0x4c: {  	s0 =	rddreg [dreg:$0x0];
	s2 =	stileid.u32  }
0x4d: {  	s1 =	rddreg [dreg:$0x1];
	p0 =	sne.s32 s2, $0x0  }
0x4e: {  	s3 =	rddreg [dreg:$0x2];
	[bflag:$0x3] =	sbarrier.arrive $0xFFFF;
	s2 =	simm.s32 @!p0 $0x1C01  }
0x4f: {  	[timem:s3], [sflag:s2] =	dma.local @!p0 [hbm:s0], s1  }
0x50: {  	s0 =	simm.s32 @!p0 $0x1  }
0x51: {  	_ =	swait.ge @!p0 [sflag:s0], s1  }
0x52: {  	s1 =	ssub.s32 @!p0 $0x0, s1;
	[sflag:s0] =	ssyncset.done @!p0 $0x0  }
0x53: {  	[sflag:s0] =	ssyncadd.s32 @!p0 s1  }
0x54: {  	[bflag:$0x3] =	sbarrier.arrive $0xFFFF  }
0x55: {  	_ =	shalt  }

</sc_bundles>
